<compile_context>
chip_gen: v7x
topology: tpu7x:2x2x1
jax: 0.10.2.dev20260603
libtpu: 0.0.44.dev20260713+nightly
codegen_flags: <defaults>
</compile_context>

<pallas_src>
import functools

import jax
import jax.numpy as jnp
from jax import lax
from jax.experimental import pallas as pl
from jax.experimental.pallas import tpu as pltpu
from jax.experimental.pallas import tpu_sc as plsc

BATCH = 16384
DIM = 100
ROW_PAD = 104

_INFO = plsc.get_sparse_core_info()
_NC = _INFO.num_cores
_NS = _INFO.num_subcores
NW = _NC * _NS
LANES = 16

VOCAB_PAD = 1000064
N_TILE_COLS = VOCAB_PAD // 128
STRIPS_BASE = N_TILE_COLS // NW
STRIPS_REM = N_TILE_COLS % NW

HIT_CAP = 1024
N_IDX_CHUNKS = BATCH // LANES
SLOTS = 16
SLOT_STRIDE = 112
NBUCKET = 272


def _splat(x):
    return jnp.full((LANES,), x, jnp.int32)


@functools.partial(
    pl.kernel,
    mesh=plsc.VectorSubcoreMesh(core_axis_name="c", subcore_axis_name="s"),
    out_type=jax.ShapeDtypeStruct((BATCH * ROW_PAD,), jnp.float32),
    scratch_types=[
        pltpu.VMEM((BATCH,), jnp.int32),
        pltpu.VMEM((100, 128), jnp.float32),
        pltpu.VMEM((100, 128), jnp.float32),
        pltpu.VMEM((100, 128), jnp.float32),
        pltpu.VMEM((100, 128), jnp.float32),
        pltpu.VMEM((100, 128), jnp.float32),
        pltpu.VMEM((100, 128), jnp.float32),
        pltpu.VMEM((HIT_CAP + LANES,), jnp.int32),
        pltpu.VMEM((HIT_CAP + LANES,), jnp.int32),
        pltpu.VMEM((HIT_CAP + LANES,), jnp.int32),
        pltpu.VMEM((HIT_CAP + LANES,), jnp.int32),
        pltpu.VMEM((NBUCKET,), jnp.int32),
        pltpu.VMEM((NBUCKET,), jnp.int32),
        pltpu.VMEM((NBUCKET,), jnp.int32),
        pltpu.VMEM((NBUCKET,), jnp.int32),
        pltpu.VMEM((SLOTS * SLOT_STRIDE + LANES,), jnp.float32),
        pltpu.SemaphoreType.DMA,
        pltpu.SemaphoreType.DMA,
        pltpu.SemaphoreType.DMA,
        pltpu.SemaphoreType.DMA,
        pltpu.SemaphoreType.DMA,
        pltpu.SemaphoreType.DMA,
        pltpu.SemaphoreType.DMA,
    ],
    compiler_params=pltpu.CompilerParams(
        use_tc_tiling_on_sc=True, needs_layout_passes=False),
)
def _emb_stream(idx_hbm, table_t_hbm, out_hbm, idx_all, strip_0, strip_1,
                strip_2, strip_3, strip_4, strip_5, hit_r, hit_i, sr_s, si_s,
                hist, bases, nxt, occ, outbuf, ssem_0, ssem_1, ssem_2, ssem_3,
                ssem_4, ssem_5, osem):
    wid = lax.axis_index("s") * _NC + lax.axis_index("c")
    lo_strip = wid * STRIPS_BASE + jnp.minimum(wid, STRIPS_REM)
    n_strips = STRIPS_BASE + jnp.where(wid < STRIPS_REM, 1, 0)
    lo_c = lo_strip
    hi_c = lo_strip + n_strips

    pltpu.sync_copy(idx_hbm, idx_all)

    strips = (strip_0, strip_1, strip_2, strip_3, strip_4, strip_5)
    ssems = (ssem_0, ssem_1, ssem_2, ssem_3, ssem_4, ssem_5)
    NBUF = 6

    def fetch_strip(sid, m):
        col0 = pl.multiple_of((lo_strip + sid) * 128, 128)
        return pltpu.async_copy(
            table_t_hbm.at[:, pl.ds(col0, 128)], strips[m], ssems[m])

    iota = lax.iota(jnp.int32, LANES)
    ones = jnp.full((LANES,), 1, jnp.int32)
    zeros = jnp.full((LANES,), 0, jnp.int32)
    lane0 = iota == zeros

    def scan(n, nh):
        v = idx_all[pl.ds(n * LANES, LANES)]
        c = lax.shift_right_logical(v, 7)
        m = (c >= _splat(lo_c)) & (c < _splat(hi_c))
        cnt = plsc.cumsum(jnp.where(m, ones, zeros))
        dest = _splat(nh) + cnt - 1
        plsc.store_scatter(hit_r, [dest], v, mask=m)
        pos = _splat(n * LANES) + iota
        plsc.store_scatter(hit_i, [dest], pos, mask=m)
        return nh + cnt[LANES - 1]
    nh = lax.fori_loop(0, N_IDX_CHUNKS, scan, jnp.int32(0), unroll=4)

    def clear(n, _):
        hist[pl.ds(n * LANES, LANES)] = zeros
        return ()
    lax.fori_loop(0, NBUCKET // LANES, clear, (), unroll=False)

    def count(j, _):
        rv = hit_r[pl.ds(j, LANES)]
        strip = lax.shift_right_logical(rv[0], 7) - lo_strip
        ch = lax.shift_right_logical(strip, 4)
        lp = lax.rem(strip, jnp.int32(LANES))
        hv = hist[pl.ds(ch * LANES, LANES)]
        hist[pl.ds(ch * LANES, LANES)] = hv + jnp.where(
            iota == _splat(lp), ones, zeros)
        return ()
    lax.fori_loop(0, nh, count, (), unroll=False)

    def prefix(n, carry):
        hv = hist[pl.ds(n * LANES, LANES)]
        cs = plsc.cumsum(hv)
        bases[pl.ds(n * LANES, LANES)] = _splat(carry) + cs - hv
        nxt[pl.ds(n * LANES, LANES)] = _splat(carry) + cs - hv
        return carry + cs[LANES - 1]
    lax.fori_loop(0, NBUCKET // LANES, prefix, jnp.int32(0), unroll=False)

    def place(j, _):
        rv = hit_r[pl.ds(j, LANES)]
        iv = hit_i[pl.ds(j, LANES)]
        r = rv[0]
        i_out = iv[0]
        strip = lax.shift_right_logical(r, 7) - lo_strip
        sv = _splat(strip)
        n0 = plsc.load_gather(nxt, [sv])[0]
        nv0 = _splat(n0)
        plsc.store_scatter(sr_s, [nv0], _splat(r), mask=lane0)
        plsc.store_scatter(si_s, [nv0], _splat(i_out), mask=lane0)
        plsc.store_scatter(nxt, [sv], nv0 + 1, mask=lane0)
        return ()
    lax.fori_loop(0, nh, place, (), unroll=False)

    def build_occ(n, n_occ):
        hv = hist[pl.ds(n * LANES, LANES)]
        m = hv > zeros
        cnt = plsc.cumsum(jnp.where(m, ones, zeros))
        dest = _splat(n_occ) + cnt - 1
        plsc.store_scatter(occ, [dest], _splat(n * LANES) + iota, mask=m)
        return n_occ + cnt[LANES - 1]
    n_occ = lax.fori_loop(0, NBUCKET // LANES, build_occ, jnp.int32(0),
                          unroll=False)

    for m in range(NBUF):
        @pl.when(m < n_occ)
        def _(m=m):
            sid0 = plsc.load_gather(occ, [_splat(m)])[0]
            fetch_strip(sid0, m)

    def extract_hits(k0, k1, buf):
        def one(k, _):
            rv = sr_s[pl.ds(k, LANES)]
            iv = si_s[pl.ds(k, LANES)]
            r = rv[0]
            i_out = iv[0]
            lane = lax.rem(r, jnp.int32(128))
            colv = _splat(lane)
            slot = lax.rem(k, jnp.int32(SLOTS))
            sbase = slot * SLOT_STRIDE
            for t in range(7):
                rowv = iota + t * LANES
                if t == 6:
                    rowv = jnp.minimum(rowv, DIM - 1)
                g16 = plsc.load_gather(buf, [rowv, colv])
                outbuf[pl.ds(sbase + t * LANES, LANES)] = g16

            @pl.when(k >= SLOTS)
            def _():
                pltpu.make_async_copy(
                    out_hbm.at[pl.ds(0, ROW_PAD)],
                    outbuf.at[pl.ds(sbase, ROW_PAD)],
                    osem,
                ).wait()

            pltpu.async_copy(
                outbuf.at[pl.ds(sbase, ROW_PAD)],
                out_hbm.at[pl.ds(i_out * ROW_PAD, ROW_PAD)],
                osem,
            )
            return ()
        lax.fori_loop(k0, k1, one, (), unroll=False)

    def strip_body(g, _):
        gv = _splat(g)
        sid = plsc.load_gather(occ, [gv])[0]
        sv = _splat(sid)
        start = plsc.load_gather(bases, [sv])[0]
        cnt_g = plsc.load_gather(hist, [sv])[0]
        end = start + cnt_g

        mod = lax.rem(g, jnp.int32(NBUF))
        for m in range(NBUF):
            @pl.when(mod == m)
            def _(m=m):
                pltpu.make_async_copy(
                    table_t_hbm.at[:, pl.ds(0, 128)],
                    strips[m], ssems[m]).wait()
                extract_hits(start, end, strips[m])

                @pl.when(g + NBUF < n_occ)
                def _():
                    sid_n = plsc.load_gather(occ, [_splat(g) + NBUF])[0]
                    fetch_strip(sid_n, m)

        return ()

    lax.fori_loop(0, n_occ, strip_body, (), unroll=False)

    def final_drain(_, __):
        pltpu.make_async_copy(
            out_hbm.at[pl.ds(0, ROW_PAD)],
            outbuf.at[pl.ds(0, ROW_PAD)],
            osem,
        ).wait()
        return ()
    lax.fori_loop(0, jnp.minimum(nh, SLOTS), final_drain, (), unroll=False)


def kernel(inputs, table):
    idx = inputs.reshape(BATCH)
    out_pad = _emb_stream(idx, table.T)
    return out_pad.reshape(BATCH, ROW_PAD)[:, :DIM]

# --- scband reference (transcript-rebuilt; emitter-appended) ---
"""Pipeline reference for scband-category-encoder-74431783240101 (READ-ONLY COPY).

The authoritative reference and input builder live on the scoring server;
editing this copy changes nothing except your own understanding.
"""

import jax, jax.numpy as jnp
import numpy as np

NUM_CATEGORIES = 1000000
EMBED_DIM = 100
BATCH = 16384

def setup_inputs(seed: int = 0) -> dict:
    key = jax.random.key(seed)
    k1, k2 = jax.random.split(key)
    inputs = jax.random.randint(k1, (BATCH, 1), 0, NUM_CATEGORIES, dtype=jnp.int32)
    # Embedding table: (num_categories + 1, category_embedding_dim), uniform init like keras Embedding
    table = jax.random.uniform(k2, (NUM_CATEGORIES + 1, EMBED_DIM), dtype=jnp.float32, minval=-0.05, maxval=0.05)
    return {"inputs": inputs, "table": table}

def reference(inputs, table):
    # embedding lookup: (B, 1) -> (B, 1, D)
    embedded = jnp.take(table, inputs, axis=0)
    # squeeze axis=1 -> (B, D)
    category_representation = jnp.squeeze(embedded, axis=1)
    return category_representation

if __name__ == "__main__":
    import jax
    _d = setup_inputs()
    print(jax.jit(kernel)(*tuple(_d.values())))

</pallas_src>

<mosaic_0001>
#map = affine_map<(d0, d1) -> (0)>
#map1 = affine_map<(d0, d1) -> (0, 0)>
module attributes {stable_mosaic.version = 14 : i64} {
  func.func @_emb_stream(%arg0: i32, %arg1: i32, %arg2: memref<16384xi32, #tpu.memory_space<hbm>>, %arg3: memref<100x1000001xf32, #tpu.memory_space<hbm>>, %arg4: memref<1703936xf32, #tpu.memory_space<hbm>>, %arg5: memref<16384xi32, #tpu.memory_space<vmem>>, %arg6: memref<100x128xf32, #tpu.memory_space<vmem>>, %arg7: memref<100x128xf32, #tpu.memory_space<vmem>>, %arg8: memref<100x128xf32, #tpu.memory_space<vmem>>, %arg9: memref<100x128xf32, #tpu.memory_space<vmem>>, %arg10: memref<100x128xf32, #tpu.memory_space<vmem>>, %arg11: memref<100x128xf32, #tpu.memory_space<vmem>>, %arg12: memref<1040xi32, #tpu.memory_space<vmem>>, %arg13: memref<1040xi32, #tpu.memory_space<vmem>>, %arg14: memref<1040xi32, #tpu.memory_space<vmem>>, %arg15: memref<1040xi32, #tpu.memory_space<vmem>>, %arg16: memref<272xi32, #tpu.memory_space<vmem>>, %arg17: memref<272xi32, #tpu.memory_space<vmem>>, %arg18: memref<272xi32, #tpu.memory_space<vmem>>, %arg19: memref<272xi32, #tpu.memory_space<vmem>>, %arg20: memref<1808xf32, #tpu.memory_space<vmem>>, %arg21: memref<!tpu.dma_semaphore, #tpu.memory_space<semaphore_mem>>, %arg22: memref<!tpu.dma_semaphore, #tpu.memory_space<semaphore_mem>>, %arg23: memref<!tpu.dma_semaphore, #tpu.memory_space<semaphore_mem>>, %arg24: memref<!tpu.dma_semaphore, #tpu.memory_space<semaphore_mem>>, %arg25: memref<!tpu.dma_semaphore, #tpu.memory_space<semaphore_mem>>, %arg26: memref<!tpu.dma_semaphore, #tpu.memory_space<semaphore_mem>>, %arg27: memref<!tpu.dma_semaphore, #tpu.memory_space<semaphore_mem>>) attributes {dimension_semantics = [#tpu.dimension_semantics<core_parallel>, #tpu.dimension_semantics<subcore_parallel>], iteration_bounds = array<i64: 2, 16>, scalar_prefetch = 0 : i64, scratch_operands = 23 : i64, tpu.core_type = #tpu.core_type<sc_vector_subcore>, window_params = [{transform_indices = #map}, {transform_indices = #map1}, {transform_indices = #map}]} {
    %mul3A = arith.constant 2 : i32
    %mul3A_0 = arith.muli %arg1, %mul3A : i32
    %add3A = arith.addi %mul3A_0, %arg0 : i32
    %mul3A_1 = arith.constant 244 : i32
    %mul3A_2 = arith.muli %add3A, %mul3A_1 : i32
    %min3A = arith.constant 5 : i32
    %min3A_3 = arith.minsi %add3A, %min3A : i32
    %add3A_4 = arith.addi %mul3A_2, %min3A_3 : i32
    %lt3A = arith.constant 5 : i32
    %lt3A_5 = arith.cmpi slt, %add3A, %lt3A : i32
    %jit3A = arith.constant 1 : i32
    %jit3A_6 = arith.constant 0 : i32
    %select_n3A = arith.select %lt3A_5, %jit3A, %jit3A_6 : i32
    %add3A_7 = arith.constant 244 : i32
    %add3A_8 = arith.addi %add3A_7, %select_n3A : i32
    %add3A_9 = arith.addi %add3A_4, %add3A_8 : i32
    "tpu.region"() ({
      %run_scoped3A = tpu.sem_alloc : memref<!tpu.dma_semaphore, #tpu.memory_space<semaphore_mem>>
      tpu.enqueue_dma source(%arg2 : memref<16384xi32, #tpu.memory_space<hbm>>) target(%arg5 : memref<16384xi32, #tpu.memory_space<vmem>>) target_semaphore(%run_scoped3A : memref<!tpu.dma_semaphore, #tpu.memory_space<semaphore_mem>>)
      tpu.wait_dma2 semaphore(%run_scoped3A : memref<!tpu.dma_semaphore, #tpu.memory_space<semaphore_mem>>) src(%arg2 : memref<16384xi32, #tpu.memory_space<hbm>>) dst(%arg5 : memref<16384xi32, #tpu.memory_space<vmem>>)
      tpu.yield
    }) : () -> ()
    %iota3A = tpu.iota {dimensions = array<i32: 0>} : vector<16xi32>
    %broadcast_in_dim3A = arith.constant 1 : i32
    %broadcast_in_dim3A_10 = vector.broadcast %broadcast_in_dim3A : i32 to vector<16xi32>
    %broadcast_in_dim3A_11 = arith.constant 0 : i32
    %broadcast_in_dim3A_12 = vector.broadcast %broadcast_in_dim3A_11 : i32 to vector<16xi32>
    %eq3A = arith.cmpi eq, %iota3A, %broadcast_in_dim3A_12 : vector<16xi32>
    %scan3A = arith.constant 0 : i32
    %scan3A_13 = arith.constant 0 : i32
    %scan3A_14 = arith.constant 1024 : i32
    %scan3A_15 = arith.addi %scan3A_13, %scan3A_14 : i32
    %scan3A_16 = arith.constant 4 : i32
    %scan3A_17 = scf.for %scan3A_102 = %scan3A_13 to %scan3A_15 step %scan3A_16 iter_args(%scan3A_103 = %scan3A) -> (i32)  : i32 {
      %mul3A_104 = arith.constant 16 : i32
      %mul3A_105 = arith.muli %scan3A_102, %mul3A_104 : i32
      %get3A = arith.index_cast %mul3A_105 : i32 to index
      %get3A_106 = tpu.vector_load %arg5[%get3A] {strides = array<i32>} : memref<16384xi32, #tpu.memory_space<vmem>>, vector<16xi32>,
      %shift_right_logical3A = arith.constant 7 : i32
      %shift_right_logical3A_107 = vector.broadcast %shift_right_logical3A : i32 to vector<16xi32>
      %shift_right_logical3A_108 = arith.shrui %get3A_106, %shift_right_logical3A_107 : vector<16xi32>
      %broadcast_in_dim3A_109 = vector.broadcast %add3A_4 : i32 to vector<16xi32>
      %ge3A = arith.cmpi sge, %shift_right_logical3A_108, %broadcast_in_dim3A_109 : vector<16xi32>
      %broadcast_in_dim3A_110 = vector.broadcast %add3A_9 : i32 to vector<16xi32>
      %lt3A_111 = arith.cmpi slt, %shift_right_logical3A_108, %broadcast_in_dim3A_110 : vector<16xi32>
      %and3A = arith.andi %ge3A, %lt3A_111 : vector<16xi1>
      %select_n3A_112 = arith.select %and3A, %broadcast_in_dim3A_10, %broadcast_in_dim3A_12 : vector<16xi1>, vector<16xi32>
      %broadcast_in_dim3A_113 = arith.constant true
      %broadcast_in_dim3A_114 = vector.broadcast %broadcast_in_dim3A_113 : i1 to vector<16xi1>
      %masked_cumsum3A = tpu.scan <sum>, %select_n3A_112 masked %broadcast_in_dim3A_114 : vector<16xi32>, vector<16xi1> -> vector<16xi32>
      %broadcast_in_dim3A_115 = vector.broadcast %scan3A_103 : i32 to vector<16xi32>
      %add3A_116 = arith.addi %broadcast_in_dim3A_115, %masked_cumsum3A : vector<16xi32>
      %sub3A = arith.constant 1 : i32
      %sub3A_117 = vector.broadcast %sub3A : i32 to vector<16xi32>
      %sub3A_118 = arith.subi %add3A_116, %sub3A_117 : vector<16xi32>
      tpu.vector_store_idx %arg12[%sub3A_118], %get3A_106 masked %and3A : memref<1040xi32, #tpu.memory_space<vmem>>[vector<16xi32>], vector<16xi32>, vector<16xi1>
      %mul3A_119 = arith.constant 16 : i32
      %mul3A_120 = arith.muli %scan3A_102, %mul3A_119 : i32
      %broadcast_in_dim3A_121 = vector.broadcast %mul3A_120 : i32 to vector<16xi32>
      %add3A_122 = arith.addi %broadcast_in_dim3A_121, %iota3A : vector<16xi32>
      tpu.vector_store_idx %arg13[%sub3A_118], %add3A_122 masked %and3A : memref<1040xi32, #tpu.memory_space<vmem>>[vector<16xi32>], vector<16xi32>, vector<16xi1>
      %slice3A = vector.extract_strided_slice %masked_cumsum3A {offsets = [15], sizes = [1], strides = [1]} : vector<16xi32> to vector<1xi32>
      %squeeze3A = vector.extract %slice3A[0] : i32 from vector<1xi32>
      %add3A_123 = arith.addi %scan3A_103, %squeeze3A : i32
      %scan3A_124 = arith.constant 1 : i32
      %scan3A_125 = arith.addi %scan3A_102, %scan3A_124 : i32
      %mul3A_126 = arith.constant 16 : i32
      %mul3A_127 = arith.muli %scan3A_125, %mul3A_126 : i32
      %get3A_128 = arith.index_cast %mul3A_127 : i32 to index
      %get3A_129 = tpu.vector_load %arg5[%get3A_128] {strides = array<i32>} : memref<16384xi32, #tpu.memory_space<vmem>>, vector<16xi32>,
      %shift_right_logical3A_130 = arith.constant 7 : i32
      %shift_right_logical3A_131 = vector.broadcast %shift_right_logical3A_130 : i32 to vector<16xi32>
      %shift_right_logical3A_132 = arith.shrui %get3A_129, %shift_right_logical3A_131 : vector<16xi32>
      %broadcast_in_dim3A_133 = vector.broadcast %add3A_4 : i32 to vector<16xi32>
      %ge3A_134 = arith.cmpi sge, %shift_right_logical3A_132, %broadcast_in_dim3A_133 : vector<16xi32>
      %broadcast_in_dim3A_135 = vector.broadcast %add3A_9 : i32 to vector<16xi32>
      %lt3A_136 = arith.cmpi slt, %shift_right_logical3A_132, %broadcast_in_dim3A_135 : vector<16xi32>
      %and3A_137 = arith.andi %ge3A_134, %lt3A_136 : vector<16xi1>
      %select_n3A_138 = arith.select %and3A_137, %broadcast_in_dim3A_10, %broadcast_in_dim3A_12 : vector<16xi1>, vector<16xi32>
      %broadcast_in_dim3A_139 = arith.constant true
      %broadcast_in_dim3A_140 = vector.broadcast %broadcast_in_dim3A_139 : i1 to vector<16xi1>
      %masked_cumsum3A_141 = tpu.scan <sum>, %select_n3A_138 masked %broadcast_in_dim3A_140 : vector<16xi32>, vector<16xi1> -> vector<16xi32>
      %broadcast_in_dim3A_142 = vector.broadcast %add3A_123 : i32 to vector<16xi32>
      %add3A_143 = arith.addi %broadcast_in_dim3A_142, %masked_cumsum3A_141 : vector<16xi32>
      %sub3A_144 = arith.constant 1 : i32
      %sub3A_145 = vector.broadcast %sub3A_144 : i32 to vector<16xi32>
      %sub3A_146 = arith.subi %add3A_143, %sub3A_145 : vector<16xi32>
      tpu.vector_store_idx %arg12[%sub3A_146], %get3A_129 masked %and3A_137 : memref<1040xi32, #tpu.memory_space<vmem>>[vector<16xi32>], vector<16xi32>, vector<16xi1>
      %mul3A_147 = arith.constant 16 : i32
      %mul3A_148 = arith.muli %scan3A_125, %mul3A_147 : i32
      %broadcast_in_dim3A_149 = vector.broadcast %mul3A_148 : i32 to vector<16xi32>
      %add3A_150 = arith.addi %broadcast_in_dim3A_149, %iota3A : vector<16xi32>
      tpu.vector_store_idx %arg13[%sub3A_146], %add3A_150 masked %and3A_137 : memref<1040xi32, #tpu.memory_space<vmem>>[vector<16xi32>], vector<16xi32>, vector<16xi1>
      %slice3A_151 = vector.extract_strided_slice %masked_cumsum3A_141 {offsets = [15], sizes = [1], strides = [1]} : vector<16xi32> to vector<1xi32>
      %squeeze3A_152 = vector.extract %slice3A_151[0] : i32 from vector<1xi32>
      %add3A_153 = arith.addi %add3A_123, %squeeze3A_152 : i32
      %scan3A_154 = arith.constant 2 : i32
      %scan3A_155 = arith.addi %scan3A_102, %scan3A_154 : i32
      %mul3A_156 = arith.constant 16 : i32
      %mul3A_157 = arith.muli %scan3A_155, %mul3A_156 : i32
      %get3A_158 = arith.index_cast %mul3A_157 : i32 to index
      %get3A_159 = tpu.vector_load %arg5[%get3A_158] {strides = array<i32>} : memref<16384xi32, #tpu.memory_space<vmem>>, vector<16xi32>,
      %shift_right_logical3A_160 = arith.constant 7 : i32
      %shift_right_logical3A_161 = vector.broadcast %shift_right_logical3A_160 : i32 to vector<16xi32>
      %shift_right_logical3A_162 = arith.shrui %get3A_159, %shift_right_logical3A_161 : vector<16xi32>
      %broadcast_in_dim3A_163 = vector.broadcast %add3A_4 : i32 to vector<16xi32>
      %ge3A_164 = arith.cmpi sge, %shift_right_logical3A_162, %broadcast_in_dim3A_163 : vector<16xi32>
      %broadcast_in_dim3A_165 = vector.broadcast %add3A_9 : i32 to vector<16xi32>
      %lt3A_166 = arith.cmpi slt, %shift_right_logical3A_162, %broadcast_in_dim3A_165 : vector<16xi32>
      %and3A_167 = arith.andi %ge3A_164, %lt3A_166 : vector<16xi1>
      %select_n3A_168 = arith.select %and3A_167, %broadcast_in_dim3A_10, %broadcast_in_dim3A_12 : vector<16xi1>, vector<16xi32>
      %broadcast_in_dim3A_169 = arith.constant true
      %broadcast_in_dim3A_170 = vector.broadcast %broadcast_in_dim3A_169 : i1 to vector<16xi1>
      %masked_cumsum3A_171 = tpu.scan <sum>, %select_n3A_168 masked %broadcast_in_dim3A_170 : vector<16xi32>, vector<16xi1> -> vector<16xi32>
      %broadcast_in_dim3A_172 = vector.broadcast %add3A_153 : i32 to vector<16xi32>
      %add3A_173 = arith.addi %broadcast_in_dim3A_172, %masked_cumsum3A_171 : vector<16xi32>
      %sub3A_174 = arith.constant 1 : i32
      %sub3A_175 = vector.broadcast %sub3A_174 : i32 to vector<16xi32>
      %sub3A_176 = arith.subi %add3A_173, %sub3A_175 : vector<16xi32>
      tpu.vector_store_idx %arg12[%sub3A_176], %get3A_159 masked %and3A_167 : memref<1040xi32, #tpu.memory_space<vmem>>[vector<16xi32>], vector<16xi32>, vector<16xi1>
      %mul3A_177 = arith.constant 16 : i32
      %mul3A_178 = arith.muli %scan3A_155, %mul3A_177 : i32
      %broadcast_in_dim3A_179 = vector.broadcast %mul3A_178 : i32 to vector<16xi32>
      %add3A_180 = arith.addi %broadcast_in_dim3A_179, %iota3A : vector<16xi32>
      tpu.vector_store_idx %arg13[%sub3A_176], %add3A_180 masked %and3A_167 : memref<1040xi32, #tpu.memory_space<vmem>>[vector<16xi32>], vector<16xi32>, vector<16xi1>
      %slice3A_181 = vector.extract_strided_slice %masked_cumsum3A_171 {offsets = [15], sizes = [1], strides = [1]} : vector<16xi32> to vector<1xi32>
      %squeeze3A_182 = vector.extract %slice3A_181[0] : i32 from vector<1xi32>
      %add3A_183 = arith.addi %add3A_153, %squeeze3A_182 : i32
      %scan3A_184 = arith.constant 3 : i32
      %scan3A_185 = arith.addi %scan3A_102, %scan3A_184 : i32
      %mul3A_186 = arith.constant 16 : i32
      %mul3A_187 = arith.muli %scan3A_185, %mul3A_186 : i32
      %get3A_188 = arith.index_cast %mul3A_187 : i32 to index
      %get3A_189 = tpu.vector_load %arg5[%get3A_188] {strides = array<i32>} : memref<16384xi32, #tpu.memory_space<vmem>>, vector<16xi32>,
      %shift_right_logical3A_190 = arith.constant 7 : i32
      %shift_right_logical3A_191 = vector.broadcast %shift_right_logical3A_190 : i32 to vector<16xi32>
      %shift_right_logical3A_192 = arith.shrui %get3A_189, %shift_right_logical3A_191 : vector<16xi32>
      %broadcast_in_dim3A_193 = vector.broadcast %add3A_4 : i32 to vector<16xi32>
      %ge3A_194 = arith.cmpi sge, %shift_right_logical3A_192, %broadcast_in_dim3A_193 : vector<16xi32>
      %broadcast_in_dim3A_195 = vector.broadcast %add3A_9 : i32 to vector<16xi32>
      %lt3A_196 = arith.cmpi slt, %shift_right_logical3A_192, %broadcast_in_dim3A_195 : vector<16xi32>
      %and3A_197 = arith.andi %ge3A_194, %lt3A_196 : vector<16xi1>
      %select_n3A_198 = arith.select %and3A_197, %broadcast_in_dim3A_10, %broadcast_in_dim3A_12 : vector<16xi1>, vector<16xi32>
      %broadcast_in_dim3A_199 = arith.constant true
      %broadcast_in_dim3A_200 = vector.broadcast %broadcast_in_dim3A_199 : i1 to vector<16xi1>
      %masked_cumsum3A_201 = tpu.scan <sum>, %select_n3A_198 masked %broadcast_in_dim3A_200 : vector<16xi32>, vector<16xi1> -> vector<16xi32>
      %broadcast_in_dim3A_202 = vector.broadcast %add3A_183 : i32 to vector<16xi32>
      %add3A_203 = arith.addi %broadcast_in_dim3A_202, %masked_cumsum3A_201 : vector<16xi32>
      %sub3A_204 = arith.constant 1 : i32
      %sub3A_205 = vector.broadcast %sub3A_204 : i32 to vector<16xi32>
      %sub3A_206 = arith.subi %add3A_203, %sub3A_205 : vector<16xi32>
      tpu.vector_store_idx %arg12[%sub3A_206], %get3A_189 masked %and3A_197 : memref<1040xi32, #tpu.memory_space<vmem>>[vector<16xi32>], vector<16xi32>, vector<16xi1>
      %mul3A_207 = arith.constant 16 : i32
      %mul3A_208 = arith.muli %scan3A_185, %mul3A_207 : i32
      %broadcast_in_dim3A_209 = vector.broadcast %mul3A_208 : i32 to vector<16xi32>
      %add3A_210 = arith.addi %broadcast_in_dim3A_209, %iota3A : vector<16xi32>
      tpu.vector_store_idx %arg13[%sub3A_206], %add3A_210 masked %and3A_197 : memref<1040xi32, #tpu.memory_space<vmem>>[vector<16xi32>], vector<16xi32>, vector<16xi1>
      %slice3A_211 = vector.extract_strided_slice %masked_cumsum3A_201 {offsets = [15], sizes = [1], strides = [1]} : vector<16xi32> to vector<1xi32>
      %squeeze3A_212 = vector.extract %slice3A_211[0] : i32 from vector<1xi32>
      %add3A_213 = arith.addi %add3A_183, %squeeze3A_212 : i32
      scf.yield %add3A_213 : i32
    }
    %scan3A_18 = arith.constant 1024 : i32
    %scan3A_19 = arith.constant 0 : i32
    %scan3A_20 = arith.constant 17 : i32
    %scan3A_21 = arith.addi %scan3A_19, %scan3A_20 : i32
    %scan3A_22 = arith.constant 1 : i32
    scf.for %scan3A_102 = %scan3A_19 to %scan3A_21 step %scan3A_22  : i32 {
      %mul3A_103 = arith.constant 16 : i32
      %mul3A_104 = arith.muli %scan3A_102, %mul3A_103 : i32
      %swap3A = arith.index_cast %mul3A_104 : i32 to index
      %swap3A_105 = tpu.vector_load %arg16[%swap3A] {strides = array<i32>} : memref<272xi32, #tpu.memory_space<vmem>>, vector<16xi32>,
      tpu.vector_store %arg16[%swap3A], %broadcast_in_dim3A_12 {strides = array<i32>} : memref<272xi32, #tpu.memory_space<vmem>>, vector<16xi32>,
    }
    %scan3A_23 = arith.constant 17 : i32
    %while3A = arith.constant 0 : i32
    %while3A_24 = arith.subi %scan3A_17, %while3A : i32
    %while3A_25 = arith.addi %while3A, %while3A_24 : i32
    %while3A_26 = arith.constant 1 : i32
    %while3A_27 = arith.divsi %while3A_24, %while3A_26 : i32
    %while3A_28 = arith.muli %while3A_27, %while3A_26 : i32
    %while3A_29 = arith.addi %while3A, %while3A_28 : i32
    %while3A_30 = arith.constant 1 : i32
    scf.for %while3A_102 = %while3A to %while3A_29 step %while3A_30  : i32 {
      %get3A = arith.index_cast %while3A_102 : i32 to index
      %get3A_103 = tpu.vector_load %arg12[%get3A] {strides = array<i32>} : memref<1040xi32, #tpu.memory_space<vmem>>, vector<16xi32>,
      %slice3A = vector.extract_strided_slice %get3A_103 {offsets = [0], sizes = [1], strides = [1]} : vector<16xi32> to vector<1xi32>
      %squeeze3A = vector.extract %slice3A[0] : i32 from vector<1xi32>
      %shift_right_logical3A = arith.constant 7 : i32
      %shift_right_logical3A_104 = arith.shrui %squeeze3A, %shift_right_logical3A : i32
      %sub3A = arith.subi %shift_right_logical3A_104, %add3A_4 : i32
      %shift_right_logical3A_105 = arith.constant 4 : i32
      %shift_right_logical3A_106 = arith.shrui %sub3A, %shift_right_logical3A_105 : i32
      %rem3A = arith.constant 16 : i32
      %rem3A_107 = arith.remsi %sub3A, %rem3A : i32
      %mul3A_108 = arith.constant 16 : i32
      %mul3A_109 = arith.muli %shift_right_logical3A_106, %mul3A_108 : i32
      %get3A_110 = arith.index_cast %mul3A_109 : i32 to index
      %get3A_111 = tpu.vector_load %arg16[%get3A_110] {strides = array<i32>} : memref<272xi32, #tpu.memory_space<vmem>>, vector<16xi32>,
      %broadcast_in_dim3A_112 = vector.broadcast %rem3A_107 : i32 to vector<16xi32>
      %eq3A_113 = arith.cmpi eq, %iota3A, %broadcast_in_dim3A_112 : vector<16xi32>
      %select_n3A_114 = arith.select %eq3A_113, %broadcast_in_dim3A_10, %broadcast_in_dim3A_12 : vector<16xi1>, vector<16xi32>
      %add3A_115 = arith.addi %get3A_111, %select_n3A_114 : vector<16xi32>
      %mul3A_116 = arith.constant 16 : i32
      %mul3A_117 = arith.muli %shift_right_logical3A_106, %mul3A_116 : i32
      %swap3A = arith.index_cast %mul3A_117 : i32 to index
      %swap3A_118 = tpu.vector_load %arg16[%swap3A] {strides = array<i32>} : memref<272xi32, #tpu.memory_space<vmem>>, vector<16xi32>,
      tpu.vector_store %arg16[%swap3A], %add3A_115 {strides = array<i32>} : memref<272xi32, #tpu.memory_space<vmem>>, vector<16xi32>,
    }
    %while3A_31 = arith.constant 1 : i32
    scf.for %while3A_102 = %while3A_29 to %while3A_25 step %while3A_31  : i32 {
      %get3A = arith.index_cast %while3A_102 : i32 to index
      %get3A_103 = tpu.vector_load %arg12[%get3A] {strides = array<i32>} : memref<1040xi32, #tpu.memory_space<vmem>>, vector<16xi32>,
      %slice3A = vector.extract_strided_slice %get3A_103 {offsets = [0], sizes = [1], strides = [1]} : vector<16xi32> to vector<1xi32>
      %squeeze3A = vector.extract %slice3A[0] : i32 from vector<1xi32>
      %shift_right_logical3A = arith.constant 7 : i32
      %shift_right_logical3A_104 = arith.shrui %squeeze3A, %shift_right_logical3A : i32
      %sub3A = arith.subi %shift_right_logical3A_104, %add3A_4 : i32
      %shift_right_logical3A_105 = arith.constant 4 : i32
      %shift_right_logical3A_106 = arith.shrui %sub3A, %shift_right_logical3A_105 : i32
      %rem3A = arith.constant 16 : i32
      %rem3A_107 = arith.remsi %sub3A, %rem3A : i32
      %mul3A_108 = arith.constant 16 : i32
      %mul3A_109 = arith.muli %shift_right_logical3A_106, %mul3A_108 : i32
      %get3A_110 = arith.index_cast %mul3A_109 : i32 to index
      %get3A_111 = tpu.vector_load %arg16[%get3A_110] {strides = array<i32>} : memref<272xi32, #tpu.memory_space<vmem>>, vector<16xi32>,
      %broadcast_in_dim3A_112 = vector.broadcast %rem3A_107 : i32 to vector<16xi32>
      %eq3A_113 = arith.cmpi eq, %iota3A, %broadcast_in_dim3A_112 : vector<16xi32>
      %select_n3A_114 = arith.select %eq3A_113, %broadcast_in_dim3A_10, %broadcast_in_dim3A_12 : vector<16xi1>, vector<16xi32>
      %add3A_115 = arith.addi %get3A_111, %select_n3A_114 : vector<16xi32>
      %mul3A_116 = arith.constant 16 : i32
      %mul3A_117 = arith.muli %shift_right_logical3A_106, %mul3A_116 : i32
      %swap3A = arith.index_cast %mul3A_117 : i32 to index
      %swap3A_118 = tpu.vector_load %arg16[%swap3A] {strides = array<i32>} : memref<272xi32, #tpu.memory_space<vmem>>, vector<16xi32>,
      tpu.vector_store %arg16[%swap3A], %add3A_115 {strides = array<i32>} : memref<272xi32, #tpu.memory_space<vmem>>, vector<16xi32>,
    }
    %scan3A_32 = arith.constant 0 : i32
    %scan3A_33 = arith.constant 0 : i32
    %scan3A_34 = arith.constant 17 : i32
    %scan3A_35 = arith.addi %scan3A_33, %scan3A_34 : i32
    %scan3A_36 = arith.constant 1 : i32
    %scan3A_37 = scf.for %scan3A_102 = %scan3A_33 to %scan3A_35 step %scan3A_36 iter_args(%scan3A_103 = %scan3A_32) -> (i32)  : i32 {
      %mul3A_104 = arith.constant 16 : i32
      %mul3A_105 = arith.muli %scan3A_102, %mul3A_104 : i32
      %get3A = arith.index_cast %mul3A_105 : i32 to index
      %get3A_106 = tpu.vector_load %arg16[%get3A] {strides = array<i32>} : memref<272xi32, #tpu.memory_space<vmem>>, vector<16xi32>,
      %broadcast_in_dim3A_107 = arith.constant true
      %broadcast_in_dim3A_108 = vector.broadcast %broadcast_in_dim3A_107 : i1 to vector<16xi1>
      %masked_cumsum3A = tpu.scan <sum>, %get3A_106 masked %broadcast_in_dim3A_108 : vector<16xi32>, vector<16xi1> -> vector<16xi32>
      %broadcast_in_dim3A_109 = vector.broadcast %scan3A_103 : i32 to vector<16xi32>
      %add3A_110 = arith.addi %broadcast_in_dim3A_109, %masked_cumsum3A : vector<16xi32>
      %sub3A = arith.subi %add3A_110, %get3A_106 : vector<16xi32>
      %mul3A_111 = arith.constant 16 : i32
      %mul3A_112 = arith.muli %scan3A_102, %mul3A_111 : i32
      %swap3A = arith.index_cast %mul3A_112 : i32 to index
      %swap3A_113 = tpu.vector_load %arg17[%swap3A] {strides = array<i32>} : memref<272xi32, #tpu.memory_space<vmem>>, vector<16xi32>,
      tpu.vector_store %arg17[%swap3A], %sub3A {strides = array<i32>} : memref<272xi32, #tpu.memory_space<vmem>>, vector<16xi32>,
      %broadcast_in_dim3A_114 = vector.broadcast %scan3A_103 : i32 to vector<16xi32>
      %add3A_115 = arith.addi %broadcast_in_dim3A_114, %masked_cumsum3A : vector<16xi32>
      %sub3A_116 = arith.subi %add3A_115, %get3A_106 : vector<16xi32>
      %mul3A_117 = arith.constant 16 : i32
      %mul3A_118 = arith.muli %scan3A_102, %mul3A_117 : i32
      %swap3A_119 = arith.index_cast %mul3A_118 : i32 to index
      %swap3A_120 = tpu.vector_load %arg18[%swap3A_119] {strides = array<i32>} : memref<272xi32, #tpu.memory_space<vmem>>, vector<16xi32>,
      tpu.vector_store %arg18[%swap3A_119], %sub3A_116 {strides = array<i32>} : memref<272xi32, #tpu.memory_space<vmem>>, vector<16xi32>,
      %slice3A = vector.extract_strided_slice %masked_cumsum3A {offsets = [15], sizes = [1], strides = [1]} : vector<16xi32> to vector<1xi32>
      %squeeze3A = vector.extract %slice3A[0] : i32 from vector<1xi32>
      %add3A_121 = arith.addi %scan3A_103, %squeeze3A : i32
      scf.yield %add3A_121 : i32
    }
    %scan3A_38 = arith.constant 17 : i32
    %while3A_39 = arith.constant 0 : i32
    %while3A_40 = arith.subi %scan3A_17, %while3A_39 : i32
    %while3A_41 = arith.addi %while3A_39, %while3A_40 : i32
    %while3A_42 = arith.constant 1 : i32
    %while3A_43 = arith.divsi %while3A_40, %while3A_42 : i32
    %while3A_44 = arith.muli %while3A_43, %while3A_42 : i32
    %while3A_45 = arith.addi %while3A_39, %while3A_44 : i32
    %while3A_46 = arith.constant 1 : i32
    scf.for %while3A_102 = %while3A_39 to %while3A_45 step %while3A_46  : i32 {
      %get3A = arith.index_cast %while3A_102 : i32 to index
      %get3A_103 = tpu.vector_load %arg12[%get3A] {strides = array<i32>} : memref<1040xi32, #tpu.memory_space<vmem>>, vector<16xi32>,
      %get3A_104 = arith.index_cast %while3A_102 : i32 to index
      %get3A_105 = tpu.vector_load %arg13[%get3A_104] {strides = array<i32>} : memref<1040xi32, #tpu.memory_space<vmem>>, vector<16xi32>,
      %slice3A = vector.extract_strided_slice %get3A_103 {offsets = [0], sizes = [1], strides = [1]} : vector<16xi32> to vector<1xi32>
      %squeeze3A = vector.extract %slice3A[0] : i32 from vector<1xi32>
      %slice3A_106 = vector.extract_strided_slice %get3A_105 {offsets = [0], sizes = [1], strides = [1]} : vector<16xi32> to vector<1xi32>
      %squeeze3A_107 = vector.extract %slice3A_106[0] : i32 from vector<1xi32>
      %shift_right_logical3A = arith.constant 7 : i32
      %shift_right_logical3A_108 = arith.shrui %squeeze3A, %shift_right_logical3A : i32
      %sub3A = arith.subi %shift_right_logical3A_108, %add3A_4 : i32
      %broadcast_in_dim3A_109 = vector.broadcast %sub3A : i32 to vector<16xi32>
      %gather3A = tpu.vector_load_idx %arg18[%broadcast_in_dim3A_109] : memref<272xi32, #tpu.memory_space<vmem>>[vector<16xi32>], vector<16xi32>,
      %slice3A_110 = vector.extract_strided_slice %gather3A {offsets = [0], sizes = [1], strides = [1]} : vector<16xi32> to vector<1xi32>
      %squeeze3A_111 = vector.extract %slice3A_110[0] : i32 from vector<1xi32>
      %broadcast_in_dim3A_112 = vector.broadcast %squeeze3A_111 : i32 to vector<16xi32>
      %broadcast_in_dim3A_113 = vector.broadcast %squeeze3A : i32 to vector<16xi32>
      tpu.vector_store_idx %arg14[%broadcast_in_dim3A_112], %broadcast_in_dim3A_113 masked %eq3A : memref<1040xi32, #tpu.memory_space<vmem>>[vector<16xi32>], vector<16xi32>, vector<16xi1>
      %broadcast_in_dim3A_114 = vector.broadcast %squeeze3A_107 : i32 to vector<16xi32>
      tpu.vector_store_idx %arg15[%broadcast_in_dim3A_112], %broadcast_in_dim3A_114 masked %eq3A : memref<1040xi32, #tpu.memory_space<vmem>>[vector<16xi32>], vector<16xi32>, vector<16xi1>
      %add3A_115 = arith.constant 1 : i32
      %add3A_116 = vector.broadcast %add3A_115 : i32 to vector<16xi32>
      %add3A_117 = arith.addi %broadcast_in_dim3A_112, %add3A_116 : vector<16xi32>
      tpu.vector_store_idx %arg18[%broadcast_in_dim3A_109], %add3A_117 masked %eq3A : memref<272xi32, #tpu.memory_space<vmem>>[vector<16xi32>], vector<16xi32>, vector<16xi1>
    }
    %while3A_47 = arith.constant 1 : i32
    scf.for %while3A_102 = %while3A_45 to %while3A_41 step %while3A_47  : i32 {
      %get3A = arith.index_cast %while3A_102 : i32 to index
      %get3A_103 = tpu.vector_load %arg12[%get3A] {strides = array<i32>} : memref<1040xi32, #tpu.memory_space<vmem>>, vector<16xi32>,
      %get3A_104 = arith.index_cast %while3A_102 : i32 to index
      %get3A_105 = tpu.vector_load %arg13[%get3A_104] {strides = array<i32>} : memref<1040xi32, #tpu.memory_space<vmem>>, vector<16xi32>,
      %slice3A = vector.extract_strided_slice %get3A_103 {offsets = [0], sizes = [1], strides = [1]} : vector<16xi32> to vector<1xi32>
      %squeeze3A = vector.extract %slice3A[0] : i32 from vector<1xi32>
      %slice3A_106 = vector.extract_strided_slice %get3A_105 {offsets = [0], sizes = [1], strides = [1]} : vector<16xi32> to vector<1xi32>
      %squeeze3A_107 = vector.extract %slice3A_106[0] : i32 from vector<1xi32>
      %shift_right_logical3A = arith.constant 7 : i32
      %shift_right_logical3A_108 = arith.shrui %squeeze3A, %shift_right_logical3A : i32
      %sub3A = arith.subi %shift_right_logical3A_108, %add3A_4 : i32
      %broadcast_in_dim3A_109 = vector.broadcast %sub3A : i32 to vector<16xi32>
      %gather3A = tpu.vector_load_idx %arg18[%broadcast_in_dim3A_109] : memref<272xi32, #tpu.memory_space<vmem>>[vector<16xi32>], vector<16xi32>,
      %slice3A_110 = vector.extract_strided_slice %gather3A {offsets = [0], sizes = [1], strides = [1]} : vector<16xi32> to vector<1xi32>
      %squeeze3A_111 = vector.extract %slice3A_110[0] : i32 from vector<1xi32>
      %broadcast_in_dim3A_112 = vector.broadcast %squeeze3A_111 : i32 to vector<16xi32>
      %broadcast_in_dim3A_113 = vector.broadcast %squeeze3A : i32 to vector<16xi32>
      tpu.vector_store_idx %arg14[%broadcast_in_dim3A_112], %broadcast_in_dim3A_113 masked %eq3A : memref<1040xi32, #tpu.memory_space<vmem>>[vector<16xi32>], vector<16xi32>, vector<16xi1>
      %broadcast_in_dim3A_114 = vector.broadcast %squeeze3A_107 : i32 to vector<16xi32>
      tpu.vector_store_idx %arg15[%broadcast_in_dim3A_112], %broadcast_in_dim3A_114 masked %eq3A : memref<1040xi32, #tpu.memory_space<vmem>>[vector<16xi32>], vector<16xi32>, vector<16xi1>
      %add3A_115 = arith.constant 1 : i32
      %add3A_116 = vector.broadcast %add3A_115 : i32 to vector<16xi32>
      %add3A_117 = arith.addi %broadcast_in_dim3A_112, %add3A_116 : vector<16xi32>
      tpu.vector_store_idx %arg18[%broadcast_in_dim3A_109], %add3A_117 masked %eq3A : memref<272xi32, #tpu.memory_space<vmem>>[vector<16xi32>], vector<16xi32>, vector<16xi1>
    }
    %scan3A_48 = arith.constant 0 : i32
    %scan3A_49 = arith.constant 0 : i32
    %scan3A_50 = arith.constant 17 : i32
    %scan3A_51 = arith.addi %scan3A_49, %scan3A_50 : i32
    %scan3A_52 = arith.constant 1 : i32
    %scan3A_53 = scf.for %scan3A_102 = %scan3A_49 to %scan3A_51 step %scan3A_52 iter_args(%scan3A_103 = %scan3A_48) -> (i32)  : i32 {
      %mul3A_104 = arith.constant 16 : i32
      %mul3A_105 = arith.muli %scan3A_102, %mul3A_104 : i32
      %get3A = arith.index_cast %mul3A_105 : i32 to index
      %get3A_106 = tpu.vector_load %arg16[%get3A] {strides = array<i32>} : memref<272xi32, #tpu.memory_space<vmem>>, vector<16xi32>,
      %gt3A_107 = arith.cmpi sgt, %get3A_106, %broadcast_in_dim3A_12 : vector<16xi32>
      %select_n3A_108 = arith.select %gt3A_107, %broadcast_in_dim3A_10, %broadcast_in_dim3A_12 : vector<16xi1>, vector<16xi32>
      %broadcast_in_dim3A_109 = arith.constant true
      %broadcast_in_dim3A_110 = vector.broadcast %broadcast_in_dim3A_109 : i1 to vector<16xi1>
      %masked_cumsum3A = tpu.scan <sum>, %select_n3A_108 masked %broadcast_in_dim3A_110 : vector<16xi32>, vector<16xi1> -> vector<16xi32>
      %broadcast_in_dim3A_111 = vector.broadcast %scan3A_103 : i32 to vector<16xi32>
      %add3A_112 = arith.addi %broadcast_in_dim3A_111, %masked_cumsum3A : vector<16xi32>
      %sub3A = arith.constant 1 : i32
      %sub3A_113 = vector.broadcast %sub3A : i32 to vector<16xi32>
      %sub3A_114 = arith.subi %add3A_112, %sub3A_113 : vector<16xi32>
      %mul3A_115 = arith.constant 16 : i32
      %mul3A_116 = arith.muli %scan3A_102, %mul3A_115 : i32
      %broadcast_in_dim3A_117 = vector.broadcast %mul3A_116 : i32 to vector<16xi32>
      %add3A_118 = arith.addi %broadcast_in_dim3A_117, %iota3A : vector<16xi32>
      tpu.vector_store_idx %arg19[%sub3A_114], %add3A_118 masked %gt3A_107 : memref<272xi32, #tpu.memory_space<vmem>>[vector<16xi32>], vector<16xi32>, vector<16xi1>
      %slice3A = vector.extract_strided_slice %masked_cumsum3A {offsets = [15], sizes = [1], strides = [1]} : vector<16xi32> to vector<1xi32>
      %squeeze3A = vector.extract %slice3A[0] : i32 from vector<1xi32>
      %add3A_119 = arith.addi %scan3A_103, %squeeze3A : i32
      scf.yield %add3A_119 : i32
    }
    %scan3A_54 = arith.constant 17 : i32
    %gt3A = arith.constant 0 : i32
    %gt3A_55 = arith.cmpi sgt, %scan3A_53, %gt3A : i32
    %convert_element_type3A = arith.extui %gt3A_55 : i1 to i32
    %cond3A = arith.constant 0 : i32
    %cond3A_56 = arith.cmpi ne, %convert_element_type3A, %cond3A : i32
    scf.if %cond3A_56 {
      %broadcast_in_dim3A_102 = arith.constant 0 : i32
      %broadcast_in_dim3A_103 = vector.broadcast %broadcast_in_dim3A_102 : i32 to vector<16xi32>
      %gather3A = tpu.vector_load_idx %arg19[%broadcast_in_dim3A_103] : memref<272xi32, #tpu.memory_space<vmem>>[vector<16xi32>], vector<16xi32>,
      %slice3A = vector.extract_strided_slice %gather3A {offsets = [0], sizes = [1], strides = [1]} : vector<16xi32> to vector<1xi32>
      %squeeze3A = vector.extract %slice3A[0] : i32 from vector<1xi32>
      %add3A_104 = arith.addi %add3A_4, %squeeze3A : i32
      %mul3A_105 = arith.constant 128 : i32
      %mul3A_106 = arith.muli %add3A_104, %mul3A_105 : i32
      %multiple_of3A = tpu.assume_multiple %mul3A_106, 128 : i32
      %dma_start3A = arith.constant 0 : i32
      %dma_start3A_107 = tpu.memref_slice %arg3[%dma_start3A, %multiple_of3A] : memref<100x1000001xf32, #tpu.memory_space<hbm>> -> memref<100x128xf32, #tpu.memory_space<hbm>>
      %dma_start3A_108 = arith.constant 0 : i32
      %dma_start3A_109 = tpu.memref_slice %arg3[%dma_start3A_108, %multiple_of3A] : memref<100x1000001xf32, #tpu.memory_space<hbm>> -> memref<100x128xf32, #tpu.memory_space<hbm>>
      tpu.enqueue_dma source(%dma_start3A_109 : memref<100x128xf32, #tpu.memory_space<hbm>>) target(%arg6 : memref<100x128xf32, #tpu.memory_space<vmem>>) target_semaphore(%arg21 : memref<!tpu.dma_semaphore, #tpu.memory_space<semaphore_mem>>)
    } else {
    }
    %gt3A_57 = arith.constant 1 : i32
    %gt3A_58 = arith.cmpi sgt, %scan3A_53, %gt3A_57 : i32
    %convert_element_type3A_59 = arith.extui %gt3A_58 : i1 to i32
    %cond3A_60 = arith.constant 0 : i32
    %cond3A_61 = arith.cmpi ne, %convert_element_type3A_59, %cond3A_60 : i32
    scf.if %cond3A_61 {
      %broadcast_in_dim3A_102 = arith.constant 1 : i32
      %broadcast_in_dim3A_103 = vector.broadcast %broadcast_in_dim3A_102 : i32 to vector<16xi32>
      %gather3A = tpu.vector_load_idx %arg19[%broadcast_in_dim3A_103] : memref<272xi32, #tpu.memory_space<vmem>>[vector<16xi32>], vector<16xi32>,
      %slice3A = vector.extract_strided_slice %gather3A {offsets = [0], sizes = [1], strides = [1]} : vector<16xi32> to vector<1xi32>
      %squeeze3A = vector.extract %slice3A[0] : i32 from vector<1xi32>
      %add3A_104 = arith.addi %add3A_4, %squeeze3A : i32
      %mul3A_105 = arith.constant 128 : i32
      %mul3A_106 = arith.muli %add3A_104, %mul3A_105 : i32
      %multiple_of3A = tpu.assume_multiple %mul3A_106, 128 : i32
      %dma_start3A = arith.constant 0 : i32
      %dma_start3A_107 = tpu.memref_slice %arg3[%dma_start3A, %multiple_of3A] : memref<100x1000001xf32, #tpu.memory_space<hbm>> -> memref<100x128xf32, #tpu.memory_space<hbm>>
      %dma_start3A_108 = arith.constant 0 : i32
      %dma_start3A_109 = tpu.memref_slice %arg3[%dma_start3A_108, %multiple_of3A] : memref<100x1000001xf32, #tpu.memory_space<hbm>> -> memref<100x128xf32, #tpu.memory_space<hbm>>
      tpu.enqueue_dma source(%dma_start3A_109 : memref<100x128xf32, #tpu.memory_space<hbm>>) target(%arg7 : memref<100x128xf32, #tpu.memory_space<vmem>>) target_semaphore(%arg22 : memref<!tpu.dma_semaphore, #tpu.memory_space<semaphore_mem>>)
    } else {
    }
    %gt3A_62 = arith.constant 2 : i32
    %gt3A_63 = arith.cmpi sgt, %scan3A_53, %gt3A_62 : i32
    %convert_element_type3A_64 = arith.extui %gt3A_63 : i1 to i32
    %cond3A_65 = arith.constant 0 : i32
    %cond3A_66 = arith.cmpi ne, %convert_element_type3A_64, %cond3A_65 : i32
    scf.if %cond3A_66 {
      %broadcast_in_dim3A_102 = arith.constant 2 : i32
      %broadcast_in_dim3A_103 = vector.broadcast %broadcast_in_dim3A_102 : i32 to vector<16xi32>
      %gather3A = tpu.vector_load_idx %arg19[%broadcast_in_dim3A_103] : memref<272xi32, #tpu.memory_space<vmem>>[vector<16xi32>], vector<16xi32>,
      %slice3A = vector.extract_strided_slice %gather3A {offsets = [0], sizes = [1], strides = [1]} : vector<16xi32> to vector<1xi32>
      %squeeze3A = vector.extract %slice3A[0] : i32 from vector<1xi32>
      %add3A_104 = arith.addi %add3A_4, %squeeze3A : i32
      %mul3A_105 = arith.constant 128 : i32
      %mul3A_106 = arith.muli %add3A_104, %mul3A_105 : i32
      %multiple_of3A = tpu.assume_multiple %mul3A_106, 128 : i32
      %dma_start3A = arith.constant 0 : i32
      %dma_start3A_107 = tpu.memref_slice %arg3[%dma_start3A, %multiple_of3A] : memref<100x1000001xf32, #tpu.memory_space<hbm>> -> memref<100x128xf32, #tpu.memory_space<hbm>>
      %dma_start3A_108 = arith.constant 0 : i32
      %dma_start3A_109 = tpu.memref_slice %arg3[%dma_start3A_108, %multiple_of3A] : memref<100x1000001xf32, #tpu.memory_space<hbm>> -> memref<100x128xf32, #tpu.memory_space<hbm>>
      tpu.enqueue_dma source(%dma_start3A_109 : memref<100x128xf32, #tpu.memory_space<hbm>>) target(%arg8 : memref<100x128xf32, #tpu.memory_space<vmem>>) target_semaphore(%arg23 : memref<!tpu.dma_semaphore, #tpu.memory_space<semaphore_mem>>)
    } else {
    }
    %gt3A_67 = arith.constant 3 : i32
    %gt3A_68 = arith.cmpi sgt, %scan3A_53, %gt3A_67 : i32
    %convert_element_type3A_69 = arith.extui %gt3A_68 : i1 to i32
    %cond3A_70 = arith.constant 0 : i32
    %cond3A_71 = arith.cmpi ne, %convert_element_type3A_69, %cond3A_70 : i32
    scf.if %cond3A_71 {
      %broadcast_in_dim3A_102 = arith.constant 3 : i32
      %broadcast_in_dim3A_103 = vector.broadcast %broadcast_in_dim3A_102 : i32 to vector<16xi32>
      %gather3A = tpu.vector_load_idx %arg19[%broadcast_in_dim3A_103] : memref<272xi32, #tpu.memory_space<vmem>>[vector<16xi32>], vector<16xi32>,
      %slice3A = vector.extract_strided_slice %gather3A {offsets = [0], sizes = [1], strides = [1]} : vector<16xi32> to vector<1xi32>
      %squeeze3A = vector.extract %slice3A[0] : i32 from vector<1xi32>
      %add3A_104 = arith.addi %add3A_4, %squeeze3A : i32
      %mul3A_105 = arith.constant 128 : i32
      %mul3A_106 = arith.muli %add3A_104, %mul3A_105 : i32
      %multiple_of3A = tpu.assume_multiple %mul3A_106, 128 : i32
      %dma_start3A = arith.constant 0 : i32
      %dma_start3A_107 = tpu.memref_slice %arg3[%dma_start3A, %multiple_of3A] : memref<100x1000001xf32, #tpu.memory_space<hbm>> -> memref<100x128xf32, #tpu.memory_space<hbm>>
      %dma_start3A_108 = arith.constant 0 : i32
      %dma_start3A_109 = tpu.memref_slice %arg3[%dma_start3A_108, %multiple_of3A] : memref<100x1000001xf32, #tpu.memory_space<hbm>> -> memref<100x128xf32, #tpu.memory_space<hbm>>
      tpu.enqueue_dma source(%dma_start3A_109 : memref<100x128xf32, #tpu.memory_space<hbm>>) target(%arg9 : memref<100x128xf32, #tpu.memory_space<vmem>>) target_semaphore(%arg24 : memref<!tpu.dma_semaphore, #tpu.memory_space<semaphore_mem>>)
    } else {
    }
    %gt3A_72 = arith.constant 4 : i32
    %gt3A_73 = arith.cmpi sgt, %scan3A_53, %gt3A_72 : i32
    %convert_element_type3A_74 = arith.extui %gt3A_73 : i1 to i32
    %cond3A_75 = arith.constant 0 : i32
    %cond3A_76 = arith.cmpi ne, %convert_element_type3A_74, %cond3A_75 : i32
    scf.if %cond3A_76 {
      %broadcast_in_dim3A_102 = arith.constant 4 : i32
      %broadcast_in_dim3A_103 = vector.broadcast %broadcast_in_dim3A_102 : i32 to vector<16xi32>
      %gather3A = tpu.vector_load_idx %arg19[%broadcast_in_dim3A_103] : memref<272xi32, #tpu.memory_space<vmem>>[vector<16xi32>], vector<16xi32>,
      %slice3A = vector.extract_strided_slice %gather3A {offsets = [0], sizes = [1], strides = [1]} : vector<16xi32> to vector<1xi32>
      %squeeze3A = vector.extract %slice3A[0] : i32 from vector<1xi32>
      %add3A_104 = arith.addi %add3A_4, %squeeze3A : i32
      %mul3A_105 = arith.constant 128 : i32
      %mul3A_106 = arith.muli %add3A_104, %mul3A_105 : i32
      %multiple_of3A = tpu.assume_multiple %mul3A_106, 128 : i32
      %dma_start3A = arith.constant 0 : i32
      %dma_start3A_107 = tpu.memref_slice %arg3[%dma_start3A, %multiple_of3A] : memref<100x1000001xf32, #tpu.memory_space<hbm>> -> memref<100x128xf32, #tpu.memory_space<hbm>>
      %dma_start3A_108 = arith.constant 0 : i32
      %dma_start3A_109 = tpu.memref_slice %arg3[%dma_start3A_108, %multiple_of3A] : memref<100x1000001xf32, #tpu.memory_space<hbm>> -> memref<100x128xf32, #tpu.memory_space<hbm>>
      tpu.enqueue_dma source(%dma_start3A_109 : memref<100x128xf32, #tpu.memory_space<hbm>>) target(%arg10 : memref<100x128xf32, #tpu.memory_space<vmem>>) target_semaphore(%arg25 : memref<!tpu.dma_semaphore, #tpu.memory_space<semaphore_mem>>)
    } else {
    }
    %gt3A_77 = arith.constant 5 : i32
    %gt3A_78 = arith.cmpi sgt, %scan3A_53, %gt3A_77 : i32
    %convert_element_type3A_79 = arith.extui %gt3A_78 : i1 to i32
    %cond3A_80 = arith.constant 0 : i32
    %cond3A_81 = arith.cmpi ne, %convert_element_type3A_79, %cond3A_80 : i32
    scf.if %cond3A_81 {
      %broadcast_in_dim3A_102 = arith.constant 5 : i32
      %broadcast_in_dim3A_103 = vector.broadcast %broadcast_in_dim3A_102 : i32 to vector<16xi32>
      %gather3A = tpu.vector_load_idx %arg19[%broadcast_in_dim3A_103] : memref<272xi32, #tpu.memory_space<vmem>>[vector<16xi32>], vector<16xi32>,
      %slice3A = vector.extract_strided_slice %gather3A {offsets = [0], sizes = [1], strides = [1]} : vector<16xi32> to vector<1xi32>
      %squeeze3A = vector.extract %slice3A[0] : i32 from vector<1xi32>
      %add3A_104 = arith.addi %add3A_4, %squeeze3A : i32
      %mul3A_105 = arith.constant 128 : i32
      %mul3A_106 = arith.muli %add3A_104, %mul3A_105 : i32
      %multiple_of3A = tpu.assume_multiple %mul3A_106, 128 : i32
      %dma_start3A = arith.constant 0 : i32
      %dma_start3A_107 = tpu.memref_slice %arg3[%dma_start3A, %multiple_of3A] : memref<100x1000001xf32, #tpu.memory_space<hbm>> -> memref<100x128xf32, #tpu.memory_space<hbm>>
      %dma_start3A_108 = arith.constant 0 : i32
      %dma_start3A_109 = tpu.memref_slice %arg3[%dma_start3A_108, %multiple_of3A] : memref<100x1000001xf32, #tpu.memory_space<hbm>> -> memref<100x128xf32, #tpu.memory_space<hbm>>
      tpu.enqueue_dma source(%dma_start3A_109 : memref<100x128xf32, #tpu.memory_space<hbm>>) target(%arg11 : memref<100x128xf32, #tpu.memory_space<vmem>>) target_semaphore(%arg26 : memref<!tpu.dma_semaphore, #tpu.memory_space<semaphore_mem>>)
    } else {
    }
    %while3A_82 = arith.constant 0 : i32
    %while3A_83 = arith.subi %scan3A_53, %while3A_82 : i32
    %while3A_84 = arith.addi %while3A_82, %while3A_83 : i32
    %while3A_85 = arith.constant 1 : i32
    %while3A_86 = arith.divsi %while3A_83, %while3A_85 : i32
    %while3A_87 = arith.muli %while3A_86, %while3A_85 : i32
    %while3A_88 = arith.addi %while3A_82, %while3A_87 : i32
    %while3A_89 = arith.constant 1 : i32
    scf.for %while3A_102 = %while3A_82 to %while3A_88 step %while3A_89  : i32 {
      %broadcast_in_dim3A_103 = vector.broadcast %while3A_102 : i32 to vector<16xi32>
      %gather3A = tpu.vector_load_idx %arg19[%broadcast_in_dim3A_103] : memref<272xi32, #tpu.memory_space<vmem>>[vector<16xi32>], vector<16xi32>,
      %slice3A = vector.extract_strided_slice %gather3A {offsets = [0], sizes = [1], strides = [1]} : vector<16xi32> to vector<1xi32>
      %squeeze3A = vector.extract %slice3A[0] : i32 from vector<1xi32>
      %broadcast_in_dim3A_104 = vector.broadcast %squeeze3A : i32 to vector<16xi32>
      %gather3A_105 = tpu.vector_load_idx %arg17[%broadcast_in_dim3A_104] : memref<272xi32, #tpu.memory_space<vmem>>[vector<16xi32>], vector<16xi32>,
      %slice3A_106 = vector.extract_strided_slice %gather3A_105 {offsets = [0], sizes = [1], strides = [1]} : vector<16xi32> to vector<1xi32>
      %squeeze3A_107 = vector.extract %slice3A_106[0] : i32 from vector<1xi32>
      %gather3A_108 = tpu.vector_load_idx %arg16[%broadcast_in_dim3A_104] : memref<272xi32, #tpu.memory_space<vmem>>[vector<16xi32>], vector<16xi32>,
      %slice3A_109 = vector.extract_strided_slice %gather3A_108 {offsets = [0], sizes = [1], strides = [1]} : vector<16xi32> to vector<1xi32>
      %squeeze3A_110 = vector.extract %slice3A_109[0] : i32 from vector<1xi32>
      %add3A_111 = arith.addi %squeeze3A_107, %squeeze3A_110 : i32
      %rem3A = arith.constant 6 : i32
      %rem3A_112 = arith.remsi %while3A_102, %rem3A : i32
      %eq3A_113 = arith.constant 0 : i32
      %eq3A_114 = arith.cmpi eq, %rem3A_112, %eq3A_113 : i32
      %convert_element_type3A_115 = arith.extui %eq3A_114 : i1 to i32
      %cond3A_116 = arith.constant 0 : i32
      %cond3A_117 = arith.cmpi ne, %convert_element_type3A_115, %cond3A_116 : i32
      scf.if %cond3A_117 {
        %dma_wait3A = arith.constant 0 : i32
        %dma_wait3A_143 = arith.constant 0 : i32
        %dma_wait3A_144 = tpu.memref_slice %arg3[%dma_wait3A, %dma_wait3A_143] : memref<100x1000001xf32, #tpu.memory_space<hbm>> -> memref<100x128xf32, #tpu.memory_space<hbm>>
        %dma_wait3A_145 = arith.constant 0 : i32
        %dma_wait3A_146 = arith.constant 0 : i32
        %dma_wait3A_147 = tpu.memref_slice %arg3[%dma_wait3A_145, %dma_wait3A_146] : memref<100x1000001xf32, #tpu.memory_space<hbm>> -> memref<100x128xf32, #tpu.memory_space<hbm>>
        tpu.wait_dma2 semaphore(%arg21 : memref<!tpu.dma_semaphore, #tpu.memory_space<semaphore_mem>>) src(%dma_wait3A_147 : memref<100x128xf32, #tpu.memory_space<hbm>>) dst(%arg6 : memref<100x128xf32, #tpu.memory_space<vmem>>)
        %while3A_148 = arith.subi %add3A_111, %squeeze3A_107 : i32
        %while3A_149 = arith.addi %squeeze3A_107, %while3A_148 : i32
        %while3A_150 = arith.constant 1 : i32
        %while3A_151 = arith.divsi %while3A_148, %while3A_150 : i32
        %while3A_152 = arith.muli %while3A_151, %while3A_150 : i32
        %while3A_153 = arith.addi %squeeze3A_107, %while3A_152 : i32
        %while3A_154 = arith.constant 1 : i32
        scf.for %while3A_162 = %squeeze3A_107 to %while3A_153 step %while3A_154  : i32 {
          %get3A = arith.index_cast %while3A_162 : i32 to index
          %get3A_163 = tpu.vector_load %arg14[%get3A] {strides = array<i32>} : memref<1040xi32, #tpu.memory_space<vmem>>, vector<16xi32>,
          %get3A_164 = arith.index_cast %while3A_162 : i32 to index
          %get3A_165 = tpu.vector_load %arg15[%get3A_164] {strides = array<i32>} : memref<1040xi32, #tpu.memory_space<vmem>>, vector<16xi32>,
          %slice3A_166 = vector.extract_strided_slice %get3A_163 {offsets = [0], sizes = [1], strides = [1]} : vector<16xi32> to vector<1xi32>
          %squeeze3A_167 = vector.extract %slice3A_166[0] : i32 from vector<1xi32>
          %slice3A_168 = vector.extract_strided_slice %get3A_165 {offsets = [0], sizes = [1], strides = [1]} : vector<16xi32> to vector<1xi32>
          %squeeze3A_169 = vector.extract %slice3A_168[0] : i32 from vector<1xi32>
          %rem3A_170 = arith.constant 128 : i32
          %rem3A_171 = arith.remsi %squeeze3A_167, %rem3A_170 : i32
          %broadcast_in_dim3A_172 = vector.broadcast %rem3A_171 : i32 to vector<16xi32>
          %rem3A_173 = arith.constant 16 : i32
          %rem3A_174 = arith.remsi %while3A_162, %rem3A_173 : i32
          %mul3A_175 = arith.constant 112 : i32
          %mul3A_176 = arith.muli %rem3A_174, %mul3A_175 : i32
          %add3A_177 = arith.constant 0 : i32
          %add3A_178 = vector.broadcast %add3A_177 : i32 to vector<16xi32>
          %add3A_179 = arith.addi %iota3A, %add3A_178 : vector<16xi32>
          %gather3A_180 = tpu.vector_load_idx %arg6[%add3A_179, %broadcast_in_dim3A_172] : memref<100x128xf32, #tpu.memory_space<vmem>>[vector<16xi32>, vector<16xi32>], vector<16xf32>,
          %add3A_181 = arith.constant 0 : i32
          %add3A_182 = arith.addi %mul3A_176, %add3A_181 : i32
          %swap3A = arith.index_cast %add3A_182 : i32 to index
          %swap3A_183 = tpu.vector_load %arg20[%swap3A] {strides = array<i32>} : memref<1808xf32, #tpu.memory_space<vmem>>, vector<16xf32>,
          tpu.vector_store %arg20[%swap3A], %gather3A_180 {strides = array<i32>} : memref<1808xf32, #tpu.memory_space<vmem>>, vector<16xf32>,
          %add3A_184 = arith.constant 16 : i32
          %add3A_185 = vector.broadcast %add3A_184 : i32 to vector<16xi32>
          %add3A_186 = arith.addi %iota3A, %add3A_185 : vector<16xi32>
          %gather3A_187 = tpu.vector_load_idx %arg6[%add3A_186, %broadcast_in_dim3A_172] : memref<100x128xf32, #tpu.memory_space<vmem>>[vector<16xi32>, vector<16xi32>], vector<16xf32>,
          %add3A_188 = arith.constant 16 : i32
          %add3A_189 = arith.addi %mul3A_176, %add3A_188 : i32
          %swap3A_190 = arith.index_cast %add3A_189 : i32 to index
          %swap3A_191 = tpu.vector_load %arg20[%swap3A_190] {strides = array<i32>} : memref<1808xf32, #tpu.memory_space<vmem>>, vector<16xf32>,
          tpu.vector_store %arg20[%swap3A_190], %gather3A_187 {strides = array<i32>} : memref<1808xf32, #tpu.memory_space<vmem>>, vector<16xf32>,
          %add3A_192 = arith.constant 32 : i32
          %add3A_193 = vector.broadcast %add3A_192 : i32 to vector<16xi32>
          %add3A_194 = arith.addi %iota3A, %add3A_193 : vector<16xi32>
          %gather3A_195 = tpu.vector_load_idx %arg6[%add3A_194, %broadcast_in_dim3A_172] : memref<100x128xf32, #tpu.memory_space<vmem>>[vector<16xi32>, vector<16xi32>], vector<16xf32>,
          %add3A_196 = arith.constant 32 : i32
          %add3A_197 = arith.addi %mul3A_176, %add3A_196 : i32
          %swap3A_198 = arith.index_cast %add3A_197 : i32 to index
          %swap3A_199 = tpu.vector_load %arg20[%swap3A_198] {strides = array<i32>} : memref<1808xf32, #tpu.memory_space<vmem>>, vector<16xf32>,
          tpu.vector_store %arg20[%swap3A_198], %gather3A_195 {strides = array<i32>} : memref<1808xf32, #tpu.memory_space<vmem>>, vector<16xf32>,
          %add3A_200 = arith.constant 48 : i32
          %add3A_201 = vector.broadcast %add3A_200 : i32 to vector<16xi32>
          %add3A_202 = arith.addi %iota3A, %add3A_201 : vector<16xi32>
          %gather3A_203 = tpu.vector_load_idx %arg6[%add3A_202, %broadcast_in_dim3A_172] : memref<100x128xf32, #tpu.memory_space<vmem>>[vector<16xi32>, vector<16xi32>], vector<16xf32>,
          %add3A_204 = arith.constant 48 : i32
          %add3A_205 = arith.addi %mul3A_176, %add3A_204 : i32
          %swap3A_206 = arith.index_cast %add3A_205 : i32 to index
          %swap3A_207 = tpu.vector_load %arg20[%swap3A_206] {strides = array<i32>} : memref<1808xf32, #tpu.memory_space<vmem>>, vector<16xf32>,
          tpu.vector_store %arg20[%swap3A_206], %gather3A_203 {strides = array<i32>} : memref<1808xf32, #tpu.memory_space<vmem>>, vector<16xf32>,
          %add3A_208 = arith.constant 64 : i32
          %add3A_209 = vector.broadcast %add3A_208 : i32 to vector<16xi32>
          %add3A_210 = arith.addi %iota3A, %add3A_209 : vector<16xi32>
          %gather3A_211 = tpu.vector_load_idx %arg6[%add3A_210, %broadcast_in_dim3A_172] : memref<100x128xf32, #tpu.memory_space<vmem>>[vector<16xi32>, vector<16xi32>], vector<16xf32>,
          %add3A_212 = arith.constant 64 : i32
          %add3A_213 = arith.addi %mul3A_176, %add3A_212 : i32
          %swap3A_214 = arith.index_cast %add3A_213 : i32 to index
          %swap3A_215 = tpu.vector_load %arg20[%swap3A_214] {strides = array<i32>} : memref<1808xf32, #tpu.memory_space<vmem>>, vector<16xf32>,
          tpu.vector_store %arg20[%swap3A_214], %gather3A_211 {strides = array<i32>} : memref<1808xf32, #tpu.memory_space<vmem>>, vector<16xf32>,
          %add3A_216 = arith.constant 80 : i32
          %add3A_217 = vector.broadcast %add3A_216 : i32 to vector<16xi32>
          %add3A_218 = arith.addi %iota3A, %add3A_217 : vector<16xi32>
          %gather3A_219 = tpu.vector_load_idx %arg6[%add3A_218, %broadcast_in_dim3A_172] : memref<100x128xf32, #tpu.memory_space<vmem>>[vector<16xi32>, vector<16xi32>], vector<16xf32>,
          %add3A_220 = arith.constant 80 : i32
          %add3A_221 = arith.addi %mul3A_176, %add3A_220 : i32
          %swap3A_222 = arith.index_cast %add3A_221 : i32 to index
          %swap3A_223 = tpu.vector_load %arg20[%swap3A_222] {strides = array<i32>} : memref<1808xf32, #tpu.memory_space<vmem>>, vector<16xf32>,
          tpu.vector_store %arg20[%swap3A_222], %gather3A_219 {strides = array<i32>} : memref<1808xf32, #tpu.memory_space<vmem>>, vector<16xf32>,
          %add3A_224 = arith.constant 96 : i32
          %add3A_225 = vector.broadcast %add3A_224 : i32 to vector<16xi32>
          %add3A_226 = arith.addi %iota3A, %add3A_225 : vector<16xi32>
          %min3A_227 = arith.constant 99 : i32
          %min3A_228 = vector.broadcast %min3A_227 : i32 to vector<16xi32>
          %min3A_229 = arith.minsi %add3A_226, %min3A_228 : vector<16xi32>
          %gather3A_230 = tpu.vector_load_idx %arg6[%min3A_229, %broadcast_in_dim3A_172] : memref<100x128xf32, #tpu.memory_space<vmem>>[vector<16xi32>, vector<16xi32>], vector<16xf32>,
          %add3A_231 = arith.constant 96 : i32
          %add3A_232 = arith.addi %mul3A_176, %add3A_231 : i32
          %swap3A_233 = arith.index_cast %add3A_232 : i32 to index
          %swap3A_234 = tpu.vector_load %arg20[%swap3A_233] {strides = array<i32>} : memref<1808xf32, #tpu.memory_space<vmem>>, vector<16xf32>,
          tpu.vector_store %arg20[%swap3A_233], %gather3A_230 {strides = array<i32>} : memref<1808xf32, #tpu.memory_space<vmem>>, vector<16xf32>,
          %ge3A = arith.constant 16 : i32
          %ge3A_235 = arith.cmpi sge, %while3A_162, %ge3A : i32
          %convert_element_type3A_236 = arith.extui %ge3A_235 : i1 to i32
          %cond3A_237 = arith.constant 0 : i32
          %cond3A_238 = arith.cmpi ne, %convert_element_type3A_236, %cond3A_237 : i32
          scf.if %cond3A_238 {
            %dma_wait3A_244 = tpu.memref_slice %arg20[%mul3A_176] : memref<1808xf32, #tpu.memory_space<vmem>> -> memref<104xf32, #tpu.memory_space<vmem>>
            %dma_wait3A_245 = arith.constant 0 : i32
            %dma_wait3A_246 = tpu.memref_slice %arg4[%dma_wait3A_245] : memref<1703936xf32, #tpu.memory_space<hbm>> -> memref<104xf32, #tpu.memory_space<hbm>>
            %dma_wait3A_247 = tpu.memref_slice %arg20[%mul3A_176] : memref<1808xf32, #tpu.memory_space<vmem>> -> memref<104xf32, #tpu.memory_space<vmem>>
            %dma_wait3A_248 = arith.constant 0 : i32
            %dma_wait3A_249 = tpu.memref_slice %arg4[%dma_wait3A_248] : memref<1703936xf32, #tpu.memory_space<hbm>> -> memref<104xf32, #tpu.memory_space<hbm>>
            tpu.wait_dma2 semaphore(%arg27 : memref<!tpu.dma_semaphore, #tpu.memory_space<semaphore_mem>>) src(%dma_wait3A_249 : memref<104xf32, #tpu.memory_space<hbm>>) dst(%dma_wait3A_247 : memref<104xf32, #tpu.memory_space<vmem>>)
          } else {
          }
          %mul3A_239 = arith.constant 104 : i32
          %mul3A_240 = arith.muli %squeeze3A_169, %mul3A_239 : i32
          %dma_start3A = tpu.memref_slice %arg20[%mul3A_176] : memref<1808xf32, #tpu.memory_space<vmem>> -> memref<104xf32, #tpu.memory_space<vmem>>
          %dma_start3A_241 = tpu.memref_slice %arg4[%mul3A_240] : memref<1703936xf32, #tpu.memory_space<hbm>> -> memref<104xf32, #tpu.memory_space<hbm>>
          %dma_start3A_242 = tpu.memref_slice %arg4[%mul3A_240] : memref<1703936xf32, #tpu.memory_space<hbm>> -> memref<104xf32, #tpu.memory_space<hbm>>
          %dma_start3A_243 = tpu.memref_slice %arg20[%mul3A_176] : memref<1808xf32, #tpu.memory_space<vmem>> -> memref<104xf32, #tpu.memory_space<vmem>>
          tpu.enqueue_dma source(%dma_start3A_243 : memref<104xf32, #tpu.memory_space<vmem>>) target(%dma_start3A_242 : memref<104xf32, #tpu.memory_space<hbm>>) target_semaphore(%arg27 : memref<!tpu.dma_semaphore, #tpu.memory_space<semaphore_mem>>)
        }
        %while3A_155 = arith.constant 1 : i32
        scf.for %while3A_162 = %while3A_153 to %while3A_149 step %while3A_155  : i32 {
          %get3A = arith.index_cast %while3A_162 : i32 to index
          %get3A_163 = tpu.vector_load %arg14[%get3A] {strides = array<i32>} : memref<1040xi32, #tpu.memory_space<vmem>>, vector<16xi32>,
          %get3A_164 = arith.index_cast %while3A_162 : i32 to index
          %get3A_165 = tpu.vector_load %arg15[%get3A_164] {strides = array<i32>} : memref<1040xi32, #tpu.memory_space<vmem>>, vector<16xi32>,
          %slice3A_166 = vector.extract_strided_slice %get3A_163 {offsets = [0], sizes = [1], strides = [1]} : vector<16xi32> to vector<1xi32>
          %squeeze3A_167 = vector.extract %slice3A_166[0] : i32 from vector<1xi32>
          %slice3A_168 = vector.extract_strided_slice %get3A_165 {offsets = [0], sizes = [1], strides = [1]} : vector<16xi32> to vector<1xi32>
          %squeeze3A_169 = vector.extract %slice3A_168[0] : i32 from vector<1xi32>
          %rem3A_170 = arith.constant 128 : i32
          %rem3A_171 = arith.remsi %squeeze3A_167, %rem3A_170 : i32
          %broadcast_in_dim3A_172 = vector.broadcast %rem3A_171 : i32 to vector<16xi32>
          %rem3A_173 = arith.constant 16 : i32
          %rem3A_174 = arith.remsi %while3A_162, %rem3A_173 : i32
          %mul3A_175 = arith.constant 112 : i32
          %mul3A_176 = arith.muli %rem3A_174, %mul3A_175 : i32
          %add3A_177 = arith.constant 0 : i32
          %add3A_178 = vector.broadcast %add3A_177 : i32 to vector<16xi32>
          %add3A_179 = arith.addi %iota3A, %add3A_178 : vector<16xi32>
          %gather3A_180 = tpu.vector_load_idx %arg6[%add3A_179, %broadcast_in_dim3A_172] : memref<100x128xf32, #tpu.memory_space<vmem>>[vector<16xi32>, vector<16xi32>], vector<16xf32>,
          %add3A_181 = arith.constant 0 : i32
          %add3A_182 = arith.addi %mul3A_176, %add3A_181 : i32
          %swap3A = arith.index_cast %add3A_182 : i32 to index
          %swap3A_183 = tpu.vector_load %arg20[%swap3A] {strides = array<i32>} : memref<1808xf32, #tpu.memory_space<vmem>>, vector<16xf32>,
          tpu.vector_store %arg20[%swap3A], %gather3A_180 {strides = array<i32>} : memref<1808xf32, #tpu.memory_space<vmem>>, vector<16xf32>,
          %add3A_184 = arith.constant 16 : i32
          %add3A_185 = vector.broadcast %add3A_184 : i32 to vector<16xi32>
          %add3A_186 = arith.addi %iota3A, %add3A_185 : vector<16xi32>
          %gather3A_187 = tpu.vector_load_idx %arg6[%add3A_186, %broadcast_in_dim3A_172] : memref<100x128xf32, #tpu.memory_space<vmem>>[vector<16xi32>, vector<16xi32>], vector<16xf32>,
          %add3A_188 = arith.constant 16 : i32
          %add3A_189 = arith.addi %mul3A_176, %add3A_188 : i32
          %swap3A_190 = arith.index_cast %add3A_189 : i32 to index
          %swap3A_191 = tpu.vector_load %arg20[%swap3A_190] {strides = array<i32>} : memref<1808xf32, #tpu.memory_space<vmem>>, vector<16xf32>,
          tpu.vector_store %arg20[%swap3A_190], %gather3A_187 {strides = array<i32>} : memref<1808xf32, #tpu.memory_space<vmem>>, vector<16xf32>,
          %add3A_192 = arith.constant 32 : i32
          %add3A_193 = vector.broadcast %add3A_192 : i32 to vector<16xi32>
          %add3A_194 = arith.addi %iota3A, %add3A_193 : vector<16xi32>
          %gather3A_195 = tpu.vector_load_idx %arg6[%add3A_194, %broadcast_in_dim3A_172] : memref<100x128xf32, #tpu.memory_space<vmem>>[vector<16xi32>, vector<16xi32>], vector<16xf32>,
          %add3A_196 = arith.constant 32 : i32
          %add3A_197 = arith.addi %mul3A_176, %add3A_196 : i32
          %swap3A_198 = arith.index_cast %add3A_197 : i32 to index
          %swap3A_199 = tpu.vector_load %arg20[%swap3A_198] {strides = array<i32>} : memref<1808xf32, #tpu.memory_space<vmem>>, vector<16xf32>,
          tpu.vector_store %arg20[%swap3A_198], %gather3A_195 {strides = array<i32>} : memref<1808xf32, #tpu.memory_space<vmem>>, vector<16xf32>,
          %add3A_200 = arith.constant 48 : i32
          %add3A_201 = vector.broadcast %add3A_200 : i32 to vector<16xi32>
          %add3A_202 = arith.addi %iota3A, %add3A_201 : vector<16xi32>
          %gather3A_203 = tpu.vector_load_idx %arg6[%add3A_202, %broadcast_in_dim3A_172] : memref<100x128xf32, #tpu.memory_space<vmem>>[vector<16xi32>, vector<16xi32>], vector<16xf32>,
          %add3A_204 = arith.constant 48 : i32
          %add3A_205 = arith.addi %mul3A_176, %add3A_204 : i32
          %swap3A_206 = arith.index_cast %add3A_205 : i32 to index
          %swap3A_207 = tpu.vector_load %arg20[%swap3A_206] {strides = array<i32>} : memref<1808xf32, #tpu.memory_space<vmem>>, vector<16xf32>,
          tpu.vector_store %arg20[%swap3A_206], %gather3A_203 {strides = array<i32>} : memref<1808xf32, #tpu.memory_space<vmem>>, vector<16xf32>,
          %add3A_208 = arith.constant 64 : i32
          %add3A_209 = vector.broadcast %add3A_208 : i32 to vector<16xi32>
          %add3A_210 = arith.addi %iota3A, %add3A_209 : vector<16xi32>
          %gather3A_211 = tpu.vector_load_idx %arg6[%add3A_210, %broadcast_in_dim3A_172] : memref<100x128xf32, #tpu.memory_space<vmem>>[vector<16xi32>, vector<16xi32>], vector<16xf32>,
          %add3A_212 = arith.constant 64 : i32
          %add3A_213 = arith.addi %mul3A_176, %add3A_212 : i32
          %swap3A_214 = arith.index_cast %add3A_213 : i32 to index
          %swap3A_215 = tpu.vector_load %arg20[%swap3A_214] {strides = array<i32>} : memref<1808xf32, #tpu.memory_space<vmem>>, vector<16xf32>,
          tpu.vector_store %arg20[%swap3A_214], %gather3A_211 {strides = array<i32>} : memref<1808xf32, #tpu.memory_space<vmem>>, vector<16xf32>,
          %add3A_216 = arith.constant 80 : i32
          %add3A_217 = vector.broadcast %add3A_216 : i32 to vector<16xi32>
          %add3A_218 = arith.addi %iota3A, %add3A_217 : vector<16xi32>
          %gather3A_219 = tpu.vector_load_idx %arg6[%add3A_218, %broadcast_in_dim3A_172] : memref<100x128xf32, #tpu.memory_space<vmem>>[vector<16xi32>, vector<16xi32>], vector<16xf32>,
          %add3A_220 = arith.constant 80 : i32
          %add3A_221 = arith.addi %mul3A_176, %add3A_220 : i32
          %swap3A_222 = arith.index_cast %add3A_221 : i32 to index
          %swap3A_223 = tpu.vector_load %arg20[%swap3A_222] {strides = array<i32>} : memref<1808xf32, #tpu.memory_space<vmem>>, vector<16xf32>,
          tpu.vector_store %arg20[%swap3A_222], %gather3A_219 {strides = array<i32>} : memref<1808xf32, #tpu.memory_space<vmem>>, vector<16xf32>,
          %add3A_224 = arith.constant 96 : i32
          %add3A_225 = vector.broadcast %add3A_224 : i32 to vector<16xi32>
          %add3A_226 = arith.addi %iota3A, %add3A_225 : vector<16xi32>
          %min3A_227 = arith.constant 99 : i32
          %min3A_228 = vector.broadcast %min3A_227 : i32 to vector<16xi32>
          %min3A_229 = arith.minsi %add3A_226, %min3A_228 : vector<16xi32>
          %gather3A_230 = tpu.vector_load_idx %arg6[%min3A_229, %broadcast_in_dim3A_172] : memref<100x128xf32, #tpu.memory_space<vmem>>[vector<16xi32>, vector<16xi32>], vector<16xf32>,
          %add3A_231 = arith.constant 96 : i32
          %add3A_232 = arith.addi %mul3A_176, %add3A_231 : i32
          %swap3A_233 = arith.index_cast %add3A_232 : i32 to index
          %swap3A_234 = tpu.vector_load %arg20[%swap3A_233] {strides = array<i32>} : memref<1808xf32, #tpu.memory_space<vmem>>, vector<16xf32>,
          tpu.vector_store %arg20[%swap3A_233], %gather3A_230 {strides = array<i32>} : memref<1808xf32, #tpu.memory_space<vmem>>, vector<16xf32>,
          %ge3A = arith.constant 16 : i32
          %ge3A_235 = arith.cmpi sge, %while3A_162, %ge3A : i32
          %convert_element_type3A_236 = arith.extui %ge3A_235 : i1 to i32
          %cond3A_237 = arith.constant 0 : i32
          %cond3A_238 = arith.cmpi ne, %convert_element_type3A_236, %cond3A_237 : i32
          scf.if %cond3A_238 {
            %dma_wait3A_244 = tpu.memref_slice %arg20[%mul3A_176] : memref<1808xf32, #tpu.memory_space<vmem>> -> memref<104xf32, #tpu.memory_space<vmem>>
            %dma_wait3A_245 = arith.constant 0 : i32
            %dma_wait3A_246 = tpu.memref_slice %arg4[%dma_wait3A_245] : memref<1703936xf32, #tpu.memory_space<hbm>> -> memref<104xf32, #tpu.memory_space<hbm>>
            %dma_wait3A_247 = tpu.memref_slice %arg20[%mul3A_176] : memref<1808xf32, #tpu.memory_space<vmem>> -> memref<104xf32, #tpu.memory_space<vmem>>
            %dma_wait3A_248 = arith.constant 0 : i32
            %dma_wait3A_249 = tpu.memref_slice %arg4[%dma_wait3A_248] : memref<1703936xf32, #tpu.memory_space<hbm>> -> memref<104xf32, #tpu.memory_space<hbm>>
            tpu.wait_dma2 semaphore(%arg27 : memref<!tpu.dma_semaphore, #tpu.memory_space<semaphore_mem>>) src(%dma_wait3A_249 : memref<104xf32, #tpu.memory_space<hbm>>) dst(%dma_wait3A_247 : memref<104xf32, #tpu.memory_space<vmem>>)
          } else {
          }
          %mul3A_239 = arith.constant 104 : i32
          %mul3A_240 = arith.muli %squeeze3A_169, %mul3A_239 : i32
          %dma_start3A = tpu.memref_slice %arg20[%mul3A_176] : memref<1808xf32, #tpu.memory_space<vmem>> -> memref<104xf32, #tpu.memory_space<vmem>>
          %dma_start3A_241 = tpu.memref_slice %arg4[%mul3A_240] : memref<1703936xf32, #tpu.memory_space<hbm>> -> memref<104xf32, #tpu.memory_space<hbm>>
          %dma_start3A_242 = tpu.memref_slice %arg4[%mul3A_240] : memref<1703936xf32, #tpu.memory_space<hbm>> -> memref<104xf32, #tpu.memory_space<hbm>>
          %dma_start3A_243 = tpu.memref_slice %arg20[%mul3A_176] : memref<1808xf32, #tpu.memory_space<vmem>> -> memref<104xf32, #tpu.memory_space<vmem>>
          tpu.enqueue_dma source(%dma_start3A_243 : memref<104xf32, #tpu.memory_space<vmem>>) target(%dma_start3A_242 : memref<104xf32, #tpu.memory_space<hbm>>) target_semaphore(%arg27 : memref<!tpu.dma_semaphore, #tpu.memory_space<semaphore_mem>>)
        }
        %add3A_156 = arith.constant 6 : i32
        %add3A_157 = arith.addi %while3A_102, %add3A_156 : i32
        %lt3A_158 = arith.cmpi slt, %add3A_157, %scan3A_53 : i32
        %convert_element_type3A_159 = arith.extui %lt3A_158 : i1 to i32
        %cond3A_160 = arith.constant 0 : i32
        %cond3A_161 = arith.cmpi ne, %convert_element_type3A_159, %cond3A_160 : i32
        scf.if %cond3A_161 {
          %broadcast_in_dim3A_162 = vector.broadcast %while3A_102 : i32 to vector<16xi32>
          %add3A_163 = arith.constant 6 : i32
          %add3A_164 = vector.broadcast %add3A_163 : i32 to vector<16xi32>
          %add3A_165 = arith.addi %broadcast_in_dim3A_162, %add3A_164 : vector<16xi32>
          %gather3A_166 = tpu.vector_load_idx %arg19[%add3A_165] : memref<272xi32, #tpu.memory_space<vmem>>[vector<16xi32>], vector<16xi32>,
          %slice3A_167 = vector.extract_strided_slice %gather3A_166 {offsets = [0], sizes = [1], strides = [1]} : vector<16xi32> to vector<1xi32>
          %squeeze3A_168 = vector.extract %slice3A_167[0] : i32 from vector<1xi32>
          %add3A_169 = arith.addi %add3A_4, %squeeze3A_168 : i32
          %mul3A_170 = arith.constant 128 : i32
          %mul3A_171 = arith.muli %add3A_169, %mul3A_170 : i32
          %multiple_of3A = tpu.assume_multiple %mul3A_171, 128 : i32
          %dma_start3A = arith.constant 0 : i32
          %dma_start3A_172 = tpu.memref_slice %arg3[%dma_start3A, %multiple_of3A] : memref<100x1000001xf32, #tpu.memory_space<hbm>> -> memref<100x128xf32, #tpu.memory_space<hbm>>
          %dma_start3A_173 = arith.constant 0 : i32
          %dma_start3A_174 = tpu.memref_slice %arg3[%dma_start3A_173, %multiple_of3A] : memref<100x1000001xf32, #tpu.memory_space<hbm>> -> memref<100x128xf32, #tpu.memory_space<hbm>>
          tpu.enqueue_dma source(%dma_start3A_174 : memref<100x128xf32, #tpu.memory_space<hbm>>) target(%arg6 : memref<100x128xf32, #tpu.memory_space<vmem>>) target_semaphore(%arg21 : memref<!tpu.dma_semaphore, #tpu.memory_space<semaphore_mem>>)
        } else {
        }
      } else {
      }
      %eq3A_118 = arith.constant 1 : i32
      %eq3A_119 = arith.cmpi eq, %rem3A_112, %eq3A_118 : i32
      %convert_element_type3A_120 = arith.extui %eq3A_119 : i1 to i32
      %cond3A_121 = arith.constant 0 : i32
      %cond3A_122 = arith.cmpi ne, %convert_element_type3A_120, %cond3A_121 : i32
      scf.if %cond3A_122 {
        %dma_wait3A = arith.constant 0 : i32
        %dma_wait3A_143 = arith.constant 0 : i32
        %dma_wait3A_144 = tpu.memref_slice %arg3[%dma_wait3A, %dma_wait3A_143] : memref<100x1000001xf32, #tpu.memory_space<hbm>> -> memref<100x128xf32, #tpu.memory_space<hbm>>
        %dma_wait3A_145 = arith.constant 0 : i32
        %dma_wait3A_146 = arith.constant 0 : i32
        %dma_wait3A_147 = tpu.memref_slice %arg3[%dma_wait3A_145, %dma_wait3A_146] : memref<100x1000001xf32, #tpu.memory_space<hbm>> -> memref<100x128xf32, #tpu.memory_space<hbm>>
        tpu.wait_dma2 semaphore(%arg22 : memref<!tpu.dma_semaphore, #tpu.memory_space<semaphore_mem>>) src(%dma_wait3A_147 : memref<100x128xf32, #tpu.memory_space<hbm>>) dst(%arg7 : memref<100x128xf32, #tpu.memory_space<vmem>>)
        %while3A_148 = arith.subi %add3A_111, %squeeze3A_107 : i32
        %while3A_149 = arith.addi %squeeze3A_107, %while3A_148 : i32
        %while3A_150 = arith.constant 1 : i32
        %while3A_151 = arith.divsi %while3A_148, %while3A_150 : i32
        %while3A_152 = arith.muli %while3A_151, %while3A_150 : i32
        %while3A_153 = arith.addi %squeeze3A_107, %while3A_152 : i32
        %while3A_154 = arith.constant 1 : i32
        scf.for %while3A_162 = %squeeze3A_107 to %while3A_153 step %while3A_154  : i32 {
          %get3A = arith.index_cast %while3A_162 : i32 to index
          %get3A_163 = tpu.vector_load %arg14[%get3A] {strides = array<i32>} : memref<1040xi32, #tpu.memory_space<vmem>>, vector<16xi32>,
          %get3A_164 = arith.index_cast %while3A_162 : i32 to index
          %get3A_165 = tpu.vector_load %arg15[%get3A_164] {strides = array<i32>} : memref<1040xi32, #tpu.memory_space<vmem>>, vector<16xi32>,
          %slice3A_166 = vector.extract_strided_slice %get3A_163 {offsets = [0], sizes = [1], strides = [1]} : vector<16xi32> to vector<1xi32>
          %squeeze3A_167 = vector.extract %slice3A_166[0] : i32 from vector<1xi32>
          %slice3A_168 = vector.extract_strided_slice %get3A_165 {offsets = [0], sizes = [1], strides = [1]} : vector<16xi32> to vector<1xi32>
          %squeeze3A_169 = vector.extract %slice3A_168[0] : i32 from vector<1xi32>
          %rem3A_170 = arith.constant 128 : i32
          %rem3A_171 = arith.remsi %squeeze3A_167, %rem3A_170 : i32
          %broadcast_in_dim3A_172 = vector.broadcast %rem3A_171 : i32 to vector<16xi32>
          %rem3A_173 = arith.constant 16 : i32
          %rem3A_174 = arith.remsi %while3A_162, %rem3A_173 : i32
          %mul3A_175 = arith.constant 112 : i32
          %mul3A_176 = arith.muli %rem3A_174, %mul3A_175 : i32
          %add3A_177 = arith.constant 0 : i32
          %add3A_178 = vector.broadcast %add3A_177 : i32 to vector<16xi32>
          %add3A_179 = arith.addi %iota3A, %add3A_178 : vector<16xi32>
          %gather3A_180 = tpu.vector_load_idx %arg7[%add3A_179, %broadcast_in_dim3A_172] : memref<100x128xf32, #tpu.memory_space<vmem>>[vector<16xi32>, vector<16xi32>], vector<16xf32>,
          %add3A_181 = arith.constant 0 : i32
          %add3A_182 = arith.addi %mul3A_176, %add3A_181 : i32
          %swap3A = arith.index_cast %add3A_182 : i32 to index
          %swap3A_183 = tpu.vector_load %arg20[%swap3A] {strides = array<i32>} : memref<1808xf32, #tpu.memory_space<vmem>>, vector<16xf32>,
          tpu.vector_store %arg20[%swap3A], %gather3A_180 {strides = array<i32>} : memref<1808xf32, #tpu.memory_space<vmem>>, vector<16xf32>,
          %add3A_184 = arith.constant 16 : i32
          %add3A_185 = vector.broadcast %add3A_184 : i32 to vector<16xi32>
          %add3A_186 = arith.addi %iota3A, %add3A_185 : vector<16xi32>
          %gather3A_187 = tpu.vector_load_idx %arg7[%add3A_186, %broadcast_in_dim3A_172] : memref<100x128xf32, #tpu.memory_space<vmem>>[vector<16xi32>, vector<16xi32>], vector<16xf32>,
          %add3A_188 = arith.constant 16 : i32
          %add3A_189 = arith.addi %mul3A_176, %add3A_188 : i32
          %swap3A_190 = arith.index_cast %add3A_189 : i32 to index
          %swap3A_191 = tpu.vector_load %arg20[%swap3A_190] {strides = array<i32>} : memref<1808xf32, #tpu.memory_space<vmem>>, vector<16xf32>,
          tpu.vector_store %arg20[%swap3A_190], %gather3A_187 {strides = array<i32>} : memref<1808xf32, #tpu.memory_space<vmem>>, vector<16xf32>,
          %add3A_192 = arith.constant 32 : i32
          %add3A_193 = vector.broadcast %add3A_192 : i32 to vector<16xi32>
          %add3A_194 = arith.addi %iota3A, %add3A_193 : vector<16xi32>
          %gather3A_195 = tpu.vector_load_idx %arg7[%add3A_194, %broadcast_in_dim3A_172] : memref<100x128xf32, #tpu.memory_space<vmem>>[vector<16xi32>, vector<16xi32>], vector<16xf32>,
          %add3A_196 = arith.constant 32 : i32
          %add3A_197 = arith.addi %mul3A_176, %add3A_196 : i32
          %swap3A_198 = arith.index_cast %add3A_197 : i32 to index
          %swap3A_199 = tpu.vector_load %arg20[%swap3A_198] {strides = array<i32>} : memref<1808xf32, #tpu.memory_space<vmem>>, vector<16xf32>,
          tpu.vector_store %arg20[%swap3A_198], %gather3A_195 {strides = array<i32>} : memref<1808xf32, #tpu.memory_space<vmem>>, vector<16xf32>,
          %add3A_200 = arith.constant 48 : i32
          %add3A_201 = vector.broadcast %add3A_200 : i32 to vector<16xi32>
          %add3A_202 = arith.addi %iota3A, %add3A_201 : vector<16xi32>
          %gather3A_203 = tpu.vector_load_idx %arg7[%add3A_202, %broadcast_in_dim3A_172] : memref<100x128xf32, #tpu.memory_space<vmem>>[vector<16xi32>, vector<16xi32>], vector<16xf32>,
          %add3A_204 = arith.constant 48 : i32
          %add3A_205 = arith.addi %mul3A_176, %add3A_204 : i32
          %swap3A_206 = arith.index_cast %add3A_205 : i32 to index
          %swap3A_207 = tpu.vector_load %arg20[%swap3A_206] {strides = array<i32>} : memref<1808xf32, #tpu.memory_space<vmem>>, vector<16xf32>,
          tpu.vector_store %arg20[%swap3A_206], %gather3A_203 {strides = array<i32>} : memref<1808xf32, #tpu.memory_space<vmem>>, vector<16xf32>,
          %add3A_208 = arith.constant 64 : i32
          %add3A_209 = vector.broadcast %add3A_208 : i32 to vector<16xi32>
          %add3A_210 = arith.addi %iota3A, %add3A_209 : vector<16xi32>
          %gather3A_211 = tpu.vector_load_idx %arg7[%add3A_210, %broadcast_in_dim3A_172] : memref<100x128xf32, #tpu.memory_space<vmem>>[vector<16xi32>, vector<16xi32>], vector<16xf32>,
          %add3A_212 = arith.constant 64 : i32
          %add3A_213 = arith.addi %mul3A_176, %add3A_212 : i32
          %swap3A_214 = arith.index_cast %add3A_213 : i32 to index
          %swap3A_215 = tpu.vector_load %arg20[%swap3A_214] {strides = array<i32>} : memref<1808xf32, #tpu.memory_space<vmem>>, vector<16xf32>,
          tpu.vector_store %arg20[%swap3A_214], %gather3A_211 {strides = array<i32>} : memref<1808xf32, #tpu.memory_space<vmem>>, vector<16xf32>,
          %add3A_216 = arith.constant 80 : i32
          %add3A_217 = vector.broadcast %add3A_216 : i32 to vector<16xi32>
          %add3A_218 = arith.addi %iota3A, %add3A_217 : vector<16xi32>
          %gather3A_219 = tpu.vector_load_idx %arg7[%add3A_218, %broadcast_in_dim3A_172] : memref<100x128xf32, #tpu.memory_space<vmem>>[vector<16xi32>, vector<16xi32>], vector<16xf32>,
          %add3A_220 = arith.constant 80 : i32
          %add3A_221 = arith.addi %mul3A_176, %add3A_220 : i32
          %swap3A_222 = arith.index_cast %add3A_221 : i32 to index
          %swap3A_223 = tpu.vector_load %arg20[%swap3A_222] {strides = array<i32>} : memref<1808xf32, #tpu.memory_space<vmem>>, vector<16xf32>,
          tpu.vector_store %arg20[%swap3A_222], %gather3A_219 {strides = array<i32>} : memref<1808xf32, #tpu.memory_space<vmem>>, vector<16xf32>,
          %add3A_224 = arith.constant 96 : i32
          %add3A_225 = vector.broadcast %add3A_224 : i32 to vector<16xi32>
          %add3A_226 = arith.addi %iota3A, %add3A_225 : vector<16xi32>
          %min3A_227 = arith.constant 99 : i32
          %min3A_228 = vector.broadcast %min3A_227 : i32 to vector<16xi32>
          %min3A_229 = arith.minsi %add3A_226, %min3A_228 : vector<16xi32>
          %gather3A_230 = tpu.vector_load_idx %arg7[%min3A_229, %broadcast_in_dim3A_172] : memref<100x128xf32, #tpu.memory_space<vmem>>[vector<16xi32>, vector<16xi32>], vector<16xf32>,
          %add3A_231 = arith.constant 96 : i32
          %add3A_232 = arith.addi %mul3A_176, %add3A_231 : i32
          %swap3A_233 = arith.index_cast %add3A_232 : i32 to index
          %swap3A_234 = tpu.vector_load %arg20[%swap3A_233] {strides = array<i32>} : memref<1808xf32, #tpu.memory_space<vmem>>, vector<16xf32>,
          tpu.vector_store %arg20[%swap3A_233], %gather3A_230 {strides = array<i32>} : memref<1808xf32, #tpu.memory_space<vmem>>, vector<16xf32>,
          %ge3A = arith.constant 16 : i32
          %ge3A_235 = arith.cmpi sge, %while3A_162, %ge3A : i32
          %convert_element_type3A_236 = arith.extui %ge3A_235 : i1 to i32
          %cond3A_237 = arith.constant 0 : i32
          %cond3A_238 = arith.cmpi ne, %convert_element_type3A_236, %cond3A_237 : i32
          scf.if %cond3A_238 {
            %dma_wait3A_244 = tpu.memref_slice %arg20[%mul3A_176] : memref<1808xf32, #tpu.memory_space<vmem>> -> memref<104xf32, #tpu.memory_space<vmem>>
            %dma_wait3A_245 = arith.constant 0 : i32
            %dma_wait3A_246 = tpu.memref_slice %arg4[%dma_wait3A_245] : memref<1703936xf32, #tpu.memory_space<hbm>> -> memref<104xf32, #tpu.memory_space<hbm>>
            %dma_wait3A_247 = tpu.memref_slice %arg20[%mul3A_176] : memref<1808xf32, #tpu.memory_space<vmem>> -> memref<104xf32, #tpu.memory_space<vmem>>
            %dma_wait3A_248 = arith.constant 0 : i32
            %dma_wait3A_249 = tpu.memref_slice %arg4[%dma_wait3A_248] : memref<1703936xf32, #tpu.memory_space<hbm>> -> memref<104xf32, #tpu.memory_space<hbm>>
            tpu.wait_dma2 semaphore(%arg27 : memref<!tpu.dma_semaphore, #tpu.memory_space<semaphore_mem>>) src(%dma_wait3A_249 : memref<104xf32, #tpu.memory_space<hbm>>) dst(%dma_wait3A_247 : memref<104xf32, #tpu.memory_space<vmem>>)
          } else {
          }
          %mul3A_239 = arith.constant 104 : i32
          %mul3A_240 = arith.muli %squeeze3A_169, %mul3A_239 : i32
          %dma_start3A = tpu.memref_slice %arg20[%mul3A_176] : memref<1808xf32, #tpu.memory_space<vmem>> -> memref<104xf32, #tpu.memory_space<vmem>>
          %dma_start3A_241 = tpu.memref_slice %arg4[%mul3A_240] : memref<1703936xf32, #tpu.memory_space<hbm>> -> memref<104xf32, #tpu.memory_space<hbm>>
          %dma_start3A_242 = tpu.memref_slice %arg4[%mul3A_240] : memref<1703936xf32, #tpu.memory_space<hbm>> -> memref<104xf32, #tpu.memory_space<hbm>>
          %dma_start3A_243 = tpu.memref_slice %arg20[%mul3A_176] : memref<1808xf32, #tpu.memory_space<vmem>> -> memref<104xf32, #tpu.memory_space<vmem>>
          tpu.enqueue_dma source(%dma_start3A_243 : memref<104xf32, #tpu.memory_space<vmem>>) target(%dma_start3A_242 : memref<104xf32, #tpu.memory_space<hbm>>) target_semaphore(%arg27 : memref<!tpu.dma_semaphore, #tpu.memory_space<semaphore_mem>>)
        }
        %while3A_155 = arith.constant 1 : i32
        scf.for %while3A_162 = %while3A_153 to %while3A_149 step %while3A_155  : i32 {
          %get3A = arith.index_cast %while3A_162 : i32 to index
          %get3A_163 = tpu.vector_load %arg14[%get3A] {strides = array<i32>} : memref<1040xi32, #tpu.memory_space<vmem>>, vector<16xi32>,
          %get3A_164 = arith.index_cast %while3A_162 : i32 to index
          %get3A_165 = tpu.vector_load %arg15[%get3A_164] {strides = array<i32>} : memref<1040xi32, #tpu.memory_space<vmem>>, vector<16xi32>,
          %slice3A_166 = vector.extract_strided_slice %get3A_163 {offsets = [0], sizes = [1], strides = [1]} : vector<16xi32> to vector<1xi32>
          %squeeze3A_167 = vector.extract %slice3A_166[0] : i32 from vector<1xi32>
          %slice3A_168 = vector.extract_strided_slice %get3A_165 {offsets = [0], sizes = [1], strides = [1]} : vector<16xi32> to vector<1xi32>
          %squeeze3A_169 = vector.extract %slice3A_168[0] : i32 from vector<1xi32>
          %rem3A_170 = arith.constant 128 : i32
          %rem3A_171 = arith.remsi %squeeze3A_167, %rem3A_170 : i32
          %broadcast_in_dim3A_172 = vector.broadcast %rem3A_171 : i32 to vector<16xi32>
          %rem3A_173 = arith.constant 16 : i32
          %rem3A_174 = arith.remsi %while3A_162, %rem3A_173 : i32
          %mul3A_175 = arith.constant 112 : i32
          %mul3A_176 = arith.muli %rem3A_174, %mul3A_175 : i32
          %add3A_177 = arith.constant 0 : i32
          %add3A_178 = vector.broadcast %add3A_177 : i32 to vector<16xi32>
          %add3A_179 = arith.addi %iota3A, %add3A_178 : vector<16xi32>
          %gather3A_180 = tpu.vector_load_idx %arg7[%add3A_179, %broadcast_in_dim3A_172] : memref<100x128xf32, #tpu.memory_space<vmem>>[vector<16xi32>, vector<16xi32>], vector<16xf32>,
          %add3A_181 = arith.constant 0 : i32
          %add3A_182 = arith.addi %mul3A_176, %add3A_181 : i32
          %swap3A = arith.index_cast %add3A_182 : i32 to index
          %swap3A_183 = tpu.vector_load %arg20[%swap3A] {strides = array<i32>} : memref<1808xf32, #tpu.memory_space<vmem>>, vector<16xf32>,
          tpu.vector_store %arg20[%swap3A], %gather3A_180 {strides = array<i32>} : memref<1808xf32, #tpu.memory_space<vmem>>, vector<16xf32>,
          %add3A_184 = arith.constant 16 : i32
          %add3A_185 = vector.broadcast %add3A_184 : i32 to vector<16xi32>
          %add3A_186 = arith.addi %iota3A, %add3A_185 : vector<16xi32>
          %gather3A_187 = tpu.vector_load_idx %arg7[%add3A_186, %broadcast_in_dim3A_172] : memref<100x128xf32, #tpu.memory_space<vmem>>[vector<16xi32>, vector<16xi32>], vector<16xf32>,
          %add3A_188 = arith.constant 16 : i32
          %add3A_189 = arith.addi %mul3A_176, %add3A_188 : i32
          %swap3A_190 = arith.index_cast %add3A_189 : i32 to index
          %swap3A_191 = tpu.vector_load %arg20[%swap3A_190] {strides = array<i32>} : memref<1808xf32, #tpu.memory_space<vmem>>, vector<16xf32>,
          tpu.vector_store %arg20[%swap3A_190], %gather3A_187 {strides = array<i32>} : memref<1808xf32, #tpu.memory_space<vmem>>, vector<16xf32>,
          %add3A_192 = arith.constant 32 : i32
          %add3A_193 = vector.broadcast %add3A_192 : i32 to vector<16xi32>
          %add3A_194 = arith.addi %iota3A, %add3A_193 : vector<16xi32>
          %gather3A_195 = tpu.vector_load_idx %arg7[%add3A_194, %broadcast_in_dim3A_172] : memref<100x128xf32, #tpu.memory_space<vmem>>[vector<16xi32>, vector<16xi32>], vector<16xf32>,
          %add3A_196 = arith.constant 32 : i32
          %add3A_197 = arith.addi %mul3A_176, %add3A_196 : i32
          %swap3A_198 = arith.index_cast %add3A_197 : i32 to index
          %swap3A_199 = tpu.vector_load %arg20[%swap3A_198] {strides = array<i32>} : memref<1808xf32, #tpu.memory_space<vmem>>, vector<16xf32>,
          tpu.vector_store %arg20[%swap3A_198], %gather3A_195 {strides = array<i32>} : memref<1808xf32, #tpu.memory_space<vmem>>, vector<16xf32>,
          %add3A_200 = arith.constant 48 : i32
          %add3A_201 = vector.broadcast %add3A_200 : i32 to vector<16xi32>
          %add3A_202 = arith.addi %iota3A, %add3A_201 : vector<16xi32>
          %gather3A_203 = tpu.vector_load_idx %arg7[%add3A_202, %broadcast_in_dim3A_172] : memref<100x128xf32, #tpu.memory_space<vmem>>[vector<16xi32>, vector<16xi32>], vector<16xf32>,
          %add3A_204 = arith.constant 48 : i32
          %add3A_205 = arith.addi %mul3A_176, %add3A_204 : i32
          %swap3A_206 = arith.index_cast %add3A_205 : i32 to index
          %swap3A_207 = tpu.vector_load %arg20[%swap3A_206] {strides = array<i32>} : memref<1808xf32, #tpu.memory_space<vmem>>, vector<16xf32>,
          tpu.vector_store %arg20[%swap3A_206], %gather3A_203 {strides = array<i32>} : memref<1808xf32, #tpu.memory_space<vmem>>, vector<16xf32>,
          %add3A_208 = arith.constant 64 : i32
          %add3A_209 = vector.broadcast %add3A_208 : i32 to vector<16xi32>
          %add3A_210 = arith.addi %iota3A, %add3A_209 : vector<16xi32>
          %gather3A_211 = tpu.vector_load_idx %arg7[%add3A_210, %broadcast_in_dim3A_172] : memref<100x128xf32, #tpu.memory_space<vmem>>[vector<16xi32>, vector<16xi32>], vector<16xf32>,
          %add3A_212 = arith.constant 64 : i32
          %add3A_213 = arith.addi %mul3A_176, %add3A_212 : i32
          %swap3A_214 = arith.index_cast %add3A_213 : i32 to index
          %swap3A_215 = tpu.vector_load %arg20[%swap3A_214] {strides = array<i32>} : memref<1808xf32, #tpu.memory_space<vmem>>, vector<16xf32>,
          tpu.vector_store %arg20[%swap3A_214], %gather3A_211 {strides = array<i32>} : memref<1808xf32, #tpu.memory_space<vmem>>, vector<16xf32>,
          %add3A_216 = arith.constant 80 : i32
          %add3A_217 = vector.broadcast %add3A_216 : i32 to vector<16xi32>
          %add3A_218 = arith.addi %iota3A, %add3A_217 : vector<16xi32>
          %gather3A_219 = tpu.vector_load_idx %arg7[%add3A_218, %broadcast_in_dim3A_172] : memref<100x128xf32, #tpu.memory_space<vmem>>[vector<16xi32>, vector<16xi32>], vector<16xf32>,
          %add3A_220 = arith.constant 80 : i32
          %add3A_221 = arith.addi %mul3A_176, %add3A_220 : i32
          %swap3A_222 = arith.index_cast %add3A_221 : i32 to index
          %swap3A_223 = tpu.vector_load %arg20[%swap3A_222] {strides = array<i32>} : memref<1808xf32, #tpu.memory_space<vmem>>, vector<16xf32>,
          tpu.vector_store %arg20[%swap3A_222], %gather3A_219 {strides = array<i32>} : memref<1808xf32, #tpu.memory_space<vmem>>, vector<16xf32>,
          %add3A_224 = arith.constant 96 : i32
          %add3A_225 = vector.broadcast %add3A_224 : i32 to vector<16xi32>
          %add3A_226 = arith.addi %iota3A, %add3A_225 : vector<16xi32>
          %min3A_227 = arith.constant 99 : i32
          %min3A_228 = vector.broadcast %min3A_227 : i32 to vector<16xi32>
          %min3A_229 = arith.minsi %add3A_226, %min3A_228 : vector<16xi32>
          %gather3A_230 = tpu.vector_load_idx %arg7[%min3A_229, %broadcast_in_dim3A_172] : memref<100x128xf32, #tpu.memory_space<vmem>>[vector<16xi32>, vector<16xi32>], vector<16xf32>,
          %add3A_231 = arith.constant 96 : i32
          %add3A_232 = arith.addi %mul3A_176, %add3A_231 : i32
          %swap3A_233 = arith.index_cast %add3A_232 : i32 to index
          %swap3A_234 = tpu.vector_load %arg20[%swap3A_233] {strides = array<i32>} : memref<1808xf32, #tpu.memory_space<vmem>>, vector<16xf32>,
          tpu.vector_store %arg20[%swap3A_233], %gather3A_230 {strides = array<i32>} : memref<1808xf32, #tpu.memory_space<vmem>>, vector<16xf32>,
          %ge3A = arith.constant 16 : i32
          %ge3A_235 = arith.cmpi sge, %while3A_162, %ge3A : i32
          %convert_element_type3A_236 = arith.extui %ge3A_235 : i1 to i32
          %cond3A_237 = arith.constant 0 : i32
          %cond3A_238 = arith.cmpi ne, %convert_element_type3A_236, %cond3A_237 : i32
          scf.if %cond3A_238 {
            %dma_wait3A_244 = tpu.memref_slice %arg20[%mul3A_176] : memref<1808xf32, #tpu.memory_space<vmem>> -> memref<104xf32, #tpu.memory_space<vmem>>
            %dma_wait3A_245 = arith.constant 0 : i32
            %dma_wait3A_246 = tpu.memref_slice %arg4[%dma_wait3A_245] : memref<1703936xf32, #tpu.memory_space<hbm>> -> memref<104xf32, #tpu.memory_space<hbm>>
            %dma_wait3A_247 = tpu.memref_slice %arg20[%mul3A_176] : memref<1808xf32, #tpu.memory_space<vmem>> -> memref<104xf32, #tpu.memory_space<vmem>>
            %dma_wait3A_248 = arith.constant 0 : i32
            %dma_wait3A_249 = tpu.memref_slice %arg4[%dma_wait3A_248] : memref<1703936xf32, #tpu.memory_space<hbm>> -> memref<104xf32, #tpu.memory_space<hbm>>
            tpu.wait_dma2 semaphore(%arg27 : memref<!tpu.dma_semaphore, #tpu.memory_space<semaphore_mem>>) src(%dma_wait3A_249 : memref<104xf32, #tpu.memory_space<hbm>>) dst(%dma_wait3A_247 : memref<104xf32, #tpu.memory_space<vmem>>)
          } else {
          }
          %mul3A_239 = arith.constant 104 : i32
          %mul3A_240 = arith.muli %squeeze3A_169, %mul3A_239 : i32
          %dma_start3A = tpu.memref_slice %arg20[%mul3A_176] : memref<1808xf32, #tpu.memory_space<vmem>> -> memref<104xf32, #tpu.memory_space<vmem>>
          %dma_start3A_241 = tpu.memref_slice %arg4[%mul3A_240] : memref<1703936xf32, #tpu.memory_space<hbm>> -> memref<104xf32, #tpu.memory_space<hbm>>
          %dma_start3A_242 = tpu.memref_slice %arg4[%mul3A_240] : memref<1703936xf32, #tpu.memory_space<hbm>> -> memref<104xf32, #tpu.memory_space<hbm>>
          %dma_start3A_243 = tpu.memref_slice %arg20[%mul3A_176] : memref<1808xf32, #tpu.memory_space<vmem>> -> memref<104xf32, #tpu.memory_space<vmem>>
          tpu.enqueue_dma source(%dma_start3A_243 : memref<104xf32, #tpu.memory_space<vmem>>) target(%dma_start3A_242 : memref<104xf32, #tpu.memory_space<hbm>>) target_semaphore(%arg27 : memref<!tpu.dma_semaphore, #tpu.memory_space<semaphore_mem>>)
        }
        %add3A_156 = arith.constant 6 : i32
        %add3A_157 = arith.addi %while3A_102, %add3A_156 : i32
        %lt3A_158 = arith.cmpi slt, %add3A_157, %scan3A_53 : i32
        %convert_element_type3A_159 = arith.extui %lt3A_158 : i1 to i32
        %cond3A_160 = arith.constant 0 : i32
        %cond3A_161 = arith.cmpi ne, %convert_element_type3A_159, %cond3A_160 : i32
        scf.if %cond3A_161 {
          %broadcast_in_dim3A_162 = vector.broadcast %while3A_102 : i32 to vector<16xi32>
          %add3A_163 = arith.constant 6 : i32
          %add3A_164 = vector.broadcast %add3A_163 : i32 to vector<16xi32>
          %add3A_165 = arith.addi %broadcast_in_dim3A_162, %add3A_164 : vector<16xi32>
          %gather3A_166 = tpu.vector_load_idx %arg19[%add3A_165] : memref<272xi32, #tpu.memory_space<vmem>>[vector<16xi32>], vector<16xi32>,
          %slice3A_167 = vector.extract_strided_slice %gather3A_166 {offsets = [0], sizes = [1], strides = [1]} : vector<16xi32> to vector<1xi32>
          %squeeze3A_168 = vector.extract %slice3A_167[0] : i32 from vector<1xi32>
          %add3A_169 = arith.addi %add3A_4, %squeeze3A_168 : i32
          %mul3A_170 = arith.constant 128 : i32
          %mul3A_171 = arith.muli %add3A_169, %mul3A_170 : i32
          %multiple_of3A = tpu.assume_multiple %mul3A_171, 128 : i32
          %dma_start3A = arith.constant 0 : i32
          %dma_start3A_172 = tpu.memref_slice %arg3[%dma_start3A, %multiple_of3A] : memref<100x1000001xf32, #tpu.memory_space<hbm>> -> memref<100x128xf32, #tpu.memory_space<hbm>>
          %dma_start3A_173 = arith.constant 0 : i32
          %dma_start3A_174 = tpu.memref_slice %arg3[%dma_start3A_173, %multiple_of3A] : memref<100x1000001xf32, #tpu.memory_space<hbm>> -> memref<100x128xf32, #tpu.memory_space<hbm>>
          tpu.enqueue_dma source(%dma_start3A_174 : memref<100x128xf32, #tpu.memory_space<hbm>>) target(%arg7 : memref<100x128xf32, #tpu.memory_space<vmem>>) target_semaphore(%arg22 : memref<!tpu.dma_semaphore, #tpu.memory_space<semaphore_mem>>)
        } else {
        }
      } else {
      }
      %eq3A_123 = arith.constant 2 : i32
      %eq3A_124 = arith.cmpi eq, %rem3A_112, %eq3A_123 : i32
      %convert_element_type3A_125 = arith.extui %eq3A_124 : i1 to i32
      %cond3A_126 = arith.constant 0 : i32
      %cond3A_127 = arith.cmpi ne, %convert_element_type3A_125, %cond3A_126 : i32
      scf.if %cond3A_127 {
        %dma_wait3A = arith.constant 0 : i32
        %dma_wait3A_143 = arith.constant 0 : i32
        %dma_wait3A_144 = tpu.memref_slice %arg3[%dma_wait3A, %dma_wait3A_143] : memref<100x1000001xf32, #tpu.memory_space<hbm>> -> memref<100x128xf32, #tpu.memory_space<hbm>>
        %dma_wait3A_145 = arith.constant 0 : i32
        %dma_wait3A_146 = arith.constant 0 : i32
        %dma_wait3A_147 = tpu.memref_slice %arg3[%dma_wait3A_145, %dma_wait3A_146] : memref<100x1000001xf32, #tpu.memory_space<hbm>> -> memref<100x128xf32, #tpu.memory_space<hbm>>
        tpu.wait_dma2 semaphore(%arg23 : memref<!tpu.dma_semaphore, #tpu.memory_space<semaphore_mem>>) src(%dma_wait3A_147 : memref<100x128xf32, #tpu.memory_space<hbm>>) dst(%arg8 : memref<100x128xf32, #tpu.memory_space<vmem>>)
        %while3A_148 = arith.subi %add3A_111, %squeeze3A_107 : i32
        %while3A_149 = arith.addi %squeeze3A_107, %while3A_148 : i32
        %while3A_150 = arith.constant 1 : i32
        %while3A_151 = arith.divsi %while3A_148, %while3A_150 : i32
        %while3A_152 = arith.muli %while3A_151, %while3A_150 : i32
        %while3A_153 = arith.addi %squeeze3A_107, %while3A_152 : i32
        %while3A_154 = arith.constant 1 : i32
        scf.for %while3A_162 = %squeeze3A_107 to %while3A_153 step %while3A_154  : i32 {
          %get3A = arith.index_cast %while3A_162 : i32 to index
          %get3A_163 = tpu.vector_load %arg14[%get3A] {strides = array<i32>} : memref<1040xi32, #tpu.memory_space<vmem>>, vector<16xi32>,
          %get3A_164 = arith.index_cast %while3A_162 : i32 to index
          %get3A_165 = tpu.vector_load %arg15[%get3A_164] {strides = array<i32>} : memref<1040xi32, #tpu.memory_space<vmem>>, vector<16xi32>,
          %slice3A_166 = vector.extract_strided_slice %get3A_163 {offsets = [0], sizes = [1], strides = [1]} : vector<16xi32> to vector<1xi32>
          %squeeze3A_167 = vector.extract %slice3A_166[0] : i32 from vector<1xi32>
          %slice3A_168 = vector.extract_strided_slice %get3A_165 {offsets = [0], sizes = [1], strides = [1]} : vector<16xi32> to vector<1xi32>
          %squeeze3A_169 = vector.extract %slice3A_168[0] : i32 from vector<1xi32>
          %rem3A_170 = arith.constant 128 : i32
          %rem3A_171 = arith.remsi %squeeze3A_167, %rem3A_170 : i32
          %broadcast_in_dim3A_172 = vector.broadcast %rem3A_171 : i32 to vector<16xi32>
          %rem3A_173 = arith.constant 16 : i32
          %rem3A_174 = arith.remsi %while3A_162, %rem3A_173 : i32
          %mul3A_175 = arith.constant 112 : i32
          %mul3A_176 = arith.muli %rem3A_174, %mul3A_175 : i32
          %add3A_177 = arith.constant 0 : i32
          %add3A_178 = vector.broadcast %add3A_177 : i32 to vector<16xi32>
          %add3A_179 = arith.addi %iota3A, %add3A_178 : vector<16xi32>
          %gather3A_180 = tpu.vector_load_idx %arg8[%add3A_179, %broadcast_in_dim3A_172] : memref<100x128xf32, #tpu.memory_space<vmem>>[vector<16xi32>, vector<16xi32>], vector<16xf32>,
          %add3A_181 = arith.constant 0 : i32
          %add3A_182 = arith.addi %mul3A_176, %add3A_181 : i32
          %swap3A = arith.index_cast %add3A_182 : i32 to index
          %swap3A_183 = tpu.vector_load %arg20[%swap3A] {strides = array<i32>} : memref<1808xf32, #tpu.memory_space<vmem>>, vector<16xf32>,
          tpu.vector_store %arg20[%swap3A], %gather3A_180 {strides = array<i32>} : memref<1808xf32, #tpu.memory_space<vmem>>, vector<16xf32>,
          %add3A_184 = arith.constant 16 : i32
          %add3A_185 = vector.broadcast %add3A_184 : i32 to vector<16xi32>
          %add3A_186 = arith.addi %iota3A, %add3A_185 : vector<16xi32>
          %gather3A_187 = tpu.vector_load_idx %arg8[%add3A_186, %broadcast_in_dim3A_172] : memref<100x128xf32, #tpu.memory_space<vmem>>[vector<16xi32>, vector<16xi32>], vector<16xf32>,
          %add3A_188 = arith.constant 16 : i32
          %add3A_189 = arith.addi %mul3A_176, %add3A_188 : i32
          %swap3A_190 = arith.index_cast %add3A_189 : i32 to index
          %swap3A_191 = tpu.vector_load %arg20[%swap3A_190] {strides = array<i32>} : memref<1808xf32, #tpu.memory_space<vmem>>, vector<16xf32>,
          tpu.vector_store %arg20[%swap3A_190], %gather3A_187 {strides = array<i32>} : memref<1808xf32, #tpu.memory_space<vmem>>, vector<16xf32>,
          %add3A_192 = arith.constant 32 : i32
          %add3A_193 = vector.broadcast %add3A_192 : i32 to vector<16xi32>
          %add3A_194 = arith.addi %iota3A, %add3A_193 : vector<16xi32>
          %gather3A_195 = tpu.vector_load_idx %arg8[%add3A_194, %broadcast_in_dim3A_172] : memref<100x128xf32, #tpu.memory_space<vmem>>[vector<16xi32>, vector<16xi32>], vector<16xf32>,
          %add3A_196 = arith.constant 32 : i32
          %add3A_197 = arith.addi %mul3A_176, %add3A_196 : i32
          %swap3A_198 = arith.index_cast %add3A_197 : i32 to index
          %swap3A_199 = tpu.vector_load %arg20[%swap3A_198] {strides = array<i32>} : memref<1808xf32, #tpu.memory_space<vmem>>, vector<16xf32>,
          tpu.vector_store %arg20[%swap3A_198], %gather3A_195 {strides = array<i32>} : memref<1808xf32, #tpu.memory_space<vmem>>, vector<16xf32>,
          %add3A_200 = arith.constant 48 : i32
          %add3A_201 = vector.broadcast %add3A_200 : i32 to vector<16xi32>
          %add3A_202 = arith.addi %iota3A, %add3A_201 : vector<16xi32>
          %gather3A_203 = tpu.vector_load_idx %arg8[%add3A_202, %broadcast_in_dim3A_172] : memref<100x128xf32, #tpu.memory_space<vmem>>[vector<16xi32>, vector<16xi32>], vector<16xf32>,
          %add3A_204 = arith.constant 48 : i32
          %add3A_205 = arith.addi %mul3A_176, %add3A_204 : i32
          %swap3A_206 = arith.index_cast %add3A_205 : i32 to index
          %swap3A_207 = tpu.vector_load %arg20[%swap3A_206] {strides = array<i32>} : memref<1808xf32, #tpu.memory_space<vmem>>, vector<16xf32>,
          tpu.vector_store %arg20[%swap3A_206], %gather3A_203 {strides = array<i32>} : memref<1808xf32, #tpu.memory_space<vmem>>, vector<16xf32>,
          %add3A_208 = arith.constant 64 : i32
          %add3A_209 = vector.broadcast %add3A_208 : i32 to vector<16xi32>
          %add3A_210 = arith.addi %iota3A, %add3A_209 : vector<16xi32>
          %gather3A_211 = tpu.vector_load_idx %arg8[%add3A_210, %broadcast_in_dim3A_172] : memref<100x128xf32, #tpu.memory_space<vmem>>[vector<16xi32>, vector<16xi32>], vector<16xf32>,
          %add3A_212 = arith.constant 64 : i32
          %add3A_213 = arith.addi %mul3A_176, %add3A_212 : i32
          %swap3A_214 = arith.index_cast %add3A_213 : i32 to index
          %swap3A_215 = tpu.vector_load %arg20[%swap3A_214] {strides = array<i32>} : memref<1808xf32, #tpu.memory_space<vmem>>, vector<16xf32>,
          tpu.vector_store %arg20[%swap3A_214], %gather3A_211 {strides = array<i32>} : memref<1808xf32, #tpu.memory_space<vmem>>, vector<16xf32>,
          %add3A_216 = arith.constant 80 : i32
          %add3A_217 = vector.broadcast %add3A_216 : i32 to vector<16xi32>
          %add3A_218 = arith.addi %iota3A, %add3A_217 : vector<16xi32>
          %gather3A_219 = tpu.vector_load_idx %arg8[%add3A_218, %broadcast_in_dim3A_172] : memref<100x128xf32, #tpu.memory_space<vmem>>[vector<16xi32>, vector<16xi32>], vector<16xf32>,
          %add3A_220 = arith.constant 80 : i32
          %add3A_221 = arith.addi %mul3A_176, %add3A_220 : i32
          %swap3A_222 = arith.index_cast %add3A_221 : i32 to index
          %swap3A_223 = tpu.vector_load %arg20[%swap3A_222] {strides = array<i32>} : memref<1808xf32, #tpu.memory_space<vmem>>, vector<16xf32>,
          tpu.vector_store %arg20[%swap3A_222], %gather3A_219 {strides = array<i32>} : memref<1808xf32, #tpu.memory_space<vmem>>, vector<16xf32>,
          %add3A_224 = arith.constant 96 : i32
          %add3A_225 = vector.broadcast %add3A_224 : i32 to vector<16xi32>
          %add3A_226 = arith.addi %iota3A, %add3A_225 : vector<16xi32>
          %min3A_227 = arith.constant 99 : i32
          %min3A_228 = vector.broadcast %min3A_227 : i32 to vector<16xi32>
          %min3A_229 = arith.minsi %add3A_226, %min3A_228 : vector<16xi32>
          %gather3A_230 = tpu.vector_load_idx %arg8[%min3A_229, %broadcast_in_dim3A_172] : memref<100x128xf32, #tpu.memory_space<vmem>>[vector<16xi32>, vector<16xi32>], vector<16xf32>,
          %add3A_231 = arith.constant 96 : i32
          %add3A_232 = arith.addi %mul3A_176, %add3A_231 : i32
          %swap3A_233 = arith.index_cast %add3A_232 : i32 to index
          %swap3A_234 = tpu.vector_load %arg20[%swap3A_233] {strides = array<i32>} : memref<1808xf32, #tpu.memory_space<vmem>>, vector<16xf32>,
          tpu.vector_store %arg20[%swap3A_233], %gather3A_230 {strides = array<i32>} : memref<1808xf32, #tpu.memory_space<vmem>>, vector<16xf32>,
          %ge3A = arith.constant 16 : i32
          %ge3A_235 = arith.cmpi sge, %while3A_162, %ge3A : i32
          %convert_element_type3A_236 = arith.extui %ge3A_235 : i1 to i32
          %cond3A_237 = arith.constant 0 : i32
          %cond3A_238 = arith.cmpi ne, %convert_element_type3A_236, %cond3A_237 : i32
          scf.if %cond3A_238 {
            %dma_wait3A_244 = tpu.memref_slice %arg20[%mul3A_176] : memref<1808xf32, #tpu.memory_space<vmem>> -> memref<104xf32, #tpu.memory_space<vmem>>
            %dma_wait3A_245 = arith.constant 0 : i32
            %dma_wait3A_246 = tpu.memref_slice %arg4[%dma_wait3A_245] : memref<1703936xf32, #tpu.memory_space<hbm>> -> memref<104xf32, #tpu.memory_space<hbm>>
            %dma_wait3A_247 = tpu.memref_slice %arg20[%mul3A_176] : memref<1808xf32, #tpu.memory_space<vmem>> -> memref<104xf32, #tpu.memory_space<vmem>>
            %dma_wait3A_248 = arith.constant 0 : i32
            %dma_wait3A_249 = tpu.memref_slice %arg4[%dma_wait3A_248] : memref<1703936xf32, #tpu.memory_space<hbm>> -> memref<104xf32, #tpu.memory_space<hbm>>
            tpu.wait_dma2 semaphore(%arg27 : memref<!tpu.dma_semaphore, #tpu.memory_space<semaphore_mem>>) src(%dma_wait3A_249 : memref<104xf32, #tpu.memory_space<hbm>>) dst(%dma_wait3A_247 : memref<104xf32, #tpu.memory_space<vmem>>)
          } else {
          }
          %mul3A_239 = arith.constant 104 : i32
          %mul3A_240 = arith.muli %squeeze3A_169, %mul3A_239 : i32
          %dma_start3A = tpu.memref_slice %arg20[%mul3A_176] : memref<1808xf32, #tpu.memory_space<vmem>> -> memref<104xf32, #tpu.memory_space<vmem>>
          %dma_start3A_241 = tpu.memref_slice %arg4[%mul3A_240] : memref<1703936xf32, #tpu.memory_space<hbm>> -> memref<104xf32, #tpu.memory_space<hbm>>
          %dma_start3A_242 = tpu.memref_slice %arg4[%mul3A_240] : memref<1703936xf32, #tpu.memory_space<hbm>> -> memref<104xf32, #tpu.memory_space<hbm>>
          %dma_start3A_243 = tpu.memref_slice %arg20[%mul3A_176] : memref<1808xf32, #tpu.memory_space<vmem>> -> memref<104xf32, #tpu.memory_space<vmem>>
          tpu.enqueue_dma source(%dma_start3A_243 : memref<104xf32, #tpu.memory_space<vmem>>) target(%dma_start3A_242 : memref<104xf32, #tpu.memory_space<hbm>>) target_semaphore(%arg27 : memref<!tpu.dma_semaphore, #tpu.memory_space<semaphore_mem>>)
        }
        %while3A_155 = arith.constant 1 : i32
        scf.for %while3A_162 = %while3A_153 to %while3A_149 step %while3A_155  : i32 {
          %get3A = arith.index_cast %while3A_162 : i32 to index
          %get3A_163 = tpu.vector_load %arg14[%get3A] {strides = array<i32>} : memref<1040xi32, #tpu.memory_space<vmem>>, vector<16xi32>,
          %get3A_164 = arith.index_cast %while3A_162 : i32 to index
          %get3A_165 = tpu.vector_load %arg15[%get3A_164] {strides = array<i32>} : memref<1040xi32, #tpu.memory_space<vmem>>, vector<16xi32>,
          %slice3A_166 = vector.extract_strided_slice %get3A_163 {offsets = [0], sizes = [1], strides = [1]} : vector<16xi32> to vector<1xi32>
          %squeeze3A_167 = vector.extract %slice3A_166[0] : i32 from vector<1xi32>
          %slice3A_168 = vector.extract_strided_slice %get3A_165 {offsets = [0], sizes = [1], strides = [1]} : vector<16xi32> to vector<1xi32>
          %squeeze3A_169 = vector.extract %slice3A_168[0] : i32 from vector<1xi32>
          %rem3A_170 = arith.constant 128 : i32
          %rem3A_171 = arith.remsi %squeeze3A_167, %rem3A_170 : i32
          %broadcast_in_dim3A_172 = vector.broadcast %rem3A_171 : i32 to vector<16xi32>
          %rem3A_173 = arith.constant 16 : i32
          %rem3A_174 = arith.remsi %while3A_162, %rem3A_173 : i32
          %mul3A_175 = arith.constant 112 : i32
          %mul3A_176 = arith.muli %rem3A_174, %mul3A_175 : i32
          %add3A_177 = arith.constant 0 : i32
          %add3A_178 = vector.broadcast %add3A_177 : i32 to vector<16xi32>
          %add3A_179 = arith.addi %iota3A, %add3A_178 : vector<16xi32>
          %gather3A_180 = tpu.vector_load_idx %arg8[%add3A_179, %broadcast_in_dim3A_172] : memref<100x128xf32, #tpu.memory_space<vmem>>[vector<16xi32>, vector<16xi32>], vector<16xf32>,
          %add3A_181 = arith.constant 0 : i32
          %add3A_182 = arith.addi %mul3A_176, %add3A_181 : i32
          %swap3A = arith.index_cast %add3A_182 : i32 to index
          %swap3A_183 = tpu.vector_load %arg20[%swap3A] {strides = array<i32>} : memref<1808xf32, #tpu.memory_space<vmem>>, vector<16xf32>,
          tpu.vector_store %arg20[%swap3A], %gather3A_180 {strides = array<i32>} : memref<1808xf32, #tpu.memory_space<vmem>>, vector<16xf32>,
          %add3A_184 = arith.constant 16 : i32
          %add3A_185 = vector.broadcast %add3A_184 : i32 to vector<16xi32>
          %add3A_186 = arith.addi %iota3A, %add3A_185 : vector<16xi32>
          %gather3A_187 = tpu.vector_load_idx %arg8[%add3A_186, %broadcast_in_dim3A_172] : memref<100x128xf32, #tpu.memory_space<vmem>>[vector<16xi32>, vector<16xi32>], vector<16xf32>,
          %add3A_188 = arith.constant 16 : i32
          %add3A_189 = arith.addi %mul3A_176, %add3A_188 : i32
          %swap3A_190 = arith.index_cast %add3A_189 : i32 to index
          %swap3A_191 = tpu.vector_load %arg20[%swap3A_190] {strides = array<i32>} : memref<1808xf32, #tpu.memory_space<vmem>>, vector<16xf32>,
          tpu.vector_store %arg20[%swap3A_190], %gather3A_187 {strides = array<i32>} : memref<1808xf32, #tpu.memory_space<vmem>>, vector<16xf32>,
          %add3A_192 = arith.constant 32 : i32
          %add3A_193 = vector.broadcast %add3A_192 : i32 to vector<16xi32>
          %add3A_194 = arith.addi %iota3A, %add3A_193 : vector<16xi32>
          %gather3A_195 = tpu.vector_load_idx %arg8[%add3A_194, %broadcast_in_dim3A_172] : memref<100x128xf32, #tpu.memory_space<vmem>>[vector<16xi32>, vector<16xi32>], vector<16xf32>,
          %add3A_196 = arith.constant 32 : i32
          %add3A_197 = arith.addi %mul3A_176, %add3A_196 : i32
          %swap3A_198 = arith.index_cast %add3A_197 : i32 to index
          %swap3A_199 = tpu.vector_load %arg20[%swap3A_198] {strides = array<i32>} : memref<1808xf32, #tpu.memory_space<vmem>>, vector<16xf32>,
          tpu.vector_store %arg20[%swap3A_198], %gather3A_195 {strides = array<i32>} : memref<1808xf32, #tpu.memory_space<vmem>>, vector<16xf32>,
          %add3A_200 = arith.constant 48 : i32
          %add3A_201 = vector.broadcast %add3A_200 : i32 to vector<16xi32>
          %add3A_202 = arith.addi %iota3A, %add3A_201 : vector<16xi32>
          %gather3A_203 = tpu.vector_load_idx %arg8[%add3A_202, %broadcast_in_dim3A_172] : memref<100x128xf32, #tpu.memory_space<vmem>>[vector<16xi32>, vector<16xi32>], vector<16xf32>,
          %add3A_204 = arith.constant 48 : i32
          %add3A_205 = arith.addi %mul3A_176, %add3A_204 : i32
          %swap3A_206 = arith.index_cast %add3A_205 : i32 to index
          %swap3A_207 = tpu.vector_load %arg20[%swap3A_206] {strides = array<i32>} : memref<1808xf32, #tpu.memory_space<vmem>>, vector<16xf32>,
          tpu.vector_store %arg20[%swap3A_206], %gather3A_203 {strides = array<i32>} : memref<1808xf32, #tpu.memory_space<vmem>>, vector<16xf32>,
          %add3A_208 = arith.constant 64 : i32
          %add3A_209 = vector.broadcast %add3A_208 : i32 to vector<16xi32>
          %add3A_210 = arith.addi %iota3A, %add3A_209 : vector<16xi32>
          %gather3A_211 = tpu.vector_load_idx %arg8[%add3A_210, %broadcast_in_dim3A_172] : memref<100x128xf32, #tpu.memory_space<vmem>>[vector<16xi32>, vector<16xi32>], vector<16xf32>,
          %add3A_212 = arith.constant 64 : i32
          %add3A_213 = arith.addi %mul3A_176, %add3A_212 : i32
          %swap3A_214 = arith.index_cast %add3A_213 : i32 to index
          %swap3A_215 = tpu.vector_load %arg20[%swap3A_214] {strides = array<i32>} : memref<1808xf32, #tpu.memory_space<vmem>>, vector<16xf32>,
          tpu.vector_store %arg20[%swap3A_214], %gather3A_211 {strides = array<i32>} : memref<1808xf32, #tpu.memory_space<vmem>>, vector<16xf32>,
          %add3A_216 = arith.constant 80 : i32
          %add3A_217 = vector.broadcast %add3A_216 : i32 to vector<16xi32>
          %add3A_218 = arith.addi %iota3A, %add3A_217 : vector<16xi32>
          %gather3A_219 = tpu.vector_load_idx %arg8[%add3A_218, %broadcast_in_dim3A_172] : memref<100x128xf32, #tpu.memory_space<vmem>>[vector<16xi32>, vector<16xi32>], vector<16xf32>,
          %add3A_220 = arith.constant 80 : i32
          %add3A_221 = arith.addi %mul3A_176, %add3A_220 : i32
          %swap3A_222 = arith.index_cast %add3A_221 : i32 to index
          %swap3A_223 = tpu.vector_load %arg20[%swap3A_222] {strides = array<i32>} : memref<1808xf32, #tpu.memory_space<vmem>>, vector<16xf32>,
          tpu.vector_store %arg20[%swap3A_222], %gather3A_219 {strides = array<i32>} : memref<1808xf32, #tpu.memory_space<vmem>>, vector<16xf32>,
          %add3A_224 = arith.constant 96 : i32
          %add3A_225 = vector.broadcast %add3A_224 : i32 to vector<16xi32>
          %add3A_226 = arith.addi %iota3A, %add3A_225 : vector<16xi32>
          %min3A_227 = arith.constant 99 : i32
          %min3A_228 = vector.broadcast %min3A_227 : i32 to vector<16xi32>
          %min3A_229 = arith.minsi %add3A_226, %min3A_228 : vector<16xi32>
          %gather3A_230 = tpu.vector_load_idx %arg8[%min3A_229, %broadcast_in_dim3A_172] : memref<100x128xf32, #tpu.memory_space<vmem>>[vector<16xi32>, vector<16xi32>], vector<16xf32>,
          %add3A_231 = arith.constant 96 : i32
          %add3A_232 = arith.addi %mul3A_176, %add3A_231 : i32
          %swap3A_233 = arith.index_cast %add3A_232 : i32 to index
          %swap3A_234 = tpu.vector_load %arg20[%swap3A_233] {strides = array<i32>} : memref<1808xf32, #tpu.memory_space<vmem>>, vector<16xf32>,
          tpu.vector_store %arg20[%swap3A_233], %gather3A_230 {strides = array<i32>} : memref<1808xf32, #tpu.memory_space<vmem>>, vector<16xf32>,
          %ge3A = arith.constant 16 : i32
          %ge3A_235 = arith.cmpi sge, %while3A_162, %ge3A : i32
          %convert_element_type3A_236 = arith.extui %ge3A_235 : i1 to i32
          %cond3A_237 = arith.constant 0 : i32
          %cond3A_238 = arith.cmpi ne, %convert_element_type3A_236, %cond3A_237 : i32
          scf.if %cond3A_238 {
            %dma_wait3A_244 = tpu.memref_slice %arg20[%mul3A_176] : memref<1808xf32, #tpu.memory_space<vmem>> -> memref<104xf32, #tpu.memory_space<vmem>>
            %dma_wait3A_245 = arith.constant 0 : i32
            %dma_wait3A_246 = tpu.memref_slice %arg4[%dma_wait3A_245] : memref<1703936xf32, #tpu.memory_space<hbm>> -> memref<104xf32, #tpu.memory_space<hbm>>
            %dma_wait3A_247 = tpu.memref_slice %arg20[%mul3A_176] : memref<1808xf32, #tpu.memory_space<vmem>> -> memref<104xf32, #tpu.memory_space<vmem>>
            %dma_wait3A_248 = arith.constant 0 : i32
            %dma_wait3A_249 = tpu.memref_slice %arg4[%dma_wait3A_248] : memref<1703936xf32, #tpu.memory_space<hbm>> -> memref<104xf32, #tpu.memory_space<hbm>>
            tpu.wait_dma2 semaphore(%arg27 : memref<!tpu.dma_semaphore, #tpu.memory_space<semaphore_mem>>) src(%dma_wait3A_249 : memref<104xf32, #tpu.memory_space<hbm>>) dst(%dma_wait3A_247 : memref<104xf32, #tpu.memory_space<vmem>>)
          } else {
          }
          %mul3A_239 = arith.constant 104 : i32
          %mul3A_240 = arith.muli %squeeze3A_169, %mul3A_239 : i32
          %dma_start3A = tpu.memref_slice %arg20[%mul3A_176] : memref<1808xf32, #tpu.memory_space<vmem>> -> memref<104xf32, #tpu.memory_space<vmem>>
          %dma_start3A_241 = tpu.memref_slice %arg4[%mul3A_240] : memref<1703936xf32, #tpu.memory_space<hbm>> -> memref<104xf32, #tpu.memory_space<hbm>>
          %dma_start3A_242 = tpu.memref_slice %arg4[%mul3A_240] : memref<1703936xf32, #tpu.memory_space<hbm>> -> memref<104xf32, #tpu.memory_space<hbm>>
          %dma_start3A_243 = tpu.memref_slice %arg20[%mul3A_176] : memref<1808xf32, #tpu.memory_space<vmem>> -> memref<104xf32, #tpu.memory_space<vmem>>
          tpu.enqueue_dma source(%dma_start3A_243 : memref<104xf32, #tpu.memory_space<vmem>>) target(%dma_start3A_242 : memref<104xf32, #tpu.memory_space<hbm>>) target_semaphore(%arg27 : memref<!tpu.dma_semaphore, #tpu.memory_space<semaphore_mem>>)
        }
        %add3A_156 = arith.constant 6 : i32
        %add3A_157 = arith.addi %while3A_102, %add3A_156 : i32
        %lt3A_158 = arith.cmpi slt, %add3A_157, %scan3A_53 : i32
        %convert_element_type3A_159 = arith.extui %lt3A_158 : i1 to i32
        %cond3A_160 = arith.constant 0 : i32
        %cond3A_161 = arith.cmpi ne, %convert_element_type3A_159, %cond3A_160 : i32
        scf.if %cond3A_161 {
          %broadcast_in_dim3A_162 = vector.broadcast %while3A_102 : i32 to vector<16xi32>
          %add3A_163 = arith.constant 6 : i32
          %add3A_164 = vector.broadcast %add3A_163 : i32 to vector<16xi32>
          %add3A_165 = arith.addi %broadcast_in_dim3A_162, %add3A_164 : vector<16xi32>
          %gather3A_166 = tpu.vector_load_idx %arg19[%add3A_165] : memref<272xi32, #tpu.memory_space<vmem>>[vector<16xi32>], vector<16xi32>,
          %slice3A_167 = vector.extract_strided_slice %gather3A_166 {offsets = [0], sizes = [1], strides = [1]} : vector<16xi32> to vector<1xi32>
          %squeeze3A_168 = vector.extract %slice3A_167[0] : i32 from vector<1xi32>
          %add3A_169 = arith.addi %add3A_4, %squeeze3A_168 : i32
          %mul3A_170 = arith.constant 128 : i32
          %mul3A_171 = arith.muli %add3A_169, %mul3A_170 : i32
          %multiple_of3A = tpu.assume_multiple %mul3A_171, 128 : i32
          %dma_start3A = arith.constant 0 : i32
          %dma_start3A_172 = tpu.memref_slice %arg3[%dma_start3A, %multiple_of3A] : memref<100x1000001xf32, #tpu.memory_space<hbm>> -> memref<100x128xf32, #tpu.memory_space<hbm>>
          %dma_start3A_173 = arith.constant 0 : i32
          %dma_start3A_174 = tpu.memref_slice %arg3[%dma_start3A_173, %multiple_of3A] : memref<100x1000001xf32, #tpu.memory_space<hbm>> -> memref<100x128xf32, #tpu.memory_space<hbm>>
          tpu.enqueue_dma source(%dma_start3A_174 : memref<100x128xf32, #tpu.memory_space<hbm>>) target(%arg8 : memref<100x128xf32, #tpu.memory_space<vmem>>) target_semaphore(%arg23 : memref<!tpu.dma_semaphore, #tpu.memory_space<semaphore_mem>>)
        } else {
        }
      } else {
      }
      %eq3A_128 = arith.constant 3 : i32
      %eq3A_129 = arith.cmpi eq, %rem3A_112, %eq3A_128 : i32
      %convert_element_type3A_130 = arith.extui %eq3A_129 : i1 to i32
      %cond3A_131 = arith.constant 0 : i32
      %cond3A_132 = arith.cmpi ne, %convert_element_type3A_130, %cond3A_131 : i32
      scf.if %cond3A_132 {
        %dma_wait3A = arith.constant 0 : i32
        %dma_wait3A_143 = arith.constant 0 : i32
        %dma_wait3A_144 = tpu.memref_slice %arg3[%dma_wait3A, %dma_wait3A_143] : memref<100x1000001xf32, #tpu.memory_space<hbm>> -> memref<100x128xf32, #tpu.memory_space<hbm>>
        %dma_wait3A_145 = arith.constant 0 : i32
        %dma_wait3A_146 = arith.constant 0 : i32
        %dma_wait3A_147 = tpu.memref_slice %arg3[%dma_wait3A_145, %dma_wait3A_146] : memref<100x1000001xf32, #tpu.memory_space<hbm>> -> memref<100x128xf32, #tpu.memory_space<hbm>>
        tpu.wait_dma2 semaphore(%arg24 : memref<!tpu.dma_semaphore, #tpu.memory_space<semaphore_mem>>) src(%dma_wait3A_147 : memref<100x128xf32, #tpu.memory_space<hbm>>) dst(%arg9 : memref<100x128xf32, #tpu.memory_space<vmem>>)
        %while3A_148 = arith.subi %add3A_111, %squeeze3A_107 : i32
        %while3A_149 = arith.addi %squeeze3A_107, %while3A_148 : i32
        %while3A_150 = arith.constant 1 : i32
        %while3A_151 = arith.divsi %while3A_148, %while3A_150 : i32
        %while3A_152 = arith.muli %while3A_151, %while3A_150 : i32
        %while3A_153 = arith.addi %squeeze3A_107, %while3A_152 : i32
        %while3A_154 = arith.constant 1 : i32
        scf.for %while3A_162 = %squeeze3A_107 to %while3A_153 step %while3A_154  : i32 {
          %get3A = arith.index_cast %while3A_162 : i32 to index
          %get3A_163 = tpu.vector_load %arg14[%get3A] {strides = array<i32>} : memref<1040xi32, #tpu.memory_space<vmem>>, vector<16xi32>,
          %get3A_164 = arith.index_cast %while3A_162 : i32 to index
          %get3A_165 = tpu.vector_load %arg15[%get3A_164] {strides = array<i32>} : memref<1040xi32, #tpu.memory_space<vmem>>, vector<16xi32>,
          %slice3A_166 = vector.extract_strided_slice %get3A_163 {offsets = [0], sizes = [1], strides = [1]} : vector<16xi32> to vector<1xi32>
          %squeeze3A_167 = vector.extract %slice3A_166[0] : i32 from vector<1xi32>
          %slice3A_168 = vector.extract_strided_slice %get3A_165 {offsets = [0], sizes = [1], strides = [1]} : vector<16xi32> to vector<1xi32>
          %squeeze3A_169 = vector.extract %slice3A_168[0] : i32 from vector<1xi32>
          %rem3A_170 = arith.constant 128 : i32
          %rem3A_171 = arith.remsi %squeeze3A_167, %rem3A_170 : i32
          %broadcast_in_dim3A_172 = vector.broadcast %rem3A_171 : i32 to vector<16xi32>
          %rem3A_173 = arith.constant 16 : i32
          %rem3A_174 = arith.remsi %while3A_162, %rem3A_173 : i32
          %mul3A_175 = arith.constant 112 : i32
          %mul3A_176 = arith.muli %rem3A_174, %mul3A_175 : i32
          %add3A_177 = arith.constant 0 : i32
          %add3A_178 = vector.broadcast %add3A_177 : i32 to vector<16xi32>
          %add3A_179 = arith.addi %iota3A, %add3A_178 : vector<16xi32>
          %gather3A_180 = tpu.vector_load_idx %arg9[%add3A_179, %broadcast_in_dim3A_172] : memref<100x128xf32, #tpu.memory_space<vmem>>[vector<16xi32>, vector<16xi32>], vector<16xf32>,
          %add3A_181 = arith.constant 0 : i32
          %add3A_182 = arith.addi %mul3A_176, %add3A_181 : i32
          %swap3A = arith.index_cast %add3A_182 : i32 to index
          %swap3A_183 = tpu.vector_load %arg20[%swap3A] {strides = array<i32>} : memref<1808xf32, #tpu.memory_space<vmem>>, vector<16xf32>,
          tpu.vector_store %arg20[%swap3A], %gather3A_180 {strides = array<i32>} : memref<1808xf32, #tpu.memory_space<vmem>>, vector<16xf32>,
          %add3A_184 = arith.constant 16 : i32
          %add3A_185 = vector.broadcast %add3A_184 : i32 to vector<16xi32>
          %add3A_186 = arith.addi %iota3A, %add3A_185 : vector<16xi32>
          %gather3A_187 = tpu.vector_load_idx %arg9[%add3A_186, %broadcast_in_dim3A_172] : memref<100x128xf32, #tpu.memory_space<vmem>>[vector<16xi32>, vector<16xi32>], vector<16xf32>,
          %add3A_188 = arith.constant 16 : i32
          %add3A_189 = arith.addi %mul3A_176, %add3A_188 : i32
          %swap3A_190 = arith.index_cast %add3A_189 : i32 to index
          %swap3A_191 = tpu.vector_load %arg20[%swap3A_190] {strides = array<i32>} : memref<1808xf32, #tpu.memory_space<vmem>>, vector<16xf32>,
          tpu.vector_store %arg20[%swap3A_190], %gather3A_187 {strides = array<i32>} : memref<1808xf32, #tpu.memory_space<vmem>>, vector<16xf32>,
          %add3A_192 = arith.constant 32 : i32
          %add3A_193 = vector.broadcast %add3A_192 : i32 to vector<16xi32>
          %add3A_194 = arith.addi %iota3A, %add3A_193 : vector<16xi32>
          %gather3A_195 = tpu.vector_load_idx %arg9[%add3A_194, %broadcast_in_dim3A_172] : memref<100x128xf32, #tpu.memory_space<vmem>>[vector<16xi32>, vector<16xi32>], vector<16xf32>,
          %add3A_196 = arith.constant 32 : i32
          %add3A_197 = arith.addi %mul3A_176, %add3A_196 : i32
          %swap3A_198 = arith.index_cast %add3A_197 : i32 to index
          %swap3A_199 = tpu.vector_load %arg20[%swap3A_198] {strides = array<i32>} : memref<1808xf32, #tpu.memory_space<vmem>>, vector<16xf32>,
          tpu.vector_store %arg20[%swap3A_198], %gather3A_195 {strides = array<i32>} : memref<1808xf32, #tpu.memory_space<vmem>>, vector<16xf32>,
          %add3A_200 = arith.constant 48 : i32
          %add3A_201 = vector.broadcast %add3A_200 : i32 to vector<16xi32>
          %add3A_202 = arith.addi %iota3A, %add3A_201 : vector<16xi32>
          %gather3A_203 = tpu.vector_load_idx %arg9[%add3A_202, %broadcast_in_dim3A_172] : memref<100x128xf32, #tpu.memory_space<vmem>>[vector<16xi32>, vector<16xi32>], vector<16xf32>,
          %add3A_204 = arith.constant 48 : i32
          %add3A_205 = arith.addi %mul3A_176, %add3A_204 : i32
          %swap3A_206 = arith.index_cast %add3A_205 : i32 to index
          %swap3A_207 = tpu.vector_load %arg20[%swap3A_206] {strides = array<i32>} : memref<1808xf32, #tpu.memory_space<vmem>>, vector<16xf32>,
          tpu.vector_store %arg20[%swap3A_206], %gather3A_203 {strides = array<i32>} : memref<1808xf32, #tpu.memory_space<vmem>>, vector<16xf32>,
          %add3A_208 = arith.constant 64 : i32
          %add3A_209 = vector.broadcast %add3A_208 : i32 to vector<16xi32>
          %add3A_210 = arith.addi %iota3A, %add3A_209 : vector<16xi32>
          %gather3A_211 = tpu.vector_load_idx %arg9[%add3A_210, %broadcast_in_dim3A_172] : memref<100x128xf32, #tpu.memory_space<vmem>>[vector<16xi32>, vector<16xi32>], vector<16xf32>,
          %add3A_212 = arith.constant 64 : i32
          %add3A_213 = arith.addi %mul3A_176, %add3A_212 : i32
          %swap3A_214 = arith.index_cast %add3A_213 : i32 to index
          %swap3A_215 = tpu.vector_load %arg20[%swap3A_214] {strides = array<i32>} : memref<1808xf32, #tpu.memory_space<vmem>>, vector<16xf32>,
          tpu.vector_store %arg20[%swap3A_214], %gather3A_211 {strides = array<i32>} : memref<1808xf32, #tpu.memory_space<vmem>>, vector<16xf32>,
          %add3A_216 = arith.constant 80 : i32
          %add3A_217 = vector.broadcast %add3A_216 : i32 to vector<16xi32>
          %add3A_218 = arith.addi %iota3A, %add3A_217 : vector<16xi32>
          %gather3A_219 = tpu.vector_load_idx %arg9[%add3A_218, %broadcast_in_dim3A_172] : memref<100x128xf32, #tpu.memory_space<vmem>>[vector<16xi32>, vector<16xi32>], vector<16xf32>,
          %add3A_220 = arith.constant 80 : i32
          %add3A_221 = arith.addi %mul3A_176, %add3A_220 : i32
          %swap3A_222 = arith.index_cast %add3A_221 : i32 to index
          %swap3A_223 = tpu.vector_load %arg20[%swap3A_222] {strides = array<i32>} : memref<1808xf32, #tpu.memory_space<vmem>>, vector<16xf32>,
          tpu.vector_store %arg20[%swap3A_222], %gather3A_219 {strides = array<i32>} : memref<1808xf32, #tpu.memory_space<vmem>>, vector<16xf32>,
          %add3A_224 = arith.constant 96 : i32
          %add3A_225 = vector.broadcast %add3A_224 : i32 to vector<16xi32>
          %add3A_226 = arith.addi %iota3A, %add3A_225 : vector<16xi32>
          %min3A_227 = arith.constant 99 : i32
          %min3A_228 = vector.broadcast %min3A_227 : i32 to vector<16xi32>
          %min3A_229 = arith.minsi %add3A_226, %min3A_228 : vector<16xi32>
          %gather3A_230 = tpu.vector_load_idx %arg9[%min3A_229, %broadcast_in_dim3A_172] : memref<100x128xf32, #tpu.memory_space<vmem>>[vector<16xi32>, vector<16xi32>], vector<16xf32>,
          %add3A_231 = arith.constant 96 : i32
          %add3A_232 = arith.addi %mul3A_176, %add3A_231 : i32
          %swap3A_233 = arith.index_cast %add3A_232 : i32 to index
          %swap3A_234 = tpu.vector_load %arg20[%swap3A_233] {strides = array<i32>} : memref<1808xf32, #tpu.memory_space<vmem>>, vector<16xf32>,
          tpu.vector_store %arg20[%swap3A_233], %gather3A_230 {strides = array<i32>} : memref<1808xf32, #tpu.memory_space<vmem>>, vector<16xf32>,
          %ge3A = arith.constant 16 : i32
          %ge3A_235 = arith.cmpi sge, %while3A_162, %ge3A : i32
          %convert_element_type3A_236 = arith.extui %ge3A_235 : i1 to i32
          %cond3A_237 = arith.constant 0 : i32
          %cond3A_238 = arith.cmpi ne, %convert_element_type3A_236, %cond3A_237 : i32
          scf.if %cond3A_238 {
            %dma_wait3A_244 = tpu.memref_slice %arg20[%mul3A_176] : memref<1808xf32, #tpu.memory_space<vmem>> -> memref<104xf32, #tpu.memory_space<vmem>>
            %dma_wait3A_245 = arith.constant 0 : i32
            %dma_wait3A_246 = tpu.memref_slice %arg4[%dma_wait3A_245] : memref<1703936xf32, #tpu.memory_space<hbm>> -> memref<104xf32, #tpu.memory_space<hbm>>
            %dma_wait3A_247 = tpu.memref_slice %arg20[%mul3A_176] : memref<1808xf32, #tpu.memory_space<vmem>> -> memref<104xf32, #tpu.memory_space<vmem>>
            %dma_wait3A_248 = arith.constant 0 : i32
            %dma_wait3A_249 = tpu.memref_slice %arg4[%dma_wait3A_248] : memref<1703936xf32, #tpu.memory_space<hbm>> -> memref<104xf32, #tpu.memory_space<hbm>>
            tpu.wait_dma2 semaphore(%arg27 : memref<!tpu.dma_semaphore, #tpu.memory_space<semaphore_mem>>) src(%dma_wait3A_249 : memref<104xf32, #tpu.memory_space<hbm>>) dst(%dma_wait3A_247 : memref<104xf32, #tpu.memory_space<vmem>>)
          } else {
          }
          %mul3A_239 = arith.constant 104 : i32
          %mul3A_240 = arith.muli %squeeze3A_169, %mul3A_239 : i32
          %dma_start3A = tpu.memref_slice %arg20[%mul3A_176] : memref<1808xf32, #tpu.memory_space<vmem>> -> memref<104xf32, #tpu.memory_space<vmem>>
          %dma_start3A_241 = tpu.memref_slice %arg4[%mul3A_240] : memref<1703936xf32, #tpu.memory_space<hbm>> -> memref<104xf32, #tpu.memory_space<hbm>>
          %dma_start3A_242 = tpu.memref_slice %arg4[%mul3A_240] : memref<1703936xf32, #tpu.memory_space<hbm>> -> memref<104xf32, #tpu.memory_space<hbm>>
          %dma_start3A_243 = tpu.memref_slice %arg20[%mul3A_176] : memref<1808xf32, #tpu.memory_space<vmem>> -> memref<104xf32, #tpu.memory_space<vmem>>
          tpu.enqueue_dma source(%dma_start3A_243 : memref<104xf32, #tpu.memory_space<vmem>>) target(%dma_start3A_242 : memref<104xf32, #tpu.memory_space<hbm>>) target_semaphore(%arg27 : memref<!tpu.dma_semaphore, #tpu.memory_space<semaphore_mem>>)
        }
        %while3A_155 = arith.constant 1 : i32
        scf.for %while3A_162 = %while3A_153 to %while3A_149 step %while3A_155  : i32 {
          %get3A = arith.index_cast %while3A_162 : i32 to index
          %get3A_163 = tpu.vector_load %arg14[%get3A] {strides = array<i32>} : memref<1040xi32, #tpu.memory_space<vmem>>, vector<16xi32>,
          %get3A_164 = arith.index_cast %while3A_162 : i32 to index
          %get3A_165 = tpu.vector_load %arg15[%get3A_164] {strides = array<i32>} : memref<1040xi32, #tpu.memory_space<vmem>>, vector<16xi32>,
          %slice3A_166 = vector.extract_strided_slice %get3A_163 {offsets = [0], sizes = [1], strides = [1]} : vector<16xi32> to vector<1xi32>
          %squeeze3A_167 = vector.extract %slice3A_166[0] : i32 from vector<1xi32>
          %slice3A_168 = vector.extract_strided_slice %get3A_165 {offsets = [0], sizes = [1], strides = [1]} : vector<16xi32> to vector<1xi32>
          %squeeze3A_169 = vector.extract %slice3A_168[0] : i32 from vector<1xi32>
          %rem3A_170 = arith.constant 128 : i32
          %rem3A_171 = arith.remsi %squeeze3A_167, %rem3A_170 : i32
          %broadcast_in_dim3A_172 = vector.broadcast %rem3A_171 : i32 to vector<16xi32>
          %rem3A_173 = arith.constant 16 : i32
          %rem3A_174 = arith.remsi %while3A_162, %rem3A_173 : i32
          %mul3A_175 = arith.constant 112 : i32
          %mul3A_176 = arith.muli %rem3A_174, %mul3A_175 : i32
          %add3A_177 = arith.constant 0 : i32
          %add3A_178 = vector.broadcast %add3A_177 : i32 to vector<16xi32>
          %add3A_179 = arith.addi %iota3A, %add3A_178 : vector<16xi32>
          %gather3A_180 = tpu.vector_load_idx %arg9[%add3A_179, %broadcast_in_dim3A_172] : memref<100x128xf32, #tpu.memory_space<vmem>>[vector<16xi32>, vector<16xi32>], vector<16xf32>,
          %add3A_181 = arith.constant 0 : i32
          %add3A_182 = arith.addi %mul3A_176, %add3A_181 : i32
          %swap3A = arith.index_cast %add3A_182 : i32 to index
          %swap3A_183 = tpu.vector_load %arg20[%swap3A] {strides = array<i32>} : memref<1808xf32, #tpu.memory_space<vmem>>, vector<16xf32>,
          tpu.vector_store %arg20[%swap3A], %gather3A_180 {strides = array<i32>} : memref<1808xf32, #tpu.memory_space<vmem>>, vector<16xf32>,
          %add3A_184 = arith.constant 16 : i32
          %add3A_185 = vector.broadcast %add3A_184 : i32 to vector<16xi32>
          %add3A_186 = arith.addi %iota3A, %add3A_185 : vector<16xi32>
          %gather3A_187 = tpu.vector_load_idx %arg9[%add3A_186, %broadcast_in_dim3A_172] : memref<100x128xf32, #tpu.memory_space<vmem>>[vector<16xi32>, vector<16xi32>], vector<16xf32>,
          %add3A_188 = arith.constant 16 : i32
          %add3A_189 = arith.addi %mul3A_176, %add3A_188 : i32
          %swap3A_190 = arith.index_cast %add3A_189 : i32 to index
          %swap3A_191 = tpu.vector_load %arg20[%swap3A_190] {strides = array<i32>} : memref<1808xf32, #tpu.memory_space<vmem>>, vector<16xf32>,
          tpu.vector_store %arg20[%swap3A_190], %gather3A_187 {strides = array<i32>} : memref<1808xf32, #tpu.memory_space<vmem>>, vector<16xf32>,
          %add3A_192 = arith.constant 32 : i32
          %add3A_193 = vector.broadcast %add3A_192 : i32 to vector<16xi32>
          %add3A_194 = arith.addi %iota3A, %add3A_193 : vector<16xi32>
          %gather3A_195 = tpu.vector_load_idx %arg9[%add3A_194, %broadcast_in_dim3A_172] : memref<100x128xf32, #tpu.memory_space<vmem>>[vector<16xi32>, vector<16xi32>], vector<16xf32>,
          %add3A_196 = arith.constant 32 : i32
          %add3A_197 = arith.addi %mul3A_176, %add3A_196 : i32
          %swap3A_198 = arith.index_cast %add3A_197 : i32 to index
          %swap3A_199 = tpu.vector_load %arg20[%swap3A_198] {strides = array<i32>} : memref<1808xf32, #tpu.memory_space<vmem>>, vector<16xf32>,
          tpu.vector_store %arg20[%swap3A_198], %gather3A_195 {strides = array<i32>} : memref<1808xf32, #tpu.memory_space<vmem>>, vector<16xf32>,
          %add3A_200 = arith.constant 48 : i32
          %add3A_201 = vector.broadcast %add3A_200 : i32 to vector<16xi32>
          %add3A_202 = arith.addi %iota3A, %add3A_201 : vector<16xi32>
          %gather3A_203 = tpu.vector_load_idx %arg9[%add3A_202, %broadcast_in_dim3A_172] : memref<100x128xf32, #tpu.memory_space<vmem>>[vector<16xi32>, vector<16xi32>], vector<16xf32>,
          %add3A_204 = arith.constant 48 : i32
          %add3A_205 = arith.addi %mul3A_176, %add3A_204 : i32
          %swap3A_206 = arith.index_cast %add3A_205 : i32 to index
          %swap3A_207 = tpu.vector_load %arg20[%swap3A_206] {strides = array<i32>} : memref<1808xf32, #tpu.memory_space<vmem>>, vector<16xf32>,
          tpu.vector_store %arg20[%swap3A_206], %gather3A_203 {strides = array<i32>} : memref<1808xf32, #tpu.memory_space<vmem>>, vector<16xf32>,
          %add3A_208 = arith.constant 64 : i32
          %add3A_209 = vector.broadcast %add3A_208 : i32 to vector<16xi32>
          %add3A_210 = arith.addi %iota3A, %add3A_209 : vector<16xi32>
          %gather3A_211 = tpu.vector_load_idx %arg9[%add3A_210, %broadcast_in_dim3A_172] : memref<100x128xf32, #tpu.memory_space<vmem>>[vector<16xi32>, vector<16xi32>], vector<16xf32>,
          %add3A_212 = arith.constant 64 : i32
          %add3A_213 = arith.addi %mul3A_176, %add3A_212 : i32
          %swap3A_214 = arith.index_cast %add3A_213 : i32 to index
          %swap3A_215 = tpu.vector_load %arg20[%swap3A_214] {strides = array<i32>} : memref<1808xf32, #tpu.memory_space<vmem>>, vector<16xf32>,
          tpu.vector_store %arg20[%swap3A_214], %gather3A_211 {strides = array<i32>} : memref<1808xf32, #tpu.memory_space<vmem>>, vector<16xf32>,
          %add3A_216 = arith.constant 80 : i32
          %add3A_217 = vector.broadcast %add3A_216 : i32 to vector<16xi32>
          %add3A_218 = arith.addi %iota3A, %add3A_217 : vector<16xi32>
          %gather3A_219 = tpu.vector_load_idx %arg9[%add3A_218, %broadcast_in_dim3A_172] : memref<100x128xf32, #tpu.memory_space<vmem>>[vector<16xi32>, vector<16xi32>], vector<16xf32>,
          %add3A_220 = arith.constant 80 : i32
          %add3A_221 = arith.addi %mul3A_176, %add3A_220 : i32
          %swap3A_222 = arith.index_cast %add3A_221 : i32 to index
          %swap3A_223 = tpu.vector_load %arg20[%swap3A_222] {strides = array<i32>} : memref<1808xf32, #tpu.memory_space<vmem>>, vector<16xf32>,
          tpu.vector_store %arg20[%swap3A_222], %gather3A_219 {strides = array<i32>} : memref<1808xf32, #tpu.memory_space<vmem>>, vector<16xf32>,
          %add3A_224 = arith.constant 96 : i32
          %add3A_225 = vector.broadcast %add3A_224 : i32 to vector<16xi32>
          %add3A_226 = arith.addi %iota3A, %add3A_225 : vector<16xi32>
          %min3A_227 = arith.constant 99 : i32
          %min3A_228 = vector.broadcast %min3A_227 : i32 to vector<16xi32>
          %min3A_229 = arith.minsi %add3A_226, %min3A_228 : vector<16xi32>
          %gather3A_230 = tpu.vector_load_idx %arg9[%min3A_229, %broadcast_in_dim3A_172] : memref<100x128xf32, #tpu.memory_space<vmem>>[vector<16xi32>, vector<16xi32>], vector<16xf32>,
          %add3A_231 = arith.constant 96 : i32
          %add3A_232 = arith.addi %mul3A_176, %add3A_231 : i32
          %swap3A_233 = arith.index_cast %add3A_232 : i32 to index
          %swap3A_234 = tpu.vector_load %arg20[%swap3A_233] {strides = array<i32>} : memref<1808xf32, #tpu.memory_space<vmem>>, vector<16xf32>,
          tpu.vector_store %arg20[%swap3A_233], %gather3A_230 {strides = array<i32>} : memref<1808xf32, #tpu.memory_space<vmem>>, vector<16xf32>,
          %ge3A = arith.constant 16 : i32
          %ge3A_235 = arith.cmpi sge, %while3A_162, %ge3A : i32
          %convert_element_type3A_236 = arith.extui %ge3A_235 : i1 to i32
          %cond3A_237 = arith.constant 0 : i32
          %cond3A_238 = arith.cmpi ne, %convert_element_type3A_236, %cond3A_237 : i32
          scf.if %cond3A_238 {
            %dma_wait3A_244 = tpu.memref_slice %arg20[%mul3A_176] : memref<1808xf32, #tpu.memory_space<vmem>> -> memref<104xf32, #tpu.memory_space<vmem>>
            %dma_wait3A_245 = arith.constant 0 : i32
            %dma_wait3A_246 = tpu.memref_slice %arg4[%dma_wait3A_245] : memref<1703936xf32, #tpu.memory_space<hbm>> -> memref<104xf32, #tpu.memory_space<hbm>>
            %dma_wait3A_247 = tpu.memref_slice %arg20[%mul3A_176] : memref<1808xf32, #tpu.memory_space<vmem>> -> memref<104xf32, #tpu.memory_space<vmem>>
            %dma_wait3A_248 = arith.constant 0 : i32
            %dma_wait3A_249 = tpu.memref_slice %arg4[%dma_wait3A_248] : memref<1703936xf32, #tpu.memory_space<hbm>> -> memref<104xf32, #tpu.memory_space<hbm>>
            tpu.wait_dma2 semaphore(%arg27 : memref<!tpu.dma_semaphore, #tpu.memory_space<semaphore_mem>>) src(%dma_wait3A_249 : memref<104xf32, #tpu.memory_space<hbm>>) dst(%dma_wait3A_247 : memref<104xf32, #tpu.memory_space<vmem>>)
          } else {
          }
          %mul3A_239 = arith.constant 104 : i32
          %mul3A_240 = arith.muli %squeeze3A_169, %mul3A_239 : i32
          %dma_start3A = tpu.memref_slice %arg20[%mul3A_176] : memref<1808xf32, #tpu.memory_space<vmem>> -> memref<104xf32, #tpu.memory_space<vmem>>
          %dma_start3A_241 = tpu.memref_slice %arg4[%mul3A_240] : memref<1703936xf32, #tpu.memory_space<hbm>> -> memref<104xf32, #tpu.memory_space<hbm>>
          %dma_start3A_242 = tpu.memref_slice %arg4[%mul3A_240] : memref<1703936xf32, #tpu.memory_space<hbm>> -> memref<104xf32, #tpu.memory_space<hbm>>
          %dma_start3A_243 = tpu.memref_slice %arg20[%mul3A_176] : memref<1808xf32, #tpu.memory_space<vmem>> -> memref<104xf32, #tpu.memory_space<vmem>>
          tpu.enqueue_dma source(%dma_start3A_243 : memref<104xf32, #tpu.memory_space<vmem>>) target(%dma_start3A_242 : memref<104xf32, #tpu.memory_space<hbm>>) target_semaphore(%arg27 : memref<!tpu.dma_semaphore, #tpu.memory_space<semaphore_mem>>)
        }
        %add3A_156 = arith.constant 6 : i32
        %add3A_157 = arith.addi %while3A_102, %add3A_156 : i32
        %lt3A_158 = arith.cmpi slt, %add3A_157, %scan3A_53 : i32
        %convert_element_type3A_159 = arith.extui %lt3A_158 : i1 to i32
        %cond3A_160 = arith.constant 0 : i32
        %cond3A_161 = arith.cmpi ne, %convert_element_type3A_159, %cond3A_160 : i32
        scf.if %cond3A_161 {
          %broadcast_in_dim3A_162 = vector.broadcast %while3A_102 : i32 to vector<16xi32>
          %add3A_163 = arith.constant 6 : i32
          %add3A_164 = vector.broadcast %add3A_163 : i32 to vector<16xi32>
          %add3A_165 = arith.addi %broadcast_in_dim3A_162, %add3A_164 : vector<16xi32>
          %gather3A_166 = tpu.vector_load_idx %arg19[%add3A_165] : memref<272xi32, #tpu.memory_space<vmem>>[vector<16xi32>], vector<16xi32>,
          %slice3A_167 = vector.extract_strided_slice %gather3A_166 {offsets = [0], sizes = [1], strides = [1]} : vector<16xi32> to vector<1xi32>
          %squeeze3A_168 = vector.extract %slice3A_167[0] : i32 from vector<1xi32>
          %add3A_169 = arith.addi %add3A_4, %squeeze3A_168 : i32
          %mul3A_170 = arith.constant 128 : i32
          %mul3A_171 = arith.muli %add3A_169, %mul3A_170 : i32
          %multiple_of3A = tpu.assume_multiple %mul3A_171, 128 : i32
          %dma_start3A = arith.constant 0 : i32
          %dma_start3A_172 = tpu.memref_slice %arg3[%dma_start3A, %multiple_of3A] : memref<100x1000001xf32, #tpu.memory_space<hbm>> -> memref<100x128xf32, #tpu.memory_space<hbm>>
          %dma_start3A_173 = arith.constant 0 : i32
          %dma_start3A_174 = tpu.memref_slice %arg3[%dma_start3A_173, %multiple_of3A] : memref<100x1000001xf32, #tpu.memory_space<hbm>> -> memref<100x128xf32, #tpu.memory_space<hbm>>
          tpu.enqueue_dma source(%dma_start3A_174 : memref<100x128xf32, #tpu.memory_space<hbm>>) target(%arg9 : memref<100x128xf32, #tpu.memory_space<vmem>>) target_semaphore(%arg24 : memref<!tpu.dma_semaphore, #tpu.memory_space<semaphore_mem>>)
        } else {
        }
      } else {
      }
      %eq3A_133 = arith.constant 4 : i32
      %eq3A_134 = arith.cmpi eq, %rem3A_112, %eq3A_133 : i32
      %convert_element_type3A_135 = arith.extui %eq3A_134 : i1 to i32
      %cond3A_136 = arith.constant 0 : i32
      %cond3A_137 = arith.cmpi ne, %convert_element_type3A_135, %cond3A_136 : i32
      scf.if %cond3A_137 {
        %dma_wait3A = arith.constant 0 : i32
        %dma_wait3A_143 = arith.constant 0 : i32
        %dma_wait3A_144 = tpu.memref_slice %arg3[%dma_wait3A, %dma_wait3A_143] : memref<100x1000001xf32, #tpu.memory_space<hbm>> -> memref<100x128xf32, #tpu.memory_space<hbm>>
        %dma_wait3A_145 = arith.constant 0 : i32
        %dma_wait3A_146 = arith.constant 0 : i32
        %dma_wait3A_147 = tpu.memref_slice %arg3[%dma_wait3A_145, %dma_wait3A_146] : memref<100x1000001xf32, #tpu.memory_space<hbm>> -> memref<100x128xf32, #tpu.memory_space<hbm>>
        tpu.wait_dma2 semaphore(%arg25 : memref<!tpu.dma_semaphore, #tpu.memory_space<semaphore_mem>>) src(%dma_wait3A_147 : memref<100x128xf32, #tpu.memory_space<hbm>>) dst(%arg10 : memref<100x128xf32, #tpu.memory_space<vmem>>)
        %while3A_148 = arith.subi %add3A_111, %squeeze3A_107 : i32
        %while3A_149 = arith.addi %squeeze3A_107, %while3A_148 : i32
        %while3A_150 = arith.constant 1 : i32
        %while3A_151 = arith.divsi %while3A_148, %while3A_150 : i32
        %while3A_152 = arith.muli %while3A_151, %while3A_150 : i32
        %while3A_153 = arith.addi %squeeze3A_107, %while3A_152 : i32
        %while3A_154 = arith.constant 1 : i32
        scf.for %while3A_162 = %squeeze3A_107 to %while3A_153 step %while3A_154  : i32 {
          %get3A = arith.index_cast %while3A_162 : i32 to index
          %get3A_163 = tpu.vector_load %arg14[%get3A] {strides = array<i32>} : memref<1040xi32, #tpu.memory_space<vmem>>, vector<16xi32>,
          %get3A_164 = arith.index_cast %while3A_162 : i32 to index
          %get3A_165 = tpu.vector_load %arg15[%get3A_164] {strides = array<i32>} : memref<1040xi32, #tpu.memory_space<vmem>>, vector<16xi32>,
          %slice3A_166 = vector.extract_strided_slice %get3A_163 {offsets = [0], sizes = [1], strides = [1]} : vector<16xi32> to vector<1xi32>
          %squeeze3A_167 = vector.extract %slice3A_166[0] : i32 from vector<1xi32>
          %slice3A_168 = vector.extract_strided_slice %get3A_165 {offsets = [0], sizes = [1], strides = [1]} : vector<16xi32> to vector<1xi32>
          %squeeze3A_169 = vector.extract %slice3A_168[0] : i32 from vector<1xi32>
          %rem3A_170 = arith.constant 128 : i32
          %rem3A_171 = arith.remsi %squeeze3A_167, %rem3A_170 : i32
          %broadcast_in_dim3A_172 = vector.broadcast %rem3A_171 : i32 to vector<16xi32>
          %rem3A_173 = arith.constant 16 : i32
          %rem3A_174 = arith.remsi %while3A_162, %rem3A_173 : i32
          %mul3A_175 = arith.constant 112 : i32
          %mul3A_176 = arith.muli %rem3A_174, %mul3A_175 : i32
          %add3A_177 = arith.constant 0 : i32
          %add3A_178 = vector.broadcast %add3A_177 : i32 to vector<16xi32>
          %add3A_179 = arith.addi %iota3A, %add3A_178 : vector<16xi32>
          %gather3A_180 = tpu.vector_load_idx %arg10[%add3A_179, %broadcast_in_dim3A_172] : memref<100x128xf32, #tpu.memory_space<vmem>>[vector<16xi32>, vector<16xi32>], vector<16xf32>,
          %add3A_181 = arith.constant 0 : i32
          %add3A_182 = arith.addi %mul3A_176, %add3A_181 : i32
          %swap3A = arith.index_cast %add3A_182 : i32 to index
          %swap3A_183 = tpu.vector_load %arg20[%swap3A] {strides = array<i32>} : memref<1808xf32, #tpu.memory_space<vmem>>, vector<16xf32>,
          tpu.vector_store %arg20[%swap3A], %gather3A_180 {strides = array<i32>} : memref<1808xf32, #tpu.memory_space<vmem>>, vector<16xf32>,
          %add3A_184 = arith.constant 16 : i32
          %add3A_185 = vector.broadcast %add3A_184 : i32 to vector<16xi32>
          %add3A_186 = arith.addi %iota3A, %add3A_185 : vector<16xi32>
          %gather3A_187 = tpu.vector_load_idx %arg10[%add3A_186, %broadcast_in_dim3A_172] : memref<100x128xf32, #tpu.memory_space<vmem>>[vector<16xi32>, vector<16xi32>], vector<16xf32>,
          %add3A_188 = arith.constant 16 : i32
          %add3A_189 = arith.addi %mul3A_176, %add3A_188 : i32
          %swap3A_190 = arith.index_cast %add3A_189 : i32 to index
          %swap3A_191 = tpu.vector_load %arg20[%swap3A_190] {strides = array<i32>} : memref<1808xf32, #tpu.memory_space<vmem>>, vector<16xf32>,
          tpu.vector_store %arg20[%swap3A_190], %gather3A_187 {strides = array<i32>} : memref<1808xf32, #tpu.memory_space<vmem>>, vector<16xf32>,
          %add3A_192 = arith.constant 32 : i32
          %add3A_193 = vector.broadcast %add3A_192 : i32 to vector<16xi32>
          %add3A_194 = arith.addi %iota3A, %add3A_193 : vector<16xi32>
          %gather3A_195 = tpu.vector_load_idx %arg10[%add3A_194, %broadcast_in_dim3A_172] : memref<100x128xf32, #tpu.memory_space<vmem>>[vector<16xi32>, vector<16xi32>], vector<16xf32>,
          %add3A_196 = arith.constant 32 : i32
          %add3A_197 = arith.addi %mul3A_176, %add3A_196 : i32
          %swap3A_198 = arith.index_cast %add3A_197 : i32 to index
          %swap3A_199 = tpu.vector_load %arg20[%swap3A_198] {strides = array<i32>} : memref<1808xf32, #tpu.memory_space<vmem>>, vector<16xf32>,
          tpu.vector_store %arg20[%swap3A_198], %gather3A_195 {strides = array<i32>} : memref<1808xf32, #tpu.memory_space<vmem>>, vector<16xf32>,
          %add3A_200 = arith.constant 48 : i32
          %add3A_201 = vector.broadcast %add3A_200 : i32 to vector<16xi32>
          %add3A_202 = arith.addi %iota3A, %add3A_201 : vector<16xi32>
          %gather3A_203 = tpu.vector_load_idx %arg10[%add3A_202, %broadcast_in_dim3A_172] : memref<100x128xf32, #tpu.memory_space<vmem>>[vector<16xi32>, vector<16xi32>], vector<16xf32>,
          %add3A_204 = arith.constant 48 : i32
          %add3A_205 = arith.addi %mul3A_176, %add3A_204 : i32
          %swap3A_206 = arith.index_cast %add3A_205 : i32 to index
          %swap3A_207 = tpu.vector_load %arg20[%swap3A_206] {strides = array<i32>} : memref<1808xf32, #tpu.memory_space<vmem>>, vector<16xf32>,
          tpu.vector_store %arg20[%swap3A_206], %gather3A_203 {strides = array<i32>} : memref<1808xf32, #tpu.memory_space<vmem>>, vector<16xf32>,
          %add3A_208 = arith.constant 64 : i32
          %add3A_209 = vector.broadcast %add3A_208 : i32 to vector<16xi32>
          %add3A_210 = arith.addi %iota3A, %add3A_209 : vector<16xi32>
          %gather3A_211 = tpu.vector_load_idx %arg10[%add3A_210, %broadcast_in_dim3A_172] : memref<100x128xf32, #tpu.memory_space<vmem>>[vector<16xi32>, vector<16xi32>], vector<16xf32>,
          %add3A_212 = arith.constant 64 : i32
          %add3A_213 = arith.addi %mul3A_176, %add3A_212 : i32
          %swap3A_214 = arith.index_cast %add3A_213 : i32 to index
          %swap3A_215 = tpu.vector_load %arg20[%swap3A_214] {strides = array<i32>} : memref<1808xf32, #tpu.memory_space<vmem>>, vector<16xf32>,
          tpu.vector_store %arg20[%swap3A_214], %gather3A_211 {strides = array<i32>} : memref<1808xf32, #tpu.memory_space<vmem>>, vector<16xf32>,
          %add3A_216 = arith.constant 80 : i32
          %add3A_217 = vector.broadcast %add3A_216 : i32 to vector<16xi32>
          %add3A_218 = arith.addi %iota3A, %add3A_217 : vector<16xi32>
          %gather3A_219 = tpu.vector_load_idx %arg10[%add3A_218, %broadcast_in_dim3A_172] : memref<100x128xf32, #tpu.memory_space<vmem>>[vector<16xi32>, vector<16xi32>], vector<16xf32>,
          %add3A_220 = arith.constant 80 : i32
          %add3A_221 = arith.addi %mul3A_176, %add3A_220 : i32
          %swap3A_222 = arith.index_cast %add3A_221 : i32 to index
          %swap3A_223 = tpu.vector_load %arg20[%swap3A_222] {strides = array<i32>} : memref<1808xf32, #tpu.memory_space<vmem>>, vector<16xf32>,
          tpu.vector_store %arg20[%swap3A_222], %gather3A_219 {strides = array<i32>} : memref<1808xf32, #tpu.memory_space<vmem>>, vector<16xf32>,
          %add3A_224 = arith.constant 96 : i32
          %add3A_225 = vector.broadcast %add3A_224 : i32 to vector<16xi32>
          %add3A_226 = arith.addi %iota3A, %add3A_225 : vector<16xi32>
          %min3A_227 = arith.constant 99 : i32
          %min3A_228 = vector.broadcast %min3A_227 : i32 to vector<16xi32>
          %min3A_229 = arith.minsi %add3A_226, %min3A_228 : vector<16xi32>
          %gather3A_230 = tpu.vector_load_idx %arg10[%min3A_229, %broadcast_in_dim3A_172] : memref<100x128xf32, #tpu.memory_space<vmem>>[vector<16xi32>, vector<16xi32>], vector<16xf32>,
          %add3A_231 = arith.constant 96 : i32
          %add3A_232 = arith.addi %mul3A_176, %add3A_231 : i32
          %swap3A_233 = arith.index_cast %add3A_232 : i32 to index
          %swap3A_234 = tpu.vector_load %arg20[%swap3A_233] {strides = array<i32>} : memref<1808xf32, #tpu.memory_space<vmem>>, vector<16xf32>,
          tpu.vector_store %arg20[%swap3A_233], %gather3A_230 {strides = array<i32>} : memref<1808xf32, #tpu.memory_space<vmem>>, vector<16xf32>,
          %ge3A = arith.constant 16 : i32
          %ge3A_235 = arith.cmpi sge, %while3A_162, %ge3A : i32
          %convert_element_type3A_236 = arith.extui %ge3A_235 : i1 to i32
          %cond3A_237 = arith.constant 0 : i32
          %cond3A_238 = arith.cmpi ne, %convert_element_type3A_236, %cond3A_237 : i32
          scf.if %cond3A_238 {
            %dma_wait3A_244 = tpu.memref_slice %arg20[%mul3A_176] : memref<1808xf32, #tpu.memory_space<vmem>> -> memref<104xf32, #tpu.memory_space<vmem>>
            %dma_wait3A_245 = arith.constant 0 : i32
            %dma_wait3A_246 = tpu.memref_slice %arg4[%dma_wait3A_245] : memref<1703936xf32, #tpu.memory_space<hbm>> -> memref<104xf32, #tpu.memory_space<hbm>>
            %dma_wait3A_247 = tpu.memref_slice %arg20[%mul3A_176] : memref<1808xf32, #tpu.memory_space<vmem>> -> memref<104xf32, #tpu.memory_space<vmem>>
            %dma_wait3A_248 = arith.constant 0 : i32
            %dma_wait3A_249 = tpu.memref_slice %arg4[%dma_wait3A_248] : memref<1703936xf32, #tpu.memory_space<hbm>> -> memref<104xf32, #tpu.memory_space<hbm>>
            tpu.wait_dma2 semaphore(%arg27 : memref<!tpu.dma_semaphore, #tpu.memory_space<semaphore_mem>>) src(%dma_wait3A_249 : memref<104xf32, #tpu.memory_space<hbm>>) dst(%dma_wait3A_247 : memref<104xf32, #tpu.memory_space<vmem>>)
          } else {
          }
          %mul3A_239 = arith.constant 104 : i32
          %mul3A_240 = arith.muli %squeeze3A_169, %mul3A_239 : i32
          %dma_start3A = tpu.memref_slice %arg20[%mul3A_176] : memref<1808xf32, #tpu.memory_space<vmem>> -> memref<104xf32, #tpu.memory_space<vmem>>
          %dma_start3A_241 = tpu.memref_slice %arg4[%mul3A_240] : memref<1703936xf32, #tpu.memory_space<hbm>> -> memref<104xf32, #tpu.memory_space<hbm>>
          %dma_start3A_242 = tpu.memref_slice %arg4[%mul3A_240] : memref<1703936xf32, #tpu.memory_space<hbm>> -> memref<104xf32, #tpu.memory_space<hbm>>
          %dma_start3A_243 = tpu.memref_slice %arg20[%mul3A_176] : memref<1808xf32, #tpu.memory_space<vmem>> -> memref<104xf32, #tpu.memory_space<vmem>>
          tpu.enqueue_dma source(%dma_start3A_243 : memref<104xf32, #tpu.memory_space<vmem>>) target(%dma_start3A_242 : memref<104xf32, #tpu.memory_space<hbm>>) target_semaphore(%arg27 : memref<!tpu.dma_semaphore, #tpu.memory_space<semaphore_mem>>)
        }
        %while3A_155 = arith.constant 1 : i32
        scf.for %while3A_162 = %while3A_153 to %while3A_149 step %while3A_155  : i32 {
          %get3A = arith.index_cast %while3A_162 : i32 to index
          %get3A_163 = tpu.vector_load %arg14[%get3A] {strides = array<i32>} : memref<1040xi32, #tpu.memory_space<vmem>>, vector<16xi32>,
          %get3A_164 = arith.index_cast %while3A_162 : i32 to index
          %get3A_165 = tpu.vector_load %arg15[%get3A_164] {strides = array<i32>} : memref<1040xi32, #tpu.memory_space<vmem>>, vector<16xi32>,
          %slice3A_166 = vector.extract_strided_slice %get3A_163 {offsets = [0], sizes = [1], strides = [1]} : vector<16xi32> to vector<1xi32>
          %squeeze3A_167 = vector.extract %slice3A_166[0] : i32 from vector<1xi32>
          %slice3A_168 = vector.extract_strided_slice %get3A_165 {offsets = [0], sizes = [1], strides = [1]} : vector<16xi32> to vector<1xi32>
          %squeeze3A_169 = vector.extract %slice3A_168[0] : i32 from vector<1xi32>
          %rem3A_170 = arith.constant 128 : i32
          %rem3A_171 = arith.remsi %squeeze3A_167, %rem3A_170 : i32
          %broadcast_in_dim3A_172 = vector.broadcast %rem3A_171 : i32 to vector<16xi32>
          %rem3A_173 = arith.constant 16 : i32
          %rem3A_174 = arith.remsi %while3A_162, %rem3A_173 : i32
          %mul3A_175 = arith.constant 112 : i32
          %mul3A_176 = arith.muli %rem3A_174, %mul3A_175 : i32
          %add3A_177 = arith.constant 0 : i32
          %add3A_178 = vector.broadcast %add3A_177 : i32 to vector<16xi32>
          %add3A_179 = arith.addi %iota3A, %add3A_178 : vector<16xi32>
          %gather3A_180 = tpu.vector_load_idx %arg10[%add3A_179, %broadcast_in_dim3A_172] : memref<100x128xf32, #tpu.memory_space<vmem>>[vector<16xi32>, vector<16xi32>], vector<16xf32>,
          %add3A_181 = arith.constant 0 : i32
          %add3A_182 = arith.addi %mul3A_176, %add3A_181 : i32
          %swap3A = arith.index_cast %add3A_182 : i32 to index
          %swap3A_183 = tpu.vector_load %arg20[%swap3A] {strides = array<i32>} : memref<1808xf32, #tpu.memory_space<vmem>>, vector<16xf32>,
          tpu.vector_store %arg20[%swap3A], %gather3A_180 {strides = array<i32>} : memref<1808xf32, #tpu.memory_space<vmem>>, vector<16xf32>,
          %add3A_184 = arith.constant 16 : i32
          %add3A_185 = vector.broadcast %add3A_184 : i32 to vector<16xi32>
          %add3A_186 = arith.addi %iota3A, %add3A_185 : vector<16xi32>
          %gather3A_187 = tpu.vector_load_idx %arg10[%add3A_186, %broadcast_in_dim3A_172] : memref<100x128xf32, #tpu.memory_space<vmem>>[vector<16xi32>, vector<16xi32>], vector<16xf32>,
          %add3A_188 = arith.constant 16 : i32
          %add3A_189 = arith.addi %mul3A_176, %add3A_188 : i32
          %swap3A_190 = arith.index_cast %add3A_189 : i32 to index
          %swap3A_191 = tpu.vector_load %arg20[%swap3A_190] {strides = array<i32>} : memref<1808xf32, #tpu.memory_space<vmem>>, vector<16xf32>,
          tpu.vector_store %arg20[%swap3A_190], %gather3A_187 {strides = array<i32>} : memref<1808xf32, #tpu.memory_space<vmem>>, vector<16xf32>,
          %add3A_192 = arith.constant 32 : i32
          %add3A_193 = vector.broadcast %add3A_192 : i32 to vector<16xi32>
          %add3A_194 = arith.addi %iota3A, %add3A_193 : vector<16xi32>
          %gather3A_195 = tpu.vector_load_idx %arg10[%add3A_194, %broadcast_in_dim3A_172] : memref<100x128xf32, #tpu.memory_space<vmem>>[vector<16xi32>, vector<16xi32>], vector<16xf32>,
          %add3A_196 = arith.constant 32 : i32
          %add3A_197 = arith.addi %mul3A_176, %add3A_196 : i32
          %swap3A_198 = arith.index_cast %add3A_197 : i32 to index
          %swap3A_199 = tpu.vector_load %arg20[%swap3A_198] {strides = array<i32>} : memref<1808xf32, #tpu.memory_space<vmem>>, vector<16xf32>,
          tpu.vector_store %arg20[%swap3A_198], %gather3A_195 {strides = array<i32>} : memref<1808xf32, #tpu.memory_space<vmem>>, vector<16xf32>,
          %add3A_200 = arith.constant 48 : i32
          %add3A_201 = vector.broadcast %add3A_200 : i32 to vector<16xi32>
          %add3A_202 = arith.addi %iota3A, %add3A_201 : vector<16xi32>
          %gather3A_203 = tpu.vector_load_idx %arg10[%add3A_202, %broadcast_in_dim3A_172] : memref<100x128xf32, #tpu.memory_space<vmem>>[vector<16xi32>, vector<16xi32>], vector<16xf32>,
          %add3A_204 = arith.constant 48 : i32
          %add3A_205 = arith.addi %mul3A_176, %add3A_204 : i32
          %swap3A_206 = arith.index_cast %add3A_205 : i32 to index
          %swap3A_207 = tpu.vector_load %arg20[%swap3A_206] {strides = array<i32>} : memref<1808xf32, #tpu.memory_space<vmem>>, vector<16xf32>,
          tpu.vector_store %arg20[%swap3A_206], %gather3A_203 {strides = array<i32>} : memref<1808xf32, #tpu.memory_space<vmem>>, vector<16xf32>,
          %add3A_208 = arith.constant 64 : i32
          %add3A_209 = vector.broadcast %add3A_208 : i32 to vector<16xi32>
          %add3A_210 = arith.addi %iota3A, %add3A_209 : vector<16xi32>
          %gather3A_211 = tpu.vector_load_idx %arg10[%add3A_210, %broadcast_in_dim3A_172] : memref<100x128xf32, #tpu.memory_space<vmem>>[vector<16xi32>, vector<16xi32>], vector<16xf32>,
          %add3A_212 = arith.constant 64 : i32
          %add3A_213 = arith.addi %mul3A_176, %add3A_212 : i32
          %swap3A_214 = arith.index_cast %add3A_213 : i32 to index
          %swap3A_215 = tpu.vector_load %arg20[%swap3A_214] {strides = array<i32>} : memref<1808xf32, #tpu.memory_space<vmem>>, vector<16xf32>,
          tpu.vector_store %arg20[%swap3A_214], %gather3A_211 {strides = array<i32>} : memref<1808xf32, #tpu.memory_space<vmem>>, vector<16xf32>,
          %add3A_216 = arith.constant 80 : i32
          %add3A_217 = vector.broadcast %add3A_216 : i32 to vector<16xi32>
          %add3A_218 = arith.addi %iota3A, %add3A_217 : vector<16xi32>
          %gather3A_219 = tpu.vector_load_idx %arg10[%add3A_218, %broadcast_in_dim3A_172] : memref<100x128xf32, #tpu.memory_space<vmem>>[vector<16xi32>, vector<16xi32>], vector<16xf32>,
          %add3A_220 = arith.constant 80 : i32
          %add3A_221 = arith.addi %mul3A_176, %add3A_220 : i32
          %swap3A_222 = arith.index_cast %add3A_221 : i32 to index
          %swap3A_223 = tpu.vector_load %arg20[%swap3A_222] {strides = array<i32>} : memref<1808xf32, #tpu.memory_space<vmem>>, vector<16xf32>,
          tpu.vector_store %arg20[%swap3A_222], %gather3A_219 {strides = array<i32>} : memref<1808xf32, #tpu.memory_space<vmem>>, vector<16xf32>,
          %add3A_224 = arith.constant 96 : i32
          %add3A_225 = vector.broadcast %add3A_224 : i32 to vector<16xi32>
          %add3A_226 = arith.addi %iota3A, %add3A_225 : vector<16xi32>
          %min3A_227 = arith.constant 99 : i32
          %min3A_228 = vector.broadcast %min3A_227 : i32 to vector<16xi32>
          %min3A_229 = arith.minsi %add3A_226, %min3A_228 : vector<16xi32>
          %gather3A_230 = tpu.vector_load_idx %arg10[%min3A_229, %broadcast_in_dim3A_172] : memref<100x128xf32, #tpu.memory_space<vmem>>[vector<16xi32>, vector<16xi32>], vector<16xf32>,
          %add3A_231 = arith.constant 96 : i32
          %add3A_232 = arith.addi %mul3A_176, %add3A_231 : i32
          %swap3A_233 = arith.index_cast %add3A_232 : i32 to index
          %swap3A_234 = tpu.vector_load %arg20[%swap3A_233] {strides = array<i32>} : memref<1808xf32, #tpu.memory_space<vmem>>, vector<16xf32>,
          tpu.vector_store %arg20[%swap3A_233], %gather3A_230 {strides = array<i32>} : memref<1808xf32, #tpu.memory_space<vmem>>, vector<16xf32>,
          %ge3A = arith.constant 16 : i32
          %ge3A_235 = arith.cmpi sge, %while3A_162, %ge3A : i32
          %convert_element_type3A_236 = arith.extui %ge3A_235 : i1 to i32
          %cond3A_237 = arith.constant 0 : i32
          %cond3A_238 = arith.cmpi ne, %convert_element_type3A_236, %cond3A_237 : i32
          scf.if %cond3A_238 {
            %dma_wait3A_244 = tpu.memref_slice %arg20[%mul3A_176] : memref<1808xf32, #tpu.memory_space<vmem>> -> memref<104xf32, #tpu.memory_space<vmem>>
            %dma_wait3A_245 = arith.constant 0 : i32
            %dma_wait3A_246 = tpu.memref_slice %arg4[%dma_wait3A_245] : memref<1703936xf32, #tpu.memory_space<hbm>> -> memref<104xf32, #tpu.memory_space<hbm>>
            %dma_wait3A_247 = tpu.memref_slice %arg20[%mul3A_176] : memref<1808xf32, #tpu.memory_space<vmem>> -> memref<104xf32, #tpu.memory_space<vmem>>
            %dma_wait3A_248 = arith.constant 0 : i32
            %dma_wait3A_249 = tpu.memref_slice %arg4[%dma_wait3A_248] : memref<1703936xf32, #tpu.memory_space<hbm>> -> memref<104xf32, #tpu.memory_space<hbm>>
            tpu.wait_dma2 semaphore(%arg27 : memref<!tpu.dma_semaphore, #tpu.memory_space<semaphore_mem>>) src(%dma_wait3A_249 : memref<104xf32, #tpu.memory_space<hbm>>) dst(%dma_wait3A_247 : memref<104xf32, #tpu.memory_space<vmem>>)
          } else {
          }
          %mul3A_239 = arith.constant 104 : i32
          %mul3A_240 = arith.muli %squeeze3A_169, %mul3A_239 : i32
          %dma_start3A = tpu.memref_slice %arg20[%mul3A_176] : memref<1808xf32, #tpu.memory_space<vmem>> -> memref<104xf32, #tpu.memory_space<vmem>>
          %dma_start3A_241 = tpu.memref_slice %arg4[%mul3A_240] : memref<1703936xf32, #tpu.memory_space<hbm>> -> memref<104xf32, #tpu.memory_space<hbm>>
          %dma_start3A_242 = tpu.memref_slice %arg4[%mul3A_240] : memref<1703936xf32, #tpu.memory_space<hbm>> -> memref<104xf32, #tpu.memory_space<hbm>>
          %dma_start3A_243 = tpu.memref_slice %arg20[%mul3A_176] : memref<1808xf32, #tpu.memory_space<vmem>> -> memref<104xf32, #tpu.memory_space<vmem>>
          tpu.enqueue_dma source(%dma_start3A_243 : memref<104xf32, #tpu.memory_space<vmem>>) target(%dma_start3A_242 : memref<104xf32, #tpu.memory_space<hbm>>) target_semaphore(%arg27 : memref<!tpu.dma_semaphore, #tpu.memory_space<semaphore_mem>>)
        }
        %add3A_156 = arith.constant 6 : i32
        %add3A_157 = arith.addi %while3A_102, %add3A_156 : i32
        %lt3A_158 = arith.cmpi slt, %add3A_157, %scan3A_53 : i32
        %convert_element_type3A_159 = arith.extui %lt3A_158 : i1 to i32
        %cond3A_160 = arith.constant 0 : i32
        %cond3A_161 = arith.cmpi ne, %convert_element_type3A_159, %cond3A_160 : i32
        scf.if %cond3A_161 {
          %broadcast_in_dim3A_162 = vector.broadcast %while3A_102 : i32 to vector<16xi32>
          %add3A_163 = arith.constant 6 : i32
          %add3A_164 = vector.broadcast %add3A_163 : i32 to vector<16xi32>
          %add3A_165 = arith.addi %broadcast_in_dim3A_162, %add3A_164 : vector<16xi32>
          %gather3A_166 = tpu.vector_load_idx %arg19[%add3A_165] : memref<272xi32, #tpu.memory_space<vmem>>[vector<16xi32>], vector<16xi32>,
          %slice3A_167 = vector.extract_strided_slice %gather3A_166 {offsets = [0], sizes = [1], strides = [1]} : vector<16xi32> to vector<1xi32>
          %squeeze3A_168 = vector.extract %slice3A_167[0] : i32 from vector<1xi32>
          %add3A_169 = arith.addi %add3A_4, %squeeze3A_168 : i32
          %mul3A_170 = arith.constant 128 : i32
          %mul3A_171 = arith.muli %add3A_169, %mul3A_170 : i32
          %multiple_of3A = tpu.assume_multiple %mul3A_171, 128 : i32
          %dma_start3A = arith.constant 0 : i32
          %dma_start3A_172 = tpu.memref_slice %arg3[%dma_start3A, %multiple_of3A] : memref<100x1000001xf32, #tpu.memory_space<hbm>> -> memref<100x128xf32, #tpu.memory_space<hbm>>
          %dma_start3A_173 = arith.constant 0 : i32
          %dma_start3A_174 = tpu.memref_slice %arg3[%dma_start3A_173, %multiple_of3A] : memref<100x1000001xf32, #tpu.memory_space<hbm>> -> memref<100x128xf32, #tpu.memory_space<hbm>>
          tpu.enqueue_dma source(%dma_start3A_174 : memref<100x128xf32, #tpu.memory_space<hbm>>) target(%arg10 : memref<100x128xf32, #tpu.memory_space<vmem>>) target_semaphore(%arg25 : memref<!tpu.dma_semaphore, #tpu.memory_space<semaphore_mem>>)
        } else {
        }
      } else {
      }
      %eq3A_138 = arith.constant 5 : i32
      %eq3A_139 = arith.cmpi eq, %rem3A_112, %eq3A_138 : i32
      %convert_element_type3A_140 = arith.extui %eq3A_139 : i1 to i32
      %cond3A_141 = arith.constant 0 : i32
      %cond3A_142 = arith.cmpi ne, %convert_element_type3A_140, %cond3A_141 : i32
      scf.if %cond3A_142 {
        %dma_wait3A = arith.constant 0 : i32
        %dma_wait3A_143 = arith.constant 0 : i32
        %dma_wait3A_144 = tpu.memref_slice %arg3[%dma_wait3A, %dma_wait3A_143] : memref<100x1000001xf32, #tpu.memory_space<hbm>> -> memref<100x128xf32, #tpu.memory_space<hbm>>
        %dma_wait3A_145 = arith.constant 0 : i32
        %dma_wait3A_146 = arith.constant 0 : i32
        %dma_wait3A_147 = tpu.memref_slice %arg3[%dma_wait3A_145, %dma_wait3A_146] : memref<100x1000001xf32, #tpu.memory_space<hbm>> -> memref<100x128xf32, #tpu.memory_space<hbm>>
        tpu.wait_dma2 semaphore(%arg26 : memref<!tpu.dma_semaphore, #tpu.memory_space<semaphore_mem>>) src(%dma_wait3A_147 : memref<100x128xf32, #tpu.memory_space<hbm>>) dst(%arg11 : memref<100x128xf32, #tpu.memory_space<vmem>>)
        %while3A_148 = arith.subi %add3A_111, %squeeze3A_107 : i32
        %while3A_149 = arith.addi %squeeze3A_107, %while3A_148 : i32
        %while3A_150 = arith.constant 1 : i32
        %while3A_151 = arith.divsi %while3A_148, %while3A_150 : i32
        %while3A_152 = arith.muli %while3A_151, %while3A_150 : i32
        %while3A_153 = arith.addi %squeeze3A_107, %while3A_152 : i32
        %while3A_154 = arith.constant 1 : i32
        scf.for %while3A_162 = %squeeze3A_107 to %while3A_153 step %while3A_154  : i32 {
          %get3A = arith.index_cast %while3A_162 : i32 to index
          %get3A_163 = tpu.vector_load %arg14[%get3A] {strides = array<i32>} : memref<1040xi32, #tpu.memory_space<vmem>>, vector<16xi32>,
          %get3A_164 = arith.index_cast %while3A_162 : i32 to index
          %get3A_165 = tpu.vector_load %arg15[%get3A_164] {strides = array<i32>} : memref<1040xi32, #tpu.memory_space<vmem>>, vector<16xi32>,
          %slice3A_166 = vector.extract_strided_slice %get3A_163 {offsets = [0], sizes = [1], strides = [1]} : vector<16xi32> to vector<1xi32>
          %squeeze3A_167 = vector.extract %slice3A_166[0] : i32 from vector<1xi32>
          %slice3A_168 = vector.extract_strided_slice %get3A_165 {offsets = [0], sizes = [1], strides = [1]} : vector<16xi32> to vector<1xi32>
          %squeeze3A_169 = vector.extract %slice3A_168[0] : i32 from vector<1xi32>
          %rem3A_170 = arith.constant 128 : i32
          %rem3A_171 = arith.remsi %squeeze3A_167, %rem3A_170 : i32
          %broadcast_in_dim3A_172 = vector.broadcast %rem3A_171 : i32 to vector<16xi32>
          %rem3A_173 = arith.constant 16 : i32
          %rem3A_174 = arith.remsi %while3A_162, %rem3A_173 : i32
          %mul3A_175 = arith.constant 112 : i32
          %mul3A_176 = arith.muli %rem3A_174, %mul3A_175 : i32
          %add3A_177 = arith.constant 0 : i32
          %add3A_178 = vector.broadcast %add3A_177 : i32 to vector<16xi32>
          %add3A_179 = arith.addi %iota3A, %add3A_178 : vector<16xi32>
          %gather3A_180 = tpu.vector_load_idx %arg11[%add3A_179, %broadcast_in_dim3A_172] : memref<100x128xf32, #tpu.memory_space<vmem>>[vector<16xi32>, vector<16xi32>], vector<16xf32>,
          %add3A_181 = arith.constant 0 : i32
          %add3A_182 = arith.addi %mul3A_176, %add3A_181 : i32
          %swap3A = arith.index_cast %add3A_182 : i32 to index
          %swap3A_183 = tpu.vector_load %arg20[%swap3A] {strides = array<i32>} : memref<1808xf32, #tpu.memory_space<vmem>>, vector<16xf32>,
          tpu.vector_store %arg20[%swap3A], %gather3A_180 {strides = array<i32>} : memref<1808xf32, #tpu.memory_space<vmem>>, vector<16xf32>,
          %add3A_184 = arith.constant 16 : i32
          %add3A_185 = vector.broadcast %add3A_184 : i32 to vector<16xi32>
          %add3A_186 = arith.addi %iota3A, %add3A_185 : vector<16xi32>
          %gather3A_187 = tpu.vector_load_idx %arg11[%add3A_186, %broadcast_in_dim3A_172] : memref<100x128xf32, #tpu.memory_space<vmem>>[vector<16xi32>, vector<16xi32>], vector<16xf32>,
          %add3A_188 = arith.constant 16 : i32
          %add3A_189 = arith.addi %mul3A_176, %add3A_188 : i32
          %swap3A_190 = arith.index_cast %add3A_189 : i32 to index
          %swap3A_191 = tpu.vector_load %arg20[%swap3A_190] {strides = array<i32>} : memref<1808xf32, #tpu.memory_space<vmem>>, vector<16xf32>,
          tpu.vector_store %arg20[%swap3A_190], %gather3A_187 {strides = array<i32>} : memref<1808xf32, #tpu.memory_space<vmem>>, vector<16xf32>,
          %add3A_192 = arith.constant 32 : i32
          %add3A_193 = vector.broadcast %add3A_192 : i32 to vector<16xi32>
          %add3A_194 = arith.addi %iota3A, %add3A_193 : vector<16xi32>
          %gather3A_195 = tpu.vector_load_idx %arg11[%add3A_194, %broadcast_in_dim3A_172] : memref<100x128xf32, #tpu.memory_space<vmem>>[vector<16xi32>, vector<16xi32>], vector<16xf32>,
          %add3A_196 = arith.constant 32 : i32
          %add3A_197 = arith.addi %mul3A_176, %add3A_196 : i32
          %swap3A_198 = arith.index_cast %add3A_197 : i32 to index
          %swap3A_199 = tpu.vector_load %arg20[%swap3A_198] {strides = array<i32>} : memref<1808xf32, #tpu.memory_space<vmem>>, vector<16xf32>,
          tpu.vector_store %arg20[%swap3A_198], %gather3A_195 {strides = array<i32>} : memref<1808xf32, #tpu.memory_space<vmem>>, vector<16xf32>,
          %add3A_200 = arith.constant 48 : i32
          %add3A_201 = vector.broadcast %add3A_200 : i32 to vector<16xi32>
          %add3A_202 = arith.addi %iota3A, %add3A_201 : vector<16xi32>
          %gather3A_203 = tpu.vector_load_idx %arg11[%add3A_202, %broadcast_in_dim3A_172] : memref<100x128xf32, #tpu.memory_space<vmem>>[vector<16xi32>, vector<16xi32>], vector<16xf32>,
          %add3A_204 = arith.constant 48 : i32
          %add3A_205 = arith.addi %mul3A_176, %add3A_204 : i32
          %swap3A_206 = arith.index_cast %add3A_205 : i32 to index
          %swap3A_207 = tpu.vector_load %arg20[%swap3A_206] {strides = array<i32>} : memref<1808xf32, #tpu.memory_space<vmem>>, vector<16xf32>,
          tpu.vector_store %arg20[%swap3A_206], %gather3A_203 {strides = array<i32>} : memref<1808xf32, #tpu.memory_space<vmem>>, vector<16xf32>,
          %add3A_208 = arith.constant 64 : i32
          %add3A_209 = vector.broadcast %add3A_208 : i32 to vector<16xi32>
          %add3A_210 = arith.addi %iota3A, %add3A_209 : vector<16xi32>
          %gather3A_211 = tpu.vector_load_idx %arg11[%add3A_210, %broadcast_in_dim3A_172] : memref<100x128xf32, #tpu.memory_space<vmem>>[vector<16xi32>, vector<16xi32>], vector<16xf32>,
          %add3A_212 = arith.constant 64 : i32
          %add3A_213 = arith.addi %mul3A_176, %add3A_212 : i32
          %swap3A_214 = arith.index_cast %add3A_213 : i32 to index
          %swap3A_215 = tpu.vector_load %arg20[%swap3A_214] {strides = array<i32>} : memref<1808xf32, #tpu.memory_space<vmem>>, vector<16xf32>,
          tpu.vector_store %arg20[%swap3A_214], %gather3A_211 {strides = array<i32>} : memref<1808xf32, #tpu.memory_space<vmem>>, vector<16xf32>,
          %add3A_216 = arith.constant 80 : i32
          %add3A_217 = vector.broadcast %add3A_216 : i32 to vector<16xi32>
          %add3A_218 = arith.addi %iota3A, %add3A_217 : vector<16xi32>
          %gather3A_219 = tpu.vector_load_idx %arg11[%add3A_218, %broadcast_in_dim3A_172] : memref<100x128xf32, #tpu.memory_space<vmem>>[vector<16xi32>, vector<16xi32>], vector<16xf32>,
          %add3A_220 = arith.constant 80 : i32
          %add3A_221 = arith.addi %mul3A_176, %add3A_220 : i32
          %swap3A_222 = arith.index_cast %add3A_221 : i32 to index
          %swap3A_223 = tpu.vector_load %arg20[%swap3A_222] {strides = array<i32>} : memref<1808xf32, #tpu.memory_space<vmem>>, vector<16xf32>,
          tpu.vector_store %arg20[%swap3A_222], %gather3A_219 {strides = array<i32>} : memref<1808xf32, #tpu.memory_space<vmem>>, vector<16xf32>,
          %add3A_224 = arith.constant 96 : i32
          %add3A_225 = vector.broadcast %add3A_224 : i32 to vector<16xi32>
          %add3A_226 = arith.addi %iota3A, %add3A_225 : vector<16xi32>
          %min3A_227 = arith.constant 99 : i32
          %min3A_228 = vector.broadcast %min3A_227 : i32 to vector<16xi32>
          %min3A_229 = arith.minsi %add3A_226, %min3A_228 : vector<16xi32>
          %gather3A_230 = tpu.vector_load_idx %arg11[%min3A_229, %broadcast_in_dim3A_172] : memref<100x128xf32, #tpu.memory_space<vmem>>[vector<16xi32>, vector<16xi32>], vector<16xf32>,
          %add3A_231 = arith.constant 96 : i32
          %add3A_232 = arith.addi %mul3A_176, %add3A_231 : i32
          %swap3A_233 = arith.index_cast %add3A_232 : i32 to index
          %swap3A_234 = tpu.vector_load %arg20[%swap3A_233] {strides = array<i32>} : memref<1808xf32, #tpu.memory_space<vmem>>, vector<16xf32>,
          tpu.vector_store %arg20[%swap3A_233], %gather3A_230 {strides = array<i32>} : memref<1808xf32, #tpu.memory_space<vmem>>, vector<16xf32>,
          %ge3A = arith.constant 16 : i32
          %ge3A_235 = arith.cmpi sge, %while3A_162, %ge3A : i32
          %convert_element_type3A_236 = arith.extui %ge3A_235 : i1 to i32
          %cond3A_237 = arith.constant 0 : i32
          %cond3A_238 = arith.cmpi ne, %convert_element_type3A_236, %cond3A_237 : i32
          scf.if %cond3A_238 {
            %dma_wait3A_244 = tpu.memref_slice %arg20[%mul3A_176] : memref<1808xf32, #tpu.memory_space<vmem>> -> memref<104xf32, #tpu.memory_space<vmem>>
            %dma_wait3A_245 = arith.constant 0 : i32
            %dma_wait3A_246 = tpu.memref_slice %arg4[%dma_wait3A_245] : memref<1703936xf32, #tpu.memory_space<hbm>> -> memref<104xf32, #tpu.memory_space<hbm>>
            %dma_wait3A_247 = tpu.memref_slice %arg20[%mul3A_176] : memref<1808xf32, #tpu.memory_space<vmem>> -> memref<104xf32, #tpu.memory_space<vmem>>
            %dma_wait3A_248 = arith.constant 0 : i32
            %dma_wait3A_249 = tpu.memref_slice %arg4[%dma_wait3A_248] : memref<1703936xf32, #tpu.memory_space<hbm>> -> memref<104xf32, #tpu.memory_space<hbm>>
            tpu.wait_dma2 semaphore(%arg27 : memref<!tpu.dma_semaphore, #tpu.memory_space<semaphore_mem>>) src(%dma_wait3A_249 : memref<104xf32, #tpu.memory_space<hbm>>) dst(%dma_wait3A_247 : memref<104xf32, #tpu.memory_space<vmem>>)
          } else {
          }
          %mul3A_239 = arith.constant 104 : i32
          %mul3A_240 = arith.muli %squeeze3A_169, %mul3A_239 : i32
          %dma_start3A = tpu.memref_slice %arg20[%mul3A_176] : memref<1808xf32, #tpu.memory_space<vmem>> -> memref<104xf32, #tpu.memory_space<vmem>>
          %dma_start3A_241 = tpu.memref_slice %arg4[%mul3A_240] : memref<1703936xf32, #tpu.memory_space<hbm>> -> memref<104xf32, #tpu.memory_space<hbm>>
          %dma_start3A_242 = tpu.memref_slice %arg4[%mul3A_240] : memref<1703936xf32, #tpu.memory_space<hbm>> -> memref<104xf32, #tpu.memory_space<hbm>>
          %dma_start3A_243 = tpu.memref_slice %arg20[%mul3A_176] : memref<1808xf32, #tpu.memory_space<vmem>> -> memref<104xf32, #tpu.memory_space<vmem>>
          tpu.enqueue_dma source(%dma_start3A_243 : memref<104xf32, #tpu.memory_space<vmem>>) target(%dma_start3A_242 : memref<104xf32, #tpu.memory_space<hbm>>) target_semaphore(%arg27 : memref<!tpu.dma_semaphore, #tpu.memory_space<semaphore_mem>>)
        }
        %while3A_155 = arith.constant 1 : i32
        scf.for %while3A_162 = %while3A_153 to %while3A_149 step %while3A_155  : i32 {
          %get3A = arith.index_cast %while3A_162 : i32 to index
          %get3A_163 = tpu.vector_load %arg14[%get3A] {strides = array<i32>} : memref<1040xi32, #tpu.memory_space<vmem>>, vector<16xi32>,
          %get3A_164 = arith.index_cast %while3A_162 : i32 to index
          %get3A_165 = tpu.vector_load %arg15[%get3A_164] {strides = array<i32>} : memref<1040xi32, #tpu.memory_space<vmem>>, vector<16xi32>,
          %slice3A_166 = vector.extract_strided_slice %get3A_163 {offsets = [0], sizes = [1], strides = [1]} : vector<16xi32> to vector<1xi32>
          %squeeze3A_167 = vector.extract %slice3A_166[0] : i32 from vector<1xi32>
          %slice3A_168 = vector.extract_strided_slice %get3A_165 {offsets = [0], sizes = [1], strides = [1]} : vector<16xi32> to vector<1xi32>
          %squeeze3A_169 = vector.extract %slice3A_168[0] : i32 from vector<1xi32>
          %rem3A_170 = arith.constant 128 : i32
          %rem3A_171 = arith.remsi %squeeze3A_167, %rem3A_170 : i32
          %broadcast_in_dim3A_172 = vector.broadcast %rem3A_171 : i32 to vector<16xi32>
          %rem3A_173 = arith.constant 16 : i32
          %rem3A_174 = arith.remsi %while3A_162, %rem3A_173 : i32
          %mul3A_175 = arith.constant 112 : i32
          %mul3A_176 = arith.muli %rem3A_174, %mul3A_175 : i32
          %add3A_177 = arith.constant 0 : i32
          %add3A_178 = vector.broadcast %add3A_177 : i32 to vector<16xi32>
          %add3A_179 = arith.addi %iota3A, %add3A_178 : vector<16xi32>
          %gather3A_180 = tpu.vector_load_idx %arg11[%add3A_179, %broadcast_in_dim3A_172] : memref<100x128xf32, #tpu.memory_space<vmem>>[vector<16xi32>, vector<16xi32>], vector<16xf32>,
          %add3A_181 = arith.constant 0 : i32
          %add3A_182 = arith.addi %mul3A_176, %add3A_181 : i32
          %swap3A = arith.index_cast %add3A_182 : i32 to index
          %swap3A_183 = tpu.vector_load %arg20[%swap3A] {strides = array<i32>} : memref<1808xf32, #tpu.memory_space<vmem>>, vector<16xf32>,
          tpu.vector_store %arg20[%swap3A], %gather3A_180 {strides = array<i32>} : memref<1808xf32, #tpu.memory_space<vmem>>, vector<16xf32>,
          %add3A_184 = arith.constant 16 : i32
          %add3A_185 = vector.broadcast %add3A_184 : i32 to vector<16xi32>
          %add3A_186 = arith.addi %iota3A, %add3A_185 : vector<16xi32>
          %gather3A_187 = tpu.vector_load_idx %arg11[%add3A_186, %broadcast_in_dim3A_172] : memref<100x128xf32, #tpu.memory_space<vmem>>[vector<16xi32>, vector<16xi32>], vector<16xf32>,
          %add3A_188 = arith.constant 16 : i32
          %add3A_189 = arith.addi %mul3A_176, %add3A_188 : i32
          %swap3A_190 = arith.index_cast %add3A_189 : i32 to index
          %swap3A_191 = tpu.vector_load %arg20[%swap3A_190] {strides = array<i32>} : memref<1808xf32, #tpu.memory_space<vmem>>, vector<16xf32>,
          tpu.vector_store %arg20[%swap3A_190], %gather3A_187 {strides = array<i32>} : memref<1808xf32, #tpu.memory_space<vmem>>, vector<16xf32>,
          %add3A_192 = arith.constant 32 : i32
          %add3A_193 = vector.broadcast %add3A_192 : i32 to vector<16xi32>
          %add3A_194 = arith.addi %iota3A, %add3A_193 : vector<16xi32>
          %gather3A_195 = tpu.vector_load_idx %arg11[%add3A_194, %broadcast_in_dim3A_172] : memref<100x128xf32, #tpu.memory_space<vmem>>[vector<16xi32>, vector<16xi32>], vector<16xf32>,
          %add3A_196 = arith.constant 32 : i32
          %add3A_197 = arith.addi %mul3A_176, %add3A_196 : i32
          %swap3A_198 = arith.index_cast %add3A_197 : i32 to index
          %swap3A_199 = tpu.vector_load %arg20[%swap3A_198] {strides = array<i32>} : memref<1808xf32, #tpu.memory_space<vmem>>, vector<16xf32>,
          tpu.vector_store %arg20[%swap3A_198], %gather3A_195 {strides = array<i32>} : memref<1808xf32, #tpu.memory_space<vmem>>, vector<16xf32>,
          %add3A_200 = arith.constant 48 : i32
          %add3A_201 = vector.broadcast %add3A_200 : i32 to vector<16xi32>
          %add3A_202 = arith.addi %iota3A, %add3A_201 : vector<16xi32>
          %gather3A_203 = tpu.vector_load_idx %arg11[%add3A_202, %broadcast_in_dim3A_172] : memref<100x128xf32, #tpu.memory_space<vmem>>[vector<16xi32>, vector<16xi32>], vector<16xf32>,
          %add3A_204 = arith.constant 48 : i32
          %add3A_205 = arith.addi %mul3A_176, %add3A_204 : i32
          %swap3A_206 = arith.index_cast %add3A_205 : i32 to index
          %swap3A_207 = tpu.vector_load %arg20[%swap3A_206] {strides = array<i32>} : memref<1808xf32, #tpu.memory_space<vmem>>, vector<16xf32>,
          tpu.vector_store %arg20[%swap3A_206], %gather3A_203 {strides = array<i32>} : memref<1808xf32, #tpu.memory_space<vmem>>, vector<16xf32>,
          %add3A_208 = arith.constant 64 : i32
          %add3A_209 = vector.broadcast %add3A_208 : i32 to vector<16xi32>
          %add3A_210 = arith.addi %iota3A, %add3A_209 : vector<16xi32>
          %gather3A_211 = tpu.vector_load_idx %arg11[%add3A_210, %broadcast_in_dim3A_172] : memref<100x128xf32, #tpu.memory_space<vmem>>[vector<16xi32>, vector<16xi32>], vector<16xf32>,
          %add3A_212 = arith.constant 64 : i32
          %add3A_213 = arith.addi %mul3A_176, %add3A_212 : i32
          %swap3A_214 = arith.index_cast %add3A_213 : i32 to index
          %swap3A_215 = tpu.vector_load %arg20[%swap3A_214] {strides = array<i32>} : memref<1808xf32, #tpu.memory_space<vmem>>, vector<16xf32>,
          tpu.vector_store %arg20[%swap3A_214], %gather3A_211 {strides = array<i32>} : memref<1808xf32, #tpu.memory_space<vmem>>, vector<16xf32>,
          %add3A_216 = arith.constant 80 : i32
          %add3A_217 = vector.broadcast %add3A_216 : i32 to vector<16xi32>
          %add3A_218 = arith.addi %iota3A, %add3A_217 : vector<16xi32>
          %gather3A_219 = tpu.vector_load_idx %arg11[%add3A_218, %broadcast_in_dim3A_172] : memref<100x128xf32, #tpu.memory_space<vmem>>[vector<16xi32>, vector<16xi32>], vector<16xf32>,
          %add3A_220 = arith.constant 80 : i32
          %add3A_221 = arith.addi %mul3A_176, %add3A_220 : i32
          %swap3A_222 = arith.index_cast %add3A_221 : i32 to index
          %swap3A_223 = tpu.vector_load %arg20[%swap3A_222] {strides = array<i32>} : memref<1808xf32, #tpu.memory_space<vmem>>, vector<16xf32>,
          tpu.vector_store %arg20[%swap3A_222], %gather3A_219 {strides = array<i32>} : memref<1808xf32, #tpu.memory_space<vmem>>, vector<16xf32>,
          %add3A_224 = arith.constant 96 : i32
          %add3A_225 = vector.broadcast %add3A_224 : i32 to vector<16xi32>
          %add3A_226 = arith.addi %iota3A, %add3A_225 : vector<16xi32>
          %min3A_227 = arith.constant 99 : i32
          %min3A_228 = vector.broadcast %min3A_227 : i32 to vector<16xi32>
          %min3A_229 = arith.minsi %add3A_226, %min3A_228 : vector<16xi32>
          %gather3A_230 = tpu.vector_load_idx %arg11[%min3A_229, %broadcast_in_dim3A_172] : memref<100x128xf32, #tpu.memory_space<vmem>>[vector<16xi32>, vector<16xi32>], vector<16xf32>,
          %add3A_231 = arith.constant 96 : i32
          %add3A_232 = arith.addi %mul3A_176, %add3A_231 : i32
          %swap3A_233 = arith.index_cast %add3A_232 : i32 to index
          %swap3A_234 = tpu.vector_load %arg20[%swap3A_233] {strides = array<i32>} : memref<1808xf32, #tpu.memory_space<vmem>>, vector<16xf32>,
          tpu.vector_store %arg20[%swap3A_233], %gather3A_230 {strides = array<i32>} : memref<1808xf32, #tpu.memory_space<vmem>>, vector<16xf32>,
          %ge3A = arith.constant 16 : i32
          %ge3A_235 = arith.cmpi sge, %while3A_162, %ge3A : i32
          %convert_element_type3A_236 = arith.extui %ge3A_235 : i1 to i32
          %cond3A_237 = arith.constant 0 : i32
          %cond3A_238 = arith.cmpi ne, %convert_element_type3A_236, %cond3A_237 : i32
          scf.if %cond3A_238 {
            %dma_wait3A_244 = tpu.memref_slice %arg20[%mul3A_176] : memref<1808xf32, #tpu.memory_space<vmem>> -> memref<104xf32, #tpu.memory_space<vmem>>
            %dma_wait3A_245 = arith.constant 0 : i32
            %dma_wait3A_246 = tpu.memref_slice %arg4[%dma_wait3A_245] : memref<1703936xf32, #tpu.memory_space<hbm>> -> memref<104xf32, #tpu.memory_space<hbm>>
            %dma_wait3A_247 = tpu.memref_slice %arg20[%mul3A_176] : memref<1808xf32, #tpu.memory_space<vmem>> -> memref<104xf32, #tpu.memory_space<vmem>>
            %dma_wait3A_248 = arith.constant 0 : i32
            %dma_wait3A_249 = tpu.memref_slice %arg4[%dma_wait3A_248] : memref<1703936xf32, #tpu.memory_space<hbm>> -> memref<104xf32, #tpu.memory_space<hbm>>
            tpu.wait_dma2 semaphore(%arg27 : memref<!tpu.dma_semaphore, #tpu.memory_space<semaphore_mem>>) src(%dma_wait3A_249 : memref<104xf32, #tpu.memory_space<hbm>>) dst(%dma_wait3A_247 : memref<104xf32, #tpu.memory_space<vmem>>)
          } else {
          }
          %mul3A_239 = arith.constant 104 : i32
          %mul3A_240 = arith.muli %squeeze3A_169, %mul3A_239 : i32
          %dma_start3A = tpu.memref_slice %arg20[%mul3A_176] : memref<1808xf32, #tpu.memory_space<vmem>> -> memref<104xf32, #tpu.memory_space<vmem>>
          %dma_start3A_241 = tpu.memref_slice %arg4[%mul3A_240] : memref<1703936xf32, #tpu.memory_space<hbm>> -> memref<104xf32, #tpu.memory_space<hbm>>
          %dma_start3A_242 = tpu.memref_slice %arg4[%mul3A_240] : memref<1703936xf32, #tpu.memory_space<hbm>> -> memref<104xf32, #tpu.memory_space<hbm>>
          %dma_start3A_243 = tpu.memref_slice %arg20[%mul3A_176] : memref<1808xf32, #tpu.memory_space<vmem>> -> memref<104xf32, #tpu.memory_space<vmem>>
          tpu.enqueue_dma source(%dma_start3A_243 : memref<104xf32, #tpu.memory_space<vmem>>) target(%dma_start3A_242 : memref<104xf32, #tpu.memory_space<hbm>>) target_semaphore(%arg27 : memref<!tpu.dma_semaphore, #tpu.memory_space<semaphore_mem>>)
        }
        %add3A_156 = arith.constant 6 : i32
        %add3A_157 = arith.addi %while3A_102, %add3A_156 : i32
        %lt3A_158 = arith.cmpi slt, %add3A_157, %scan3A_53 : i32
        %convert_element_type3A_159 = arith.extui %lt3A_158 : i1 to i32
        %cond3A_160 = arith.constant 0 : i32
        %cond3A_161 = arith.cmpi ne, %convert_element_type3A_159, %cond3A_160 : i32
        scf.if %cond3A_161 {
          %broadcast_in_dim3A_162 = vector.broadcast %while3A_102 : i32 to vector<16xi32>
          %add3A_163 = arith.constant 6 : i32
          %add3A_164 = vector.broadcast %add3A_163 : i32 to vector<16xi32>
          %add3A_165 = arith.addi %broadcast_in_dim3A_162, %add3A_164 : vector<16xi32>
          %gather3A_166 = tpu.vector_load_idx %arg19[%add3A_165] : memref<272xi32, #tpu.memory_space<vmem>>[vector<16xi32>], vector<16xi32>,
          %slice3A_167 = vector.extract_strided_slice %gather3A_166 {offsets = [0], sizes = [1], strides = [1]} : vector<16xi32> to vector<1xi32>
          %squeeze3A_168 = vector.extract %slice3A_167[0] : i32 from vector<1xi32>
          %add3A_169 = arith.addi %add3A_4, %squeeze3A_168 : i32
          %mul3A_170 = arith.constant 128 : i32
          %mul3A_171 = arith.muli %add3A_169, %mul3A_170 : i32
          %multiple_of3A = tpu.assume_multiple %mul3A_171, 128 : i32
          %dma_start3A = arith.constant 0 : i32
          %dma_start3A_172 = tpu.memref_slice %arg3[%dma_start3A, %multiple_of3A] : memref<100x1000001xf32, #tpu.memory_space<hbm>> -> memref<100x128xf32, #tpu.memory_space<hbm>>
          %dma_start3A_173 = arith.constant 0 : i32
          %dma_start3A_174 = tpu.memref_slice %arg3[%dma_start3A_173, %multiple_of3A] : memref<100x1000001xf32, #tpu.memory_space<hbm>> -> memref<100x128xf32, #tpu.memory_space<hbm>>
          tpu.enqueue_dma source(%dma_start3A_174 : memref<100x128xf32, #tpu.memory_space<hbm>>) target(%arg11 : memref<100x128xf32, #tpu.memory_space<vmem>>) target_semaphore(%arg26 : memref<!tpu.dma_semaphore, #tpu.memory_space<semaphore_mem>>)
        } else {
        }
      } else {
      }
    }
    %while3A_90 = arith.constant 1 : i32
    scf.for %while3A_102 = %while3A_88 to %while3A_84 step %while3A_90  : i32 {
      %broadcast_in_dim3A_103 = vector.broadcast %while3A_102 : i32 to vector<16xi32>
      %gather3A = tpu.vector_load_idx %arg19[%broadcast_in_dim3A_103] : memref<272xi32, #tpu.memory_space<vmem>>[vector<16xi32>], vector<16xi32>,
      %slice3A = vector.extract_strided_slice %gather3A {offsets = [0], sizes = [1], strides = [1]} : vector<16xi32> to vector<1xi32>
      %squeeze3A = vector.extract %slice3A[0] : i32 from vector<1xi32>
      %broadcast_in_dim3A_104 = vector.broadcast %squeeze3A : i32 to vector<16xi32>
      %gather3A_105 = tpu.vector_load_idx %arg17[%broadcast_in_dim3A_104] : memref<272xi32, #tpu.memory_space<vmem>>[vector<16xi32>], vector<16xi32>,
      %slice3A_106 = vector.extract_strided_slice %gather3A_105 {offsets = [0], sizes = [1], strides = [1]} : vector<16xi32> to vector<1xi32>
      %squeeze3A_107 = vector.extract %slice3A_106[0] : i32 from vector<1xi32>
      %gather3A_108 = tpu.vector_load_idx %arg16[%broadcast_in_dim3A_104] : memref<272xi32, #tpu.memory_space<vmem>>[vector<16xi32>], vector<16xi32>,
      %slice3A_109 = vector.extract_strided_slice %gather3A_108 {offsets = [0], sizes = [1], strides = [1]} : vector<16xi32> to vector<1xi32>
      %squeeze3A_110 = vector.extract %slice3A_109[0] : i32 from vector<1xi32>
      %add3A_111 = arith.addi %squeeze3A_107, %squeeze3A_110 : i32
      %rem3A = arith.constant 6 : i32
      %rem3A_112 = arith.remsi %while3A_102, %rem3A : i32
      %eq3A_113 = arith.constant 0 : i32
      %eq3A_114 = arith.cmpi eq, %rem3A_112, %eq3A_113 : i32
      %convert_element_type3A_115 = arith.extui %eq3A_114 : i1 to i32
      %cond3A_116 = arith.constant 0 : i32
      %cond3A_117 = arith.cmpi ne, %convert_element_type3A_115, %cond3A_116 : i32
      scf.if %cond3A_117 {
        %dma_wait3A = arith.constant 0 : i32
        %dma_wait3A_143 = arith.constant 0 : i32
        %dma_wait3A_144 = tpu.memref_slice %arg3[%dma_wait3A, %dma_wait3A_143] : memref<100x1000001xf32, #tpu.memory_space<hbm>> -> memref<100x128xf32, #tpu.memory_space<hbm>>
        %dma_wait3A_145 = arith.constant 0 : i32
        %dma_wait3A_146 = arith.constant 0 : i32
        %dma_wait3A_147 = tpu.memref_slice %arg3[%dma_wait3A_145, %dma_wait3A_146] : memref<100x1000001xf32, #tpu.memory_space<hbm>> -> memref<100x128xf32, #tpu.memory_space<hbm>>
        tpu.wait_dma2 semaphore(%arg21 : memref<!tpu.dma_semaphore, #tpu.memory_space<semaphore_mem>>) src(%dma_wait3A_147 : memref<100x128xf32, #tpu.memory_space<hbm>>) dst(%arg6 : memref<100x128xf32, #tpu.memory_space<vmem>>)
        %while3A_148 = arith.subi %add3A_111, %squeeze3A_107 : i32
        %while3A_149 = arith.addi %squeeze3A_107, %while3A_148 : i32
        %while3A_150 = arith.constant 1 : i32
        %while3A_151 = arith.divsi %while3A_148, %while3A_150 : i32
        %while3A_152 = arith.muli %while3A_151, %while3A_150 : i32
        %while3A_153 = arith.addi %squeeze3A_107, %while3A_152 : i32
        %while3A_154 = arith.constant 1 : i32
        scf.for %while3A_162 = %squeeze3A_107 to %while3A_153 step %while3A_154  : i32 {
          %get3A = arith.index_cast %while3A_162 : i32 to index
          %get3A_163 = tpu.vector_load %arg14[%get3A] {strides = array<i32>} : memref<1040xi32, #tpu.memory_space<vmem>>, vector<16xi32>,
          %get3A_164 = arith.index_cast %while3A_162 : i32 to index
          %get3A_165 = tpu.vector_load %arg15[%get3A_164] {strides = array<i32>} : memref<1040xi32, #tpu.memory_space<vmem>>, vector<16xi32>,
          %slice3A_166 = vector.extract_strided_slice %get3A_163 {offsets = [0], sizes = [1], strides = [1]} : vector<16xi32> to vector<1xi32>
          %squeeze3A_167 = vector.extract %slice3A_166[0] : i32 from vector<1xi32>
          %slice3A_168 = vector.extract_strided_slice %get3A_165 {offsets = [0], sizes = [1], strides = [1]} : vector<16xi32> to vector<1xi32>
          %squeeze3A_169 = vector.extract %slice3A_168[0] : i32 from vector<1xi32>
          %rem3A_170 = arith.constant 128 : i32
          %rem3A_171 = arith.remsi %squeeze3A_167, %rem3A_170 : i32
          %broadcast_in_dim3A_172 = vector.broadcast %rem3A_171 : i32 to vector<16xi32>
          %rem3A_173 = arith.constant 16 : i32
          %rem3A_174 = arith.remsi %while3A_162, %rem3A_173 : i32
          %mul3A_175 = arith.constant 112 : i32
          %mul3A_176 = arith.muli %rem3A_174, %mul3A_175 : i32
          %add3A_177 = arith.constant 0 : i32
          %add3A_178 = vector.broadcast %add3A_177 : i32 to vector<16xi32>
          %add3A_179 = arith.addi %iota3A, %add3A_178 : vector<16xi32>
          %gather3A_180 = tpu.vector_load_idx %arg6[%add3A_179, %broadcast_in_dim3A_172] : memref<100x128xf32, #tpu.memory_space<vmem>>[vector<16xi32>, vector<16xi32>], vector<16xf32>,
          %add3A_181 = arith.constant 0 : i32
          %add3A_182 = arith.addi %mul3A_176, %add3A_181 : i32
          %swap3A = arith.index_cast %add3A_182 : i32 to index
          %swap3A_183 = tpu.vector_load %arg20[%swap3A] {strides = array<i32>} : memref<1808xf32, #tpu.memory_space<vmem>>, vector<16xf32>,
          tpu.vector_store %arg20[%swap3A], %gather3A_180 {strides = array<i32>} : memref<1808xf32, #tpu.memory_space<vmem>>, vector<16xf32>,
          %add3A_184 = arith.constant 16 : i32
          %add3A_185 = vector.broadcast %add3A_184 : i32 to vector<16xi32>
          %add3A_186 = arith.addi %iota3A, %add3A_185 : vector<16xi32>
          %gather3A_187 = tpu.vector_load_idx %arg6[%add3A_186, %broadcast_in_dim3A_172] : memref<100x128xf32, #tpu.memory_space<vmem>>[vector<16xi32>, vector<16xi32>], vector<16xf32>,
          %add3A_188 = arith.constant 16 : i32
          %add3A_189 = arith.addi %mul3A_176, %add3A_188 : i32
          %swap3A_190 = arith.index_cast %add3A_189 : i32 to index
          %swap3A_191 = tpu.vector_load %arg20[%swap3A_190] {strides = array<i32>} : memref<1808xf32, #tpu.memory_space<vmem>>, vector<16xf32>,
          tpu.vector_store %arg20[%swap3A_190], %gather3A_187 {strides = array<i32>} : memref<1808xf32, #tpu.memory_space<vmem>>, vector<16xf32>,
          %add3A_192 = arith.constant 32 : i32
          %add3A_193 = vector.broadcast %add3A_192 : i32 to vector<16xi32>
          %add3A_194 = arith.addi %iota3A, %add3A_193 : vector<16xi32>
          %gather3A_195 = tpu.vector_load_idx %arg6[%add3A_194, %broadcast_in_dim3A_172] : memref<100x128xf32, #tpu.memory_space<vmem>>[vector<16xi32>, vector<16xi32>], vector<16xf32>,
          %add3A_196 = arith.constant 32 : i32
          %add3A_197 = arith.addi %mul3A_176, %add3A_196 : i32
          %swap3A_198 = arith.index_cast %add3A_197 : i32 to index
          %swap3A_199 = tpu.vector_load %arg20[%swap3A_198] {strides = array<i32>} : memref<1808xf32, #tpu.memory_space<vmem>>, vector<16xf32>,
          tpu.vector_store %arg20[%swap3A_198], %gather3A_195 {strides = array<i32>} : memref<1808xf32, #tpu.memory_space<vmem>>, vector<16xf32>,
          %add3A_200 = arith.constant 48 : i32
          %add3A_201 = vector.broadcast %add3A_200 : i32 to vector<16xi32>
          %add3A_202 = arith.addi %iota3A, %add3A_201 : vector<16xi32>
          %gather3A_203 = tpu.vector_load_idx %arg6[%add3A_202, %broadcast_in_dim3A_172] : memref<100x128xf32, #tpu.memory_space<vmem>>[vector<16xi32>, vector<16xi32>], vector<16xf32>,
          %add3A_204 = arith.constant 48 : i32
          %add3A_205 = arith.addi %mul3A_176, %add3A_204 : i32
          %swap3A_206 = arith.index_cast %add3A_205 : i32 to index
          %swap3A_207 = tpu.vector_load %arg20[%swap3A_206] {strides = array<i32>} : memref<1808xf32, #tpu.memory_space<vmem>>, vector<16xf32>,
          tpu.vector_store %arg20[%swap3A_206], %gather3A_203 {strides = array<i32>} : memref<1808xf32, #tpu.memory_space<vmem>>, vector<16xf32>,
          %add3A_208 = arith.constant 64 : i32
          %add3A_209 = vector.broadcast %add3A_208 : i32 to vector<16xi32>
          %add3A_210 = arith.addi %iota3A, %add3A_209 : vector<16xi32>
          %gather3A_211 = tpu.vector_load_idx %arg6[%add3A_210, %broadcast_in_dim3A_172] : memref<100x128xf32, #tpu.memory_space<vmem>>[vector<16xi32>, vector<16xi32>], vector<16xf32>,
          %add3A_212 = arith.constant 64 : i32
          %add3A_213 = arith.addi %mul3A_176, %add3A_212 : i32
          %swap3A_214 = arith.index_cast %add3A_213 : i32 to index
          %swap3A_215 = tpu.vector_load %arg20[%swap3A_214] {strides = array<i32>} : memref<1808xf32, #tpu.memory_space<vmem>>, vector<16xf32>,
          tpu.vector_store %arg20[%swap3A_214], %gather3A_211 {strides = array<i32>} : memref<1808xf32, #tpu.memory_space<vmem>>, vector<16xf32>,
          %add3A_216 = arith.constant 80 : i32
          %add3A_217 = vector.broadcast %add3A_216 : i32 to vector<16xi32>
          %add3A_218 = arith.addi %iota3A, %add3A_217 : vector<16xi32>
          %gather3A_219 = tpu.vector_load_idx %arg6[%add3A_218, %broadcast_in_dim3A_172] : memref<100x128xf32, #tpu.memory_space<vmem>>[vector<16xi32>, vector<16xi32>], vector<16xf32>,
          %add3A_220 = arith.constant 80 : i32
          %add3A_221 = arith.addi %mul3A_176, %add3A_220 : i32
          %swap3A_222 = arith.index_cast %add3A_221 : i32 to index
          %swap3A_223 = tpu.vector_load %arg20[%swap3A_222] {strides = array<i32>} : memref<1808xf32, #tpu.memory_space<vmem>>, vector<16xf32>,
          tpu.vector_store %arg20[%swap3A_222], %gather3A_219 {strides = array<i32>} : memref<1808xf32, #tpu.memory_space<vmem>>, vector<16xf32>,
          %add3A_224 = arith.constant 96 : i32
          %add3A_225 = vector.broadcast %add3A_224 : i32 to vector<16xi32>
          %add3A_226 = arith.addi %iota3A, %add3A_225 : vector<16xi32>
          %min3A_227 = arith.constant 99 : i32
          %min3A_228 = vector.broadcast %min3A_227 : i32 to vector<16xi32>
          %min3A_229 = arith.minsi %add3A_226, %min3A_228 : vector<16xi32>
          %gather3A_230 = tpu.vector_load_idx %arg6[%min3A_229, %broadcast_in_dim3A_172] : memref<100x128xf32, #tpu.memory_space<vmem>>[vector<16xi32>, vector<16xi32>], vector<16xf32>,
          %add3A_231 = arith.constant 96 : i32
          %add3A_232 = arith.addi %mul3A_176, %add3A_231 : i32
          %swap3A_233 = arith.index_cast %add3A_232 : i32 to index
          %swap3A_234 = tpu.vector_load %arg20[%swap3A_233] {strides = array<i32>} : memref<1808xf32, #tpu.memory_space<vmem>>, vector<16xf32>,
          tpu.vector_store %arg20[%swap3A_233], %gather3A_230 {strides = array<i32>} : memref<1808xf32, #tpu.memory_space<vmem>>, vector<16xf32>,
          %ge3A = arith.constant 16 : i32
          %ge3A_235 = arith.cmpi sge, %while3A_162, %ge3A : i32
          %convert_element_type3A_236 = arith.extui %ge3A_235 : i1 to i32
          %cond3A_237 = arith.constant 0 : i32
          %cond3A_238 = arith.cmpi ne, %convert_element_type3A_236, %cond3A_237 : i32
          scf.if %cond3A_238 {
            %dma_wait3A_244 = tpu.memref_slice %arg20[%mul3A_176] : memref<1808xf32, #tpu.memory_space<vmem>> -> memref<104xf32, #tpu.memory_space<vmem>>
            %dma_wait3A_245 = arith.constant 0 : i32
            %dma_wait3A_246 = tpu.memref_slice %arg4[%dma_wait3A_245] : memref<1703936xf32, #tpu.memory_space<hbm>> -> memref<104xf32, #tpu.memory_space<hbm>>
            %dma_wait3A_247 = tpu.memref_slice %arg20[%mul3A_176] : memref<1808xf32, #tpu.memory_space<vmem>> -> memref<104xf32, #tpu.memory_space<vmem>>
            %dma_wait3A_248 = arith.constant 0 : i32
            %dma_wait3A_249 = tpu.memref_slice %arg4[%dma_wait3A_248] : memref<1703936xf32, #tpu.memory_space<hbm>> -> memref<104xf32, #tpu.memory_space<hbm>>
            tpu.wait_dma2 semaphore(%arg27 : memref<!tpu.dma_semaphore, #tpu.memory_space<semaphore_mem>>) src(%dma_wait3A_249 : memref<104xf32, #tpu.memory_space<hbm>>) dst(%dma_wait3A_247 : memref<104xf32, #tpu.memory_space<vmem>>)
          } else {
          }
          %mul3A_239 = arith.constant 104 : i32
          %mul3A_240 = arith.muli %squeeze3A_169, %mul3A_239 : i32
          %dma_start3A = tpu.memref_slice %arg20[%mul3A_176] : memref<1808xf32, #tpu.memory_space<vmem>> -> memref<104xf32, #tpu.memory_space<vmem>>
          %dma_start3A_241 = tpu.memref_slice %arg4[%mul3A_240] : memref<1703936xf32, #tpu.memory_space<hbm>> -> memref<104xf32, #tpu.memory_space<hbm>>
          %dma_start3A_242 = tpu.memref_slice %arg4[%mul3A_240] : memref<1703936xf32, #tpu.memory_space<hbm>> -> memref<104xf32, #tpu.memory_space<hbm>>
          %dma_start3A_243 = tpu.memref_slice %arg20[%mul3A_176] : memref<1808xf32, #tpu.memory_space<vmem>> -> memref<104xf32, #tpu.memory_space<vmem>>
          tpu.enqueue_dma source(%dma_start3A_243 : memref<104xf32, #tpu.memory_space<vmem>>) target(%dma_start3A_242 : memref<104xf32, #tpu.memory_space<hbm>>) target_semaphore(%arg27 : memref<!tpu.dma_semaphore, #tpu.memory_space<semaphore_mem>>)
        }
        %while3A_155 = arith.constant 1 : i32
        scf.for %while3A_162 = %while3A_153 to %while3A_149 step %while3A_155  : i32 {
          %get3A = arith.index_cast %while3A_162 : i32 to index
          %get3A_163 = tpu.vector_load %arg14[%get3A] {strides = array<i32>} : memref<1040xi32, #tpu.memory_space<vmem>>, vector<16xi32>,
          %get3A_164 = arith.index_cast %while3A_162 : i32 to index
          %get3A_165 = tpu.vector_load %arg15[%get3A_164] {strides = array<i32>} : memref<1040xi32, #tpu.memory_space<vmem>>, vector<16xi32>,
          %slice3A_166 = vector.extract_strided_slice %get3A_163 {offsets = [0], sizes = [1], strides = [1]} : vector<16xi32> to vector<1xi32>
          %squeeze3A_167 = vector.extract %slice3A_166[0] : i32 from vector<1xi32>
          %slice3A_168 = vector.extract_strided_slice %get3A_165 {offsets = [0], sizes = [1], strides = [1]} : vector<16xi32> to vector<1xi32>
          %squeeze3A_169 = vector.extract %slice3A_168[0] : i32 from vector<1xi32>
          %rem3A_170 = arith.constant 128 : i32
          %rem3A_171 = arith.remsi %squeeze3A_167, %rem3A_170 : i32
          %broadcast_in_dim3A_172 = vector.broadcast %rem3A_171 : i32 to vector<16xi32>
          %rem3A_173 = arith.constant 16 : i32
          %rem3A_174 = arith.remsi %while3A_162, %rem3A_173 : i32
          %mul3A_175 = arith.constant 112 : i32
          %mul3A_176 = arith.muli %rem3A_174, %mul3A_175 : i32
          %add3A_177 = arith.constant 0 : i32
          %add3A_178 = vector.broadcast %add3A_177 : i32 to vector<16xi32>
          %add3A_179 = arith.addi %iota3A, %add3A_178 : vector<16xi32>
          %gather3A_180 = tpu.vector_load_idx %arg6[%add3A_179, %broadcast_in_dim3A_172] : memref<100x128xf32, #tpu.memory_space<vmem>>[vector<16xi32>, vector<16xi32>], vector<16xf32>,
          %add3A_181 = arith.constant 0 : i32
          %add3A_182 = arith.addi %mul3A_176, %add3A_181 : i32
          %swap3A = arith.index_cast %add3A_182 : i32 to index
          %swap3A_183 = tpu.vector_load %arg20[%swap3A] {strides = array<i32>} : memref<1808xf32, #tpu.memory_space<vmem>>, vector<16xf32>,
          tpu.vector_store %arg20[%swap3A], %gather3A_180 {strides = array<i32>} : memref<1808xf32, #tpu.memory_space<vmem>>, vector<16xf32>,
          %add3A_184 = arith.constant 16 : i32
          %add3A_185 = vector.broadcast %add3A_184 : i32 to vector<16xi32>
          %add3A_186 = arith.addi %iota3A, %add3A_185 : vector<16xi32>
          %gather3A_187 = tpu.vector_load_idx %arg6[%add3A_186, %broadcast_in_dim3A_172] : memref<100x128xf32, #tpu.memory_space<vmem>>[vector<16xi32>, vector<16xi32>], vector<16xf32>,
          %add3A_188 = arith.constant 16 : i32
          %add3A_189 = arith.addi %mul3A_176, %add3A_188 : i32
          %swap3A_190 = arith.index_cast %add3A_189 : i32 to index
          %swap3A_191 = tpu.vector_load %arg20[%swap3A_190] {strides = array<i32>} : memref<1808xf32, #tpu.memory_space<vmem>>, vector<16xf32>,
          tpu.vector_store %arg20[%swap3A_190], %gather3A_187 {strides = array<i32>} : memref<1808xf32, #tpu.memory_space<vmem>>, vector<16xf32>,
          %add3A_192 = arith.constant 32 : i32
          %add3A_193 = vector.broadcast %add3A_192 : i32 to vector<16xi32>
          %add3A_194 = arith.addi %iota3A, %add3A_193 : vector<16xi32>
          %gather3A_195 = tpu.vector_load_idx %arg6[%add3A_194, %broadcast_in_dim3A_172] : memref<100x128xf32, #tpu.memory_space<vmem>>[vector<16xi32>, vector<16xi32>], vector<16xf32>,
          %add3A_196 = arith.constant 32 : i32
          %add3A_197 = arith.addi %mul3A_176, %add3A_196 : i32
          %swap3A_198 = arith.index_cast %add3A_197 : i32 to index
          %swap3A_199 = tpu.vector_load %arg20[%swap3A_198] {strides = array<i32>} : memref<1808xf32, #tpu.memory_space<vmem>>, vector<16xf32>,
          tpu.vector_store %arg20[%swap3A_198], %gather3A_195 {strides = array<i32>} : memref<1808xf32, #tpu.memory_space<vmem>>, vector<16xf32>,
          %add3A_200 = arith.constant 48 : i32
          %add3A_201 = vector.broadcast %add3A_200 : i32 to vector<16xi32>
          %add3A_202 = arith.addi %iota3A, %add3A_201 : vector<16xi32>
          %gather3A_203 = tpu.vector_load_idx %arg6[%add3A_202, %broadcast_in_dim3A_172] : memref<100x128xf32, #tpu.memory_space<vmem>>[vector<16xi32>, vector<16xi32>], vector<16xf32>,
          %add3A_204 = arith.constant 48 : i32
          %add3A_205 = arith.addi %mul3A_176, %add3A_204 : i32
          %swap3A_206 = arith.index_cast %add3A_205 : i32 to index
          %swap3A_207 = tpu.vector_load %arg20[%swap3A_206] {strides = array<i32>} : memref<1808xf32, #tpu.memory_space<vmem>>, vector<16xf32>,
          tpu.vector_store %arg20[%swap3A_206], %gather3A_203 {strides = array<i32>} : memref<1808xf32, #tpu.memory_space<vmem>>, vector<16xf32>,
          %add3A_208 = arith.constant 64 : i32
          %add3A_209 = vector.broadcast %add3A_208 : i32 to vector<16xi32>
          %add3A_210 = arith.addi %iota3A, %add3A_209 : vector<16xi32>
          %gather3A_211 = tpu.vector_load_idx %arg6[%add3A_210, %broadcast_in_dim3A_172] : memref<100x128xf32, #tpu.memory_space<vmem>>[vector<16xi32>, vector<16xi32>], vector<16xf32>,
          %add3A_212 = arith.constant 64 : i32
          %add3A_213 = arith.addi %mul3A_176, %add3A_212 : i32
          %swap3A_214 = arith.index_cast %add3A_213 : i32 to index
          %swap3A_215 = tpu.vector_load %arg20[%swap3A_214] {strides = array<i32>} : memref<1808xf32, #tpu.memory_space<vmem>>, vector<16xf32>,
          tpu.vector_store %arg20[%swap3A_214], %gather3A_211 {strides = array<i32>} : memref<1808xf32, #tpu.memory_space<vmem>>, vector<16xf32>,
          %add3A_216 = arith.constant 80 : i32
          %add3A_217 = vector.broadcast %add3A_216 : i32 to vector<16xi32>
          %add3A_218 = arith.addi %iota3A, %add3A_217 : vector<16xi32>
          %gather3A_219 = tpu.vector_load_idx %arg6[%add3A_218, %broadcast_in_dim3A_172] : memref<100x128xf32, #tpu.memory_space<vmem>>[vector<16xi32>, vector<16xi32>], vector<16xf32>,
          %add3A_220 = arith.constant 80 : i32
          %add3A_221 = arith.addi %mul3A_176, %add3A_220 : i32
          %swap3A_222 = arith.index_cast %add3A_221 : i32 to index
          %swap3A_223 = tpu.vector_load %arg20[%swap3A_222] {strides = array<i32>} : memref<1808xf32, #tpu.memory_space<vmem>>, vector<16xf32>,
          tpu.vector_store %arg20[%swap3A_222], %gather3A_219 {strides = array<i32>} : memref<1808xf32, #tpu.memory_space<vmem>>, vector<16xf32>,
          %add3A_224 = arith.constant 96 : i32
          %add3A_225 = vector.broadcast %add3A_224 : i32 to vector<16xi32>
          %add3A_226 = arith.addi %iota3A, %add3A_225 : vector<16xi32>
          %min3A_227 = arith.constant 99 : i32
          %min3A_228 = vector.broadcast %min3A_227 : i32 to vector<16xi32>
          %min3A_229 = arith.minsi %add3A_226, %min3A_228 : vector<16xi32>
          %gather3A_230 = tpu.vector_load_idx %arg6[%min3A_229, %broadcast_in_dim3A_172] : memref<100x128xf32, #tpu.memory_space<vmem>>[vector<16xi32>, vector<16xi32>], vector<16xf32>,
          %add3A_231 = arith.constant 96 : i32
          %add3A_232 = arith.addi %mul3A_176, %add3A_231 : i32
          %swap3A_233 = arith.index_cast %add3A_232 : i32 to index
          %swap3A_234 = tpu.vector_load %arg20[%swap3A_233] {strides = array<i32>} : memref<1808xf32, #tpu.memory_space<vmem>>, vector<16xf32>,
          tpu.vector_store %arg20[%swap3A_233], %gather3A_230 {strides = array<i32>} : memref<1808xf32, #tpu.memory_space<vmem>>, vector<16xf32>,
          %ge3A = arith.constant 16 : i32
          %ge3A_235 = arith.cmpi sge, %while3A_162, %ge3A : i32
          %convert_element_type3A_236 = arith.extui %ge3A_235 : i1 to i32
          %cond3A_237 = arith.constant 0 : i32
          %cond3A_238 = arith.cmpi ne, %convert_element_type3A_236, %cond3A_237 : i32
          scf.if %cond3A_238 {
            %dma_wait3A_244 = tpu.memref_slice %arg20[%mul3A_176] : memref<1808xf32, #tpu.memory_space<vmem>> -> memref<104xf32, #tpu.memory_space<vmem>>
            %dma_wait3A_245 = arith.constant 0 : i32
            %dma_wait3A_246 = tpu.memref_slice %arg4[%dma_wait3A_245] : memref<1703936xf32, #tpu.memory_space<hbm>> -> memref<104xf32, #tpu.memory_space<hbm>>
            %dma_wait3A_247 = tpu.memref_slice %arg20[%mul3A_176] : memref<1808xf32, #tpu.memory_space<vmem>> -> memref<104xf32, #tpu.memory_space<vmem>>
            %dma_wait3A_248 = arith.constant 0 : i32
            %dma_wait3A_249 = tpu.memref_slice %arg4[%dma_wait3A_248] : memref<1703936xf32, #tpu.memory_space<hbm>> -> memref<104xf32, #tpu.memory_space<hbm>>
            tpu.wait_dma2 semaphore(%arg27 : memref<!tpu.dma_semaphore, #tpu.memory_space<semaphore_mem>>) src(%dma_wait3A_249 : memref<104xf32, #tpu.memory_space<hbm>>) dst(%dma_wait3A_247 : memref<104xf32, #tpu.memory_space<vmem>>)
          } else {
          }
          %mul3A_239 = arith.constant 104 : i32
          %mul3A_240 = arith.muli %squeeze3A_169, %mul3A_239 : i32
          %dma_start3A = tpu.memref_slice %arg20[%mul3A_176] : memref<1808xf32, #tpu.memory_space<vmem>> -> memref<104xf32, #tpu.memory_space<vmem>>
          %dma_start3A_241 = tpu.memref_slice %arg4[%mul3A_240] : memref<1703936xf32, #tpu.memory_space<hbm>> -> memref<104xf32, #tpu.memory_space<hbm>>
          %dma_start3A_242 = tpu.memref_slice %arg4[%mul3A_240] : memref<1703936xf32, #tpu.memory_space<hbm>> -> memref<104xf32, #tpu.memory_space<hbm>>
          %dma_start3A_243 = tpu.memref_slice %arg20[%mul3A_176] : memref<1808xf32, #tpu.memory_space<vmem>> -> memref<104xf32, #tpu.memory_space<vmem>>
          tpu.enqueue_dma source(%dma_start3A_243 : memref<104xf32, #tpu.memory_space<vmem>>) target(%dma_start3A_242 : memref<104xf32, #tpu.memory_space<hbm>>) target_semaphore(%arg27 : memref<!tpu.dma_semaphore, #tpu.memory_space<semaphore_mem>>)
        }
        %add3A_156 = arith.constant 6 : i32
        %add3A_157 = arith.addi %while3A_102, %add3A_156 : i32
        %lt3A_158 = arith.cmpi slt, %add3A_157, %scan3A_53 : i32
        %convert_element_type3A_159 = arith.extui %lt3A_158 : i1 to i32
        %cond3A_160 = arith.constant 0 : i32
        %cond3A_161 = arith.cmpi ne, %convert_element_type3A_159, %cond3A_160 : i32
        scf.if %cond3A_161 {
          %broadcast_in_dim3A_162 = vector.broadcast %while3A_102 : i32 to vector<16xi32>
          %add3A_163 = arith.constant 6 : i32
          %add3A_164 = vector.broadcast %add3A_163 : i32 to vector<16xi32>
          %add3A_165 = arith.addi %broadcast_in_dim3A_162, %add3A_164 : vector<16xi32>
          %gather3A_166 = tpu.vector_load_idx %arg19[%add3A_165] : memref<272xi32, #tpu.memory_space<vmem>>[vector<16xi32>], vector<16xi32>,
          %slice3A_167 = vector.extract_strided_slice %gather3A_166 {offsets = [0], sizes = [1], strides = [1]} : vector<16xi32> to vector<1xi32>
          %squeeze3A_168 = vector.extract %slice3A_167[0] : i32 from vector<1xi32>
          %add3A_169 = arith.addi %add3A_4, %squeeze3A_168 : i32
          %mul3A_170 = arith.constant 128 : i32
          %mul3A_171 = arith.muli %add3A_169, %mul3A_170 : i32
          %multiple_of3A = tpu.assume_multiple %mul3A_171, 128 : i32
          %dma_start3A = arith.constant 0 : i32
          %dma_start3A_172 = tpu.memref_slice %arg3[%dma_start3A, %multiple_of3A] : memref<100x1000001xf32, #tpu.memory_space<hbm>> -> memref<100x128xf32, #tpu.memory_space<hbm>>
          %dma_start3A_173 = arith.constant 0 : i32
          %dma_start3A_174 = tpu.memref_slice %arg3[%dma_start3A_173, %multiple_of3A] : memref<100x1000001xf32, #tpu.memory_space<hbm>> -> memref<100x128xf32, #tpu.memory_space<hbm>>
          tpu.enqueue_dma source(%dma_start3A_174 : memref<100x128xf32, #tpu.memory_space<hbm>>) target(%arg6 : memref<100x128xf32, #tpu.memory_space<vmem>>) target_semaphore(%arg21 : memref<!tpu.dma_semaphore, #tpu.memory_space<semaphore_mem>>)
        } else {
        }
      } else {
      }
      %eq3A_118 = arith.constant 1 : i32
      %eq3A_119 = arith.cmpi eq, %rem3A_112, %eq3A_118 : i32
      %convert_element_type3A_120 = arith.extui %eq3A_119 : i1 to i32
      %cond3A_121 = arith.constant 0 : i32
      %cond3A_122 = arith.cmpi ne, %convert_element_type3A_120, %cond3A_121 : i32
      scf.if %cond3A_122 {
        %dma_wait3A = arith.constant 0 : i32
        %dma_wait3A_143 = arith.constant 0 : i32
        %dma_wait3A_144 = tpu.memref_slice %arg3[%dma_wait3A, %dma_wait3A_143] : memref<100x1000001xf32, #tpu.memory_space<hbm>> -> memref<100x128xf32, #tpu.memory_space<hbm>>
        %dma_wait3A_145 = arith.constant 0 : i32
        %dma_wait3A_146 = arith.constant 0 : i32
        %dma_wait3A_147 = tpu.memref_slice %arg3[%dma_wait3A_145, %dma_wait3A_146] : memref<100x1000001xf32, #tpu.memory_space<hbm>> -> memref<100x128xf32, #tpu.memory_space<hbm>>
        tpu.wait_dma2 semaphore(%arg22 : memref<!tpu.dma_semaphore, #tpu.memory_space<semaphore_mem>>) src(%dma_wait3A_147 : memref<100x128xf32, #tpu.memory_space<hbm>>) dst(%arg7 : memref<100x128xf32, #tpu.memory_space<vmem>>)
        %while3A_148 = arith.subi %add3A_111, %squeeze3A_107 : i32
        %while3A_149 = arith.addi %squeeze3A_107, %while3A_148 : i32
        %while3A_150 = arith.constant 1 : i32
        %while3A_151 = arith.divsi %while3A_148, %while3A_150 : i32
        %while3A_152 = arith.muli %while3A_151, %while3A_150 : i32
        %while3A_153 = arith.addi %squeeze3A_107, %while3A_152 : i32
        %while3A_154 = arith.constant 1 : i32
        scf.for %while3A_162 = %squeeze3A_107 to %while3A_153 step %while3A_154  : i32 {
          %get3A = arith.index_cast %while3A_162 : i32 to index
          %get3A_163 = tpu.vector_load %arg14[%get3A] {strides = array<i32>} : memref<1040xi32, #tpu.memory_space<vmem>>, vector<16xi32>,
          %get3A_164 = arith.index_cast %while3A_162 : i32 to index
          %get3A_165 = tpu.vector_load %arg15[%get3A_164] {strides = array<i32>} : memref<1040xi32, #tpu.memory_space<vmem>>, vector<16xi32>,
          %slice3A_166 = vector.extract_strided_slice %get3A_163 {offsets = [0], sizes = [1], strides = [1]} : vector<16xi32> to vector<1xi32>
          %squeeze3A_167 = vector.extract %slice3A_166[0] : i32 from vector<1xi32>
          %slice3A_168 = vector.extract_strided_slice %get3A_165 {offsets = [0], sizes = [1], strides = [1]} : vector<16xi32> to vector<1xi32>
          %squeeze3A_169 = vector.extract %slice3A_168[0] : i32 from vector<1xi32>
          %rem3A_170 = arith.constant 128 : i32
          %rem3A_171 = arith.remsi %squeeze3A_167, %rem3A_170 : i32
          %broadcast_in_dim3A_172 = vector.broadcast %rem3A_171 : i32 to vector<16xi32>
          %rem3A_173 = arith.constant 16 : i32
          %rem3A_174 = arith.remsi %while3A_162, %rem3A_173 : i32
          %mul3A_175 = arith.constant 112 : i32
          %mul3A_176 = arith.muli %rem3A_174, %mul3A_175 : i32
          %add3A_177 = arith.constant 0 : i32
          %add3A_178 = vector.broadcast %add3A_177 : i32 to vector<16xi32>
          %add3A_179 = arith.addi %iota3A, %add3A_178 : vector<16xi32>
          %gather3A_180 = tpu.vector_load_idx %arg7[%add3A_179, %broadcast_in_dim3A_172] : memref<100x128xf32, #tpu.memory_space<vmem>>[vector<16xi32>, vector<16xi32>], vector<16xf32>,
          %add3A_181 = arith.constant 0 : i32
          %add3A_182 = arith.addi %mul3A_176, %add3A_181 : i32
          %swap3A = arith.index_cast %add3A_182 : i32 to index
          %swap3A_183 = tpu.vector_load %arg20[%swap3A] {strides = array<i32>} : memref<1808xf32, #tpu.memory_space<vmem>>, vector<16xf32>,
          tpu.vector_store %arg20[%swap3A], %gather3A_180 {strides = array<i32>} : memref<1808xf32, #tpu.memory_space<vmem>>, vector<16xf32>,
          %add3A_184 = arith.constant 16 : i32
          %add3A_185 = vector.broadcast %add3A_184 : i32 to vector<16xi32>
          %add3A_186 = arith.addi %iota3A, %add3A_185 : vector<16xi32>
          %gather3A_187 = tpu.vector_load_idx %arg7[%add3A_186, %broadcast_in_dim3A_172] : memref<100x128xf32, #tpu.memory_space<vmem>>[vector<16xi32>, vector<16xi32>], vector<16xf32>,
          %add3A_188 = arith.constant 16 : i32
          %add3A_189 = arith.addi %mul3A_176, %add3A_188 : i32
          %swap3A_190 = arith.index_cast %add3A_189 : i32 to index
          %swap3A_191 = tpu.vector_load %arg20[%swap3A_190] {strides = array<i32>} : memref<1808xf32, #tpu.memory_space<vmem>>, vector<16xf32>,
          tpu.vector_store %arg20[%swap3A_190], %gather3A_187 {strides = array<i32>} : memref<1808xf32, #tpu.memory_space<vmem>>, vector<16xf32>,
          %add3A_192 = arith.constant 32 : i32
          %add3A_193 = vector.broadcast %add3A_192 : i32 to vector<16xi32>
          %add3A_194 = arith.addi %iota3A, %add3A_193 : vector<16xi32>
          %gather3A_195 = tpu.vector_load_idx %arg7[%add3A_194, %broadcast_in_dim3A_172] : memref<100x128xf32, #tpu.memory_space<vmem>>[vector<16xi32>, vector<16xi32>], vector<16xf32>,
          %add3A_196 = arith.constant 32 : i32
          %add3A_197 = arith.addi %mul3A_176, %add3A_196 : i32
          %swap3A_198 = arith.index_cast %add3A_197 : i32 to index
          %swap3A_199 = tpu.vector_load %arg20[%swap3A_198] {strides = array<i32>} : memref<1808xf32, #tpu.memory_space<vmem>>, vector<16xf32>,
          tpu.vector_store %arg20[%swap3A_198], %gather3A_195 {strides = array<i32>} : memref<1808xf32, #tpu.memory_space<vmem>>, vector<16xf32>,
          %add3A_200 = arith.constant 48 : i32
          %add3A_201 = vector.broadcast %add3A_200 : i32 to vector<16xi32>
          %add3A_202 = arith.addi %iota3A, %add3A_201 : vector<16xi32>
          %gather3A_203 = tpu.vector_load_idx %arg7[%add3A_202, %broadcast_in_dim3A_172] : memref<100x128xf32, #tpu.memory_space<vmem>>[vector<16xi32>, vector<16xi32>], vector<16xf32>,
          %add3A_204 = arith.constant 48 : i32
          %add3A_205 = arith.addi %mul3A_176, %add3A_204 : i32
          %swap3A_206 = arith.index_cast %add3A_205 : i32 to index
          %swap3A_207 = tpu.vector_load %arg20[%swap3A_206] {strides = array<i32>} : memref<1808xf32, #tpu.memory_space<vmem>>, vector<16xf32>,
          tpu.vector_store %arg20[%swap3A_206], %gather3A_203 {strides = array<i32>} : memref<1808xf32, #tpu.memory_space<vmem>>, vector<16xf32>,
          %add3A_208 = arith.constant 64 : i32
          %add3A_209 = vector.broadcast %add3A_208 : i32 to vector<16xi32>
          %add3A_210 = arith.addi %iota3A, %add3A_209 : vector<16xi32>
          %gather3A_211 = tpu.vector_load_idx %arg7[%add3A_210, %broadcast_in_dim3A_172] : memref<100x128xf32, #tpu.memory_space<vmem>>[vector<16xi32>, vector<16xi32>], vector<16xf32>,
          %add3A_212 = arith.constant 64 : i32
          %add3A_213 = arith.addi %mul3A_176, %add3A_212 : i32
          %swap3A_214 = arith.index_cast %add3A_213 : i32 to index
          %swap3A_215 = tpu.vector_load %arg20[%swap3A_214] {strides = array<i32>} : memref<1808xf32, #tpu.memory_space<vmem>>, vector<16xf32>,
          tpu.vector_store %arg20[%swap3A_214], %gather3A_211 {strides = array<i32>} : memref<1808xf32, #tpu.memory_space<vmem>>, vector<16xf32>,
          %add3A_216 = arith.constant 80 : i32
          %add3A_217 = vector.broadcast %add3A_216 : i32 to vector<16xi32>
          %add3A_218 = arith.addi %iota3A, %add3A_217 : vector<16xi32>
          %gather3A_219 = tpu.vector_load_idx %arg7[%add3A_218, %broadcast_in_dim3A_172] : memref<100x128xf32, #tpu.memory_space<vmem>>[vector<16xi32>, vector<16xi32>], vector<16xf32>,
          %add3A_220 = arith.constant 80 : i32
          %add3A_221 = arith.addi %mul3A_176, %add3A_220 : i32
          %swap3A_222 = arith.index_cast %add3A_221 : i32 to index
          %swap3A_223 = tpu.vector_load %arg20[%swap3A_222] {strides = array<i32>} : memref<1808xf32, #tpu.memory_space<vmem>>, vector<16xf32>,
          tpu.vector_store %arg20[%swap3A_222], %gather3A_219 {strides = array<i32>} : memref<1808xf32, #tpu.memory_space<vmem>>, vector<16xf32>,
          %add3A_224 = arith.constant 96 : i32
          %add3A_225 = vector.broadcast %add3A_224 : i32 to vector<16xi32>
          %add3A_226 = arith.addi %iota3A, %add3A_225 : vector<16xi32>
          %min3A_227 = arith.constant 99 : i32
          %min3A_228 = vector.broadcast %min3A_227 : i32 to vector<16xi32>
          %min3A_229 = arith.minsi %add3A_226, %min3A_228 : vector<16xi32>
          %gather3A_230 = tpu.vector_load_idx %arg7[%min3A_229, %broadcast_in_dim3A_172] : memref<100x128xf32, #tpu.memory_space<vmem>>[vector<16xi32>, vector<16xi32>], vector<16xf32>,
          %add3A_231 = arith.constant 96 : i32
          %add3A_232 = arith.addi %mul3A_176, %add3A_231 : i32
          %swap3A_233 = arith.index_cast %add3A_232 : i32 to index
          %swap3A_234 = tpu.vector_load %arg20[%swap3A_233] {strides = array<i32>} : memref<1808xf32, #tpu.memory_space<vmem>>, vector<16xf32>,
          tpu.vector_store %arg20[%swap3A_233], %gather3A_230 {strides = array<i32>} : memref<1808xf32, #tpu.memory_space<vmem>>, vector<16xf32>,
          %ge3A = arith.constant 16 : i32
          %ge3A_235 = arith.cmpi sge, %while3A_162, %ge3A : i32
          %convert_element_type3A_236 = arith.extui %ge3A_235 : i1 to i32
          %cond3A_237 = arith.constant 0 : i32
          %cond3A_238 = arith.cmpi ne, %convert_element_type3A_236, %cond3A_237 : i32
          scf.if %cond3A_238 {
            %dma_wait3A_244 = tpu.memref_slice %arg20[%mul3A_176] : memref<1808xf32, #tpu.memory_space<vmem>> -> memref<104xf32, #tpu.memory_space<vmem>>
            %dma_wait3A_245 = arith.constant 0 : i32
            %dma_wait3A_246 = tpu.memref_slice %arg4[%dma_wait3A_245] : memref<1703936xf32, #tpu.memory_space<hbm>> -> memref<104xf32, #tpu.memory_space<hbm>>
            %dma_wait3A_247 = tpu.memref_slice %arg20[%mul3A_176] : memref<1808xf32, #tpu.memory_space<vmem>> -> memref<104xf32, #tpu.memory_space<vmem>>
            %dma_wait3A_248 = arith.constant 0 : i32
            %dma_wait3A_249 = tpu.memref_slice %arg4[%dma_wait3A_248] : memref<1703936xf32, #tpu.memory_space<hbm>> -> memref<104xf32, #tpu.memory_space<hbm>>
            tpu.wait_dma2 semaphore(%arg27 : memref<!tpu.dma_semaphore, #tpu.memory_space<semaphore_mem>>) src(%dma_wait3A_249 : memref<104xf32, #tpu.memory_space<hbm>>) dst(%dma_wait3A_247 : memref<104xf32, #tpu.memory_space<vmem>>)
          } else {
          }
          %mul3A_239 = arith.constant 104 : i32
          %mul3A_240 = arith.muli %squeeze3A_169, %mul3A_239 : i32
          %dma_start3A = tpu.memref_slice %arg20[%mul3A_176] : memref<1808xf32, #tpu.memory_space<vmem>> -> memref<104xf32, #tpu.memory_space<vmem>>
          %dma_start3A_241 = tpu.memref_slice %arg4[%mul3A_240] : memref<1703936xf32, #tpu.memory_space<hbm>> -> memref<104xf32, #tpu.memory_space<hbm>>
          %dma_start3A_242 = tpu.memref_slice %arg4[%mul3A_240] : memref<1703936xf32, #tpu.memory_space<hbm>> -> memref<104xf32, #tpu.memory_space<hbm>>
          %dma_start3A_243 = tpu.memref_slice %arg20[%mul3A_176] : memref<1808xf32, #tpu.memory_space<vmem>> -> memref<104xf32, #tpu.memory_space<vmem>>
          tpu.enqueue_dma source(%dma_start3A_243 : memref<104xf32, #tpu.memory_space<vmem>>) target(%dma_start3A_242 : memref<104xf32, #tpu.memory_space<hbm>>) target_semaphore(%arg27 : memref<!tpu.dma_semaphore, #tpu.memory_space<semaphore_mem>>)
        }
        %while3A_155 = arith.constant 1 : i32
        scf.for %while3A_162 = %while3A_153 to %while3A_149 step %while3A_155  : i32 {
          %get3A = arith.index_cast %while3A_162 : i32 to index
          %get3A_163 = tpu.vector_load %arg14[%get3A] {strides = array<i32>} : memref<1040xi32, #tpu.memory_space<vmem>>, vector<16xi32>,
          %get3A_164 = arith.index_cast %while3A_162 : i32 to index
          %get3A_165 = tpu.vector_load %arg15[%get3A_164] {strides = array<i32>} : memref<1040xi32, #tpu.memory_space<vmem>>, vector<16xi32>,
          %slice3A_166 = vector.extract_strided_slice %get3A_163 {offsets = [0], sizes = [1], strides = [1]} : vector<16xi32> to vector<1xi32>
          %squeeze3A_167 = vector.extract %slice3A_166[0] : i32 from vector<1xi32>
          %slice3A_168 = vector.extract_strided_slice %get3A_165 {offsets = [0], sizes = [1], strides = [1]} : vector<16xi32> to vector<1xi32>
          %squeeze3A_169 = vector.extract %slice3A_168[0] : i32 from vector<1xi32>
          %rem3A_170 = arith.constant 128 : i32
          %rem3A_171 = arith.remsi %squeeze3A_167, %rem3A_170 : i32
          %broadcast_in_dim3A_172 = vector.broadcast %rem3A_171 : i32 to vector<16xi32>
          %rem3A_173 = arith.constant 16 : i32
          %rem3A_174 = arith.remsi %while3A_162, %rem3A_173 : i32
          %mul3A_175 = arith.constant 112 : i32
          %mul3A_176 = arith.muli %rem3A_174, %mul3A_175 : i32
          %add3A_177 = arith.constant 0 : i32
          %add3A_178 = vector.broadcast %add3A_177 : i32 to vector<16xi32>
          %add3A_179 = arith.addi %iota3A, %add3A_178 : vector<16xi32>
          %gather3A_180 = tpu.vector_load_idx %arg7[%add3A_179, %broadcast_in_dim3A_172] : memref<100x128xf32, #tpu.memory_space<vmem>>[vector<16xi32>, vector<16xi32>], vector<16xf32>,
          %add3A_181 = arith.constant 0 : i32
          %add3A_182 = arith.addi %mul3A_176, %add3A_181 : i32
          %swap3A = arith.index_cast %add3A_182 : i32 to index
          %swap3A_183 = tpu.vector_load %arg20[%swap3A] {strides = array<i32>} : memref<1808xf32, #tpu.memory_space<vmem>>, vector<16xf32>,
          tpu.vector_store %arg20[%swap3A], %gather3A_180 {strides = array<i32>} : memref<1808xf32, #tpu.memory_space<vmem>>, vector<16xf32>,
          %add3A_184 = arith.constant 16 : i32
          %add3A_185 = vector.broadcast %add3A_184 : i32 to vector<16xi32>
          %add3A_186 = arith.addi %iota3A, %add3A_185 : vector<16xi32>
          %gather3A_187 = tpu.vector_load_idx %arg7[%add3A_186, %broadcast_in_dim3A_172] : memref<100x128xf32, #tpu.memory_space<vmem>>[vector<16xi32>, vector<16xi32>], vector<16xf32>,
          %add3A_188 = arith.constant 16 : i32
          %add3A_189 = arith.addi %mul3A_176, %add3A_188 : i32
          %swap3A_190 = arith.index_cast %add3A_189 : i32 to index
          %swap3A_191 = tpu.vector_load %arg20[%swap3A_190] {strides = array<i32>} : memref<1808xf32, #tpu.memory_space<vmem>>, vector<16xf32>,
          tpu.vector_store %arg20[%swap3A_190], %gather3A_187 {strides = array<i32>} : memref<1808xf32, #tpu.memory_space<vmem>>, vector<16xf32>,
          %add3A_192 = arith.constant 32 : i32
          %add3A_193 = vector.broadcast %add3A_192 : i32 to vector<16xi32>
          %add3A_194 = arith.addi %iota3A, %add3A_193 : vector<16xi32>
          %gather3A_195 = tpu.vector_load_idx %arg7[%add3A_194, %broadcast_in_dim3A_172] : memref<100x128xf32, #tpu.memory_space<vmem>>[vector<16xi32>, vector<16xi32>], vector<16xf32>,
          %add3A_196 = arith.constant 32 : i32
          %add3A_197 = arith.addi %mul3A_176, %add3A_196 : i32
          %swap3A_198 = arith.index_cast %add3A_197 : i32 to index
          %swap3A_199 = tpu.vector_load %arg20[%swap3A_198] {strides = array<i32>} : memref<1808xf32, #tpu.memory_space<vmem>>, vector<16xf32>,
          tpu.vector_store %arg20[%swap3A_198], %gather3A_195 {strides = array<i32>} : memref<1808xf32, #tpu.memory_space<vmem>>, vector<16xf32>,
          %add3A_200 = arith.constant 48 : i32
          %add3A_201 = vector.broadcast %add3A_200 : i32 to vector<16xi32>
          %add3A_202 = arith.addi %iota3A, %add3A_201 : vector<16xi32>
          %gather3A_203 = tpu.vector_load_idx %arg7[%add3A_202, %broadcast_in_dim3A_172] : memref<100x128xf32, #tpu.memory_space<vmem>>[vector<16xi32>, vector<16xi32>], vector<16xf32>,
          %add3A_204 = arith.constant 48 : i32
          %add3A_205 = arith.addi %mul3A_176, %add3A_204 : i32
          %swap3A_206 = arith.index_cast %add3A_205 : i32 to index
          %swap3A_207 = tpu.vector_load %arg20[%swap3A_206] {strides = array<i32>} : memref<1808xf32, #tpu.memory_space<vmem>>, vector<16xf32>,
          tpu.vector_store %arg20[%swap3A_206], %gather3A_203 {strides = array<i32>} : memref<1808xf32, #tpu.memory_space<vmem>>, vector<16xf32>,
          %add3A_208 = arith.constant 64 : i32
          %add3A_209 = vector.broadcast %add3A_208 : i32 to vector<16xi32>
          %add3A_210 = arith.addi %iota3A, %add3A_209 : vector<16xi32>
          %gather3A_211 = tpu.vector_load_idx %arg7[%add3A_210, %broadcast_in_dim3A_172] : memref<100x128xf32, #tpu.memory_space<vmem>>[vector<16xi32>, vector<16xi32>], vector<16xf32>,
          %add3A_212 = arith.constant 64 : i32
          %add3A_213 = arith.addi %mul3A_176, %add3A_212 : i32
          %swap3A_214 = arith.index_cast %add3A_213 : i32 to index
          %swap3A_215 = tpu.vector_load %arg20[%swap3A_214] {strides = array<i32>} : memref<1808xf32, #tpu.memory_space<vmem>>, vector<16xf32>,
          tpu.vector_store %arg20[%swap3A_214], %gather3A_211 {strides = array<i32>} : memref<1808xf32, #tpu.memory_space<vmem>>, vector<16xf32>,
          %add3A_216 = arith.constant 80 : i32
          %add3A_217 = vector.broadcast %add3A_216 : i32 to vector<16xi32>
          %add3A_218 = arith.addi %iota3A, %add3A_217 : vector<16xi32>
          %gather3A_219 = tpu.vector_load_idx %arg7[%add3A_218, %broadcast_in_dim3A_172] : memref<100x128xf32, #tpu.memory_space<vmem>>[vector<16xi32>, vector<16xi32>], vector<16xf32>,
          %add3A_220 = arith.constant 80 : i32
          %add3A_221 = arith.addi %mul3A_176, %add3A_220 : i32
          %swap3A_222 = arith.index_cast %add3A_221 : i32 to index
          %swap3A_223 = tpu.vector_load %arg20[%swap3A_222] {strides = array<i32>} : memref<1808xf32, #tpu.memory_space<vmem>>, vector<16xf32>,
          tpu.vector_store %arg20[%swap3A_222], %gather3A_219 {strides = array<i32>} : memref<1808xf32, #tpu.memory_space<vmem>>, vector<16xf32>,
          %add3A_224 = arith.constant 96 : i32
          %add3A_225 = vector.broadcast %add3A_224 : i32 to vector<16xi32>
          %add3A_226 = arith.addi %iota3A, %add3A_225 : vector<16xi32>
          %min3A_227 = arith.constant 99 : i32
          %min3A_228 = vector.broadcast %min3A_227 : i32 to vector<16xi32>
          %min3A_229 = arith.minsi %add3A_226, %min3A_228 : vector<16xi32>
          %gather3A_230 = tpu.vector_load_idx %arg7[%min3A_229, %broadcast_in_dim3A_172] : memref<100x128xf32, #tpu.memory_space<vmem>>[vector<16xi32>, vector<16xi32>], vector<16xf32>,
          %add3A_231 = arith.constant 96 : i32
          %add3A_232 = arith.addi %mul3A_176, %add3A_231 : i32
          %swap3A_233 = arith.index_cast %add3A_232 : i32 to index
          %swap3A_234 = tpu.vector_load %arg20[%swap3A_233] {strides = array<i32>} : memref<1808xf32, #tpu.memory_space<vmem>>, vector<16xf32>,
          tpu.vector_store %arg20[%swap3A_233], %gather3A_230 {strides = array<i32>} : memref<1808xf32, #tpu.memory_space<vmem>>, vector<16xf32>,
          %ge3A = arith.constant 16 : i32
          %ge3A_235 = arith.cmpi sge, %while3A_162, %ge3A : i32
          %convert_element_type3A_236 = arith.extui %ge3A_235 : i1 to i32
          %cond3A_237 = arith.constant 0 : i32
          %cond3A_238 = arith.cmpi ne, %convert_element_type3A_236, %cond3A_237 : i32
          scf.if %cond3A_238 {
            %dma_wait3A_244 = tpu.memref_slice %arg20[%mul3A_176] : memref<1808xf32, #tpu.memory_space<vmem>> -> memref<104xf32, #tpu.memory_space<vmem>>
            %dma_wait3A_245 = arith.constant 0 : i32
            %dma_wait3A_246 = tpu.memref_slice %arg4[%dma_wait3A_245] : memref<1703936xf32, #tpu.memory_space<hbm>> -> memref<104xf32, #tpu.memory_space<hbm>>
            %dma_wait3A_247 = tpu.memref_slice %arg20[%mul3A_176] : memref<1808xf32, #tpu.memory_space<vmem>> -> memref<104xf32, #tpu.memory_space<vmem>>
            %dma_wait3A_248 = arith.constant 0 : i32
            %dma_wait3A_249 = tpu.memref_slice %arg4[%dma_wait3A_248] : memref<1703936xf32, #tpu.memory_space<hbm>> -> memref<104xf32, #tpu.memory_space<hbm>>
            tpu.wait_dma2 semaphore(%arg27 : memref<!tpu.dma_semaphore, #tpu.memory_space<semaphore_mem>>) src(%dma_wait3A_249 : memref<104xf32, #tpu.memory_space<hbm>>) dst(%dma_wait3A_247 : memref<104xf32, #tpu.memory_space<vmem>>)
          } else {
          }
          %mul3A_239 = arith.constant 104 : i32
          %mul3A_240 = arith.muli %squeeze3A_169, %mul3A_239 : i32
          %dma_start3A = tpu.memref_slice %arg20[%mul3A_176] : memref<1808xf32, #tpu.memory_space<vmem>> -> memref<104xf32, #tpu.memory_space<vmem>>
          %dma_start3A_241 = tpu.memref_slice %arg4[%mul3A_240] : memref<1703936xf32, #tpu.memory_space<hbm>> -> memref<104xf32, #tpu.memory_space<hbm>>
          %dma_start3A_242 = tpu.memref_slice %arg4[%mul3A_240] : memref<1703936xf32, #tpu.memory_space<hbm>> -> memref<104xf32, #tpu.memory_space<hbm>>
          %dma_start3A_243 = tpu.memref_slice %arg20[%mul3A_176] : memref<1808xf32, #tpu.memory_space<vmem>> -> memref<104xf32, #tpu.memory_space<vmem>>
          tpu.enqueue_dma source(%dma_start3A_243 : memref<104xf32, #tpu.memory_space<vmem>>) target(%dma_start3A_242 : memref<104xf32, #tpu.memory_space<hbm>>) target_semaphore(%arg27 : memref<!tpu.dma_semaphore, #tpu.memory_space<semaphore_mem>>)
        }
        %add3A_156 = arith.constant 6 : i32
        %add3A_157 = arith.addi %while3A_102, %add3A_156 : i32
        %lt3A_158 = arith.cmpi slt, %add3A_157, %scan3A_53 : i32
        %convert_element_type3A_159 = arith.extui %lt3A_158 : i1 to i32
        %cond3A_160 = arith.constant 0 : i32
        %cond3A_161 = arith.cmpi ne, %convert_element_type3A_159, %cond3A_160 : i32
        scf.if %cond3A_161 {
          %broadcast_in_dim3A_162 = vector.broadcast %while3A_102 : i32 to vector<16xi32>
          %add3A_163 = arith.constant 6 : i32
          %add3A_164 = vector.broadcast %add3A_163 : i32 to vector<16xi32>
          %add3A_165 = arith.addi %broadcast_in_dim3A_162, %add3A_164 : vector<16xi32>
          %gather3A_166 = tpu.vector_load_idx %arg19[%add3A_165] : memref<272xi32, #tpu.memory_space<vmem>>[vector<16xi32>], vector<16xi32>,
          %slice3A_167 = vector.extract_strided_slice %gather3A_166 {offsets = [0], sizes = [1], strides = [1]} : vector<16xi32> to vector<1xi32>
          %squeeze3A_168 = vector.extract %slice3A_167[0] : i32 from vector<1xi32>
          %add3A_169 = arith.addi %add3A_4, %squeeze3A_168 : i32
          %mul3A_170 = arith.constant 128 : i32
          %mul3A_171 = arith.muli %add3A_169, %mul3A_170 : i32
          %multiple_of3A = tpu.assume_multiple %mul3A_171, 128 : i32
          %dma_start3A = arith.constant 0 : i32
          %dma_start3A_172 = tpu.memref_slice %arg3[%dma_start3A, %multiple_of3A] : memref<100x1000001xf32, #tpu.memory_space<hbm>> -> memref<100x128xf32, #tpu.memory_space<hbm>>
          %dma_start3A_173 = arith.constant 0 : i32
          %dma_start3A_174 = tpu.memref_slice %arg3[%dma_start3A_173, %multiple_of3A] : memref<100x1000001xf32, #tpu.memory_space<hbm>> -> memref<100x128xf32, #tpu.memory_space<hbm>>
          tpu.enqueue_dma source(%dma_start3A_174 : memref<100x128xf32, #tpu.memory_space<hbm>>) target(%arg7 : memref<100x128xf32, #tpu.memory_space<vmem>>) target_semaphore(%arg22 : memref<!tpu.dma_semaphore, #tpu.memory_space<semaphore_mem>>)
        } else {
        }
      } else {
      }
      %eq3A_123 = arith.constant 2 : i32
      %eq3A_124 = arith.cmpi eq, %rem3A_112, %eq3A_123 : i32
      %convert_element_type3A_125 = arith.extui %eq3A_124 : i1 to i32
      %cond3A_126 = arith.constant 0 : i32
      %cond3A_127 = arith.cmpi ne, %convert_element_type3A_125, %cond3A_126 : i32
      scf.if %cond3A_127 {
        %dma_wait3A = arith.constant 0 : i32
        %dma_wait3A_143 = arith.constant 0 : i32
        %dma_wait3A_144 = tpu.memref_slice %arg3[%dma_wait3A, %dma_wait3A_143] : memref<100x1000001xf32, #tpu.memory_space<hbm>> -> memref<100x128xf32, #tpu.memory_space<hbm>>
        %dma_wait3A_145 = arith.constant 0 : i32
        %dma_wait3A_146 = arith.constant 0 : i32
        %dma_wait3A_147 = tpu.memref_slice %arg3[%dma_wait3A_145, %dma_wait3A_146] : memref<100x1000001xf32, #tpu.memory_space<hbm>> -> memref<100x128xf32, #tpu.memory_space<hbm>>
        tpu.wait_dma2 semaphore(%arg23 : memref<!tpu.dma_semaphore, #tpu.memory_space<semaphore_mem>>) src(%dma_wait3A_147 : memref<100x128xf32, #tpu.memory_space<hbm>>) dst(%arg8 : memref<100x128xf32, #tpu.memory_space<vmem>>)
        %while3A_148 = arith.subi %add3A_111, %squeeze3A_107 : i32
        %while3A_149 = arith.addi %squeeze3A_107, %while3A_148 : i32
        %while3A_150 = arith.constant 1 : i32
        %while3A_151 = arith.divsi %while3A_148, %while3A_150 : i32
        %while3A_152 = arith.muli %while3A_151, %while3A_150 : i32
        %while3A_153 = arith.addi %squeeze3A_107, %while3A_152 : i32
        %while3A_154 = arith.constant 1 : i32
        scf.for %while3A_162 = %squeeze3A_107 to %while3A_153 step %while3A_154  : i32 {
          %get3A = arith.index_cast %while3A_162 : i32 to index
          %get3A_163 = tpu.vector_load %arg14[%get3A] {strides = array<i32>} : memref<1040xi32, #tpu.memory_space<vmem>>, vector<16xi32>,
          %get3A_164 = arith.index_cast %while3A_162 : i32 to index
          %get3A_165 = tpu.vector_load %arg15[%get3A_164] {strides = array<i32>} : memref<1040xi32, #tpu.memory_space<vmem>>, vector<16xi32>,
          %slice3A_166 = vector.extract_strided_slice %get3A_163 {offsets = [0], sizes = [1], strides = [1]} : vector<16xi32> to vector<1xi32>
          %squeeze3A_167 = vector.extract %slice3A_166[0] : i32 from vector<1xi32>
          %slice3A_168 = vector.extract_strided_slice %get3A_165 {offsets = [0], sizes = [1], strides = [1]} : vector<16xi32> to vector<1xi32>
          %squeeze3A_169 = vector.extract %slice3A_168[0] : i32 from vector<1xi32>
          %rem3A_170 = arith.constant 128 : i32
          %rem3A_171 = arith.remsi %squeeze3A_167, %rem3A_170 : i32
          %broadcast_in_dim3A_172 = vector.broadcast %rem3A_171 : i32 to vector<16xi32>
          %rem3A_173 = arith.constant 16 : i32
          %rem3A_174 = arith.remsi %while3A_162, %rem3A_173 : i32
          %mul3A_175 = arith.constant 112 : i32
          %mul3A_176 = arith.muli %rem3A_174, %mul3A_175 : i32
          %add3A_177 = arith.constant 0 : i32
          %add3A_178 = vector.broadcast %add3A_177 : i32 to vector<16xi32>
          %add3A_179 = arith.addi %iota3A, %add3A_178 : vector<16xi32>
          %gather3A_180 = tpu.vector_load_idx %arg8[%add3A_179, %broadcast_in_dim3A_172] : memref<100x128xf32, #tpu.memory_space<vmem>>[vector<16xi32>, vector<16xi32>], vector<16xf32>,
          %add3A_181 = arith.constant 0 : i32
          %add3A_182 = arith.addi %mul3A_176, %add3A_181 : i32
          %swap3A = arith.index_cast %add3A_182 : i32 to index
          %swap3A_183 = tpu.vector_load %arg20[%swap3A] {strides = array<i32>} : memref<1808xf32, #tpu.memory_space<vmem>>, vector<16xf32>,
          tpu.vector_store %arg20[%swap3A], %gather3A_180 {strides = array<i32>} : memref<1808xf32, #tpu.memory_space<vmem>>, vector<16xf32>,
          %add3A_184 = arith.constant 16 : i32
          %add3A_185 = vector.broadcast %add3A_184 : i32 to vector<16xi32>
          %add3A_186 = arith.addi %iota3A, %add3A_185 : vector<16xi32>
          %gather3A_187 = tpu.vector_load_idx %arg8[%add3A_186, %broadcast_in_dim3A_172] : memref<100x128xf32, #tpu.memory_space<vmem>>[vector<16xi32>, vector<16xi32>], vector<16xf32>,
          %add3A_188 = arith.constant 16 : i32
          %add3A_189 = arith.addi %mul3A_176, %add3A_188 : i32
          %swap3A_190 = arith.index_cast %add3A_189 : i32 to index
          %swap3A_191 = tpu.vector_load %arg20[%swap3A_190] {strides = array<i32>} : memref<1808xf32, #tpu.memory_space<vmem>>, vector<16xf32>,
          tpu.vector_store %arg20[%swap3A_190], %gather3A_187 {strides = array<i32>} : memref<1808xf32, #tpu.memory_space<vmem>>, vector<16xf32>,
          %add3A_192 = arith.constant 32 : i32
          %add3A_193 = vector.broadcast %add3A_192 : i32 to vector<16xi32>
          %add3A_194 = arith.addi %iota3A, %add3A_193 : vector<16xi32>
          %gather3A_195 = tpu.vector_load_idx %arg8[%add3A_194, %broadcast_in_dim3A_172] : memref<100x128xf32, #tpu.memory_space<vmem>>[vector<16xi32>, vector<16xi32>], vector<16xf32>,
          %add3A_196 = arith.constant 32 : i32
          %add3A_197 = arith.addi %mul3A_176, %add3A_196 : i32
          %swap3A_198 = arith.index_cast %add3A_197 : i32 to index
          %swap3A_199 = tpu.vector_load %arg20[%swap3A_198] {strides = array<i32>} : memref<1808xf32, #tpu.memory_space<vmem>>, vector<16xf32>,
          tpu.vector_store %arg20[%swap3A_198], %gather3A_195 {strides = array<i32>} : memref<1808xf32, #tpu.memory_space<vmem>>, vector<16xf32>,
          %add3A_200 = arith.constant 48 : i32
          %add3A_201 = vector.broadcast %add3A_200 : i32 to vector<16xi32>
          %add3A_202 = arith.addi %iota3A, %add3A_201 : vector<16xi32>
          %gather3A_203 = tpu.vector_load_idx %arg8[%add3A_202, %broadcast_in_dim3A_172] : memref<100x128xf32, #tpu.memory_space<vmem>>[vector<16xi32>, vector<16xi32>], vector<16xf32>,
          %add3A_204 = arith.constant 48 : i32
          %add3A_205 = arith.addi %mul3A_176, %add3A_204 : i32
          %swap3A_206 = arith.index_cast %add3A_205 : i32 to index
          %swap3A_207 = tpu.vector_load %arg20[%swap3A_206] {strides = array<i32>} : memref<1808xf32, #tpu.memory_space<vmem>>, vector<16xf32>,
          tpu.vector_store %arg20[%swap3A_206], %gather3A_203 {strides = array<i32>} : memref<1808xf32, #tpu.memory_space<vmem>>, vector<16xf32>,
          %add3A_208 = arith.constant 64 : i32
          %add3A_209 = vector.broadcast %add3A_208 : i32 to vector<16xi32>
          %add3A_210 = arith.addi %iota3A, %add3A_209 : vector<16xi32>
          %gather3A_211 = tpu.vector_load_idx %arg8[%add3A_210, %broadcast_in_dim3A_172] : memref<100x128xf32, #tpu.memory_space<vmem>>[vector<16xi32>, vector<16xi32>], vector<16xf32>,
          %add3A_212 = arith.constant 64 : i32
          %add3A_213 = arith.addi %mul3A_176, %add3A_212 : i32
          %swap3A_214 = arith.index_cast %add3A_213 : i32 to index
          %swap3A_215 = tpu.vector_load %arg20[%swap3A_214] {strides = array<i32>} : memref<1808xf32, #tpu.memory_space<vmem>>, vector<16xf32>,
          tpu.vector_store %arg20[%swap3A_214], %gather3A_211 {strides = array<i32>} : memref<1808xf32, #tpu.memory_space<vmem>>, vector<16xf32>,
          %add3A_216 = arith.constant 80 : i32
          %add3A_217 = vector.broadcast %add3A_216 : i32 to vector<16xi32>
          %add3A_218 = arith.addi %iota3A, %add3A_217 : vector<16xi32>
          %gather3A_219 = tpu.vector_load_idx %arg8[%add3A_218, %broadcast_in_dim3A_172] : memref<100x128xf32, #tpu.memory_space<vmem>>[vector<16xi32>, vector<16xi32>], vector<16xf32>,
          %add3A_220 = arith.constant 80 : i32
          %add3A_221 = arith.addi %mul3A_176, %add3A_220 : i32
          %swap3A_222 = arith.index_cast %add3A_221 : i32 to index
          %swap3A_223 = tpu.vector_load %arg20[%swap3A_222] {strides = array<i32>} : memref<1808xf32, #tpu.memory_space<vmem>>, vector<16xf32>,
          tpu.vector_store %arg20[%swap3A_222], %gather3A_219 {strides = array<i32>} : memref<1808xf32, #tpu.memory_space<vmem>>, vector<16xf32>,
          %add3A_224 = arith.constant 96 : i32
          %add3A_225 = vector.broadcast %add3A_224 : i32 to vector<16xi32>
          %add3A_226 = arith.addi %iota3A, %add3A_225 : vector<16xi32>
          %min3A_227 = arith.constant 99 : i32
          %min3A_228 = vector.broadcast %min3A_227 : i32 to vector<16xi32>
          %min3A_229 = arith.minsi %add3A_226, %min3A_228 : vector<16xi32>
          %gather3A_230 = tpu.vector_load_idx %arg8[%min3A_229, %broadcast_in_dim3A_172] : memref<100x128xf32, #tpu.memory_space<vmem>>[vector<16xi32>, vector<16xi32>], vector<16xf32>,
          %add3A_231 = arith.constant 96 : i32
          %add3A_232 = arith.addi %mul3A_176, %add3A_231 : i32
          %swap3A_233 = arith.index_cast %add3A_232 : i32 to index
          %swap3A_234 = tpu.vector_load %arg20[%swap3A_233] {strides = array<i32>} : memref<1808xf32, #tpu.memory_space<vmem>>, vector<16xf32>,
          tpu.vector_store %arg20[%swap3A_233], %gather3A_230 {strides = array<i32>} : memref<1808xf32, #tpu.memory_space<vmem>>, vector<16xf32>,
          %ge3A = arith.constant 16 : i32
          %ge3A_235 = arith.cmpi sge, %while3A_162, %ge3A : i32
          %convert_element_type3A_236 = arith.extui %ge3A_235 : i1 to i32
          %cond3A_237 = arith.constant 0 : i32
          %cond3A_238 = arith.cmpi ne, %convert_element_type3A_236, %cond3A_237 : i32
          scf.if %cond3A_238 {
            %dma_wait3A_244 = tpu.memref_slice %arg20[%mul3A_176] : memref<1808xf32, #tpu.memory_space<vmem>> -> memref<104xf32, #tpu.memory_space<vmem>>
            %dma_wait3A_245 = arith.constant 0 : i32
            %dma_wait3A_246 = tpu.memref_slice %arg4[%dma_wait3A_245] : memref<1703936xf32, #tpu.memory_space<hbm>> -> memref<104xf32, #tpu.memory_space<hbm>>
            %dma_wait3A_247 = tpu.memref_slice %arg20[%mul3A_176] : memref<1808xf32, #tpu.memory_space<vmem>> -> memref<104xf32, #tpu.memory_space<vmem>>
            %dma_wait3A_248 = arith.constant 0 : i32
            %dma_wait3A_249 = tpu.memref_slice %arg4[%dma_wait3A_248] : memref<1703936xf32, #tpu.memory_space<hbm>> -> memref<104xf32, #tpu.memory_space<hbm>>
            tpu.wait_dma2 semaphore(%arg27 : memref<!tpu.dma_semaphore, #tpu.memory_space<semaphore_mem>>) src(%dma_wait3A_249 : memref<104xf32, #tpu.memory_space<hbm>>) dst(%dma_wait3A_247 : memref<104xf32, #tpu.memory_space<vmem>>)
          } else {
          }
          %mul3A_239 = arith.constant 104 : i32
          %mul3A_240 = arith.muli %squeeze3A_169, %mul3A_239 : i32
          %dma_start3A = tpu.memref_slice %arg20[%mul3A_176] : memref<1808xf32, #tpu.memory_space<vmem>> -> memref<104xf32, #tpu.memory_space<vmem>>
          %dma_start3A_241 = tpu.memref_slice %arg4[%mul3A_240] : memref<1703936xf32, #tpu.memory_space<hbm>> -> memref<104xf32, #tpu.memory_space<hbm>>
          %dma_start3A_242 = tpu.memref_slice %arg4[%mul3A_240] : memref<1703936xf32, #tpu.memory_space<hbm>> -> memref<104xf32, #tpu.memory_space<hbm>>
          %dma_start3A_243 = tpu.memref_slice %arg20[%mul3A_176] : memref<1808xf32, #tpu.memory_space<vmem>> -> memref<104xf32, #tpu.memory_space<vmem>>
          tpu.enqueue_dma source(%dma_start3A_243 : memref<104xf32, #tpu.memory_space<vmem>>) target(%dma_start3A_242 : memref<104xf32, #tpu.memory_space<hbm>>) target_semaphore(%arg27 : memref<!tpu.dma_semaphore, #tpu.memory_space<semaphore_mem>>)
        }
        %while3A_155 = arith.constant 1 : i32
        scf.for %while3A_162 = %while3A_153 to %while3A_149 step %while3A_155  : i32 {
          %get3A = arith.index_cast %while3A_162 : i32 to index
          %get3A_163 = tpu.vector_load %arg14[%get3A] {strides = array<i32>} : memref<1040xi32, #tpu.memory_space<vmem>>, vector<16xi32>,
          %get3A_164 = arith.index_cast %while3A_162 : i32 to index
          %get3A_165 = tpu.vector_load %arg15[%get3A_164] {strides = array<i32>} : memref<1040xi32, #tpu.memory_space<vmem>>, vector<16xi32>,
          %slice3A_166 = vector.extract_strided_slice %get3A_163 {offsets = [0], sizes = [1], strides = [1]} : vector<16xi32> to vector<1xi32>
          %squeeze3A_167 = vector.extract %slice3A_166[0] : i32 from vector<1xi32>
          %slice3A_168 = vector.extract_strided_slice %get3A_165 {offsets = [0], sizes = [1], strides = [1]} : vector<16xi32> to vector<1xi32>
          %squeeze3A_169 = vector.extract %slice3A_168[0] : i32 from vector<1xi32>
          %rem3A_170 = arith.constant 128 : i32
          %rem3A_171 = arith.remsi %squeeze3A_167, %rem3A_170 : i32
          %broadcast_in_dim3A_172 = vector.broadcast %rem3A_171 : i32 to vector<16xi32>
          %rem3A_173 = arith.constant 16 : i32
          %rem3A_174 = arith.remsi %while3A_162, %rem3A_173 : i32
          %mul3A_175 = arith.constant 112 : i32
          %mul3A_176 = arith.muli %rem3A_174, %mul3A_175 : i32
          %add3A_177 = arith.constant 0 : i32
          %add3A_178 = vector.broadcast %add3A_177 : i32 to vector<16xi32>
          %add3A_179 = arith.addi %iota3A, %add3A_178 : vector<16xi32>
          %gather3A_180 = tpu.vector_load_idx %arg8[%add3A_179, %broadcast_in_dim3A_172] : memref<100x128xf32, #tpu.memory_space<vmem>>[vector<16xi32>, vector<16xi32>], vector<16xf32>,
          %add3A_181 = arith.constant 0 : i32
          %add3A_182 = arith.addi %mul3A_176, %add3A_181 : i32
          %swap3A = arith.index_cast %add3A_182 : i32 to index
          %swap3A_183 = tpu.vector_load %arg20[%swap3A] {strides = array<i32>} : memref<1808xf32, #tpu.memory_space<vmem>>, vector<16xf32>,
          tpu.vector_store %arg20[%swap3A], %gather3A_180 {strides = array<i32>} : memref<1808xf32, #tpu.memory_space<vmem>>, vector<16xf32>,
          %add3A_184 = arith.constant 16 : i32
          %add3A_185 = vector.broadcast %add3A_184 : i32 to vector<16xi32>
          %add3A_186 = arith.addi %iota3A, %add3A_185 : vector<16xi32>
          %gather3A_187 = tpu.vector_load_idx %arg8[%add3A_186, %broadcast_in_dim3A_172] : memref<100x128xf32, #tpu.memory_space<vmem>>[vector<16xi32>, vector<16xi32>], vector<16xf32>,
          %add3A_188 = arith.constant 16 : i32
          %add3A_189 = arith.addi %mul3A_176, %add3A_188 : i32
          %swap3A_190 = arith.index_cast %add3A_189 : i32 to index
          %swap3A_191 = tpu.vector_load %arg20[%swap3A_190] {strides = array<i32>} : memref<1808xf32, #tpu.memory_space<vmem>>, vector<16xf32>,
          tpu.vector_store %arg20[%swap3A_190], %gather3A_187 {strides = array<i32>} : memref<1808xf32, #tpu.memory_space<vmem>>, vector<16xf32>,
          %add3A_192 = arith.constant 32 : i32
          %add3A_193 = vector.broadcast %add3A_192 : i32 to vector<16xi32>
          %add3A_194 = arith.addi %iota3A, %add3A_193 : vector<16xi32>
          %gather3A_195 = tpu.vector_load_idx %arg8[%add3A_194, %broadcast_in_dim3A_172] : memref<100x128xf32, #tpu.memory_space<vmem>>[vector<16xi32>, vector<16xi32>], vector<16xf32>,
          %add3A_196 = arith.constant 32 : i32
          %add3A_197 = arith.addi %mul3A_176, %add3A_196 : i32
          %swap3A_198 = arith.index_cast %add3A_197 : i32 to index
          %swap3A_199 = tpu.vector_load %arg20[%swap3A_198] {strides = array<i32>} : memref<1808xf32, #tpu.memory_space<vmem>>, vector<16xf32>,
          tpu.vector_store %arg20[%swap3A_198], %gather3A_195 {strides = array<i32>} : memref<1808xf32, #tpu.memory_space<vmem>>, vector<16xf32>,
          %add3A_200 = arith.constant 48 : i32
          %add3A_201 = vector.broadcast %add3A_200 : i32 to vector<16xi32>
          %add3A_202 = arith.addi %iota3A, %add3A_201 : vector<16xi32>
          %gather3A_203 = tpu.vector_load_idx %arg8[%add3A_202, %broadcast_in_dim3A_172] : memref<100x128xf32, #tpu.memory_space<vmem>>[vector<16xi32>, vector<16xi32>], vector<16xf32>,
          %add3A_204 = arith.constant 48 : i32
          %add3A_205 = arith.addi %mul3A_176, %add3A_204 : i32
          %swap3A_206 = arith.index_cast %add3A_205 : i32 to index
          %swap3A_207 = tpu.vector_load %arg20[%swap3A_206] {strides = array<i32>} : memref<1808xf32, #tpu.memory_space<vmem>>, vector<16xf32>,
          tpu.vector_store %arg20[%swap3A_206], %gather3A_203 {strides = array<i32>} : memref<1808xf32, #tpu.memory_space<vmem>>, vector<16xf32>,
          %add3A_208 = arith.constant 64 : i32
          %add3A_209 = vector.broadcast %add3A_208 : i32 to vector<16xi32>
          %add3A_210 = arith.addi %iota3A, %add3A_209 : vector<16xi32>
          %gather3A_211 = tpu.vector_load_idx %arg8[%add3A_210, %broadcast_in_dim3A_172] : memref<100x128xf32, #tpu.memory_space<vmem>>[vector<16xi32>, vector<16xi32>], vector<16xf32>,
          %add3A_212 = arith.constant 64 : i32
          %add3A_213 = arith.addi %mul3A_176, %add3A_212 : i32
          %swap3A_214 = arith.index_cast %add3A_213 : i32 to index
          %swap3A_215 = tpu.vector_load %arg20[%swap3A_214] {strides = array<i32>} : memref<1808xf32, #tpu.memory_space<vmem>>, vector<16xf32>,
          tpu.vector_store %arg20[%swap3A_214], %gather3A_211 {strides = array<i32>} : memref<1808xf32, #tpu.memory_space<vmem>>, vector<16xf32>,
          %add3A_216 = arith.constant 80 : i32
          %add3A_217 = vector.broadcast %add3A_216 : i32 to vector<16xi32>
          %add3A_218 = arith.addi %iota3A, %add3A_217 : vector<16xi32>
          %gather3A_219 = tpu.vector_load_idx %arg8[%add3A_218, %broadcast_in_dim3A_172] : memref<100x128xf32, #tpu.memory_space<vmem>>[vector<16xi32>, vector<16xi32>], vector<16xf32>,
          %add3A_220 = arith.constant 80 : i32
          %add3A_221 = arith.addi %mul3A_176, %add3A_220 : i32
          %swap3A_222 = arith.index_cast %add3A_221 : i32 to index
          %swap3A_223 = tpu.vector_load %arg20[%swap3A_222] {strides = array<i32>} : memref<1808xf32, #tpu.memory_space<vmem>>, vector<16xf32>,
          tpu.vector_store %arg20[%swap3A_222], %gather3A_219 {strides = array<i32>} : memref<1808xf32, #tpu.memory_space<vmem>>, vector<16xf32>,
          %add3A_224 = arith.constant 96 : i32
          %add3A_225 = vector.broadcast %add3A_224 : i32 to vector<16xi32>
          %add3A_226 = arith.addi %iota3A, %add3A_225 : vector<16xi32>
          %min3A_227 = arith.constant 99 : i32
          %min3A_228 = vector.broadcast %min3A_227 : i32 to vector<16xi32>
          %min3A_229 = arith.minsi %add3A_226, %min3A_228 : vector<16xi32>
          %gather3A_230 = tpu.vector_load_idx %arg8[%min3A_229, %broadcast_in_dim3A_172] : memref<100x128xf32, #tpu.memory_space<vmem>>[vector<16xi32>, vector<16xi32>], vector<16xf32>,
          %add3A_231 = arith.constant 96 : i32
          %add3A_232 = arith.addi %mul3A_176, %add3A_231 : i32
          %swap3A_233 = arith.index_cast %add3A_232 : i32 to index
          %swap3A_234 = tpu.vector_load %arg20[%swap3A_233] {strides = array<i32>} : memref<1808xf32, #tpu.memory_space<vmem>>, vector<16xf32>,
          tpu.vector_store %arg20[%swap3A_233], %gather3A_230 {strides = array<i32>} : memref<1808xf32, #tpu.memory_space<vmem>>, vector<16xf32>,
          %ge3A = arith.constant 16 : i32
          %ge3A_235 = arith.cmpi sge, %while3A_162, %ge3A : i32
          %convert_element_type3A_236 = arith.extui %ge3A_235 : i1 to i32
          %cond3A_237 = arith.constant 0 : i32
          %cond3A_238 = arith.cmpi ne, %convert_element_type3A_236, %cond3A_237 : i32
          scf.if %cond3A_238 {
            %dma_wait3A_244 = tpu.memref_slice %arg20[%mul3A_176] : memref<1808xf32, #tpu.memory_space<vmem>> -> memref<104xf32, #tpu.memory_space<vmem>>
            %dma_wait3A_245 = arith.constant 0 : i32
            %dma_wait3A_246 = tpu.memref_slice %arg4[%dma_wait3A_245] : memref<1703936xf32, #tpu.memory_space<hbm>> -> memref<104xf32, #tpu.memory_space<hbm>>
            %dma_wait3A_247 = tpu.memref_slice %arg20[%mul3A_176] : memref<1808xf32, #tpu.memory_space<vmem>> -> memref<104xf32, #tpu.memory_space<vmem>>
            %dma_wait3A_248 = arith.constant 0 : i32
            %dma_wait3A_249 = tpu.memref_slice %arg4[%dma_wait3A_248] : memref<1703936xf32, #tpu.memory_space<hbm>> -> memref<104xf32, #tpu.memory_space<hbm>>
            tpu.wait_dma2 semaphore(%arg27 : memref<!tpu.dma_semaphore, #tpu.memory_space<semaphore_mem>>) src(%dma_wait3A_249 : memref<104xf32, #tpu.memory_space<hbm>>) dst(%dma_wait3A_247 : memref<104xf32, #tpu.memory_space<vmem>>)
          } else {
          }
          %mul3A_239 = arith.constant 104 : i32
          %mul3A_240 = arith.muli %squeeze3A_169, %mul3A_239 : i32
          %dma_start3A = tpu.memref_slice %arg20[%mul3A_176] : memref<1808xf32, #tpu.memory_space<vmem>> -> memref<104xf32, #tpu.memory_space<vmem>>
          %dma_start3A_241 = tpu.memref_slice %arg4[%mul3A_240] : memref<1703936xf32, #tpu.memory_space<hbm>> -> memref<104xf32, #tpu.memory_space<hbm>>
          %dma_start3A_242 = tpu.memref_slice %arg4[%mul3A_240] : memref<1703936xf32, #tpu.memory_space<hbm>> -> memref<104xf32, #tpu.memory_space<hbm>>
          %dma_start3A_243 = tpu.memref_slice %arg20[%mul3A_176] : memref<1808xf32, #tpu.memory_space<vmem>> -> memref<104xf32, #tpu.memory_space<vmem>>
          tpu.enqueue_dma source(%dma_start3A_243 : memref<104xf32, #tpu.memory_space<vmem>>) target(%dma_start3A_242 : memref<104xf32, #tpu.memory_space<hbm>>) target_semaphore(%arg27 : memref<!tpu.dma_semaphore, #tpu.memory_space<semaphore_mem>>)
        }
        %add3A_156 = arith.constant 6 : i32
        %add3A_157 = arith.addi %while3A_102, %add3A_156 : i32
        %lt3A_158 = arith.cmpi slt, %add3A_157, %scan3A_53 : i32
        %convert_element_type3A_159 = arith.extui %lt3A_158 : i1 to i32
        %cond3A_160 = arith.constant 0 : i32
        %cond3A_161 = arith.cmpi ne, %convert_element_type3A_159, %cond3A_160 : i32
        scf.if %cond3A_161 {
          %broadcast_in_dim3A_162 = vector.broadcast %while3A_102 : i32 to vector<16xi32>
          %add3A_163 = arith.constant 6 : i32
          %add3A_164 = vector.broadcast %add3A_163 : i32 to vector<16xi32>
          %add3A_165 = arith.addi %broadcast_in_dim3A_162, %add3A_164 : vector<16xi32>
          %gather3A_166 = tpu.vector_load_idx %arg19[%add3A_165] : memref<272xi32, #tpu.memory_space<vmem>>[vector<16xi32>], vector<16xi32>,
          %slice3A_167 = vector.extract_strided_slice %gather3A_166 {offsets = [0], sizes = [1], strides = [1]} : vector<16xi32> to vector<1xi32>
          %squeeze3A_168 = vector.extract %slice3A_167[0] : i32 from vector<1xi32>
          %add3A_169 = arith.addi %add3A_4, %squeeze3A_168 : i32
          %mul3A_170 = arith.constant 128 : i32
          %mul3A_171 = arith.muli %add3A_169, %mul3A_170 : i32
          %multiple_of3A = tpu.assume_multiple %mul3A_171, 128 : i32
          %dma_start3A = arith.constant 0 : i32
          %dma_start3A_172 = tpu.memref_slice %arg3[%dma_start3A, %multiple_of3A] : memref<100x1000001xf32, #tpu.memory_space<hbm>> -> memref<100x128xf32, #tpu.memory_space<hbm>>
          %dma_start3A_173 = arith.constant 0 : i32
          %dma_start3A_174 = tpu.memref_slice %arg3[%dma_start3A_173, %multiple_of3A] : memref<100x1000001xf32, #tpu.memory_space<hbm>> -> memref<100x128xf32, #tpu.memory_space<hbm>>
          tpu.enqueue_dma source(%dma_start3A_174 : memref<100x128xf32, #tpu.memory_space<hbm>>) target(%arg8 : memref<100x128xf32, #tpu.memory_space<vmem>>) target_semaphore(%arg23 : memref<!tpu.dma_semaphore, #tpu.memory_space<semaphore_mem>>)
        } else {
        }
      } else {
      }
      %eq3A_128 = arith.constant 3 : i32
      %eq3A_129 = arith.cmpi eq, %rem3A_112, %eq3A_128 : i32
      %convert_element_type3A_130 = arith.extui %eq3A_129 : i1 to i32
      %cond3A_131 = arith.constant 0 : i32
      %cond3A_132 = arith.cmpi ne, %convert_element_type3A_130, %cond3A_131 : i32
      scf.if %cond3A_132 {
        %dma_wait3A = arith.constant 0 : i32
        %dma_wait3A_143 = arith.constant 0 : i32
        %dma_wait3A_144 = tpu.memref_slice %arg3[%dma_wait3A, %dma_wait3A_143] : memref<100x1000001xf32, #tpu.memory_space<hbm>> -> memref<100x128xf32, #tpu.memory_space<hbm>>
        %dma_wait3A_145 = arith.constant 0 : i32
        %dma_wait3A_146 = arith.constant 0 : i32
        %dma_wait3A_147 = tpu.memref_slice %arg3[%dma_wait3A_145, %dma_wait3A_146] : memref<100x1000001xf32, #tpu.memory_space<hbm>> -> memref<100x128xf32, #tpu.memory_space<hbm>>
        tpu.wait_dma2 semaphore(%arg24 : memref<!tpu.dma_semaphore, #tpu.memory_space<semaphore_mem>>) src(%dma_wait3A_147 : memref<100x128xf32, #tpu.memory_space<hbm>>) dst(%arg9 : memref<100x128xf32, #tpu.memory_space<vmem>>)
        %while3A_148 = arith.subi %add3A_111, %squeeze3A_107 : i32
        %while3A_149 = arith.addi %squeeze3A_107, %while3A_148 : i32
        %while3A_150 = arith.constant 1 : i32
        %while3A_151 = arith.divsi %while3A_148, %while3A_150 : i32
        %while3A_152 = arith.muli %while3A_151, %while3A_150 : i32
        %while3A_153 = arith.addi %squeeze3A_107, %while3A_152 : i32
        %while3A_154 = arith.constant 1 : i32
        scf.for %while3A_162 = %squeeze3A_107 to %while3A_153 step %while3A_154  : i32 {
          %get3A = arith.index_cast %while3A_162 : i32 to index
          %get3A_163 = tpu.vector_load %arg14[%get3A] {strides = array<i32>} : memref<1040xi32, #tpu.memory_space<vmem>>, vector<16xi32>,
          %get3A_164 = arith.index_cast %while3A_162 : i32 to index
          %get3A_165 = tpu.vector_load %arg15[%get3A_164] {strides = array<i32>} : memref<1040xi32, #tpu.memory_space<vmem>>, vector<16xi32>,
          %slice3A_166 = vector.extract_strided_slice %get3A_163 {offsets = [0], sizes = [1], strides = [1]} : vector<16xi32> to vector<1xi32>
          %squeeze3A_167 = vector.extract %slice3A_166[0] : i32 from vector<1xi32>
          %slice3A_168 = vector.extract_strided_slice %get3A_165 {offsets = [0], sizes = [1], strides = [1]} : vector<16xi32> to vector<1xi32>
          %squeeze3A_169 = vector.extract %slice3A_168[0] : i32 from vector<1xi32>
          %rem3A_170 = arith.constant 128 : i32
          %rem3A_171 = arith.remsi %squeeze3A_167, %rem3A_170 : i32
          %broadcast_in_dim3A_172 = vector.broadcast %rem3A_171 : i32 to vector<16xi32>
          %rem3A_173 = arith.constant 16 : i32
          %rem3A_174 = arith.remsi %while3A_162, %rem3A_173 : i32
          %mul3A_175 = arith.constant 112 : i32
          %mul3A_176 = arith.muli %rem3A_174, %mul3A_175 : i32
          %add3A_177 = arith.constant 0 : i32
          %add3A_178 = vector.broadcast %add3A_177 : i32 to vector<16xi32>
          %add3A_179 = arith.addi %iota3A, %add3A_178 : vector<16xi32>
          %gather3A_180 = tpu.vector_load_idx %arg9[%add3A_179, %broadcast_in_dim3A_172] : memref<100x128xf32, #tpu.memory_space<vmem>>[vector<16xi32>, vector<16xi32>], vector<16xf32>,
          %add3A_181 = arith.constant 0 : i32
          %add3A_182 = arith.addi %mul3A_176, %add3A_181 : i32
          %swap3A = arith.index_cast %add3A_182 : i32 to index
          %swap3A_183 = tpu.vector_load %arg20[%swap3A] {strides = array<i32>} : memref<1808xf32, #tpu.memory_space<vmem>>, vector<16xf32>,
          tpu.vector_store %arg20[%swap3A], %gather3A_180 {strides = array<i32>} : memref<1808xf32, #tpu.memory_space<vmem>>, vector<16xf32>,
          %add3A_184 = arith.constant 16 : i32
          %add3A_185 = vector.broadcast %add3A_184 : i32 to vector<16xi32>
          %add3A_186 = arith.addi %iota3A, %add3A_185 : vector<16xi32>
          %gather3A_187 = tpu.vector_load_idx %arg9[%add3A_186, %broadcast_in_dim3A_172] : memref<100x128xf32, #tpu.memory_space<vmem>>[vector<16xi32>, vector<16xi32>], vector<16xf32>,
          %add3A_188 = arith.constant 16 : i32
          %add3A_189 = arith.addi %mul3A_176, %add3A_188 : i32
          %swap3A_190 = arith.index_cast %add3A_189 : i32 to index
          %swap3A_191 = tpu.vector_load %arg20[%swap3A_190] {strides = array<i32>} : memref<1808xf32, #tpu.memory_space<vmem>>, vector<16xf32>,
          tpu.vector_store %arg20[%swap3A_190], %gather3A_187 {strides = array<i32>} : memref<1808xf32, #tpu.memory_space<vmem>>, vector<16xf32>,
          %add3A_192 = arith.constant 32 : i32
          %add3A_193 = vector.broadcast %add3A_192 : i32 to vector<16xi32>
          %add3A_194 = arith.addi %iota3A, %add3A_193 : vector<16xi32>
          %gather3A_195 = tpu.vector_load_idx %arg9[%add3A_194, %broadcast_in_dim3A_172] : memref<100x128xf32, #tpu.memory_space<vmem>>[vector<16xi32>, vector<16xi32>], vector<16xf32>,
          %add3A_196 = arith.constant 32 : i32
          %add3A_197 = arith.addi %mul3A_176, %add3A_196 : i32
          %swap3A_198 = arith.index_cast %add3A_197 : i32 to index
          %swap3A_199 = tpu.vector_load %arg20[%swap3A_198] {strides = array<i32>} : memref<1808xf32, #tpu.memory_space<vmem>>, vector<16xf32>,
          tpu.vector_store %arg20[%swap3A_198], %gather3A_195 {strides = array<i32>} : memref<1808xf32, #tpu.memory_space<vmem>>, vector<16xf32>,
          %add3A_200 = arith.constant 48 : i32
          %add3A_201 = vector.broadcast %add3A_200 : i32 to vector<16xi32>
          %add3A_202 = arith.addi %iota3A, %add3A_201 : vector<16xi32>
          %gather3A_203 = tpu.vector_load_idx %arg9[%add3A_202, %broadcast_in_dim3A_172] : memref<100x128xf32, #tpu.memory_space<vmem>>[vector<16xi32>, vector<16xi32>], vector<16xf32>,
          %add3A_204 = arith.constant 48 : i32
          %add3A_205 = arith.addi %mul3A_176, %add3A_204 : i32
          %swap3A_206 = arith.index_cast %add3A_205 : i32 to index
          %swap3A_207 = tpu.vector_load %arg20[%swap3A_206] {strides = array<i32>} : memref<1808xf32, #tpu.memory_space<vmem>>, vector<16xf32>,
          tpu.vector_store %arg20[%swap3A_206], %gather3A_203 {strides = array<i32>} : memref<1808xf32, #tpu.memory_space<vmem>>, vector<16xf32>,
          %add3A_208 = arith.constant 64 : i32
          %add3A_209 = vector.broadcast %add3A_208 : i32 to vector<16xi32>
          %add3A_210 = arith.addi %iota3A, %add3A_209 : vector<16xi32>
          %gather3A_211 = tpu.vector_load_idx %arg9[%add3A_210, %broadcast_in_dim3A_172] : memref<100x128xf32, #tpu.memory_space<vmem>>[vector<16xi32>, vector<16xi32>], vector<16xf32>,
          %add3A_212 = arith.constant 64 : i32
          %add3A_213 = arith.addi %mul3A_176, %add3A_212 : i32
          %swap3A_214 = arith.index_cast %add3A_213 : i32 to index
          %swap3A_215 = tpu.vector_load %arg20[%swap3A_214] {strides = array<i32>} : memref<1808xf32, #tpu.memory_space<vmem>>, vector<16xf32>,
          tpu.vector_store %arg20[%swap3A_214], %gather3A_211 {strides = array<i32>} : memref<1808xf32, #tpu.memory_space<vmem>>, vector<16xf32>,
          %add3A_216 = arith.constant 80 : i32
          %add3A_217 = vector.broadcast %add3A_216 : i32 to vector<16xi32>
          %add3A_218 = arith.addi %iota3A, %add3A_217 : vector<16xi32>
          %gather3A_219 = tpu.vector_load_idx %arg9[%add3A_218, %broadcast_in_dim3A_172] : memref<100x128xf32, #tpu.memory_space<vmem>>[vector<16xi32>, vector<16xi32>], vector<16xf32>,
          %add3A_220 = arith.constant 80 : i32
          %add3A_221 = arith.addi %mul3A_176, %add3A_220 : i32
          %swap3A_222 = arith.index_cast %add3A_221 : i32 to index
          %swap3A_223 = tpu.vector_load %arg20[%swap3A_222] {strides = array<i32>} : memref<1808xf32, #tpu.memory_space<vmem>>, vector<16xf32>,
          tpu.vector_store %arg20[%swap3A_222], %gather3A_219 {strides = array<i32>} : memref<1808xf32, #tpu.memory_space<vmem>>, vector<16xf32>,
          %add3A_224 = arith.constant 96 : i32
          %add3A_225 = vector.broadcast %add3A_224 : i32 to vector<16xi32>
          %add3A_226 = arith.addi %iota3A, %add3A_225 : vector<16xi32>
          %min3A_227 = arith.constant 99 : i32
          %min3A_228 = vector.broadcast %min3A_227 : i32 to vector<16xi32>
          %min3A_229 = arith.minsi %add3A_226, %min3A_228 : vector<16xi32>
          %gather3A_230 = tpu.vector_load_idx %arg9[%min3A_229, %broadcast_in_dim3A_172] : memref<100x128xf32, #tpu.memory_space<vmem>>[vector<16xi32>, vector<16xi32>], vector<16xf32>,
          %add3A_231 = arith.constant 96 : i32
          %add3A_232 = arith.addi %mul3A_176, %add3A_231 : i32
          %swap3A_233 = arith.index_cast %add3A_232 : i32 to index
          %swap3A_234 = tpu.vector_load %arg20[%swap3A_233] {strides = array<i32>} : memref<1808xf32, #tpu.memory_space<vmem>>, vector<16xf32>,
          tpu.vector_store %arg20[%swap3A_233], %gather3A_230 {strides = array<i32>} : memref<1808xf32, #tpu.memory_space<vmem>>, vector<16xf32>,
          %ge3A = arith.constant 16 : i32
          %ge3A_235 = arith.cmpi sge, %while3A_162, %ge3A : i32
          %convert_element_type3A_236 = arith.extui %ge3A_235 : i1 to i32
          %cond3A_237 = arith.constant 0 : i32
          %cond3A_238 = arith.cmpi ne, %convert_element_type3A_236, %cond3A_237 : i32
          scf.if %cond3A_238 {
            %dma_wait3A_244 = tpu.memref_slice %arg20[%mul3A_176] : memref<1808xf32, #tpu.memory_space<vmem>> -> memref<104xf32, #tpu.memory_space<vmem>>
            %dma_wait3A_245 = arith.constant 0 : i32
            %dma_wait3A_246 = tpu.memref_slice %arg4[%dma_wait3A_245] : memref<1703936xf32, #tpu.memory_space<hbm>> -> memref<104xf32, #tpu.memory_space<hbm>>
            %dma_wait3A_247 = tpu.memref_slice %arg20[%mul3A_176] : memref<1808xf32, #tpu.memory_space<vmem>> -> memref<104xf32, #tpu.memory_space<vmem>>
            %dma_wait3A_248 = arith.constant 0 : i32
            %dma_wait3A_249 = tpu.memref_slice %arg4[%dma_wait3A_248] : memref<1703936xf32, #tpu.memory_space<hbm>> -> memref<104xf32, #tpu.memory_space<hbm>>
            tpu.wait_dma2 semaphore(%arg27 : memref<!tpu.dma_semaphore, #tpu.memory_space<semaphore_mem>>) src(%dma_wait3A_249 : memref<104xf32, #tpu.memory_space<hbm>>) dst(%dma_wait3A_247 : memref<104xf32, #tpu.memory_space<vmem>>)
          } else {
          }
          %mul3A_239 = arith.constant 104 : i32
          %mul3A_240 = arith.muli %squeeze3A_169, %mul3A_239 : i32
          %dma_start3A = tpu.memref_slice %arg20[%mul3A_176] : memref<1808xf32, #tpu.memory_space<vmem>> -> memref<104xf32, #tpu.memory_space<vmem>>
          %dma_start3A_241 = tpu.memref_slice %arg4[%mul3A_240] : memref<1703936xf32, #tpu.memory_space<hbm>> -> memref<104xf32, #tpu.memory_space<hbm>>
          %dma_start3A_242 = tpu.memref_slice %arg4[%mul3A_240] : memref<1703936xf32, #tpu.memory_space<hbm>> -> memref<104xf32, #tpu.memory_space<hbm>>
          %dma_start3A_243 = tpu.memref_slice %arg20[%mul3A_176] : memref<1808xf32, #tpu.memory_space<vmem>> -> memref<104xf32, #tpu.memory_space<vmem>>
          tpu.enqueue_dma source(%dma_start3A_243 : memref<104xf32, #tpu.memory_space<vmem>>) target(%dma_start3A_242 : memref<104xf32, #tpu.memory_space<hbm>>) target_semaphore(%arg27 : memref<!tpu.dma_semaphore, #tpu.memory_space<semaphore_mem>>)
        }
        %while3A_155 = arith.constant 1 : i32
        scf.for %while3A_162 = %while3A_153 to %while3A_149 step %while3A_155  : i32 {
          %get3A = arith.index_cast %while3A_162 : i32 to index
          %get3A_163 = tpu.vector_load %arg14[%get3A] {strides = array<i32>} : memref<1040xi32, #tpu.memory_space<vmem>>, vector<16xi32>,
          %get3A_164 = arith.index_cast %while3A_162 : i32 to index
          %get3A_165 = tpu.vector_load %arg15[%get3A_164] {strides = array<i32>} : memref<1040xi32, #tpu.memory_space<vmem>>, vector<16xi32>,
          %slice3A_166 = vector.extract_strided_slice %get3A_163 {offsets = [0], sizes = [1], strides = [1]} : vector<16xi32> to vector<1xi32>
          %squeeze3A_167 = vector.extract %slice3A_166[0] : i32 from vector<1xi32>
          %slice3A_168 = vector.extract_strided_slice %get3A_165 {offsets = [0], sizes = [1], strides = [1]} : vector<16xi32> to vector<1xi32>
          %squeeze3A_169 = vector.extract %slice3A_168[0] : i32 from vector<1xi32>
          %rem3A_170 = arith.constant 128 : i32
          %rem3A_171 = arith.remsi %squeeze3A_167, %rem3A_170 : i32
          %broadcast_in_dim3A_172 = vector.broadcast %rem3A_171 : i32 to vector<16xi32>
          %rem3A_173 = arith.constant 16 : i32
          %rem3A_174 = arith.remsi %while3A_162, %rem3A_173 : i32
          %mul3A_175 = arith.constant 112 : i32
          %mul3A_176 = arith.muli %rem3A_174, %mul3A_175 : i32
          %add3A_177 = arith.constant 0 : i32
          %add3A_178 = vector.broadcast %add3A_177 : i32 to vector<16xi32>
          %add3A_179 = arith.addi %iota3A, %add3A_178 : vector<16xi32>
          %gather3A_180 = tpu.vector_load_idx %arg9[%add3A_179, %broadcast_in_dim3A_172] : memref<100x128xf32, #tpu.memory_space<vmem>>[vector<16xi32>, vector<16xi32>], vector<16xf32>,
          %add3A_181 = arith.constant 0 : i32
          %add3A_182 = arith.addi %mul3A_176, %add3A_181 : i32
          %swap3A = arith.index_cast %add3A_182 : i32 to index
          %swap3A_183 = tpu.vector_load %arg20[%swap3A] {strides = array<i32>} : memref<1808xf32, #tpu.memory_space<vmem>>, vector<16xf32>,
          tpu.vector_store %arg20[%swap3A], %gather3A_180 {strides = array<i32>} : memref<1808xf32, #tpu.memory_space<vmem>>, vector<16xf32>,
          %add3A_184 = arith.constant 16 : i32
          %add3A_185 = vector.broadcast %add3A_184 : i32 to vector<16xi32>
          %add3A_186 = arith.addi %iota3A, %add3A_185 : vector<16xi32>
          %gather3A_187 = tpu.vector_load_idx %arg9[%add3A_186, %broadcast_in_dim3A_172] : memref<100x128xf32, #tpu.memory_space<vmem>>[vector<16xi32>, vector<16xi32>], vector<16xf32>,
          %add3A_188 = arith.constant 16 : i32
          %add3A_189 = arith.addi %mul3A_176, %add3A_188 : i32
          %swap3A_190 = arith.index_cast %add3A_189 : i32 to index
          %swap3A_191 = tpu.vector_load %arg20[%swap3A_190] {strides = array<i32>} : memref<1808xf32, #tpu.memory_space<vmem>>, vector<16xf32>,
          tpu.vector_store %arg20[%swap3A_190], %gather3A_187 {strides = array<i32>} : memref<1808xf32, #tpu.memory_space<vmem>>, vector<16xf32>,
          %add3A_192 = arith.constant 32 : i32
          %add3A_193 = vector.broadcast %add3A_192 : i32 to vector<16xi32>
          %add3A_194 = arith.addi %iota3A, %add3A_193 : vector<16xi32>
          %gather3A_195 = tpu.vector_load_idx %arg9[%add3A_194, %broadcast_in_dim3A_172] : memref<100x128xf32, #tpu.memory_space<vmem>>[vector<16xi32>, vector<16xi32>], vector<16xf32>,
          %add3A_196 = arith.constant 32 : i32
          %add3A_197 = arith.addi %mul3A_176, %add3A_196 : i32
          %swap3A_198 = arith.index_cast %add3A_197 : i32 to index
          %swap3A_199 = tpu.vector_load %arg20[%swap3A_198] {strides = array<i32>} : memref<1808xf32, #tpu.memory_space<vmem>>, vector<16xf32>,
          tpu.vector_store %arg20[%swap3A_198], %gather3A_195 {strides = array<i32>} : memref<1808xf32, #tpu.memory_space<vmem>>, vector<16xf32>,
          %add3A_200 = arith.constant 48 : i32
          %add3A_201 = vector.broadcast %add3A_200 : i32 to vector<16xi32>
          %add3A_202 = arith.addi %iota3A, %add3A_201 : vector<16xi32>
          %gather3A_203 = tpu.vector_load_idx %arg9[%add3A_202, %broadcast_in_dim3A_172] : memref<100x128xf32, #tpu.memory_space<vmem>>[vector<16xi32>, vector<16xi32>], vector<16xf32>,
          %add3A_204 = arith.constant 48 : i32
          %add3A_205 = arith.addi %mul3A_176, %add3A_204 : i32
          %swap3A_206 = arith.index_cast %add3A_205 : i32 to index
          %swap3A_207 = tpu.vector_load %arg20[%swap3A_206] {strides = array<i32>} : memref<1808xf32, #tpu.memory_space<vmem>>, vector<16xf32>,
          tpu.vector_store %arg20[%swap3A_206], %gather3A_203 {strides = array<i32>} : memref<1808xf32, #tpu.memory_space<vmem>>, vector<16xf32>,
          %add3A_208 = arith.constant 64 : i32
          %add3A_209 = vector.broadcast %add3A_208 : i32 to vector<16xi32>
          %add3A_210 = arith.addi %iota3A, %add3A_209 : vector<16xi32>
          %gather3A_211 = tpu.vector_load_idx %arg9[%add3A_210, %broadcast_in_dim3A_172] : memref<100x128xf32, #tpu.memory_space<vmem>>[vector<16xi32>, vector<16xi32>], vector<16xf32>,
          %add3A_212 = arith.constant 64 : i32
          %add3A_213 = arith.addi %mul3A_176, %add3A_212 : i32
          %swap3A_214 = arith.index_cast %add3A_213 : i32 to index
          %swap3A_215 = tpu.vector_load %arg20[%swap3A_214] {strides = array<i32>} : memref<1808xf32, #tpu.memory_space<vmem>>, vector<16xf32>,
          tpu.vector_store %arg20[%swap3A_214], %gather3A_211 {strides = array<i32>} : memref<1808xf32, #tpu.memory_space<vmem>>, vector<16xf32>,
          %add3A_216 = arith.constant 80 : i32
          %add3A_217 = vector.broadcast %add3A_216 : i32 to vector<16xi32>
          %add3A_218 = arith.addi %iota3A, %add3A_217 : vector<16xi32>
          %gather3A_219 = tpu.vector_load_idx %arg9[%add3A_218, %broadcast_in_dim3A_172] : memref<100x128xf32, #tpu.memory_space<vmem>>[vector<16xi32>, vector<16xi32>], vector<16xf32>,
          %add3A_220 = arith.constant 80 : i32
          %add3A_221 = arith.addi %mul3A_176, %add3A_220 : i32
          %swap3A_222 = arith.index_cast %add3A_221 : i32 to index
          %swap3A_223 = tpu.vector_load %arg20[%swap3A_222] {strides = array<i32>} : memref<1808xf32, #tpu.memory_space<vmem>>, vector<16xf32>,
          tpu.vector_store %arg20[%swap3A_222], %gather3A_219 {strides = array<i32>} : memref<1808xf32, #tpu.memory_space<vmem>>, vector<16xf32>,
          %add3A_224 = arith.constant 96 : i32
          %add3A_225 = vector.broadcast %add3A_224 : i32 to vector<16xi32>
          %add3A_226 = arith.addi %iota3A, %add3A_225 : vector<16xi32>
          %min3A_227 = arith.constant 99 : i32
          %min3A_228 = vector.broadcast %min3A_227 : i32 to vector<16xi32>
          %min3A_229 = arith.minsi %add3A_226, %min3A_228 : vector<16xi32>
          %gather3A_230 = tpu.vector_load_idx %arg9[%min3A_229, %broadcast_in_dim3A_172] : memref<100x128xf32, #tpu.memory_space<vmem>>[vector<16xi32>, vector<16xi32>], vector<16xf32>,
          %add3A_231 = arith.constant 96 : i32
          %add3A_232 = arith.addi %mul3A_176, %add3A_231 : i32
          %swap3A_233 = arith.index_cast %add3A_232 : i32 to index
          %swap3A_234 = tpu.vector_load %arg20[%swap3A_233] {strides = array<i32>} : memref<1808xf32, #tpu.memory_space<vmem>>, vector<16xf32>,
          tpu.vector_store %arg20[%swap3A_233], %gather3A_230 {strides = array<i32>} : memref<1808xf32, #tpu.memory_space<vmem>>, vector<16xf32>,
          %ge3A = arith.constant 16 : i32
          %ge3A_235 = arith.cmpi sge, %while3A_162, %ge3A : i32
          %convert_element_type3A_236 = arith.extui %ge3A_235 : i1 to i32
          %cond3A_237 = arith.constant 0 : i32
          %cond3A_238 = arith.cmpi ne, %convert_element_type3A_236, %cond3A_237 : i32
          scf.if %cond3A_238 {
            %dma_wait3A_244 = tpu.memref_slice %arg20[%mul3A_176] : memref<1808xf32, #tpu.memory_space<vmem>> -> memref<104xf32, #tpu.memory_space<vmem>>
            %dma_wait3A_245 = arith.constant 0 : i32
            %dma_wait3A_246 = tpu.memref_slice %arg4[%dma_wait3A_245] : memref<1703936xf32, #tpu.memory_space<hbm>> -> memref<104xf32, #tpu.memory_space<hbm>>
            %dma_wait3A_247 = tpu.memref_slice %arg20[%mul3A_176] : memref<1808xf32, #tpu.memory_space<vmem>> -> memref<104xf32, #tpu.memory_space<vmem>>
            %dma_wait3A_248 = arith.constant 0 : i32
            %dma_wait3A_249 = tpu.memref_slice %arg4[%dma_wait3A_248] : memref<1703936xf32, #tpu.memory_space<hbm>> -> memref<104xf32, #tpu.memory_space<hbm>>
            tpu.wait_dma2 semaphore(%arg27 : memref<!tpu.dma_semaphore, #tpu.memory_space<semaphore_mem>>) src(%dma_wait3A_249 : memref<104xf32, #tpu.memory_space<hbm>>) dst(%dma_wait3A_247 : memref<104xf32, #tpu.memory_space<vmem>>)
          } else {
          }
          %mul3A_239 = arith.constant 104 : i32
          %mul3A_240 = arith.muli %squeeze3A_169, %mul3A_239 : i32
          %dma_start3A = tpu.memref_slice %arg20[%mul3A_176] : memref<1808xf32, #tpu.memory_space<vmem>> -> memref<104xf32, #tpu.memory_space<vmem>>
          %dma_start3A_241 = tpu.memref_slice %arg4[%mul3A_240] : memref<1703936xf32, #tpu.memory_space<hbm>> -> memref<104xf32, #tpu.memory_space<hbm>>
          %dma_start3A_242 = tpu.memref_slice %arg4[%mul3A_240] : memref<1703936xf32, #tpu.memory_space<hbm>> -> memref<104xf32, #tpu.memory_space<hbm>>
          %dma_start3A_243 = tpu.memref_slice %arg20[%mul3A_176] : memref<1808xf32, #tpu.memory_space<vmem>> -> memref<104xf32, #tpu.memory_space<vmem>>
          tpu.enqueue_dma source(%dma_start3A_243 : memref<104xf32, #tpu.memory_space<vmem>>) target(%dma_start3A_242 : memref<104xf32, #tpu.memory_space<hbm>>) target_semaphore(%arg27 : memref<!tpu.dma_semaphore, #tpu.memory_space<semaphore_mem>>)
        }
        %add3A_156 = arith.constant 6 : i32
        %add3A_157 = arith.addi %while3A_102, %add3A_156 : i32
        %lt3A_158 = arith.cmpi slt, %add3A_157, %scan3A_53 : i32
        %convert_element_type3A_159 = arith.extui %lt3A_158 : i1 to i32
        %cond3A_160 = arith.constant 0 : i32
        %cond3A_161 = arith.cmpi ne, %convert_element_type3A_159, %cond3A_160 : i32
        scf.if %cond3A_161 {
          %broadcast_in_dim3A_162 = vector.broadcast %while3A_102 : i32 to vector<16xi32>
          %add3A_163 = arith.constant 6 : i32
          %add3A_164 = vector.broadcast %add3A_163 : i32 to vector<16xi32>
          %add3A_165 = arith.addi %broadcast_in_dim3A_162, %add3A_164 : vector<16xi32>
          %gather3A_166 = tpu.vector_load_idx %arg19[%add3A_165] : memref<272xi32, #tpu.memory_space<vmem>>[vector<16xi32>], vector<16xi32>,
          %slice3A_167 = vector.extract_strided_slice %gather3A_166 {offsets = [0], sizes = [1], strides = [1]} : vector<16xi32> to vector<1xi32>
          %squeeze3A_168 = vector.extract %slice3A_167[0] : i32 from vector<1xi32>
          %add3A_169 = arith.addi %add3A_4, %squeeze3A_168 : i32
          %mul3A_170 = arith.constant 128 : i32
          %mul3A_171 = arith.muli %add3A_169, %mul3A_170 : i32
          %multiple_of3A = tpu.assume_multiple %mul3A_171, 128 : i32
          %dma_start3A = arith.constant 0 : i32
          %dma_start3A_172 = tpu.memref_slice %arg3[%dma_start3A, %multiple_of3A] : memref<100x1000001xf32, #tpu.memory_space<hbm>> -> memref<100x128xf32, #tpu.memory_space<hbm>>
          %dma_start3A_173 = arith.constant 0 : i32
          %dma_start3A_174 = tpu.memref_slice %arg3[%dma_start3A_173, %multiple_of3A] : memref<100x1000001xf32, #tpu.memory_space<hbm>> -> memref<100x128xf32, #tpu.memory_space<hbm>>
          tpu.enqueue_dma source(%dma_start3A_174 : memref<100x128xf32, #tpu.memory_space<hbm>>) target(%arg9 : memref<100x128xf32, #tpu.memory_space<vmem>>) target_semaphore(%arg24 : memref<!tpu.dma_semaphore, #tpu.memory_space<semaphore_mem>>)
        } else {
        }
      } else {
      }
      %eq3A_133 = arith.constant 4 : i32
      %eq3A_134 = arith.cmpi eq, %rem3A_112, %eq3A_133 : i32
      %convert_element_type3A_135 = arith.extui %eq3A_134 : i1 to i32
      %cond3A_136 = arith.constant 0 : i32
      %cond3A_137 = arith.cmpi ne, %convert_element_type3A_135, %cond3A_136 : i32
      scf.if %cond3A_137 {
        %dma_wait3A = arith.constant 0 : i32
        %dma_wait3A_143 = arith.constant 0 : i32
        %dma_wait3A_144 = tpu.memref_slice %arg3[%dma_wait3A, %dma_wait3A_143] : memref<100x1000001xf32, #tpu.memory_space<hbm>> -> memref<100x128xf32, #tpu.memory_space<hbm>>
        %dma_wait3A_145 = arith.constant 0 : i32
        %dma_wait3A_146 = arith.constant 0 : i32
        %dma_wait3A_147 = tpu.memref_slice %arg3[%dma_wait3A_145, %dma_wait3A_146] : memref<100x1000001xf32, #tpu.memory_space<hbm>> -> memref<100x128xf32, #tpu.memory_space<hbm>>
        tpu.wait_dma2 semaphore(%arg25 : memref<!tpu.dma_semaphore, #tpu.memory_space<semaphore_mem>>) src(%dma_wait3A_147 : memref<100x128xf32, #tpu.memory_space<hbm>>) dst(%arg10 : memref<100x128xf32, #tpu.memory_space<vmem>>)
        %while3A_148 = arith.subi %add3A_111, %squeeze3A_107 : i32
        %while3A_149 = arith.addi %squeeze3A_107, %while3A_148 : i32
        %while3A_150 = arith.constant 1 : i32
        %while3A_151 = arith.divsi %while3A_148, %while3A_150 : i32
        %while3A_152 = arith.muli %while3A_151, %while3A_150 : i32
        %while3A_153 = arith.addi %squeeze3A_107, %while3A_152 : i32
        %while3A_154 = arith.constant 1 : i32
        scf.for %while3A_162 = %squeeze3A_107 to %while3A_153 step %while3A_154  : i32 {
          %get3A = arith.index_cast %while3A_162 : i32 to index
          %get3A_163 = tpu.vector_load %arg14[%get3A] {strides = array<i32>} : memref<1040xi32, #tpu.memory_space<vmem>>, vector<16xi32>,
          %get3A_164 = arith.index_cast %while3A_162 : i32 to index
          %get3A_165 = tpu.vector_load %arg15[%get3A_164] {strides = array<i32>} : memref<1040xi32, #tpu.memory_space<vmem>>, vector<16xi32>,
          %slice3A_166 = vector.extract_strided_slice %get3A_163 {offsets = [0], sizes = [1], strides = [1]} : vector<16xi32> to vector<1xi32>
          %squeeze3A_167 = vector.extract %slice3A_166[0] : i32 from vector<1xi32>
          %slice3A_168 = vector.extract_strided_slice %get3A_165 {offsets = [0], sizes = [1], strides = [1]} : vector<16xi32> to vector<1xi32>
          %squeeze3A_169 = vector.extract %slice3A_168[0] : i32 from vector<1xi32>
          %rem3A_170 = arith.constant 128 : i32
          %rem3A_171 = arith.remsi %squeeze3A_167, %rem3A_170 : i32
          %broadcast_in_dim3A_172 = vector.broadcast %rem3A_171 : i32 to vector<16xi32>
          %rem3A_173 = arith.constant 16 : i32
          %rem3A_174 = arith.remsi %while3A_162, %rem3A_173 : i32
          %mul3A_175 = arith.constant 112 : i32
          %mul3A_176 = arith.muli %rem3A_174, %mul3A_175 : i32
          %add3A_177 = arith.constant 0 : i32
          %add3A_178 = vector.broadcast %add3A_177 : i32 to vector<16xi32>
          %add3A_179 = arith.addi %iota3A, %add3A_178 : vector<16xi32>
          %gather3A_180 = tpu.vector_load_idx %arg10[%add3A_179, %broadcast_in_dim3A_172] : memref<100x128xf32, #tpu.memory_space<vmem>>[vector<16xi32>, vector<16xi32>], vector<16xf32>,
          %add3A_181 = arith.constant 0 : i32
          %add3A_182 = arith.addi %mul3A_176, %add3A_181 : i32
          %swap3A = arith.index_cast %add3A_182 : i32 to index
          %swap3A_183 = tpu.vector_load %arg20[%swap3A] {strides = array<i32>} : memref<1808xf32, #tpu.memory_space<vmem>>, vector<16xf32>,
          tpu.vector_store %arg20[%swap3A], %gather3A_180 {strides = array<i32>} : memref<1808xf32, #tpu.memory_space<vmem>>, vector<16xf32>,
          %add3A_184 = arith.constant 16 : i32
          %add3A_185 = vector.broadcast %add3A_184 : i32 to vector<16xi32>
          %add3A_186 = arith.addi %iota3A, %add3A_185 : vector<16xi32>
          %gather3A_187 = tpu.vector_load_idx %arg10[%add3A_186, %broadcast_in_dim3A_172] : memref<100x128xf32, #tpu.memory_space<vmem>>[vector<16xi32>, vector<16xi32>], vector<16xf32>,
          %add3A_188 = arith.constant 16 : i32
          %add3A_189 = arith.addi %mul3A_176, %add3A_188 : i32
          %swap3A_190 = arith.index_cast %add3A_189 : i32 to index
          %swap3A_191 = tpu.vector_load %arg20[%swap3A_190] {strides = array<i32>} : memref<1808xf32, #tpu.memory_space<vmem>>, vector<16xf32>,
          tpu.vector_store %arg20[%swap3A_190], %gather3A_187 {strides = array<i32>} : memref<1808xf32, #tpu.memory_space<vmem>>, vector<16xf32>,
          %add3A_192 = arith.constant 32 : i32
          %add3A_193 = vector.broadcast %add3A_192 : i32 to vector<16xi32>
          %add3A_194 = arith.addi %iota3A, %add3A_193 : vector<16xi32>
          %gather3A_195 = tpu.vector_load_idx %arg10[%add3A_194, %broadcast_in_dim3A_172] : memref<100x128xf32, #tpu.memory_space<vmem>>[vector<16xi32>, vector<16xi32>], vector<16xf32>,
          %add3A_196 = arith.constant 32 : i32
          %add3A_197 = arith.addi %mul3A_176, %add3A_196 : i32
          %swap3A_198 = arith.index_cast %add3A_197 : i32 to index
          %swap3A_199 = tpu.vector_load %arg20[%swap3A_198] {strides = array<i32>} : memref<1808xf32, #tpu.memory_space<vmem>>, vector<16xf32>,
          tpu.vector_store %arg20[%swap3A_198], %gather3A_195 {strides = array<i32>} : memref<1808xf32, #tpu.memory_space<vmem>>, vector<16xf32>,
          %add3A_200 = arith.constant 48 : i32
          %add3A_201 = vector.broadcast %add3A_200 : i32 to vector<16xi32>
          %add3A_202 = arith.addi %iota3A, %add3A_201 : vector<16xi32>
          %gather3A_203 = tpu.vector_load_idx %arg10[%add3A_202, %broadcast_in_dim3A_172] : memref<100x128xf32, #tpu.memory_space<vmem>>[vector<16xi32>, vector<16xi32>], vector<16xf32>,
          %add3A_204 = arith.constant 48 : i32
          %add3A_205 = arith.addi %mul3A_176, %add3A_204 : i32
          %swap3A_206 = arith.index_cast %add3A_205 : i32 to index
          %swap3A_207 = tpu.vector_load %arg20[%swap3A_206] {strides = array<i32>} : memref<1808xf32, #tpu.memory_space<vmem>>, vector<16xf32>,
          tpu.vector_store %arg20[%swap3A_206], %gather3A_203 {strides = array<i32>} : memref<1808xf32, #tpu.memory_space<vmem>>, vector<16xf32>,
          %add3A_208 = arith.constant 64 : i32
          %add3A_209 = vector.broadcast %add3A_208 : i32 to vector<16xi32>
          %add3A_210 = arith.addi %iota3A, %add3A_209 : vector<16xi32>
          %gather3A_211 = tpu.vector_load_idx %arg10[%add3A_210, %broadcast_in_dim3A_172] : memref<100x128xf32, #tpu.memory_space<vmem>>[vector<16xi32>, vector<16xi32>], vector<16xf32>,
          %add3A_212 = arith.constant 64 : i32
          %add3A_213 = arith.addi %mul3A_176, %add3A_212 : i32
          %swap3A_214 = arith.index_cast %add3A_213 : i32 to index
          %swap3A_215 = tpu.vector_load %arg20[%swap3A_214] {strides = array<i32>} : memref<1808xf32, #tpu.memory_space<vmem>>, vector<16xf32>,
          tpu.vector_store %arg20[%swap3A_214], %gather3A_211 {strides = array<i32>} : memref<1808xf32, #tpu.memory_space<vmem>>, vector<16xf32>,
          %add3A_216 = arith.constant 80 : i32
          %add3A_217 = vector.broadcast %add3A_216 : i32 to vector<16xi32>
          %add3A_218 = arith.addi %iota3A, %add3A_217 : vector<16xi32>
          %gather3A_219 = tpu.vector_load_idx %arg10[%add3A_218, %broadcast_in_dim3A_172] : memref<100x128xf32, #tpu.memory_space<vmem>>[vector<16xi32>, vector<16xi32>], vector<16xf32>,
          %add3A_220 = arith.constant 80 : i32
          %add3A_221 = arith.addi %mul3A_176, %add3A_220 : i32
          %swap3A_222 = arith.index_cast %add3A_221 : i32 to index
          %swap3A_223 = tpu.vector_load %arg20[%swap3A_222] {strides = array<i32>} : memref<1808xf32, #tpu.memory_space<vmem>>, vector<16xf32>,
          tpu.vector_store %arg20[%swap3A_222], %gather3A_219 {strides = array<i32>} : memref<1808xf32, #tpu.memory_space<vmem>>, vector<16xf32>,
          %add3A_224 = arith.constant 96 : i32
          %add3A_225 = vector.broadcast %add3A_224 : i32 to vector<16xi32>
          %add3A_226 = arith.addi %iota3A, %add3A_225 : vector<16xi32>
          %min3A_227 = arith.constant 99 : i32
          %min3A_228 = vector.broadcast %min3A_227 : i32 to vector<16xi32>
          %min3A_229 = arith.minsi %add3A_226, %min3A_228 : vector<16xi32>
          %gather3A_230 = tpu.vector_load_idx %arg10[%min3A_229, %broadcast_in_dim3A_172] : memref<100x128xf32, #tpu.memory_space<vmem>>[vector<16xi32>, vector<16xi32>], vector<16xf32>,
          %add3A_231 = arith.constant 96 : i32
          %add3A_232 = arith.addi %mul3A_176, %add3A_231 : i32
          %swap3A_233 = arith.index_cast %add3A_232 : i32 to index
          %swap3A_234 = tpu.vector_load %arg20[%swap3A_233] {strides = array<i32>} : memref<1808xf32, #tpu.memory_space<vmem>>, vector<16xf32>,
          tpu.vector_store %arg20[%swap3A_233], %gather3A_230 {strides = array<i32>} : memref<1808xf32, #tpu.memory_space<vmem>>, vector<16xf32>,
          %ge3A = arith.constant 16 : i32
          %ge3A_235 = arith.cmpi sge, %while3A_162, %ge3A : i32
          %convert_element_type3A_236 = arith.extui %ge3A_235 : i1 to i32
          %cond3A_237 = arith.constant 0 : i32
          %cond3A_238 = arith.cmpi ne, %convert_element_type3A_236, %cond3A_237 : i32
          scf.if %cond3A_238 {
            %dma_wait3A_244 = tpu.memref_slice %arg20[%mul3A_176] : memref<1808xf32, #tpu.memory_space<vmem>> -> memref<104xf32, #tpu.memory_space<vmem>>
            %dma_wait3A_245 = arith.constant 0 : i32
            %dma_wait3A_246 = tpu.memref_slice %arg4[%dma_wait3A_245] : memref<1703936xf32, #tpu.memory_space<hbm>> -> memref<104xf32, #tpu.memory_space<hbm>>
            %dma_wait3A_247 = tpu.memref_slice %arg20[%mul3A_176] : memref<1808xf32, #tpu.memory_space<vmem>> -> memref<104xf32, #tpu.memory_space<vmem>>
            %dma_wait3A_248 = arith.constant 0 : i32
            %dma_wait3A_249 = tpu.memref_slice %arg4[%dma_wait3A_248] : memref<1703936xf32, #tpu.memory_space<hbm>> -> memref<104xf32, #tpu.memory_space<hbm>>
            tpu.wait_dma2 semaphore(%arg27 : memref<!tpu.dma_semaphore, #tpu.memory_space<semaphore_mem>>) src(%dma_wait3A_249 : memref<104xf32, #tpu.memory_space<hbm>>) dst(%dma_wait3A_247 : memref<104xf32, #tpu.memory_space<vmem>>)
          } else {
          }
          %mul3A_239 = arith.constant 104 : i32
          %mul3A_240 = arith.muli %squeeze3A_169, %mul3A_239 : i32
          %dma_start3A = tpu.memref_slice %arg20[%mul3A_176] : memref<1808xf32, #tpu.memory_space<vmem>> -> memref<104xf32, #tpu.memory_space<vmem>>
          %dma_start3A_241 = tpu.memref_slice %arg4[%mul3A_240] : memref<1703936xf32, #tpu.memory_space<hbm>> -> memref<104xf32, #tpu.memory_space<hbm>>
          %dma_start3A_242 = tpu.memref_slice %arg4[%mul3A_240] : memref<1703936xf32, #tpu.memory_space<hbm>> -> memref<104xf32, #tpu.memory_space<hbm>>
          %dma_start3A_243 = tpu.memref_slice %arg20[%mul3A_176] : memref<1808xf32, #tpu.memory_space<vmem>> -> memref<104xf32, #tpu.memory_space<vmem>>
          tpu.enqueue_dma source(%dma_start3A_243 : memref<104xf32, #tpu.memory_space<vmem>>) target(%dma_start3A_242 : memref<104xf32, #tpu.memory_space<hbm>>) target_semaphore(%arg27 : memref<!tpu.dma_semaphore, #tpu.memory_space<semaphore_mem>>)
        }
        %while3A_155 = arith.constant 1 : i32
        scf.for %while3A_162 = %while3A_153 to %while3A_149 step %while3A_155  : i32 {
          %get3A = arith.index_cast %while3A_162 : i32 to index
          %get3A_163 = tpu.vector_load %arg14[%get3A] {strides = array<i32>} : memref<1040xi32, #tpu.memory_space<vmem>>, vector<16xi32>,
          %get3A_164 = arith.index_cast %while3A_162 : i32 to index
          %get3A_165 = tpu.vector_load %arg15[%get3A_164] {strides = array<i32>} : memref<1040xi32, #tpu.memory_space<vmem>>, vector<16xi32>,
          %slice3A_166 = vector.extract_strided_slice %get3A_163 {offsets = [0], sizes = [1], strides = [1]} : vector<16xi32> to vector<1xi32>
          %squeeze3A_167 = vector.extract %slice3A_166[0] : i32 from vector<1xi32>
          %slice3A_168 = vector.extract_strided_slice %get3A_165 {offsets = [0], sizes = [1], strides = [1]} : vector<16xi32> to vector<1xi32>
          %squeeze3A_169 = vector.extract %slice3A_168[0] : i32 from vector<1xi32>
          %rem3A_170 = arith.constant 128 : i32
          %rem3A_171 = arith.remsi %squeeze3A_167, %rem3A_170 : i32
          %broadcast_in_dim3A_172 = vector.broadcast %rem3A_171 : i32 to vector<16xi32>
          %rem3A_173 = arith.constant 16 : i32
          %rem3A_174 = arith.remsi %while3A_162, %rem3A_173 : i32
          %mul3A_175 = arith.constant 112 : i32
          %mul3A_176 = arith.muli %rem3A_174, %mul3A_175 : i32
          %add3A_177 = arith.constant 0 : i32
          %add3A_178 = vector.broadcast %add3A_177 : i32 to vector<16xi32>
          %add3A_179 = arith.addi %iota3A, %add3A_178 : vector<16xi32>
          %gather3A_180 = tpu.vector_load_idx %arg10[%add3A_179, %broadcast_in_dim3A_172] : memref<100x128xf32, #tpu.memory_space<vmem>>[vector<16xi32>, vector<16xi32>], vector<16xf32>,
          %add3A_181 = arith.constant 0 : i32
          %add3A_182 = arith.addi %mul3A_176, %add3A_181 : i32
          %swap3A = arith.index_cast %add3A_182 : i32 to index
          %swap3A_183 = tpu.vector_load %arg20[%swap3A] {strides = array<i32>} : memref<1808xf32, #tpu.memory_space<vmem>>, vector<16xf32>,
          tpu.vector_store %arg20[%swap3A], %gather3A_180 {strides = array<i32>} : memref<1808xf32, #tpu.memory_space<vmem>>, vector<16xf32>,
          %add3A_184 = arith.constant 16 : i32
          %add3A_185 = vector.broadcast %add3A_184 : i32 to vector<16xi32>
          %add3A_186 = arith.addi %iota3A, %add3A_185 : vector<16xi32>
          %gather3A_187 = tpu.vector_load_idx %arg10[%add3A_186, %broadcast_in_dim3A_172] : memref<100x128xf32, #tpu.memory_space<vmem>>[vector<16xi32>, vector<16xi32>], vector<16xf32>,
          %add3A_188 = arith.constant 16 : i32
          %add3A_189 = arith.addi %mul3A_176, %add3A_188 : i32
          %swap3A_190 = arith.index_cast %add3A_189 : i32 to index
          %swap3A_191 = tpu.vector_load %arg20[%swap3A_190] {strides = array<i32>} : memref<1808xf32, #tpu.memory_space<vmem>>, vector<16xf32>,
          tpu.vector_store %arg20[%swap3A_190], %gather3A_187 {strides = array<i32>} : memref<1808xf32, #tpu.memory_space<vmem>>, vector<16xf32>,
          %add3A_192 = arith.constant 32 : i32
          %add3A_193 = vector.broadcast %add3A_192 : i32 to vector<16xi32>
          %add3A_194 = arith.addi %iota3A, %add3A_193 : vector<16xi32>
          %gather3A_195 = tpu.vector_load_idx %arg10[%add3A_194, %broadcast_in_dim3A_172] : memref<100x128xf32, #tpu.memory_space<vmem>>[vector<16xi32>, vector<16xi32>], vector<16xf32>,
          %add3A_196 = arith.constant 32 : i32
          %add3A_197 = arith.addi %mul3A_176, %add3A_196 : i32
          %swap3A_198 = arith.index_cast %add3A_197 : i32 to index
          %swap3A_199 = tpu.vector_load %arg20[%swap3A_198] {strides = array<i32>} : memref<1808xf32, #tpu.memory_space<vmem>>, vector<16xf32>,
          tpu.vector_store %arg20[%swap3A_198], %gather3A_195 {strides = array<i32>} : memref<1808xf32, #tpu.memory_space<vmem>>, vector<16xf32>,
          %add3A_200 = arith.constant 48 : i32
          %add3A_201 = vector.broadcast %add3A_200 : i32 to vector<16xi32>
          %add3A_202 = arith.addi %iota3A, %add3A_201 : vector<16xi32>
          %gather3A_203 = tpu.vector_load_idx %arg10[%add3A_202, %broadcast_in_dim3A_172] : memref<100x128xf32, #tpu.memory_space<vmem>>[vector<16xi32>, vector<16xi32>], vector<16xf32>,
          %add3A_204 = arith.constant 48 : i32
          %add3A_205 = arith.addi %mul3A_176, %add3A_204 : i32
          %swap3A_206 = arith.index_cast %add3A_205 : i32 to index
          %swap3A_207 = tpu.vector_load %arg20[%swap3A_206] {strides = array<i32>} : memref<1808xf32, #tpu.memory_space<vmem>>, vector<16xf32>,
          tpu.vector_store %arg20[%swap3A_206], %gather3A_203 {strides = array<i32>} : memref<1808xf32, #tpu.memory_space<vmem>>, vector<16xf32>,
          %add3A_208 = arith.constant 64 : i32
          %add3A_209 = vector.broadcast %add3A_208 : i32 to vector<16xi32>
          %add3A_210 = arith.addi %iota3A, %add3A_209 : vector<16xi32>
          %gather3A_211 = tpu.vector_load_idx %arg10[%add3A_210, %broadcast_in_dim3A_172] : memref<100x128xf32, #tpu.memory_space<vmem>>[vector<16xi32>, vector<16xi32>], vector<16xf32>,
          %add3A_212 = arith.constant 64 : i32
          %add3A_213 = arith.addi %mul3A_176, %add3A_212 : i32
          %swap3A_214 = arith.index_cast %add3A_213 : i32 to index
          %swap3A_215 = tpu.vector_load %arg20[%swap3A_214] {strides = array<i32>} : memref<1808xf32, #tpu.memory_space<vmem>>, vector<16xf32>,
          tpu.vector_store %arg20[%swap3A_214], %gather3A_211 {strides = array<i32>} : memref<1808xf32, #tpu.memory_space<vmem>>, vector<16xf32>,
          %add3A_216 = arith.constant 80 : i32
          %add3A_217 = vector.broadcast %add3A_216 : i32 to vector<16xi32>
          %add3A_218 = arith.addi %iota3A, %add3A_217 : vector<16xi32>
          %gather3A_219 = tpu.vector_load_idx %arg10[%add3A_218, %broadcast_in_dim3A_172] : memref<100x128xf32, #tpu.memory_space<vmem>>[vector<16xi32>, vector<16xi32>], vector<16xf32>,
          %add3A_220 = arith.constant 80 : i32
          %add3A_221 = arith.addi %mul3A_176, %add3A_220 : i32
          %swap3A_222 = arith.index_cast %add3A_221 : i32 to index
          %swap3A_223 = tpu.vector_load %arg20[%swap3A_222] {strides = array<i32>} : memref<1808xf32, #tpu.memory_space<vmem>>, vector<16xf32>,
          tpu.vector_store %arg20[%swap3A_222], %gather3A_219 {strides = array<i32>} : memref<1808xf32, #tpu.memory_space<vmem>>, vector<16xf32>,
          %add3A_224 = arith.constant 96 : i32
          %add3A_225 = vector.broadcast %add3A_224 : i32 to vector<16xi32>
          %add3A_226 = arith.addi %iota3A, %add3A_225 : vector<16xi32>
          %min3A_227 = arith.constant 99 : i32
          %min3A_228 = vector.broadcast %min3A_227 : i32 to vector<16xi32>
          %min3A_229 = arith.minsi %add3A_226, %min3A_228 : vector<16xi32>
          %gather3A_230 = tpu.vector_load_idx %arg10[%min3A_229, %broadcast_in_dim3A_172] : memref<100x128xf32, #tpu.memory_space<vmem>>[vector<16xi32>, vector<16xi32>], vector<16xf32>,
          %add3A_231 = arith.constant 96 : i32
          %add3A_232 = arith.addi %mul3A_176, %add3A_231 : i32
          %swap3A_233 = arith.index_cast %add3A_232 : i32 to index
          %swap3A_234 = tpu.vector_load %arg20[%swap3A_233] {strides = array<i32>} : memref<1808xf32, #tpu.memory_space<vmem>>, vector<16xf32>,
          tpu.vector_store %arg20[%swap3A_233], %gather3A_230 {strides = array<i32>} : memref<1808xf32, #tpu.memory_space<vmem>>, vector<16xf32>,
          %ge3A = arith.constant 16 : i32
          %ge3A_235 = arith.cmpi sge, %while3A_162, %ge3A : i32
          %convert_element_type3A_236 = arith.extui %ge3A_235 : i1 to i32
          %cond3A_237 = arith.constant 0 : i32
          %cond3A_238 = arith.cmpi ne, %convert_element_type3A_236, %cond3A_237 : i32
          scf.if %cond3A_238 {
            %dma_wait3A_244 = tpu.memref_slice %arg20[%mul3A_176] : memref<1808xf32, #tpu.memory_space<vmem>> -> memref<104xf32, #tpu.memory_space<vmem>>
            %dma_wait3A_245 = arith.constant 0 : i32
            %dma_wait3A_246 = tpu.memref_slice %arg4[%dma_wait3A_245] : memref<1703936xf32, #tpu.memory_space<hbm>> -> memref<104xf32, #tpu.memory_space<hbm>>
            %dma_wait3A_247 = tpu.memref_slice %arg20[%mul3A_176] : memref<1808xf32, #tpu.memory_space<vmem>> -> memref<104xf32, #tpu.memory_space<vmem>>
            %dma_wait3A_248 = arith.constant 0 : i32
            %dma_wait3A_249 = tpu.memref_slice %arg4[%dma_wait3A_248] : memref<1703936xf32, #tpu.memory_space<hbm>> -> memref<104xf32, #tpu.memory_space<hbm>>
            tpu.wait_dma2 semaphore(%arg27 : memref<!tpu.dma_semaphore, #tpu.memory_space<semaphore_mem>>) src(%dma_wait3A_249 : memref<104xf32, #tpu.memory_space<hbm>>) dst(%dma_wait3A_247 : memref<104xf32, #tpu.memory_space<vmem>>)
          } else {
          }
          %mul3A_239 = arith.constant 104 : i32
          %mul3A_240 = arith.muli %squeeze3A_169, %mul3A_239 : i32
          %dma_start3A = tpu.memref_slice %arg20[%mul3A_176] : memref<1808xf32, #tpu.memory_space<vmem>> -> memref<104xf32, #tpu.memory_space<vmem>>
          %dma_start3A_241 = tpu.memref_slice %arg4[%mul3A_240] : memref<1703936xf32, #tpu.memory_space<hbm>> -> memref<104xf32, #tpu.memory_space<hbm>>
          %dma_start3A_242 = tpu.memref_slice %arg4[%mul3A_240] : memref<1703936xf32, #tpu.memory_space<hbm>> -> memref<104xf32, #tpu.memory_space<hbm>>
          %dma_start3A_243 = tpu.memref_slice %arg20[%mul3A_176] : memref<1808xf32, #tpu.memory_space<vmem>> -> memref<104xf32, #tpu.memory_space<vmem>>
          tpu.enqueue_dma source(%dma_start3A_243 : memref<104xf32, #tpu.memory_space<vmem>>) target(%dma_start3A_242 : memref<104xf32, #tpu.memory_space<hbm>>) target_semaphore(%arg27 : memref<!tpu.dma_semaphore, #tpu.memory_space<semaphore_mem>>)
        }
        %add3A_156 = arith.constant 6 : i32
        %add3A_157 = arith.addi %while3A_102, %add3A_156 : i32
        %lt3A_158 = arith.cmpi slt, %add3A_157, %scan3A_53 : i32
        %convert_element_type3A_159 = arith.extui %lt3A_158 : i1 to i32
        %cond3A_160 = arith.constant 0 : i32
        %cond3A_161 = arith.cmpi ne, %convert_element_type3A_159, %cond3A_160 : i32
        scf.if %cond3A_161 {
          %broadcast_in_dim3A_162 = vector.broadcast %while3A_102 : i32 to vector<16xi32>
          %add3A_163 = arith.constant 6 : i32
          %add3A_164 = vector.broadcast %add3A_163 : i32 to vector<16xi32>
          %add3A_165 = arith.addi %broadcast_in_dim3A_162, %add3A_164 : vector<16xi32>
          %gather3A_166 = tpu.vector_load_idx %arg19[%add3A_165] : memref<272xi32, #tpu.memory_space<vmem>>[vector<16xi32>], vector<16xi32>,
          %slice3A_167 = vector.extract_strided_slice %gather3A_166 {offsets = [0], sizes = [1], strides = [1]} : vector<16xi32> to vector<1xi32>
          %squeeze3A_168 = vector.extract %slice3A_167[0] : i32 from vector<1xi32>
          %add3A_169 = arith.addi %add3A_4, %squeeze3A_168 : i32
          %mul3A_170 = arith.constant 128 : i32
          %mul3A_171 = arith.muli %add3A_169, %mul3A_170 : i32
          %multiple_of3A = tpu.assume_multiple %mul3A_171, 128 : i32
          %dma_start3A = arith.constant 0 : i32
          %dma_start3A_172 = tpu.memref_slice %arg3[%dma_start3A, %multiple_of3A] : memref<100x1000001xf32, #tpu.memory_space<hbm>> -> memref<100x128xf32, #tpu.memory_space<hbm>>
          %dma_start3A_173 = arith.constant 0 : i32
          %dma_start3A_174 = tpu.memref_slice %arg3[%dma_start3A_173, %multiple_of3A] : memref<100x1000001xf32, #tpu.memory_space<hbm>> -> memref<100x128xf32, #tpu.memory_space<hbm>>
          tpu.enqueue_dma source(%dma_start3A_174 : memref<100x128xf32, #tpu.memory_space<hbm>>) target(%arg10 : memref<100x128xf32, #tpu.memory_space<vmem>>) target_semaphore(%arg25 : memref<!tpu.dma_semaphore, #tpu.memory_space<semaphore_mem>>)
        } else {
        }
      } else {
      }
      %eq3A_138 = arith.constant 5 : i32
      %eq3A_139 = arith.cmpi eq, %rem3A_112, %eq3A_138 : i32
      %convert_element_type3A_140 = arith.extui %eq3A_139 : i1 to i32
      %cond3A_141 = arith.constant 0 : i32
      %cond3A_142 = arith.cmpi ne, %convert_element_type3A_140, %cond3A_141 : i32
      scf.if %cond3A_142 {
        %dma_wait3A = arith.constant 0 : i32
        %dma_wait3A_143 = arith.constant 0 : i32
        %dma_wait3A_144 = tpu.memref_slice %arg3[%dma_wait3A, %dma_wait3A_143] : memref<100x1000001xf32, #tpu.memory_space<hbm>> -> memref<100x128xf32, #tpu.memory_space<hbm>>
        %dma_wait3A_145 = arith.constant 0 : i32
        %dma_wait3A_146 = arith.constant 0 : i32
        %dma_wait3A_147 = tpu.memref_slice %arg3[%dma_wait3A_145, %dma_wait3A_146] : memref<100x1000001xf32, #tpu.memory_space<hbm>> -> memref<100x128xf32, #tpu.memory_space<hbm>>
        tpu.wait_dma2 semaphore(%arg26 : memref<!tpu.dma_semaphore, #tpu.memory_space<semaphore_mem>>) src(%dma_wait3A_147 : memref<100x128xf32, #tpu.memory_space<hbm>>) dst(%arg11 : memref<100x128xf32, #tpu.memory_space<vmem>>)
        %while3A_148 = arith.subi %add3A_111, %squeeze3A_107 : i32
        %while3A_149 = arith.addi %squeeze3A_107, %while3A_148 : i32
        %while3A_150 = arith.constant 1 : i32
        %while3A_151 = arith.divsi %while3A_148, %while3A_150 : i32
        %while3A_152 = arith.muli %while3A_151, %while3A_150 : i32
        %while3A_153 = arith.addi %squeeze3A_107, %while3A_152 : i32
        %while3A_154 = arith.constant 1 : i32
        scf.for %while3A_162 = %squeeze3A_107 to %while3A_153 step %while3A_154  : i32 {
          %get3A = arith.index_cast %while3A_162 : i32 to index
          %get3A_163 = tpu.vector_load %arg14[%get3A] {strides = array<i32>} : memref<1040xi32, #tpu.memory_space<vmem>>, vector<16xi32>,
          %get3A_164 = arith.index_cast %while3A_162 : i32 to index
          %get3A_165 = tpu.vector_load %arg15[%get3A_164] {strides = array<i32>} : memref<1040xi32, #tpu.memory_space<vmem>>, vector<16xi32>,
          %slice3A_166 = vector.extract_strided_slice %get3A_163 {offsets = [0], sizes = [1], strides = [1]} : vector<16xi32> to vector<1xi32>
          %squeeze3A_167 = vector.extract %slice3A_166[0] : i32 from vector<1xi32>
          %slice3A_168 = vector.extract_strided_slice %get3A_165 {offsets = [0], sizes = [1], strides = [1]} : vector<16xi32> to vector<1xi32>
          %squeeze3A_169 = vector.extract %slice3A_168[0] : i32 from vector<1xi32>
          %rem3A_170 = arith.constant 128 : i32
          %rem3A_171 = arith.remsi %squeeze3A_167, %rem3A_170 : i32
          %broadcast_in_dim3A_172 = vector.broadcast %rem3A_171 : i32 to vector<16xi32>
          %rem3A_173 = arith.constant 16 : i32
          %rem3A_174 = arith.remsi %while3A_162, %rem3A_173 : i32
          %mul3A_175 = arith.constant 112 : i32
          %mul3A_176 = arith.muli %rem3A_174, %mul3A_175 : i32
          %add3A_177 = arith.constant 0 : i32
          %add3A_178 = vector.broadcast %add3A_177 : i32 to vector<16xi32>
          %add3A_179 = arith.addi %iota3A, %add3A_178 : vector<16xi32>
          %gather3A_180 = tpu.vector_load_idx %arg11[%add3A_179, %broadcast_in_dim3A_172] : memref<100x128xf32, #tpu.memory_space<vmem>>[vector<16xi32>, vector<16xi32>], vector<16xf32>,
          %add3A_181 = arith.constant 0 : i32
          %add3A_182 = arith.addi %mul3A_176, %add3A_181 : i32
          %swap3A = arith.index_cast %add3A_182 : i32 to index
          %swap3A_183 = tpu.vector_load %arg20[%swap3A] {strides = array<i32>} : memref<1808xf32, #tpu.memory_space<vmem>>, vector<16xf32>,
          tpu.vector_store %arg20[%swap3A], %gather3A_180 {strides = array<i32>} : memref<1808xf32, #tpu.memory_space<vmem>>, vector<16xf32>,
          %add3A_184 = arith.constant 16 : i32
          %add3A_185 = vector.broadcast %add3A_184 : i32 to vector<16xi32>
          %add3A_186 = arith.addi %iota3A, %add3A_185 : vector<16xi32>
          %gather3A_187 = tpu.vector_load_idx %arg11[%add3A_186, %broadcast_in_dim3A_172] : memref<100x128xf32, #tpu.memory_space<vmem>>[vector<16xi32>, vector<16xi32>], vector<16xf32>,
          %add3A_188 = arith.constant 16 : i32
          %add3A_189 = arith.addi %mul3A_176, %add3A_188 : i32
          %swap3A_190 = arith.index_cast %add3A_189 : i32 to index
          %swap3A_191 = tpu.vector_load %arg20[%swap3A_190] {strides = array<i32>} : memref<1808xf32, #tpu.memory_space<vmem>>, vector<16xf32>,
          tpu.vector_store %arg20[%swap3A_190], %gather3A_187 {strides = array<i32>} : memref<1808xf32, #tpu.memory_space<vmem>>, vector<16xf32>,
          %add3A_192 = arith.constant 32 : i32
          %add3A_193 = vector.broadcast %add3A_192 : i32 to vector<16xi32>
          %add3A_194 = arith.addi %iota3A, %add3A_193 : vector<16xi32>
          %gather3A_195 = tpu.vector_load_idx %arg11[%add3A_194, %broadcast_in_dim3A_172] : memref<100x128xf32, #tpu.memory_space<vmem>>[vector<16xi32>, vector<16xi32>], vector<16xf32>,
          %add3A_196 = arith.constant 32 : i32
          %add3A_197 = arith.addi %mul3A_176, %add3A_196 : i32
          %swap3A_198 = arith.index_cast %add3A_197 : i32 to index
          %swap3A_199 = tpu.vector_load %arg20[%swap3A_198] {strides = array<i32>} : memref<1808xf32, #tpu.memory_space<vmem>>, vector<16xf32>,
          tpu.vector_store %arg20[%swap3A_198], %gather3A_195 {strides = array<i32>} : memref<1808xf32, #tpu.memory_space<vmem>>, vector<16xf32>,
          %add3A_200 = arith.constant 48 : i32
          %add3A_201 = vector.broadcast %add3A_200 : i32 to vector<16xi32>
          %add3A_202 = arith.addi %iota3A, %add3A_201 : vector<16xi32>
          %gather3A_203 = tpu.vector_load_idx %arg11[%add3A_202, %broadcast_in_dim3A_172] : memref<100x128xf32, #tpu.memory_space<vmem>>[vector<16xi32>, vector<16xi32>], vector<16xf32>,
          %add3A_204 = arith.constant 48 : i32
          %add3A_205 = arith.addi %mul3A_176, %add3A_204 : i32
          %swap3A_206 = arith.index_cast %add3A_205 : i32 to index
          %swap3A_207 = tpu.vector_load %arg20[%swap3A_206] {strides = array<i32>} : memref<1808xf32, #tpu.memory_space<vmem>>, vector<16xf32>,
          tpu.vector_store %arg20[%swap3A_206], %gather3A_203 {strides = array<i32>} : memref<1808xf32, #tpu.memory_space<vmem>>, vector<16xf32>,
          %add3A_208 = arith.constant 64 : i32
          %add3A_209 = vector.broadcast %add3A_208 : i32 to vector<16xi32>
          %add3A_210 = arith.addi %iota3A, %add3A_209 : vector<16xi32>
          %gather3A_211 = tpu.vector_load_idx %arg11[%add3A_210, %broadcast_in_dim3A_172] : memref<100x128xf32, #tpu.memory_space<vmem>>[vector<16xi32>, vector<16xi32>], vector<16xf32>,
          %add3A_212 = arith.constant 64 : i32
          %add3A_213 = arith.addi %mul3A_176, %add3A_212 : i32
          %swap3A_214 = arith.index_cast %add3A_213 : i32 to index
          %swap3A_215 = tpu.vector_load %arg20[%swap3A_214] {strides = array<i32>} : memref<1808xf32, #tpu.memory_space<vmem>>, vector<16xf32>,
          tpu.vector_store %arg20[%swap3A_214], %gather3A_211 {strides = array<i32>} : memref<1808xf32, #tpu.memory_space<vmem>>, vector<16xf32>,
          %add3A_216 = arith.constant 80 : i32
          %add3A_217 = vector.broadcast %add3A_216 : i32 to vector<16xi32>
          %add3A_218 = arith.addi %iota3A, %add3A_217 : vector<16xi32>
          %gather3A_219 = tpu.vector_load_idx %arg11[%add3A_218, %broadcast_in_dim3A_172] : memref<100x128xf32, #tpu.memory_space<vmem>>[vector<16xi32>, vector<16xi32>], vector<16xf32>,
          %add3A_220 = arith.constant 80 : i32
          %add3A_221 = arith.addi %mul3A_176, %add3A_220 : i32
          %swap3A_222 = arith.index_cast %add3A_221 : i32 to index
          %swap3A_223 = tpu.vector_load %arg20[%swap3A_222] {strides = array<i32>} : memref<1808xf32, #tpu.memory_space<vmem>>, vector<16xf32>,
          tpu.vector_store %arg20[%swap3A_222], %gather3A_219 {strides = array<i32>} : memref<1808xf32, #tpu.memory_space<vmem>>, vector<16xf32>,
          %add3A_224 = arith.constant 96 : i32
          %add3A_225 = vector.broadcast %add3A_224 : i32 to vector<16xi32>
          %add3A_226 = arith.addi %iota3A, %add3A_225 : vector<16xi32>
          %min3A_227 = arith.constant 99 : i32
          %min3A_228 = vector.broadcast %min3A_227 : i32 to vector<16xi32>
          %min3A_229 = arith.minsi %add3A_226, %min3A_228 : vector<16xi32>
          %gather3A_230 = tpu.vector_load_idx %arg11[%min3A_229, %broadcast_in_dim3A_172] : memref<100x128xf32, #tpu.memory_space<vmem>>[vector<16xi32>, vector<16xi32>], vector<16xf32>,
          %add3A_231 = arith.constant 96 : i32
          %add3A_232 = arith.addi %mul3A_176, %add3A_231 : i32
          %swap3A_233 = arith.index_cast %add3A_232 : i32 to index
          %swap3A_234 = tpu.vector_load %arg20[%swap3A_233] {strides = array<i32>} : memref<1808xf32, #tpu.memory_space<vmem>>, vector<16xf32>,
          tpu.vector_store %arg20[%swap3A_233], %gather3A_230 {strides = array<i32>} : memref<1808xf32, #tpu.memory_space<vmem>>, vector<16xf32>,
          %ge3A = arith.constant 16 : i32
          %ge3A_235 = arith.cmpi sge, %while3A_162, %ge3A : i32
          %convert_element_type3A_236 = arith.extui %ge3A_235 : i1 to i32
          %cond3A_237 = arith.constant 0 : i32
          %cond3A_238 = arith.cmpi ne, %convert_element_type3A_236, %cond3A_237 : i32
          scf.if %cond3A_238 {
            %dma_wait3A_244 = tpu.memref_slice %arg20[%mul3A_176] : memref<1808xf32, #tpu.memory_space<vmem>> -> memref<104xf32, #tpu.memory_space<vmem>>
            %dma_wait3A_245 = arith.constant 0 : i32
            %dma_wait3A_246 = tpu.memref_slice %arg4[%dma_wait3A_245] : memref<1703936xf32, #tpu.memory_space<hbm>> -> memref<104xf32, #tpu.memory_space<hbm>>
            %dma_wait3A_247 = tpu.memref_slice %arg20[%mul3A_176] : memref<1808xf32, #tpu.memory_space<vmem>> -> memref<104xf32, #tpu.memory_space<vmem>>
            %dma_wait3A_248 = arith.constant 0 : i32
            %dma_wait3A_249 = tpu.memref_slice %arg4[%dma_wait3A_248] : memref<1703936xf32, #tpu.memory_space<hbm>> -> memref<104xf32, #tpu.memory_space<hbm>>
            tpu.wait_dma2 semaphore(%arg27 : memref<!tpu.dma_semaphore, #tpu.memory_space<semaphore_mem>>) src(%dma_wait3A_249 : memref<104xf32, #tpu.memory_space<hbm>>) dst(%dma_wait3A_247 : memref<104xf32, #tpu.memory_space<vmem>>)
          } else {
          }
          %mul3A_239 = arith.constant 104 : i32
          %mul3A_240 = arith.muli %squeeze3A_169, %mul3A_239 : i32
          %dma_start3A = tpu.memref_slice %arg20[%mul3A_176] : memref<1808xf32, #tpu.memory_space<vmem>> -> memref<104xf32, #tpu.memory_space<vmem>>
          %dma_start3A_241 = tpu.memref_slice %arg4[%mul3A_240] : memref<1703936xf32, #tpu.memory_space<hbm>> -> memref<104xf32, #tpu.memory_space<hbm>>
          %dma_start3A_242 = tpu.memref_slice %arg4[%mul3A_240] : memref<1703936xf32, #tpu.memory_space<hbm>> -> memref<104xf32, #tpu.memory_space<hbm>>
          %dma_start3A_243 = tpu.memref_slice %arg20[%mul3A_176] : memref<1808xf32, #tpu.memory_space<vmem>> -> memref<104xf32, #tpu.memory_space<vmem>>
          tpu.enqueue_dma source(%dma_start3A_243 : memref<104xf32, #tpu.memory_space<vmem>>) target(%dma_start3A_242 : memref<104xf32, #tpu.memory_space<hbm>>) target_semaphore(%arg27 : memref<!tpu.dma_semaphore, #tpu.memory_space<semaphore_mem>>)
        }
        %while3A_155 = arith.constant 1 : i32
        scf.for %while3A_162 = %while3A_153 to %while3A_149 step %while3A_155  : i32 {
          %get3A = arith.index_cast %while3A_162 : i32 to index
          %get3A_163 = tpu.vector_load %arg14[%get3A] {strides = array<i32>} : memref<1040xi32, #tpu.memory_space<vmem>>, vector<16xi32>,
          %get3A_164 = arith.index_cast %while3A_162 : i32 to index
          %get3A_165 = tpu.vector_load %arg15[%get3A_164] {strides = array<i32>} : memref<1040xi32, #tpu.memory_space<vmem>>, vector<16xi32>,
          %slice3A_166 = vector.extract_strided_slice %get3A_163 {offsets = [0], sizes = [1], strides = [1]} : vector<16xi32> to vector<1xi32>
          %squeeze3A_167 = vector.extract %slice3A_166[0] : i32 from vector<1xi32>
          %slice3A_168 = vector.extract_strided_slice %get3A_165 {offsets = [0], sizes = [1], strides = [1]} : vector<16xi32> to vector<1xi32>
          %squeeze3A_169 = vector.extract %slice3A_168[0] : i32 from vector<1xi32>
          %rem3A_170 = arith.constant 128 : i32
          %rem3A_171 = arith.remsi %squeeze3A_167, %rem3A_170 : i32
          %broadcast_in_dim3A_172 = vector.broadcast %rem3A_171 : i32 to vector<16xi32>
          %rem3A_173 = arith.constant 16 : i32
          %rem3A_174 = arith.remsi %while3A_162, %rem3A_173 : i32
          %mul3A_175 = arith.constant 112 : i32
          %mul3A_176 = arith.muli %rem3A_174, %mul3A_175 : i32
          %add3A_177 = arith.constant 0 : i32
          %add3A_178 = vector.broadcast %add3A_177 : i32 to vector<16xi32>
          %add3A_179 = arith.addi %iota3A, %add3A_178 : vector<16xi32>
          %gather3A_180 = tpu.vector_load_idx %arg11[%add3A_179, %broadcast_in_dim3A_172] : memref<100x128xf32, #tpu.memory_space<vmem>>[vector<16xi32>, vector<16xi32>], vector<16xf32>,
          %add3A_181 = arith.constant 0 : i32
          %add3A_182 = arith.addi %mul3A_176, %add3A_181 : i32
          %swap3A = arith.index_cast %add3A_182 : i32 to index
          %swap3A_183 = tpu.vector_load %arg20[%swap3A] {strides = array<i32>} : memref<1808xf32, #tpu.memory_space<vmem>>, vector<16xf32>,
          tpu.vector_store %arg20[%swap3A], %gather3A_180 {strides = array<i32>} : memref<1808xf32, #tpu.memory_space<vmem>>, vector<16xf32>,
          %add3A_184 = arith.constant 16 : i32
          %add3A_185 = vector.broadcast %add3A_184 : i32 to vector<16xi32>
          %add3A_186 = arith.addi %iota3A, %add3A_185 : vector<16xi32>
          %gather3A_187 = tpu.vector_load_idx %arg11[%add3A_186, %broadcast_in_dim3A_172] : memref<100x128xf32, #tpu.memory_space<vmem>>[vector<16xi32>, vector<16xi32>], vector<16xf32>,
          %add3A_188 = arith.constant 16 : i32
          %add3A_189 = arith.addi %mul3A_176, %add3A_188 : i32
          %swap3A_190 = arith.index_cast %add3A_189 : i32 to index
          %swap3A_191 = tpu.vector_load %arg20[%swap3A_190] {strides = array<i32>} : memref<1808xf32, #tpu.memory_space<vmem>>, vector<16xf32>,
          tpu.vector_store %arg20[%swap3A_190], %gather3A_187 {strides = array<i32>} : memref<1808xf32, #tpu.memory_space<vmem>>, vector<16xf32>,
          %add3A_192 = arith.constant 32 : i32
          %add3A_193 = vector.broadcast %add3A_192 : i32 to vector<16xi32>
          %add3A_194 = arith.addi %iota3A, %add3A_193 : vector<16xi32>
          %gather3A_195 = tpu.vector_load_idx %arg11[%add3A_194, %broadcast_in_dim3A_172] : memref<100x128xf32, #tpu.memory_space<vmem>>[vector<16xi32>, vector<16xi32>], vector<16xf32>,
          %add3A_196 = arith.constant 32 : i32
          %add3A_197 = arith.addi %mul3A_176, %add3A_196 : i32
          %swap3A_198 = arith.index_cast %add3A_197 : i32 to index
          %swap3A_199 = tpu.vector_load %arg20[%swap3A_198] {strides = array<i32>} : memref<1808xf32, #tpu.memory_space<vmem>>, vector<16xf32>,
          tpu.vector_store %arg20[%swap3A_198], %gather3A_195 {strides = array<i32>} : memref<1808xf32, #tpu.memory_space<vmem>>, vector<16xf32>,
          %add3A_200 = arith.constant 48 : i32
          %add3A_201 = vector.broadcast %add3A_200 : i32 to vector<16xi32>
          %add3A_202 = arith.addi %iota3A, %add3A_201 : vector<16xi32>
          %gather3A_203 = tpu.vector_load_idx %arg11[%add3A_202, %broadcast_in_dim3A_172] : memref<100x128xf32, #tpu.memory_space<vmem>>[vector<16xi32>, vector<16xi32>], vector<16xf32>,
          %add3A_204 = arith.constant 48 : i32
          %add3A_205 = arith.addi %mul3A_176, %add3A_204 : i32
          %swap3A_206 = arith.index_cast %add3A_205 : i32 to index
          %swap3A_207 = tpu.vector_load %arg20[%swap3A_206] {strides = array<i32>} : memref<1808xf32, #tpu.memory_space<vmem>>, vector<16xf32>,
          tpu.vector_store %arg20[%swap3A_206], %gather3A_203 {strides = array<i32>} : memref<1808xf32, #tpu.memory_space<vmem>>, vector<16xf32>,
          %add3A_208 = arith.constant 64 : i32
          %add3A_209 = vector.broadcast %add3A_208 : i32 to vector<16xi32>
          %add3A_210 = arith.addi %iota3A, %add3A_209 : vector<16xi32>
          %gather3A_211 = tpu.vector_load_idx %arg11[%add3A_210, %broadcast_in_dim3A_172] : memref<100x128xf32, #tpu.memory_space<vmem>>[vector<16xi32>, vector<16xi32>], vector<16xf32>,
          %add3A_212 = arith.constant 64 : i32
          %add3A_213 = arith.addi %mul3A_176, %add3A_212 : i32
          %swap3A_214 = arith.index_cast %add3A_213 : i32 to index
          %swap3A_215 = tpu.vector_load %arg20[%swap3A_214] {strides = array<i32>} : memref<1808xf32, #tpu.memory_space<vmem>>, vector<16xf32>,
          tpu.vector_store %arg20[%swap3A_214], %gather3A_211 {strides = array<i32>} : memref<1808xf32, #tpu.memory_space<vmem>>, vector<16xf32>,
          %add3A_216 = arith.constant 80 : i32
          %add3A_217 = vector.broadcast %add3A_216 : i32 to vector<16xi32>
          %add3A_218 = arith.addi %iota3A, %add3A_217 : vector<16xi32>
          %gather3A_219 = tpu.vector_load_idx %arg11[%add3A_218, %broadcast_in_dim3A_172] : memref<100x128xf32, #tpu.memory_space<vmem>>[vector<16xi32>, vector<16xi32>], vector<16xf32>,
          %add3A_220 = arith.constant 80 : i32
          %add3A_221 = arith.addi %mul3A_176, %add3A_220 : i32
          %swap3A_222 = arith.index_cast %add3A_221 : i32 to index
          %swap3A_223 = tpu.vector_load %arg20[%swap3A_222] {strides = array<i32>} : memref<1808xf32, #tpu.memory_space<vmem>>, vector<16xf32>,
          tpu.vector_store %arg20[%swap3A_222], %gather3A_219 {strides = array<i32>} : memref<1808xf32, #tpu.memory_space<vmem>>, vector<16xf32>,
          %add3A_224 = arith.constant 96 : i32
          %add3A_225 = vector.broadcast %add3A_224 : i32 to vector<16xi32>
          %add3A_226 = arith.addi %iota3A, %add3A_225 : vector<16xi32>
          %min3A_227 = arith.constant 99 : i32
          %min3A_228 = vector.broadcast %min3A_227 : i32 to vector<16xi32>
          %min3A_229 = arith.minsi %add3A_226, %min3A_228 : vector<16xi32>
          %gather3A_230 = tpu.vector_load_idx %arg11[%min3A_229, %broadcast_in_dim3A_172] : memref<100x128xf32, #tpu.memory_space<vmem>>[vector<16xi32>, vector<16xi32>], vector<16xf32>,
          %add3A_231 = arith.constant 96 : i32
          %add3A_232 = arith.addi %mul3A_176, %add3A_231 : i32
          %swap3A_233 = arith.index_cast %add3A_232 : i32 to index
          %swap3A_234 = tpu.vector_load %arg20[%swap3A_233] {strides = array<i32>} : memref<1808xf32, #tpu.memory_space<vmem>>, vector<16xf32>,
          tpu.vector_store %arg20[%swap3A_233], %gather3A_230 {strides = array<i32>} : memref<1808xf32, #tpu.memory_space<vmem>>, vector<16xf32>,
          %ge3A = arith.constant 16 : i32
          %ge3A_235 = arith.cmpi sge, %while3A_162, %ge3A : i32
          %convert_element_type3A_236 = arith.extui %ge3A_235 : i1 to i32
          %cond3A_237 = arith.constant 0 : i32
          %cond3A_238 = arith.cmpi ne, %convert_element_type3A_236, %cond3A_237 : i32
          scf.if %cond3A_238 {
            %dma_wait3A_244 = tpu.memref_slice %arg20[%mul3A_176] : memref<1808xf32, #tpu.memory_space<vmem>> -> memref<104xf32, #tpu.memory_space<vmem>>
            %dma_wait3A_245 = arith.constant 0 : i32
            %dma_wait3A_246 = tpu.memref_slice %arg4[%dma_wait3A_245] : memref<1703936xf32, #tpu.memory_space<hbm>> -> memref<104xf32, #tpu.memory_space<hbm>>
            %dma_wait3A_247 = tpu.memref_slice %arg20[%mul3A_176] : memref<1808xf32, #tpu.memory_space<vmem>> -> memref<104xf32, #tpu.memory_space<vmem>>
            %dma_wait3A_248 = arith.constant 0 : i32
            %dma_wait3A_249 = tpu.memref_slice %arg4[%dma_wait3A_248] : memref<1703936xf32, #tpu.memory_space<hbm>> -> memref<104xf32, #tpu.memory_space<hbm>>
            tpu.wait_dma2 semaphore(%arg27 : memref<!tpu.dma_semaphore, #tpu.memory_space<semaphore_mem>>) src(%dma_wait3A_249 : memref<104xf32, #tpu.memory_space<hbm>>) dst(%dma_wait3A_247 : memref<104xf32, #tpu.memory_space<vmem>>)
          } else {
          }
          %mul3A_239 = arith.constant 104 : i32
          %mul3A_240 = arith.muli %squeeze3A_169, %mul3A_239 : i32
          %dma_start3A = tpu.memref_slice %arg20[%mul3A_176] : memref<1808xf32, #tpu.memory_space<vmem>> -> memref<104xf32, #tpu.memory_space<vmem>>
          %dma_start3A_241 = tpu.memref_slice %arg4[%mul3A_240] : memref<1703936xf32, #tpu.memory_space<hbm>> -> memref<104xf32, #tpu.memory_space<hbm>>
          %dma_start3A_242 = tpu.memref_slice %arg4[%mul3A_240] : memref<1703936xf32, #tpu.memory_space<hbm>> -> memref<104xf32, #tpu.memory_space<hbm>>
          %dma_start3A_243 = tpu.memref_slice %arg20[%mul3A_176] : memref<1808xf32, #tpu.memory_space<vmem>> -> memref<104xf32, #tpu.memory_space<vmem>>
          tpu.enqueue_dma source(%dma_start3A_243 : memref<104xf32, #tpu.memory_space<vmem>>) target(%dma_start3A_242 : memref<104xf32, #tpu.memory_space<hbm>>) target_semaphore(%arg27 : memref<!tpu.dma_semaphore, #tpu.memory_space<semaphore_mem>>)
        }
        %add3A_156 = arith.constant 6 : i32
        %add3A_157 = arith.addi %while3A_102, %add3A_156 : i32
        %lt3A_158 = arith.cmpi slt, %add3A_157, %scan3A_53 : i32
        %convert_element_type3A_159 = arith.extui %lt3A_158 : i1 to i32
        %cond3A_160 = arith.constant 0 : i32
        %cond3A_161 = arith.cmpi ne, %convert_element_type3A_159, %cond3A_160 : i32
        scf.if %cond3A_161 {
          %broadcast_in_dim3A_162 = vector.broadcast %while3A_102 : i32 to vector<16xi32>
          %add3A_163 = arith.constant 6 : i32
          %add3A_164 = vector.broadcast %add3A_163 : i32 to vector<16xi32>
          %add3A_165 = arith.addi %broadcast_in_dim3A_162, %add3A_164 : vector<16xi32>
          %gather3A_166 = tpu.vector_load_idx %arg19[%add3A_165] : memref<272xi32, #tpu.memory_space<vmem>>[vector<16xi32>], vector<16xi32>,
          %slice3A_167 = vector.extract_strided_slice %gather3A_166 {offsets = [0], sizes = [1], strides = [1]} : vector<16xi32> to vector<1xi32>
          %squeeze3A_168 = vector.extract %slice3A_167[0] : i32 from vector<1xi32>
          %add3A_169 = arith.addi %add3A_4, %squeeze3A_168 : i32
          %mul3A_170 = arith.constant 128 : i32
          %mul3A_171 = arith.muli %add3A_169, %mul3A_170 : i32
          %multiple_of3A = tpu.assume_multiple %mul3A_171, 128 : i32
          %dma_start3A = arith.constant 0 : i32
          %dma_start3A_172 = tpu.memref_slice %arg3[%dma_start3A, %multiple_of3A] : memref<100x1000001xf32, #tpu.memory_space<hbm>> -> memref<100x128xf32, #tpu.memory_space<hbm>>
          %dma_start3A_173 = arith.constant 0 : i32
          %dma_start3A_174 = tpu.memref_slice %arg3[%dma_start3A_173, %multiple_of3A] : memref<100x1000001xf32, #tpu.memory_space<hbm>> -> memref<100x128xf32, #tpu.memory_space<hbm>>
          tpu.enqueue_dma source(%dma_start3A_174 : memref<100x128xf32, #tpu.memory_space<hbm>>) target(%arg11 : memref<100x128xf32, #tpu.memory_space<vmem>>) target_semaphore(%arg26 : memref<!tpu.dma_semaphore, #tpu.memory_space<semaphore_mem>>)
        } else {
        }
      } else {
      }
    }
    %min3A_91 = arith.constant 16 : i32
    %min3A_92 = arith.minsi %scan3A_17, %min3A_91 : i32
    %while3A_93 = arith.constant 0 : i32
    %while3A_94 = arith.subi %min3A_92, %while3A_93 : i32
    %while3A_95 = arith.addi %while3A_93, %while3A_94 : i32
    %while3A_96 = arith.constant 1 : i32
    %while3A_97 = arith.divsi %while3A_94, %while3A_96 : i32
    %while3A_98 = arith.muli %while3A_97, %while3A_96 : i32
    %while3A_99 = arith.addi %while3A_93, %while3A_98 : i32
    %while3A_100 = arith.constant 1 : i32
    scf.for %while3A_102 = %while3A_93 to %while3A_99 step %while3A_100  : i32 {
      %dma_wait3A = arith.constant 0 : i32
      %dma_wait3A_103 = tpu.memref_slice %arg20[%dma_wait3A] : memref<1808xf32, #tpu.memory_space<vmem>> -> memref<104xf32, #tpu.memory_space<vmem>>
      %dma_wait3A_104 = arith.constant 0 : i32
      %dma_wait3A_105 = tpu.memref_slice %arg4[%dma_wait3A_104] : memref<1703936xf32, #tpu.memory_space<hbm>> -> memref<104xf32, #tpu.memory_space<hbm>>
      %dma_wait3A_106 = arith.constant 0 : i32
      %dma_wait3A_107 = tpu.memref_slice %arg20[%dma_wait3A_106] : memref<1808xf32, #tpu.memory_space<vmem>> -> memref<104xf32, #tpu.memory_space<vmem>>
      %dma_wait3A_108 = arith.constant 0 : i32
      %dma_wait3A_109 = tpu.memref_slice %arg4[%dma_wait3A_108] : memref<1703936xf32, #tpu.memory_space<hbm>> -> memref<104xf32, #tpu.memory_space<hbm>>
      tpu.wait_dma2 semaphore(%arg27 : memref<!tpu.dma_semaphore, #tpu.memory_space<semaphore_mem>>) src(%dma_wait3A_109 : memref<104xf32, #tpu.memory_space<hbm>>) dst(%dma_wait3A_107 : memref<104xf32, #tpu.memory_space<vmem>>)
    }
    %while3A_101 = arith.constant 1 : i32
    scf.for %while3A_102 = %while3A_99 to %while3A_95 step %while3A_101  : i32 {
      %dma_wait3A = arith.constant 0 : i32
      %dma_wait3A_103 = tpu.memref_slice %arg20[%dma_wait3A] : memref<1808xf32, #tpu.memory_space<vmem>> -> memref<104xf32, #tpu.memory_space<vmem>>
      %dma_wait3A_104 = arith.constant 0 : i32
      %dma_wait3A_105 = tpu.memref_slice %arg4[%dma_wait3A_104] : memref<1703936xf32, #tpu.memory_space<hbm>> -> memref<104xf32, #tpu.memory_space<hbm>>
      %dma_wait3A_106 = arith.constant 0 : i32
      %dma_wait3A_107 = tpu.memref_slice %arg20[%dma_wait3A_106] : memref<1808xf32, #tpu.memory_space<vmem>> -> memref<104xf32, #tpu.memory_space<vmem>>
      %dma_wait3A_108 = arith.constant 0 : i32
      %dma_wait3A_109 = tpu.memref_slice %arg4[%dma_wait3A_108] : memref<1703936xf32, #tpu.memory_space<hbm>> -> memref<104xf32, #tpu.memory_space<hbm>>
      tpu.wait_dma2 semaphore(%arg27 : memref<!tpu.dma_semaphore, #tpu.memory_space<semaphore_mem>>) src(%dma_wait3A_109 : memref<104xf32, #tpu.memory_space<hbm>>) dst(%dma_wait3A_107 : memref<104xf32, #tpu.memory_space<vmem>>)
    }
    return
  }
}

</mosaic_0001>

<sc_bundles>
// kernel: kernel.3.cloned.1.call-start
scs
__scs_entry_jumppad:
0x0: {  	(pc) =	sbr.rel $0x88, $3  }
0x1: {  	(tag) =	ssettag $0x0;
	lr =	simm.s32 $0x1  }
0x2: {  	[smem:$0x3F9F] =	sst lr;
	_ =	strace $0xD0000000  }
0x3: {  	_ = 	snop  }
0x4: {  	_ = 	snop  }
0x5: {  	_ = 	snop  }
0x6: {  	_ = 	snop  }
0x7: {  	_ = 	snop  }
__scs_overlays_trampoline_lowered:
0x8: {  	[smem:$0x3FAE] =	sst s0  }
0x9: {  	[smem:$0x3FAF] =	sst s1  }
0xa: {  	[smem:$0x3FB0] =	sst s2  }
0xb: {  	[smem:$0x3FB1] =	sst s3  }
0xc: {  	[smem:$0x3FB2] =	sst s4  }
0xd: {  	[smem:$0x3FB3] =	sst s5  }
0xe: {  	[smem:$0x3FB4] =	sst s6  }
0xf: {  	[smem:$0x3FB5] =	sst s7  }
0x10: {  	[smem:$0x3FB6] =	sst s8  }
0x11: {  	[smem:$0x3FB7] =	sst s9;
	s0 =	simm.s32 @!p0 $0x0  }
0x12: {  	s1 =	sld [smem:$0x3F9D];
	s0 =	simm.s32 @p0 $0x1  }
0x13: {  	[smem:$0x3FB8] =	sst s0;
	s0 =	simm.s32 @!p1 $0x0  }
0x14: {  	s2 =	sld [smem:$0x3F9C];
	s0 =	simm.s32 @p1 $0x1  }
0x15: {  	[smem:$0x3FB9] =	sst s0;
	s0 =	simm.s32 @!p2 $0x0  }
0x16: {  	s3 =	sld [smem:$0x3FDB];
	s0 =	simm.s32 @p2 $0x1  }
0x17: {  	s4 =	simm.s32 $0x1BF5;
	[smem:$0x3FBB] =	sst s0  }
0x18: {  	s0 =	sld [smem:$0x3F9E];
	_ =	swait.ge [sflag:s4], $0x0  }
0x19: {  	s7 =	sld [smem:$0x3F9F]  }
0x1a: {  	s8 =	sadd.s32 $0xFFFFE003, lr  }
0x1b: {  	s9 =	sadd.s32 $0xFFFFFEF7, lr;
	s5 =	simm.s32 $0xFFFFFFFF;
	p2 =	slt.u32 s8, $0xFFFFF086  }
0x1c: {  	p1 =	slt.u32 s9, $0xF7A;
	s5 =	simm.s32 @!p2 $0x0  }
0x1d: {  	s5 =	simm.s32 @p1 $0x1;
	p0 =	seq.s32 s7, s2  }
0x1e: {  	s7 =	smul.u32 @!p0 $0xF7A, s2;
	p2 =	seq.s32 @!p0 s5, $0x0  }
0x1f: {  	s9 =	smul.u32 $0xF7A, s1;
	s8 =	simm.s32 @!p0 $0x1BF5;
	p2 =	por !p2, p0  }
0x20: {  	[sflag:s8] =	ssyncset.s32 @!p0 $0xFFFFF086;
	s6 =	sadd.s32 @!p0 s3, s7;
	s7 =	simm.s32 @!p0 $0x108  }
0x21: {  	s3 =	sadd.s32 s3, s9;
	s6 =	sadd.s32 @!p0 $0x88, s6;
	s7 =	simm.s32 @p2 $0x1082  }
0x22: {  	[simem:s7], [sflag:s8] =	dma.local @!p0 [hbm:s6], $0xF7A  }
0x23: {  	s9 =	sor.u32 $0xD0000000, s2;
	s6 =	simm.s32 $0x108;
	_ =	swait.ge @!p0 [sflag:s8], $0x0  }
0x24: {  	s3 =	sadd.s32 $0x88, s3;
	s6 =	simm.s32 @!p1 $0x1082;
	[sflag:s4] =	ssyncset.s32 $0xFFFFF086  }
0x25: {  	[simem:s6], [sflag:s4] =	dma.local [hbm:s3], $0xF7A  }
0x26: {  	[smem:$0x3F9F] =	sst s1;
	(tag) =	ssettag s2;
	_ =	strace s9  }
0x27: {  	s1 =	sld [smem:$0x3FAF]  }
0x28: {  	s2 =	sld [smem:$0x3FB0]  }
0x29: {  	s4 =	sld [smem:$0x3FB2]  }
0x2a: {  	p0 =	seq.s32 s5, $0x0;
	s5 =	sld [smem:$0x3FB3]  }
0x2b: {  	s6 =	sld [smem:$0x3FB4]  }
0x2c: {  	s7 =	sld [smem:$0x3FB5]  }
0x2d: {  	s3 =	simm.s32 $0x108;
	s8 =	sld [smem:$0x3FB6]  }
0x2e: {  	s3 =	simm.s32 @!p0 $0x1082;
	s9 =	sld [smem:$0x3FB7]  }
0x2f: {  	lr =	sadd.s32 s0, s3;
	s0 =	sld [smem:$0x3FAE]  }
0x30: {  	s3 =	sld [smem:$0x3FB1]  }
0x31: {  	[smem:$0x3FBA] =	sst s10  }
0x32: {  	s10 =	sld [smem:$0x3FB8];
	_ =	sdelay $0x3  }
0x33: {  	p0 =	seq.s32 s10, $0x1;
	s10 =	sld [smem:$0x3FBA];
	_ =	sdelay $0x3  }
0x34: {  	[smem:$0x3FBA] =	sst s10  }
0x35: {  	s10 =	sld [smem:$0x3FB9];
	_ =	sdelay $0x3  }
0x36: {  	p1 =	seq.s32 s10, $0x1;
	s10 =	sld [smem:$0x3FBA];
	_ =	sdelay $0x3  }
0x37: {  	[smem:$0x3FBA] =	sst s10  }
0x38: {  	s10 =	sld [smem:$0x3FBB]  }
0x39: {  	_ = 	snop;
	(pc) =	sbr.ind lr, $3  }
0x3a: {  	_ = 	snop  }
0x3b: {  	_ = 	snop  }
0x3c: {  	p2 =	seq.s32 s10, $0x1;
	s10 =	sld [smem:$0x3FBA]  }
0x3d: {  	_ =	shalt  }
0x3e: {  	_ =	shalt  }
0x3f: {  	_ =	shalt  }
0x40: {  	_ =	shalt  }
0x41: {  	_ =	shalt  }
0x42: {  	_ =	shalt  }
0x43: {  	_ =	shalt  }
0x44: {  	_ =	shalt  }
0x45: {  	_ =	shalt  }
0x46: {  	_ =	shalt  }
0x47: {  	_ =	shalt  }
0x48: {  	_ =	shalt  }
0x49: {  	_ =	shalt  }
0x4a: {  	_ =	shalt  }
0x4b: {  	_ =	shalt  }
0x4c: {  	_ =	shalt  }
0x4d: {  	_ =	shalt  }
0x4e: {  	_ =	shalt  }
0x4f: {  	_ =	shalt  }
0x50: {  	_ =	shalt  }
0x51: {  	_ =	shalt  }
0x52: {  	_ =	shalt  }
0x53: {  	_ =	shalt  }
0x54: {  	_ =	shalt  }
0x55: {  	_ =	shalt  }
0x56: {  	_ =	shalt  }
0x57: {  	_ =	shalt  }
0x58: {  	_ =	shalt  }
0x59: {  	_ =	shalt  }
0x5a: {  	_ =	shalt  }
0x5b: {  	_ =	shalt  }
0x5c: {  	_ =	shalt  }
0x5d: {  	_ =	shalt  }
0x5e: {  	_ =	shalt  }
0x5f: {  	_ =	shalt  }
0x60: {  	_ =	shalt  }
0x61: {  	_ =	shalt  }
0x62: {  	_ =	shalt  }
0x63: {  	_ =	shalt  }
0x64: {  	_ =	shalt  }
0x65: {  	_ =	shalt  }
0x66: {  	_ =	shalt  }
0x67: {  	_ =	shalt  }
0x68: {  	_ =	shalt  }
0x69: {  	_ =	shalt  }
0x6a: {  	_ =	shalt  }
0x6b: {  	_ =	shalt  }
0x6c: {  	_ =	shalt  }
0x6d: {  	_ =	shalt  }
0x6e: {  	_ =	shalt  }
0x6f: {  	_ =	shalt  }
0x70: {  	_ =	shalt  }
0x71: {  	_ =	shalt  }
0x72: {  	_ =	shalt  }
0x73: {  	_ =	shalt  }
0x74: {  	_ =	shalt  }
0x75: {  	_ =	shalt  }
0x76: {  	_ =	shalt  }
0x77: {  	_ =	shalt  }
0x78: {  	_ =	shalt  }
0x79: {  	_ =	shalt  }
0x7a: {  	_ =	shalt  }
0x7b: {  	_ =	shalt  }
0x7c: {  	_ =	shalt  }
0x7d: {  	_ =	shalt  }
0x7e: {  	_ =	shalt  }
0x7f: {  	_ =	shalt  }
0x80: {  	_ =	shalt  }
0x81: {  	_ =	shalt  }
0x82: {  	_ =	shalt  }
0x83: {  	_ =	shalt  }
0x84: {  	_ =	shalt  }
0x85: {  	_ =	shalt  }
0x86: {  	_ =	shalt  }
0x87: {  	_ =	shalt  }
.Lfunc_end0:
.L_simem_size_0:
called_computation_lowered:
.L_overlay_start_0:
0x88: {  	s2 =	sld [smem:$0x3FD9]  }
0x89: {  	s3 =	sld [smem:$0x3FFE];
	_ =	sdelay $0x1  }
0x8a: {  	s1 =	srdreg.scid  }
0x8b: {  	s0 =	sand.u32 $0x1, s1  }
0x8c: {  	s18 =	sshll.u32 s0, $0xA;
	s2 =	sadd.s32 s3, s2  }
0x8d: {  	s2 =	sadd.s32 s2, s18  }
0x8e: {  	[smem:$0x3FC6] =	sst s2  }
0x8f: {  	_ = 	snop  }
0x90: {  	s2 =	sld [smem:$0x3FC9]  }
0x91: {  	s19 =	sld [smem:$0x3FC8]  }
0x92: {  	s4 =	sld [smem:$0x3FD0];
	(tm) =	ssettm $0x1  }
0x93: {  	s5 =	sld [smem:$0x3FFB];
	_ =	sdelay $0x3  }
0x94: {  	_ =	strace s5  }
0x95: {  	s5 =	sld [smem:$0x3FFC];
	_ =	sdelay $0x3  }
0x96: {  	_ =	strace s5  }
0x97: {  	s5 =	sld [smem:$0x3FFD];
	_ =	sdelay $0x3  }
0x98: {  	_ =	strace s5  }
0x99: {  	_ =	strace $0x8FFFFFFF  }
0x9a: {  	s20 =	sld [smem:$0x3FDB];
	_ =	sdelay $0x1  }
0x9b: {  	s6 =	simm.s32 $_scs_section_size  }
0x9c: {  	s7 =	simm.s32 $_size__tile_overlayer_lowered;
	s8 =	simm.s32 $_tile_overlayer_lowered  }
0x9d: {  	s23 =	simm.s32 $0x1BFF;
	s22 =	sshll.u32 s8, $0x1;
	s5 =	sadd.s32 s6, s20  }
0x9e: {  	s9 =	simm.s32 $0x0;
	s21 =	sshll.u32 s7, $0x1;
	s7 =	sadd.s32 s22, s5  }
0x9f: {  	[timem:s9], [sflag:s23] =	dma.local [hbm:s7], s21  }
0xa0: {  	_ =	swait.ge [sflag:s23], s21  }
0xa1: {  	s6 =	ssub.s32 $0x0, s21;
	[sflag:s23] =	ssyncset.done $0x0  }
0xa2: {  	[sflag:s23] =	ssyncadd.s32 s6;
	_ =	sdelay $0x1  }
0xa3: {  	s24 =	simm.s32 $0x1B8B  }
0xa4: {  	_ =	swait.ge [sflag:s24], $0x1  }
0xa5: {  	[sflag:s24] =	ssyncset.done $0x0  }
0xa6: {  	s25 =	simm.s32 $0x1B8E;
	[sflag:s24] =	ssyncadd.s32 $0xFFFFFFFF  }
0xa7: {  	s26 =	simm.s32 $execute0_lowered;
	[smem:$0x3FD2] =	sst s25  }
0xa8: {  	s6 =	sshll.u32 s26, $0x1;
	_ =	strace $0x80000046;
	[dreg:$0x1] =	wrdreg $0xFFFFFFFF  }
0xa9: {  	s28 =	simm.s32 $_size_execute0_lowered;
	s5 =	sadd.s32 s5, s6;
	[dreg:$0x0] =	wrdreg $0x0  }
0xaa: {  	s6 =	sshll.u32 s28, $0x1;
	[dreg:$0x2] =	wrdreg s5  }
0xab: {  	[dreg:$0x3] =	wrdreg s6  }
0xac: {  	[dreg:$0x4] =	wrdreg $0xC0  }
0xad: {  	_ =	task [dreg:s9], $0x5FFFF  }
0xae: {  	[dreg:$0x1] =	wrdreg $0xFFFFFFFF  }
0xaf: {  	[dreg:$0x0] =	wrdreg $0x60  }
0xb0: {  	[dreg:$0x2] =	wrdreg s2  }
0xb1: {  	[dreg:$0x3] =	wrdreg s19  }
0xb2: {  	[dreg:$0x4] =	wrdreg s4  }
0xb3: {  	[dreg:$0x5] =	wrdreg $0x9  }
0xb4: {  	_ =	task.clear_ibuf [dreg:s9], $0x6FFFF;
	_ =	strace $0x90000046  }
0xb5: {  	s29 =	simm.s32 $0x9;
	_ =	strace $0x80000048  }
0xb6: {  	_ =	swait.ge [sflag:s29], $0x1  }
0xb7: {  	[sflag:s29] =	ssyncadd.s32 $0xFFFFFFFF  }
0xb8: {  	_ =	strace $0x90000048  }
0xb9: {  	_ =	sfence  }
0xba: {  	s30 =	sld [smem:$0x0];
	_ =	sdelay $0x2  }
0xbb: {  	s31 =	sshll.u32 s1, $0xD;
	s1 =	sshrl.u32 s1, $0x2  }
0xbc: {  	s3 =	sand.u32 $0x4000, s31;
	s1 =	sadd.s32 s1, s30  }
0xbd: {  	s0 =	sor.u32 s3, s0;
	s1 =	sshll.u32 s1, $0x11  }
0xbe: {  	s0 =	sor.u32 s1, s0  }
0xbf: {  	s0 =	sadd.s32 $0x8F2B, s0  }
0xc0: {  	[sflag:s0] =	ssyncadd.remote.s32 $0x1  }
0xc1: {  	_ =	sfence.sel $0xFFFF  }
0xc2: {  	[dreg:$0x0] =	wrdreg $0xFFFFFFFF;
	(pc) =	sbr.abs _section_cstart, $3  }
0xc3: {  	[dreg:$0x1] =	wrdreg $0xFFFFFFFF  }
0xc4: {  	_ =	task.clear_ibuf [dreg:s9], $0x2FFFF;
	_ =	strace $0x9FFFFFFF  }
0xc5: {  	(tm) =	ssettm $0x7FFFFFFF  }
tec
execute0_lowered:
.L_overlay_start_1:
0x0: {  	(tag) =	ssettag $0x1  }
0x1: {  	s3 =	rddreg [dreg:$0x1]  }
0x2: {  	s4 =	rddreg [dreg:$0x2];
	s0 =	srdreg.scid  }
0x3: {  	s1 =	stileid.u32;
	s5 =	simm.s32 $0x0;
	s9 =	simm.s32 $0x17800  }
0x4: {  	s10 =	simm.s32 $0x17C80;
	s11 =	simm.s32 $0x18D00;
	s19 =	simm.s32 $0x18100  }
0x5: {  	s20 =	simm.s32 $0x18580;
	s14 =	simm.s32 $0x18E80;
	s17 =	simm.s32 $0x4000  }
0x6: {  	s26 =	simm.s32 $0x18B80;
	s31 =	simm.s32 $0x18A00;
	s23 =	simm.s32 $0x7400  }
0x7: {  	s25 =	simm.s32 $0xA800;
	s0 =	sand.u32 $0x1, s0;
	s1 =	sshll.u32 s1, $0x1  }
0x8: {  	s28 =	simm.s32 $0x14400;
	s2 =	ssub.s32 $0x2, s0;
	s0 =	sor.u32 s0, s1  }
0x9: {  	v0 =	vlaneseq.u32;
	v4 =	vimm.s32 $0x0;
	v8 =	vimm.s32 $0x3180;
	s30 =	simm.s32 $0x11000;
	[smem:$0x7FF] =	sst s5;
	s6 =	smul.u32 $0xF4, s0  }
.Ltmp0:
0xa: {  	vm0 =	vcmask $0x300;
	vm14 =	vcmask $0x704;
	v1 =	vmul.u32 $0x80, v0;
	_ =	strace $0x80000047;
	s29 =	sshrl.u32 s2, $0x1;
	(pc) =	sbr.rel .LBB2_1-.Ltmp0, $4  }
0xb: {  	vm15 =	vcmask $0xB08;
	v11 =	vimm.s32 $0x3;
	v9 =	vsel vm0, $0x3000, v8;
	s7 =	smin.u32 s0, $0x5;
	p0 =	slt.u32 s0, $0x5;
	s0 =	simm.s32 $0xF5  }
0xc: {  	v10 =	vsel vm14, $0x3080, v9;
	v5 =	vor.u32 $0x800, v1;
	v6 =	vor.u32 $0x1000, v1;
	s1 =	ssub.s32 s2, s29;
	s0 =	simm.s32 @!p0 $0xF4;
	s6 =	sadd.s32 s7, s6  }
0xd: {  	v7 =	vor.u32 $0x1800, v1;
	v8 =	vor.u32 $0x2000, v1;
	v9 =	vor.u32 $0x2800, v1;
	s1 =	smax.u32 s1, $0x1;
	s7 =	simm.s32 $0x0;
	s0 =	sadd.s32 s0, s6  }
0xe: {  	v10 =	vsel vm15, $0x3100, v10;
	[dreg:$0x4] =	wrdreg s1;
	v2 =	vmov s6;
	s1 =	simm.s32 $0x7;
	v3 =	vmov s0;
	s0 =	simm.s32 $0xDC00  }
.LBB2_60:
0xf: {  	[sflag:s1] =	ssyncadd.s32 $0xFFFFFF98  }
.LBB2_61:
0x10: {  	s7 =	sadd.s32 $0x1, s7;
	s2 =	rddreg [dreg:$0x4]  }
0x11: {  	p0 =	sne.s32 s7, s2  }
.Ltmp1:
0x12: {  	_ = 	snop;
	(pc) =	sbr.rel @!p0 .LBB2_62-.Ltmp1, $1  }
0x13: {  	_ =	sdelay $0x3  }
.LBB2_1:
0x14: {  	[dreg:$0x5] =	wrdreg s7  }
0x15: {  	s2 =	rddreg [dreg:$0x0];
	s15 =	simm.s32 $0x8  }
0x16: {  	[tilespmem:s5], [sflag:$0x8] =	stream.linear.gather [hbm4b:s2+s5], $0x4000, $0x38;
	[tilespmem:$0x19780] =	vst v63  }
0x17: {  	_ =	swait.ge [sflag:s15], $0x4000  }
0x18: {  	[sflag:s15] =	ssyncset.done $0x0  }
0x19: {  	s16 =	simm.s32 $0x20;
	[sflag:s15] =	ssyncadd.s32 $0xFFFFC000  }
0x1a: {  	v12 =	vld [tilespmem:s16+$0xFFFFFFE0];
	_ =	sdelay $0x4  }
0x1b: {  	v13 =	vshrl.u32 v12, $0x7  }
0x1c: {  	vm0 =	vge.u32 v13, v2;
	vm1 =	vlt.u32 v13, v3  }
0x1d: {  	vm0 =	vmand vm0, vm1  }
0x1e: {  	v13 =	vsel vm0, $0x1, v4  }
0x1f: {  	(xrf0) =	vadd.scan.msk.s32 $0xffff, v13;
	_ =	sdelay $0x2  }
0x20: {  	v13 =	vmov s5  }
0x21: {  	v13 =	vadd.s32 $0xFFFFFFFF, v13  }
0x22: {  	v13 =	vbroadcast v13, $0x0  }
0x23: {  	v14, _, _ =	vpop (xrf0)  }
0x24: {  	v13 =	vadd.s32 v14, v13;
	_ =	sdelay $0x1  }
0x25: {  	(v2sf) =	vpush v14, $0xF;
	_ =	sdelay $0x2  }
0x26: {  	[tilespmem:v13+s9+$0x0] =	vst.idx.msk vm0, v12;
	v12 =	vor.u32 s5, v0  }
0x27: {  	[tilespmem:v13+s10+$0x0] =	vst.idx.msk vm0, v12  }
0x28: {  	v12 =	vld [tilespmem:s16+$0xFFFFFFF0];
	_ =	sdelay $0x4  }
0x29: {  	v13 =	vshrl.u32 v12, $0x7  }
0x2a: {  	vm0 =	vge.u32 v13, v2;
	vm1 =	vlt.u32 v13, v3  }
0x2b: {  	vm0 =	vmand vm0, vm1  }
0x2c: {  	v13 =	vsel vm0, $0x1, v4  }
0x2d: {  	(xrf0) =	vadd.scan.msk.s32 $0xffff, v13  }
0x2e: {  	s18 =	spop (v2sf)  }
0x2f: {  	s7 =	sadd.s32 $0x0, s18  }
0x30: {  	v13 =	vmov s7  }
0x31: {  	v13 =	vadd.s32 $0xFFFFFFFF, v13  }
0x32: {  	v13 =	vbroadcast v13, $0x0  }
0x33: {  	v14, _, _ =	vpop (xrf0)  }
0x34: {  	v13 =	vadd.s32 v14, v13;
	_ =	sdelay $0x1  }
0x35: {  	(v2sf) =	vpush v14, $0xF;
	_ =	sdelay $0x1  }
0x36: {  	s8 =	simm.s32 $0x10  }
0x37: {  	[tilespmem:v13+s9+$0x0] =	vst.idx.msk vm0, v12;
	v12 =	vor.u32 s8, v0  }
0x38: {  	[tilespmem:v13+s10+$0x0] =	vst.idx.msk vm0, v12  }
0x39: {  	v12 =	vld [tilespmem:s16+$0x0];
	_ =	sdelay $0x4  }
0x3a: {  	v13 =	vshrl.u32 v12, $0x7  }
0x3b: {  	vm0 =	vge.u32 v13, v2;
	vm1 =	vlt.u32 v13, v3  }
0x3c: {  	vm0 =	vmand vm0, vm1  }
0x3d: {  	v13 =	vsel vm0, $0x1, v4  }
0x3e: {  	(xrf0) =	vadd.scan.msk.s32 $0xffff, v13  }
0x3f: {  	s21 =	spop (v2sf)  }
0x40: {  	s7 =	sadd.s32 s7, s21  }
0x41: {  	v13 =	vmov s7  }
0x42: {  	v13 =	vadd.s32 $0xFFFFFFFF, v13  }
0x43: {  	v13 =	vbroadcast v13, $0x0  }
0x44: {  	v14, _, _ =	vpop (xrf0)  }
0x45: {  	v13 =	vadd.s32 v14, v13;
	_ =	sdelay $0x1  }
0x46: {  	(v2sf) =	vpush v14, $0xF;
	_ =	sdelay $0x1  }
0x47: {  	s22 =	simm.s32 $0x20  }
0x48: {  	[tilespmem:v13+s9+$0x0] =	vst.idx.msk vm0, v12;
	v12 =	vor.u32 s22, v0  }
0x49: {  	[tilespmem:v13+s10+$0x0] =	vst.idx.msk vm0, v12  }
0x4a: {  	v12 =	vld [tilespmem:s16+$0x10];
	_ =	sdelay $0x4  }
0x4b: {  	v13 =	vshrl.u32 v12, $0x7  }
0x4c: {  	vm0 =	vge.u32 v13, v2;
	vm1 =	vlt.u32 v13, v3  }
0x4d: {  	vm0 =	vmand vm0, vm1  }
0x4e: {  	v13 =	vsel vm0, $0x1, v4  }
0x4f: {  	(xrf0) =	vadd.scan.msk.s32 $0xffff, v13  }
0x50: {  	s24 =	spop (v2sf)  }
0x51: {  	s12 =	sadd.s32 s7, s24  }
0x52: {  	v13 =	vmov s12  }
0x53: {  	v13 =	vadd.s32 $0xFFFFFFFF, v13  }
0x54: {  	v13 =	vbroadcast v13, $0x0  }
0x55: {  	v14, _, _ =	vpop (xrf0)  }
0x56: {  	v13 =	vadd.s32 v14, v13;
	(v2sf) =	vpush v14, $0xF;
	_ =	sdelay $0x3  }
0x57: {  	s29 =	simm.s32 $0x30  }
0x58: {  	[tilespmem:v13+s9+$0x0] =	vst.idx.msk vm0, v12;
	v12 =	vor.u32 s29, v0  }
0x59: {  	s2 =	simm.s32 $0x60;
	[tilespmem:v13+s10+$0x0] =	vst.idx.msk vm0, v12  }
0x5a: {  	v12 =	vld [tilespmem:s2+$0xFFFFFFE0];
	_ =	sdelay $0x4  }
0x5b: {  	v13 =	vshrl.u32 v12, $0x7  }
0x5c: {  	vm0 =	vge.u32 v13, v2;
	vm1 =	vlt.u32 v13, v3  }
0x5d: {  	vm0 =	vmand vm0, vm1  }
0x5e: {  	s8 =	simm.s32 $0x4;
	s7 =	simm.s32 $0x0;
	v13 =	vsel vm0, $0x1, v4;
	s13 =	spop (v2sf)  }
.LBB2_2:
0x5f: {  	s8 =	sadd.s32 $0x4, s8;
	(xrf0) =	vadd.scan.msk.s32 $0xffff, v13;
	s12 =	sadd.s32 s12, s13;
	s7 =	sadd.s32 $0x40, s7  }
0x60: {  	p0 =	slt.u32 s8, $0x3FC;
	v13 =	vmov s12  }
0x61: {  	v13 =	vadd.s32 $0xFFFFFFFF, v13;
	_ =	sdelay $0x2  }
0x62: {  	v13 =	vbroadcast v13, $0x0  }
0x63: {  	v14, _, _ =	vpop (xrf0)  }
0x64: {  	v13 =	vadd.s32 v14, v13;
	(v2sf) =	vpush v14, $0xF;
	_ =	sdelay $0x4  }
0x65: {  	[tilespmem:v13+s9+$0x0] =	vst.idx.msk vm0, v12;
	v12 =	vor.u32 s7, v0  }
0x66: {  	[tilespmem:v13+s10+$0x0] =	vst.idx.msk vm0, v12  }
0x67: {  	v12 =	vld [tilespmem:s2+$0xFFFFFFF0];
	_ =	sdelay $0x4  }
0x68: {  	v13 =	vshrl.u32 v12, $0x7  }
0x69: {  	vm0 =	vge.u32 v13, v2;
	vm1 =	vlt.u32 v13, v3  }
0x6a: {  	vm0 =	vmand vm0, vm1  }
0x6b: {  	v13 =	vsel vm0, $0x1, v4;
	s13 =	spop (v2sf)  }
0x6c: {  	s12 =	sadd.s32 s12, s13;
	(xrf0) =	vadd.scan.msk.s32 $0xffff, v13  }
0x6d: {  	v13 =	vmov s12  }
0x6e: {  	v13 =	vadd.s32 $0xFFFFFFFF, v13;
	_ =	sdelay $0x2  }
0x6f: {  	v13 =	vbroadcast v13, $0x0  }
0x70: {  	v14, _, _ =	vpop (xrf0)  }
0x71: {  	v13 =	vadd.s32 v14, v13;
	(v2sf) =	vpush v14, $0xF;
	_ =	sdelay $0x3  }
0x72: {  	s13 =	sadd.s32 $0x10, s7  }
0x73: {  	[tilespmem:v13+s9+$0x0] =	vst.idx.msk vm0, v12;
	v12 =	vor.u32 s13, v0  }
0x74: {  	[tilespmem:v13+s10+$0x0] =	vst.idx.msk vm0, v12  }
0x75: {  	v12 =	vld [tilespmem:s2+$0x0];
	_ =	sdelay $0x4  }
0x76: {  	v13 =	vshrl.u32 v12, $0x7  }
0x77: {  	vm0 =	vge.u32 v13, v2;
	vm1 =	vlt.u32 v13, v3  }
0x78: {  	vm0 =	vmand vm0, vm1  }
0x79: {  	v13 =	vsel vm0, $0x1, v4;
	s13 =	spop (v2sf)  }
0x7a: {  	s12 =	sadd.s32 s12, s13;
	(xrf0) =	vadd.scan.msk.s32 $0xffff, v13  }
0x7b: {  	v13 =	vmov s12  }
0x7c: {  	v13 =	vadd.s32 $0xFFFFFFFF, v13;
	_ =	sdelay $0x2  }
0x7d: {  	v13 =	vbroadcast v13, $0x0  }
0x7e: {  	v14, _, _ =	vpop (xrf0)  }
0x7f: {  	v13 =	vadd.s32 v14, v13;
	(v2sf) =	vpush v14, $0xF;
	_ =	sdelay $0x3  }
0x80: {  	s13 =	sadd.s32 $0x20, s7  }
0x81: {  	[tilespmem:v13+s9+$0x0] =	vst.idx.msk vm0, v12;
	v12 =	vor.u32 s13, v0  }
0x82: {  	[tilespmem:v13+s10+$0x0] =	vst.idx.msk vm0, v12  }
0x83: {  	v12 =	vld [tilespmem:s2+$0x10];
	_ =	sdelay $0x4  }
0x84: {  	v13 =	vshrl.u32 v12, $0x7  }
0x85: {  	vm0 =	vge.u32 v13, v2;
	vm1 =	vlt.u32 v13, v3  }
0x86: {  	vm0 =	vmand vm0, vm1  }
0x87: {  	v13 =	vsel vm0, $0x1, v4;
	s13 =	spop (v2sf)  }
0x88: {  	s12 =	sadd.s32 s12, s13;
	(xrf0) =	vadd.scan.msk.s32 $0xffff, v13  }
0x89: {  	v13 =	vmov s12  }
0x8a: {  	v13 =	vadd.s32 $0xFFFFFFFF, v13;
	_ =	sdelay $0x2  }
0x8b: {  	v13 =	vbroadcast v13, $0x0  }
0x8c: {  	v14, _, _ =	vpop (xrf0)  }
0x8d: {  	v13 =	vadd.s32 v14, v13;
	(v2sf) =	vpush v14, $0xF;
	_ =	sdelay $0x3  }
0x8e: {  	s13 =	sadd.s32 $0x30, s7  }
0x8f: {  	[tilespmem:v13+s9+$0x0] =	vst.idx.msk vm0, v12;
	v12 =	vor.u32 s13, v0  }
0x90: {  	s2 =	sadd.s32 $0x40, s2;
	[tilespmem:v13+s10+$0x0] =	vst.idx.msk vm0, v12  }
0x91: {  	v12 =	vld [tilespmem:s2+$0xFFFFFFE0];
	_ =	sdelay $0x3  }
.Ltmp2:
0x92: {  	(pc) =	sbr.rel @p0 .LBB2_2-.Ltmp2, $4  }
0x93: {  	v13 =	vshrl.u32 v12, $0x7  }
0x94: {  	vm0 =	vge.u32 v13, v2;
	vm1 =	vlt.u32 v13, v3  }
0x95: {  	vm0 =	vmand vm0, vm1  }
0x96: {  	v13 =	vsel vm0, $0x1, v4;
	s13 =	spop (v2sf)  }
0x97: {  	(xrf0) =	vadd.scan.msk.s32 $0xffff, v13;
	_ =	sdelay $0x1  }
0x98: {  	s8 =	sadd.s32 s12, s13  }
0x99: {  	v48 =	vmov s8  }
0x9a: {  	v13 =	vadd.s32 $0xFFFFFFFF, v48  }
0x9b: {  	v13 =	vbroadcast v13, $0x0  }
0x9c: {  	v14, _, _ =	vpop (xrf0)  }
0x9d: {  	v13 =	vadd.s32 v14, v13;
	_ =	sdelay $0x1  }
0x9e: {  	(v2sf) =	vpush v14, $0xF;
	_ =	sdelay $0x1  }
0x9f: {  	s7 =	sadd.s32 $0x40, s7  }
0xa0: {  	v49 =	vor.u32 s7, v0;
	[tilespmem:v13+s9+$0x0] =	vst.idx.msk vm0, v12  }
0xa1: {  	[tilespmem:v13+s10+$0x0] =	vst.idx.msk vm0, v49  }
0xa2: {  	v12 =	vld [tilespmem:s2+$0xFFFFFFF0];
	_ =	sdelay $0x4  }
0xa3: {  	v50 =	vshrl.u32 v12, $0x7  }
0xa4: {  	vm11 =	vge.u32 v50, v2;
	vm1 =	vlt.u32 v50, v3  }
0xa5: {  	vm0 =	vmand vm11, vm1  }
0xa6: {  	v51 =	vsel vm0, $0x1, v4  }
0xa7: {  	(xrf0) =	vadd.scan.msk.s32 $0xffff, v51  }
0xa8: {  	s16 =	spop (v2sf)  }
0xa9: {  	s8 =	sadd.s32 s8, s16  }
0xaa: {  	v52 =	vmov s8  }
0xab: {  	v13 =	vadd.s32 $0xFFFFFFFF, v52  }
0xac: {  	v13 =	vbroadcast v13, $0x0  }
0xad: {  	v53, _, _ =	vpop (xrf0)  }
0xae: {  	v13 =	vadd.s32 v53, v13;
	_ =	sdelay $0x1  }
0xaf: {  	(v2sf) =	vpush v53, $0xF;
	_ =	sdelay $0x1  }
0xb0: {  	s18 =	sadd.s32 $0x10, s7  }
0xb1: {  	v54 =	vor.u32 s18, v0;
	[tilespmem:v13+s9+$0x0] =	vst.idx.msk vm0, v12  }
0xb2: {  	[tilespmem:v13+s10+$0x0] =	vst.idx.msk vm0, v54  }
0xb3: {  	v12 =	vld [tilespmem:s2+$0x0];
	_ =	sdelay $0x4  }
0xb4: {  	v55 =	vshrl.u32 v12, $0x7  }
0xb5: {  	vm12 =	vge.u32 v55, v2;
	vm13 =	vlt.u32 v55, v3  }
0xb6: {  	vm0 =	vmand vm12, vm13  }
0xb7: {  	v56 =	vsel vm0, $0x1, v4  }
0xb8: {  	(xrf0) =	vadd.scan.msk.s32 $0xffff, v56  }
0xb9: {  	s21 =	spop (v2sf)  }
0xba: {  	s8 =	sadd.s32 s8, s21  }
0xbb: {  	v57 =	vmov s8  }
0xbc: {  	v13 =	vadd.s32 $0xFFFFFFFF, v57  }
0xbd: {  	v13 =	vbroadcast v13, $0x0  }
0xbe: {  	v58, _, _ =	vpop (xrf0)  }
0xbf: {  	v13 =	vadd.s32 v58, v13;
	_ =	sdelay $0x1  }
0xc0: {  	(v2sf) =	vpush v58, $0xF;
	_ =	sdelay $0x1  }
0xc1: {  	s22 =	sadd.s32 $0x20, s7  }
0xc2: {  	v59 =	vor.u32 s22, v0;
	[tilespmem:v13+s9+$0x0] =	vst.idx.msk vm0, v12  }
0xc3: {  	[tilespmem:v13+s10+$0x0] =	vst.idx.msk vm0, v59  }
0xc4: {  	v12 =	vld [tilespmem:s2+$0x10];
	_ =	sdelay $0x4  }
0xc5: {  	v60 =	vshrl.u32 v12, $0x7  }
0xc6: {  	vm14 =	vge.u32 v60, v2;
	vm15 =	vlt.u32 v60, v3  }
0xc7: {  	vm0 =	vmand vm14, vm15  }
0xc8: {  	v61 =	vsel vm0, $0x1, v4  }
0xc9: {  	(xrf0) =	vadd.scan.msk.s32 $0xffff, v61  }
0xca: {  	s24 =	spop (v2sf)  }
0xcb: {  	s2 =	sadd.s32 s8, s24  }
0xcc: {  	v62 =	vmov s2  }
0xcd: {  	v14 =	vadd.s32 $0xFFFFFFFF, v62  }
0xce: {  	v14 =	vbroadcast v14, $0x0  }
0xcf: {  	v13, _, _ =	vpop (xrf0)  }
0xd0: {  	(v2sf) =	vpush v13, $0xF;
	v13 =	vadd.s32 v13, v14;
	_ =	sdelay $0x3  }
0xd1: {  	s7 =	sadd.s32 $0x30, s7  }
0xd2: {  	v63 =	vor.u32 s7, v0;
	[tilespmem:v13+s9+$0x0] =	vst.idx.msk vm0, v12  }
0xd3: {  	[tilespmem:v13+s10+$0x0] =	vst.idx.msk vm0, v63  }
0xd4: {  	[tilespmem:$0x18A00] =	vst v4  }
0xd5: {  	[tilespmem:$0x18A10] =	vst v4  }
0xd6: {  	[tilespmem:$0x18A20] =	vst v4  }
0xd7: {  	[tilespmem:$0x18A30] =	vst v4  }
0xd8: {  	[tilespmem:$0x18A40] =	vst v4  }
0xd9: {  	[tilespmem:$0x18A50] =	vst v4  }
0xda: {  	[tilespmem:$0x18A60] =	vst v4  }
0xdb: {  	[tilespmem:$0x18A70] =	vst v4  }
0xdc: {  	[tilespmem:$0x18A80] =	vst v4  }
0xdd: {  	[tilespmem:$0x18A90] =	vst v4;
	s29 =	spop (v2sf)  }
0xde: {  	[tilespmem:$0x18AA0] =	vst v4;
	s15 =	sadd.s32 s2, s29  }
0xdf: {  	[tilespmem:$0x18AB0] =	vst v4;
	p0 =	sgt.s32 s15, $0x0  }
.Ltmp3:
0xe0: {  	[tilespmem:$0x18AC0] =	vst v4;
	(pc) =	sbr.rel @!p0 .LBB2_7-.Ltmp3, $4  }
0xe1: {  	[tilespmem:$0x18AD0] =	vst v4  }
0xe2: {  	[tilespmem:$0x18AE0] =	vst v4  }
0xe3: {  	[tilespmem:$0x18AF0] =	vst v4  }
0xe4: {  	[tilespmem:$0x18B00] =	vst v4  }
0xe5: {  	s2 =	simm.s32 $0x17800  }
0xe6: {  	v12 =	vld [tilespmem:s2+$0x0];
	_ =	sdelay $0x4  }
0xe7: {  	(v2sf) =	vpush v12, $0x0;
	_ =	sdelay $0xe  }
0xe8: {  	s7 =	spop (v2sf)  }
0xe9: {  	s7 =	sshrl.u32 s7, $0x7  }
0xea: {  	s7 =	ssub.s32 s7, s6  }
0xeb: {  	s8 =	sshrl.u32 s7, $0x1C  }
0xec: {  	s12 =	sadd.s32 s8, s7;
	s8 =	sand.u32 $0xFFFFFFF0, s7  }
0xed: {  	p1 =	sgt.s32 s15, $0x1;
	s12 =	sand.u32 $0xFFFFFFF0, s12;
	v12 =	vld [tilespmem:s8+$0x18A00]  }
.Ltmp4:
0xee: {  	s7 =	ssub.s32 s7, s12;
	(pc) =	sbr.rel @!p1 .LBB2_6-.Ltmp4, $4  }
0xef: {  	v13 =	vmov s7  }
0xf0: {  	vm0 =	veq.s32 v13, v0  }
0xf1: {  	v13 =	vsel vm0, $0x1, v4  }
0xf2: {  	s7 =	simm.s32 $0x1;
	v12 =	vadd.s32 v13, v12  }
.LBB2_5:
0xf3: {  	s7 =	sadd.s32 $0x1, s7;
	[tilespmem:s8+$0x18A00] =	vst v12;
	s2 =	sadd.s32 $0x1, s2  }
0xf4: {  	v12 =	vld [tilespmem:s2+$0x0];
	p1 =	slt.s32 s7, s15;
	_ =	sdelay $0x4  }
0xf5: {  	(v2sf) =	vpush v12, $0x0;
	_ =	sdelay $0xe  }
0xf6: {  	s8 =	spop (v2sf)  }
0xf7: {  	s8 =	sshrl.u32 s8, $0x7  }
0xf8: {  	s12 =	ssub.s32 s8, s6  }
0xf9: {  	s8 =	sshrl.u32 s12, $0x1C  }
0xfa: {  	s13 =	sadd.s32 s8, s12;
	s8 =	sand.u32 $0xFFFFFFF0, s12  }
0xfb: {  	s13 =	sand.u32 $0xFFFFFFF0, s13;
	v12 =	vld [tilespmem:s8+$0x18A00]  }
.Ltmp5:
0xfc: {  	s12 =	ssub.s32 s12, s13;
	(pc) =	sbr.rel @p1 .LBB2_5-.Ltmp5, $4  }
0xfd: {  	v13 =	vmov s12  }
0xfe: {  	vm0 =	veq.s32 v13, v0  }
0xff: {  	v13 =	vsel vm0, $0x1, v4  }
0x100: {  	v12 =	vadd.s32 v13, v12  }
.LBB2_6:
0x101: {  	[tilespmem:s8+$0x18A00] =	vst v12  }
.LBB2_7:
0x102: {  	s12 =	simm.s32 $0x0  }
0x103: {  	s7 =	simm.s32 $0x10;
	v14 =	vld [tilespmem:s12+$0x18A00]  }
0x104: {  	v13 =	vld [tilespmem:s7+$0x18A00];
	_ =	sdelay $0x3  }
0x105: {  	(xrf0) =	vadd.scan.msk.s32 $0xffff, v14  }
0x106: {  	(xrf0) =	vadd.scan.msk.s32 $0xffff, v13;
	_ =	sdelay $0x4  }
0x107: {  	s2 =	simm.s32 $0x20;
	v17, _, _ =	vpop (xrf0)  }
0x108: {  	v15 =	vld [tilespmem:s2+$0x18A00];
	(v2sf) =	vpush v17, $0xF;
	v16, _, _ =	vpop (xrf0)  }
0x109: {  	(v2sf) =	vpush v16, $0xF;
	_ =	sdelay $0x3  }
0x10a: {  	s8 =	simm.s32 $0x30;
	(xrf0) =	vadd.scan.msk.s32 $0xffff, v15  }
0x10b: {  	v12 =	vld [tilespmem:s8+$0x18A00];
	_ =	sdelay $0x3  }
0x10c: {  	s13 =	simm.s32 $0x0;
	s16 =	simm.s32 $0x100  }
.LBB2_8:
0x10d: {  	s18 =	sshra.s32 s16, $0x2;
	p1 =	seq.s32 s16, $0x400;
	s16 =	sadd.s32 $0x40, s16;
	(xrf0) =	vadd.scan.msk.s32 $0xffff, v12;
	v18, _, _ =	vpop (xrf0);
	v19 =	vsub.s32 s13, v14;
	v14 =	vmov v13;
	v13 =	vmov v15  }
.Ltmp6:
0x10e: {  	v15 =	vmovc v12;
	(v2sf) =	vpush v18, $0xF;
	v19 =	vadd.s32 v17, v19;
	v17 =	vmovc v16;
	v16 =	vmov v18;
	v12 =	vld [tilespmem:s18+$0x18A00];
	(pc) =	sbr.rel @!p1 .LBB2_8-.Ltmp6, $4  }
0x10f: {  	[tilespmem:s12+$0x18B80] =	vst v19  }
0x110: {  	[tilespmem:s12+$0x18D00] =	vst v19;
	s12 =	smov.u32 s7;
	s7 =	smov.u32 s2;
	s2 =	smov.u32 s8  }
0x111: {  	s8 =	smov.u32 s18;
	s21 =	spop (v2sf)  }
0x112: {  	s13 =	sadd.s32 s13, s21  }
0x113: {  	(xrf0) =	vadd.scan.msk.s32 $0xffff, v12  }
0x114: {  	v18, _, _ =	vpop (xrf0)  }
0x115: {  	(v2sf) =	vpush v18, $0xF;
	_ =	sdelay $0x3  }
0x116: {  	v19, _, _ =	vpop (xrf0)  }
0x117: {  	(v2sf) =	vpush v19, $0xF;
	_ =	sdelay $0x5  }
0x118: {  	s16 =	spop (v2sf);
	v14 =	vsub.s32 s13, v14  }
0x119: {  	v14 =	vadd.s32 v17, v14;
	s16 =	sadd.s32 s13, s16  }
0x11a: {  	[tilespmem:s12+$0x18B80] =	vst v14;
	v13 =	vsub.s32 s16, v13;
	s18 =	spop (v2sf)  }
0x11b: {  	[tilespmem:s12+$0x18D00] =	vst v14;
	v13 =	vadd.s32 v16, v13;
	s21 =	sadd.s32 s16, s18  }
0x11c: {  	[tilespmem:s7+$0x18B80] =	vst v13;
	v61 =	vsub.s32 s21, v15;
	s22 =	spop (v2sf)  }
.Ltmp7:
0x11d: {  	[tilespmem:s7+$0x18D00] =	vst v13;
	v62 =	vadd.s32 v18, v61;
	s24 =	sadd.s32 s21, s22;
	(pc) =	sbr.rel @!p0 .LBB2_12-.Ltmp7, $4  }
0x11e: {  	[tilespmem:s2+$0x18B80] =	vst v62;
	v63 =	vsub.s32 s24, v12  }
0x11f: {  	[tilespmem:s2+$0x18D00] =	vst v62;
	v12 =	vadd.s32 v19, v63  }
0x120: {  	[tilespmem:s8+$0x18B80] =	vst v12  }
0x121: {  	[tilespmem:s8+$0x18D00] =	vst v12;
	s29 =	spop (v2sf)  }
0x122: {  	s2 =	simm.s32 $0x0;
	s7 =	simm.s32 $0x17C80;
	s8 =	simm.s32 $0x17800  }
.LBB2_11:
0x123: {  	v12 =	vld [tilespmem:s8+$0x0];
	_ =	sdelay $0x4  }
0x124: {  	(v2sf) =	vpush v12, $0x0;
	_ =	sdelay $0xe  }
0x125: {  	s12 =	spop (v2sf)  }
0x126: {  	s12 =	sshrl.u32 s12, $0x7  }
0x127: {  	s12 =	ssub.s32 s12, s6  }
0x128: {  	v13 =	vmov s12;
	_ =	sdelay $0x4  }
0x129: {  	v14 =	vld.idx.msk [tilespmem:v13+s11+$0x0], $0xffff;
	_ =	sdelay $0x4  }
0x12a: {  	v14 =	vbroadcast v14, $0x0;
	_ =	sdelay $0x1  }
0x12b: {  	v15 =	vld.msk [tilespmem:s7+$0x0 ss:$0x0], $0xffff;
	s2 =	sadd.s32 $0x1, s2  }
0x12c: {  	p0 =	slt.s32 s2, s15  }
.Ltmp8:
0x12d: {  	v12 =	vbroadcast v12, $0x0;
	(pc) =	sbr.rel @p0 .LBB2_11-.Ltmp8, $4  }
0x12e: {  	_ = 	snop  }
0x12f: {  	[tilespmem:v14+s19+$0x0] =	vst.idx.msk $0x1, v12  }
0x130: {  	v63 =	vadd.s32 $0x1, v14;
	[tilespmem:v14+s20+$0x0] =	vst.idx.msk $0x1, v15  }
0x131: {  	s7 =	sadd.s32 $0x1, s7;
	s8 =	sadd.s32 $0x1, s8;
	[tilespmem:v13+s11+$0x0] =	vst.idx.msk $0x1, v63  }
.LBB2_12:
0x132: {  	s2 =	simm.s32 $0x18A00  }
0x133: {  	v12 =	vld [tilespmem:s2+$0x0];
	_ =	sdelay $0x4  }
0x134: {  	vm0 =	vgt.s32 v12, $0x0  }
0x135: {  	v12 =	vsel vm0, $0x1, v4  }
0x136: {  	(xrf0) =	vadd.scan.msk.s32 $0xffff, v12;
	_ =	sdelay $0x2  }
0x137: {  	s2 =	simm.s32 $0x0  }
0x138: {  	v12 =	vmov s2  }
0x139: {  	v12 =	vadd.s32 $0xFFFFFFFF, v12  }
0x13a: {  	v12 =	vbroadcast v12, $0x0;
	v13, _, _ =	vpop (xrf0)  }
0x13b: {  	(v2sf) =	vpush v13, $0xF  }
0x13c: {  	v12 =	vadd.s32 v13, v12;
	_ =	sdelay $0x3  }
0x13d: {  	v14 =	vor.u32 s2, v0  }
0x13e: {  	s8 =	simm.s32 $0x18A10;
	[tilespmem:v12+s14+$0x0] =	vst.idx.msk vm0, v14  }
0x13f: {  	s7 =	simm.s32 $0x10;
	s12 =	simm.s32 $0x20;
	v12 =	vld [tilespmem:s8+$0x0]  }
.LBB2_13:
0x140: {  	p0 =	sne.s32 s12, $0x100;
	_ =	sdelay $0x3  }
0x141: {  	vm0 =	vgt.s32 v12, $0x0  }
0x142: {  	v12 =	vsel vm0, $0x1, v4  }
0x143: {  	(xrf0) =	vadd.scan.msk.s32 $0xffff, v12  }
0x144: {  	s13 =	spop (v2sf)  }
0x145: {  	s2 =	sadd.s32 s2, s13  }
0x146: {  	v12 =	vmov s2  }
0x147: {  	v12 =	vadd.s32 $0xFFFFFFFF, v12  }
0x148: {  	v12 =	vbroadcast v12, $0x0  }
0x149: {  	v13, _, _ =	vpop (xrf0)  }
0x14a: {  	v12 =	vadd.s32 v13, v12;
	(v2sf) =	vpush v13, $0xF;
	_ =	sdelay $0x2  }
.Ltmp9:
0x14b: {  	(pc) =	sbr.rel @p0 .LBB2_13-.Ltmp9, $4  }
0x14c: {  	v13 =	vor.u32 s7, v0;
	s7 =	smov.u32 s12  }
0x14d: {  	[tilespmem:v12+s14+$0x0] =	vst.idx.msk vm0, v13  }
0x14e: {  	s8 =	sadd.s32 $0x10, s8  }
0x14f: {  	s12 =	sadd.s32 $0x10, s12;
	v12 =	vld [tilespmem:s8+$0x0]  }
0x150: {  	_ =	sdelay $0x3  }
0x151: {  	vm0 =	vgt.s32 v12, $0x0  }
0x152: {  	v12 =	vsel vm0, $0x1, v4  }
0x153: {  	(xrf0) =	vadd.scan.msk.s32 $0xffff, v12;
	_ =	sdelay $0x5  }
0x154: {  	v12, _, _ =	vpop (xrf0)  }
0x155: {  	(v2sf) =	vpush v12, $0xF;
	_ =	sdelay $0xa  }
0x156: {  	s8 =	spop (v2sf)  }
0x157: {  	s2 =	sadd.s32 s2, s8  }
0x158: {  	v13 =	vmov s2  }
0x159: {  	v13 =	vadd.s32 $0xFFFFFFFF, v13  }
0x15a: {  	v13 =	vbroadcast v13, $0x0;
	s29 =	spop (v2sf)  }
0x15b: {  	s16 =	sadd.s32 s2, s29  }
0x15c: {  	v12 =	vadd.s32 v12, v13;
	p0 =	slt.s32 s16, $0x1  }
.Ltmp10:
0x15d: {  	_ = 	snop;
	(pc) =	sbr.rel @p0 .LBB2_57-.Ltmp10, $3  }
0x15e: {  	_ =	sdelay $0x1  }
0x15f: {  	v63 =	vor.u32 s7, v0  }
0x160: {  	[tilespmem:v12+s14+$0x0] =	vst.idx.msk vm0, v63  }
0x161: {  	v12 =	vld.msk [tilespmem:s14+$0x0], $0xffff;
	_ =	sdelay $0x4  }
0x162: {  	(v2sf) =	vpush v12, $0x0;
	_ =	sdelay $0xe  }
0x163: {  	s2 =	spop (v2sf)  }
0x164: {  	s2 =	sadd.s32 s6, s2  }
0x165: {  	s2 =	sshll.u32 s2, $0x7  }
0x166: {  	p1 =	seq.s32 s16, $0x1;
	s2 =	sand.u32 $0x1FFFFF80, s2  }
0x167: {  	s7 =	simm.s32 $0x400;
	s8 =	simm.s32 $0x7A1400;
	v12 =	vimm.s32 @!p1 $0x1;
	s2 =	sadd.s32 s3, s2  }
0x168: {  	[tilespmem:s17], [sflag:$0x1] =	stream.strided.gather [hbm4b:s2+s7], $0x3000, s8, s7, $0x38;
	[tilespmem:$0x19780] =	vst v63  }
0x169: {  	s29 =	simm.s32 $0x7000;
	s2 =	sadd.s32 $0xB71E00, s2  }
0x16a: {  	[tilespmem:s29], [sflag:$0x1] =	stream.linear.gather [hbm4b:s2+s5], $0x200, $0x38;
	[tilespmem:$0x19780] =	vst v63  }
0x16b: {  	s2 =	simm.s32 @!p1 $0x18E80  }
0x16c: {  	v12 =	vld.idx.msk @!p1 [tilespmem:v12+s2+$0x0], $0xffff;
	_ =	sdelay $0x4  }
0x16d: {  	(v2sf) =	vpush @!p1 v12, $0x0;
	_ =	sdelay $0xe  }
0x16e: {  	s2 =	spop @!p1 (v2sf)  }
0x16f: {  	s2 =	sadd.s32 @!p1 s6, s2  }
0x170: {  	p0 =	slt.u32 @!p1 s16, $0x3;
	s2 =	sshll.u32 @!p1 s2, $0x7  }
0x171: {  	s12 =	simm.s32 @!p1 $0x7400;
	p0 =	por p1, p0;
	s2 =	sand.u32 @!p1 $0x1FFFFF80, s2  }
0x172: {  	s7 =	simm.s32 @!p1 $0x400;
	s8 =	simm.s32 @!p1 $0x7A1400;
	v12 =	vimm.s32 @!p0 $0x2;
	s2 =	sadd.s32 @!p1 s3, s2  }
0x173: {  	[tilespmem:s12], [sflag:$0x2] =	stream.strided.gather @!p1 [hbm4b:s2+s7], $0x3000, s8, s7, $0x38;
	[tilespmem:$0x19780] =	vst v63  }
0x174: {  	s2 =	sadd.s32 @!p1 $0xB71E00, s2;
	s7 =	simm.s32 @!p1 $0x0;
	s8 =	simm.s32 @!p1 $0xA400  }
0x175: {  	[tilespmem:s8], [sflag:$0x2] =	stream.linear.gather @!p1 [hbm4b:s2+s7], $0x200, $0x38;
	[tilespmem:$0x19780] =	vst v63  }
0x176: {  	s2 =	simm.s32 @!p0 $0x18E80  }
0x177: {  	v12 =	vld.idx.msk @!p0 [tilespmem:v12+s2+$0x0], $0xffff;
	_ =	sdelay $0x4  }
0x178: {  	(v2sf) =	vpush @!p0 v12, $0x0;
	_ =	sdelay $0xe  }
0x179: {  	s2 =	spop @!p0 (v2sf)  }
0x17a: {  	s2 =	sadd.s32 @!p0 s6, s2  }
0x17b: {  	s2 =	sshll.u32 @!p0 s2, $0x7  }
0x17c: {  	s12 =	simm.s32 @!p0 $0xA800;
	s7 =	simm.s32 @!p0 $0x400;
	s2 =	sand.u32 @!p0 $0x1FFFFF80, s2  }
0x17d: {  	s8 =	simm.s32 @!p0 $0x7A1400;
	p1 =	seq.s32 @!p0 s16, $0x3;
	s2 =	sadd.s32 @!p0 s3, s2  }
0x17e: {  	[tilespmem:s12], [sflag:$0x3] =	stream.strided.gather @!p0 [hbm4b:s2+s7], $0x3000, s8, s7, $0x38;
	[tilespmem:$0x19780] =	vst v63  }
0x17f: {  	s2 =	sadd.s32 @!p0 $0xB71E00, s2;
	s7 =	simm.s32 @!p0 $0x0;
	s8 =	simm.s32 @!p0 $0xD800  }
0x180: {  	[tilespmem:s8], [sflag:$0x3] =	stream.linear.gather @!p0 [hbm4b:s2+s7], $0x200, $0x38;
	[tilespmem:$0x19780] =	vst v63  }
0x181: {  	p0 =	por p0, p1  }
.Ltmp11:
0x182: {  	_ = 	snop;
	(pc) =	sbr.rel @p0 .LBB2_17-.Ltmp11, $1  }
0x183: {  	_ =	sdelay $0x3  }
0x184: {  	_ =	sdelay $0x3  }
0x185: {  	v12 =	vld.idx.msk [tilespmem:v11+s14+$0x0], $0xffff;
	_ =	sdelay $0x4  }
0x186: {  	(v2sf) =	vpush v12, $0x0;
	_ =	sdelay $0xe  }
0x187: {  	s2 =	spop (v2sf)  }
0x188: {  	s2 =	sadd.s32 s6, s2  }
0x189: {  	s2 =	sshll.u32 s2, $0x7  }
0x18a: {  	p1 =	slt.u32 s16, $0x5;
	s2 =	sand.u32 $0x1FFFFF80, s2  }
0x18b: {  	s7 =	simm.s32 $0x400;
	s8 =	simm.s32 $0x7A1400;
	v12 =	vimm.s32 @!p1 $0x4;
	s2 =	sadd.s32 s3, s2  }
0x18c: {  	[tilespmem:s0], [sflag:$0x4] =	stream.strided.gather [hbm4b:s2+s7], $0x3000, s8, s7, $0x38;
	[tilespmem:$0x19780] =	vst v63  }
0x18d: {  	s29 =	simm.s32 $0x10C00;
	s2 =	sadd.s32 $0xB71E00, s2  }
0x18e: {  	[tilespmem:s29], [sflag:$0x4] =	stream.linear.gather [hbm4b:s2+s5], $0x200, $0x38;
	[tilespmem:$0x19780] =	vst v63  }
0x18f: {  	s2 =	simm.s32 @!p1 $0x18E80  }
0x190: {  	v12 =	vld.idx.msk @!p1 [tilespmem:v12+s2+$0x0], $0xffff;
	_ =	sdelay $0x4  }
0x191: {  	(v2sf) =	vpush @!p1 v12, $0x0;
	_ =	sdelay $0xe  }
0x192: {  	s2 =	spop @!p1 (v2sf)  }
0x193: {  	s2 =	sadd.s32 @!p1 s6, s2  }
0x194: {  	p0 =	seq.s32 @!p1 s16, $0x5;
	s2 =	sshll.u32 @!p1 s2, $0x7  }
0x195: {  	s12 =	simm.s32 @!p1 $0x11000;
	p0 =	por p0, p1;
	s2 =	sand.u32 @!p1 $0x1FFFFF80, s2  }
0x196: {  	s7 =	simm.s32 @!p1 $0x400;
	s8 =	simm.s32 @!p1 $0x7A1400;
	v12 =	vimm.s32 @!p0 $0x5;
	s2 =	sadd.s32 @!p1 s3, s2  }
0x197: {  	[tilespmem:s12], [sflag:$0x5] =	stream.strided.gather @!p1 [hbm4b:s2+s7], $0x3000, s8, s7, $0x38;
	[tilespmem:$0x19780] =	vst v63  }
0x198: {  	s2 =	sadd.s32 @!p1 $0xB71E00, s2;
	s7 =	simm.s32 @!p1 $0x0;
	s8 =	simm.s32 @!p1 $0x14000  }
0x199: {  	[tilespmem:s8], [sflag:$0x5] =	stream.linear.gather @!p1 [hbm4b:s2+s7], $0x200, $0x38;
	[tilespmem:$0x19780] =	vst v63  }
0x19a: {  	s2 =	simm.s32 @!p0 $0x18E80  }
0x19b: {  	v12 =	vld.idx.msk @!p0 [tilespmem:v12+s2+$0x0], $0xffff;
	_ =	sdelay $0x4  }
0x19c: {  	(v2sf) =	vpush @!p0 v12, $0x0;
	_ =	sdelay $0xe  }
0x19d: {  	s2 =	spop @!p0 (v2sf)  }
0x19e: {  	s2 =	sadd.s32 @!p0 s6, s2  }
0x19f: {  	s2 =	sshll.u32 @!p0 s2, $0x7  }
0x1a0: {  	s12 =	simm.s32 @!p0 $0x14400;
	s2 =	sand.u32 @!p0 $0x1FFFFF80, s2  }
0x1a1: {  	s7 =	simm.s32 @!p0 $0x400;
	s8 =	simm.s32 @!p0 $0x7A1400;
	s2 =	sadd.s32 @!p0 s3, s2  }
0x1a2: {  	[tilespmem:s12], [sflag:$0x6] =	stream.strided.gather @!p0 [hbm4b:s2+s7], $0x3000, s8, s7, $0x38;
	[tilespmem:$0x19780] =	vst v63  }
0x1a3: {  	s2 =	sadd.s32 @!p0 $0xB71E00, s2;
	s7 =	simm.s32 @!p0 $0x0;
	s8 =	simm.s32 @!p0 $0x17400  }
0x1a4: {  	[tilespmem:s8], [sflag:$0x6] =	stream.linear.gather @!p0 [hbm4b:s2+s7], $0x200, $0x38;
	[tilespmem:$0x19780] =	vst v63  }
.LBB2_17:
.Ltmp12:
0x1a5: {  	(pc) =	sbr.rel .LBB2_18-.Ltmp12, $2  }
0x1a6: {  	_ =	sdelay $0x2  }
0x1a7: {  	s2 =	simm.s32 $0x0  }
.LBB2_54:
0x1a8: {  	[hbm4b:s13+s5] =	stream.linear.scatter [tilespmem:s12], [sflag:$0x7], $0x68, $0x38;
	[tilespmem:$0x19780] =	vst v63  }
.LBB2_55:
0x1a9: {  	s7 =	sadd.s32 $0x6, s2  }
0x1aa: {  	p0 =	sge.s32 s7, s16  }
0x1ab: {  	v12 =	vadd.s32 @!p0 $0x6, v12;
	_ =	sdelay $0x3  }
0x1ac: {  	s7 =	simm.s32 @!p0 $0x18E80  }
0x1ad: {  	v12 =	vld.idx.msk @!p0 [tilespmem:v12+s7+$0x0], $0xffff;
	_ =	sdelay $0x4  }
0x1ae: {  	(v2sf) =	vpush @!p0 v12, $0x0;
	_ =	sdelay $0xe  }
0x1af: {  	s7 =	spop @!p0 (v2sf)  }
0x1b0: {  	s7 =	sadd.s32 @!p0 s6, s7  }
0x1b1: {  	s7 =	sshll.u32 @!p0 s7, $0x7  }
0x1b2: {  	s8 =	simm.s32 @!p0 $0x400;
	s7 =	sand.u32 @!p0 $0x1FFFFF80, s7  }
0x1b3: {  	s12 =	simm.s32 @!p0 $0x7A1400;
	s13 =	simm.s32 @!p0 $0x14400;
	s7 =	sadd.s32 @!p0 s3, s7  }
0x1b4: {  	[tilespmem:s13], [sflag:$0x6] =	stream.strided.gather @!p0 [hbm4b:s7+s8], $0x3000, s12, s8, $0x38;
	[tilespmem:$0x19780] =	vst v63  }
0x1b5: {  	s7 =	sadd.s32 @!p0 $0xB71E00, s7;
	s8 =	simm.s32 @!p0 $0x0;
	s12 =	simm.s32 @!p0 $0x17400  }
0x1b6: {  	[tilespmem:s12], [sflag:$0x6] =	stream.linear.gather @!p0 [hbm4b:s7+s8], $0x200, $0x38;
	[tilespmem:$0x19780] =	vst v63  }
.LBB2_56:
0x1b7: {  	s2 =	sadd.s32 $0x1, s2  }
0x1b8: {  	p0 =	sne.s32 s2, s16  }
.Ltmp13:
0x1b9: {  	_ = 	snop;
	(pc) =	sbr.rel @!p0 .LBB2_57-.Ltmp13, $1  }
0x1ba: {  	_ =	sdelay $0x3  }
.LBB2_18:
0x1bb: {  	v12 =	vmov s2;
	_ =	sdelay $0x4  }
0x1bc: {  	v13 =	vld.idx.msk [tilespmem:v12+s14+$0x0], $0xffff;
	_ =	sdelay $0x4  }
0x1bd: {  	v13 =	vbroadcast v13, $0x0;
	_ =	sdelay $0x5  }
0x1be: {  	v14 =	vld.idx.msk [tilespmem:v13+s26+$0x0], $0xffff  }
0x1bf: {  	v13 =	vld.idx.msk [tilespmem:v13+s31+$0x0], $0xffff;
	_ =	sdelay $0x3  }
0x1c0: {  	(v2sf) =	vpush v14, $0x0  }
0x1c1: {  	(v2sf) =	vpush v13, $0x0;
	_ =	sdelay $0x4  }
0x1c2: {  	s7 =	smulhi.u32 $0xAAAAAAAB, s2;
	_ =	sdelay $0x1  }
0x1c3: {  	s7 =	sshrl.u32 s7, $0x2  }
0x1c4: {  	s8 =	smul.u32 $0x6, s7;
	_ =	sdelay $0x1  }
0x1c5: {  	s22 =	ssub.s32 s2, s8  }
0x1c6: {  	p0 =	sgt.s32 s22, $0x2  }
.Ltmp14:
0x1c7: {  	_ = 	snop;
	(pc) =	sbr.rel @p0 .LBB2_26-.Ltmp14, $4  }
0x1c8: {  	_ = 	snop  }
0x1c9: {  	s7 =	spop (v2sf)  }
0x1ca: {  	s8 =	spop (v2sf)  }
0x1cb: {  	s21 =	sadd.s32 s7, s8  }
0x1cc: {  	p0 =	seq.s32 s22, $0x0  }
.Ltmp15:
0x1cd: {  	_ = 	snop;
	(pc) =	sbr.rel @p0 .LBB2_28-.Ltmp15, $1  }
0x1ce: {  	_ =	sdelay $0x3  }
0x1cf: {  	p0 =	seq.s32 s22, $0x1  }
.Ltmp16:
0x1d0: {  	_ = 	snop;
	(pc) =	sbr.rel @!p0 .LBB2_33-.Ltmp16, $1  }
0x1d1: {  	_ =	sdelay $0x3  }
0x1d2: {  	p0 =	sge.s32 s7, s21  }
.Ltmp17:
0x1d3: {  	_ = 	snop;
	(pc) =	sbr.rel @p0 .LBB2_25-.Ltmp17, $4  }
0x1d4: {  	s12 =	simm.s32 $0x2  }
0x1d5: {  	_ =	swait.ge [sflag:s12], $0x3200  }
0x1d6: {  	[sflag:s12] =	ssyncset.done $0x0  }
0x1d7: {  	[sflag:s12] =	ssyncadd.s32 $0xFFFFCE00  }
0x1d8: {  	s12 =	sshll.u32 s7, $0x2  }
0x1d9: {  	s12 =	sshra.s32 s12, $0x2  }
0x1da: {  	s13 =	sadd.s32 $0x18100, s12  }
0x1db: {  	v13 =	vld [tilespmem:s13+$0x0];
	_ =	sdelay $0x4  }
0x1dc: {  	(v2sf) =	vpush v13, $0x0;
	_ =	sdelay $0xe  }
0x1dd: {  	s18 =	spop (v2sf)  }
0x1de: {  	s21 =	sshra.s32 s18, $0x1F  }
0x1df: {  	s21 =	sshrl.u32 s21, $0x19  }
0x1e0: {  	s21 =	sadd.s32 s21, s18  }
0x1e1: {  	s21 =	sand.u32 $0xFFFFFF80, s21  }
0x1e2: {  	s18 =	ssub.s32 s18, s21  }
0x1e3: {  	v13 =	vadd.s32 s18, v1;
	_ =	sdelay $0x1  }
0x1e4: {  	s24 =	sshra.s32 s7, $0x1F  }
0x1e5: {  	s21 =	sshrl.u32 s24, $0x1C  }
0x1e6: {  	s21 =	sadd.s32 s21, s7  }
0x1e7: {  	s21 =	sand.u32 $0x3FFFFF0, s21;
	v13 =	vld.idx.msk [tilespmem:v13+s23+$0x0], $0xffff  }
0x1e8: {  	v14 =	vadd.s32 s18, v5;
	s21 =	ssub.s32 s7, s21  }
0x1e9: {  	s21 =	smul.u32 $0x1C0, s21;
	_ =	sdelay $0x1  }
0x1ea: {  	s12 =	sadd.s32 $0x18580, s12;
	s22 =	sshra.s32 s21, $0x2  }
0x1eb: {  	v15 =	vld [tilespmem:s12+$0x0];
	[tilespmem:s22+$0x19000] =	vst v13  }
0x1ec: {  	v13 =	vld.idx.msk [tilespmem:v14+s23+$0x0], $0xffff  }
0x1ed: {  	v14 =	vadd.s32 s18, v6;
	_ =	sdelay $0x3  }
0x1ee: {  	[tilespmem:s22+$0x19010] =	vst v13  }
0x1ef: {  	v13 =	vld.idx.msk [tilespmem:v14+s23+$0x0], $0xffff  }
0x1f0: {  	v14 =	vadd.s32 s18, v7;
	_ =	sdelay $0x3  }
0x1f1: {  	[tilespmem:s22+$0x19020] =	vst v13  }
0x1f2: {  	v13 =	vld.idx.msk [tilespmem:v14+s23+$0x0], $0xffff  }
0x1f3: {  	v14 =	vadd.s32 s18, v8;
	_ =	sdelay $0x3  }
0x1f4: {  	[tilespmem:s22+$0x19030] =	vst v13  }
0x1f5: {  	v13 =	vld.idx.msk [tilespmem:v14+s23+$0x0], $0xffff  }
0x1f6: {  	(v2sf) =	vpush v15, $0x0;
	v14 =	vadd.s32 s18, v9;
	_ =	sdelay $0x3  }
0x1f7: {  	[tilespmem:s22+$0x19040] =	vst v13  }
0x1f8: {  	v13 =	vld.idx.msk [tilespmem:v14+s23+$0x0], $0xffff  }
0x1f9: {  	v14 =	vadd.s32 s18, v10;
	_ =	sdelay $0x3  }
0x1fa: {  	[tilespmem:s22+$0x19050] =	vst v13  }
0x1fb: {  	v13 =	vld.idx.msk [tilespmem:v14+s23+$0x0], $0xffff;
	_ =	sdelay $0x1  }
0x1fc: {  	s8 =	sadd.s32 $0xFFFFFFFF, s8  }
0x1fd: {  	p1 =	sne.s32 s8, $0x0  }
.Ltmp18:
0x1fe: {  	p0 =	slt.s32 s7, $0x10;
	s29 =	spop (v2sf);
	(pc) =	sbr.rel @!p1 .LBB2_24-.Ltmp18, $4  }
0x1ff: {  	s24 =	simm.s32 @!p0 $0x7;
	s18 =	smul.u32 $0x68, s29;
	[tilespmem:s22+$0x19060] =	vst v13  }
0x200: {  	s7 =	sadd.s32 $0x1, s7;
	s21 =	sadd.s32 $0x1, s13;
	_ =	swait.ge @!p0 [sflag:s24], $0x68  }
0x201: {  	s29 =	sshrl.u32 s18, $0x3;
	s18 =	sadd.s32 $0x1, s12;
	[sflag:s24] =	ssyncset.done @!p0 $0x0  }
0x202: {  	s12 =	sadd.s32 $0x19000, s22;
	s13 =	sadd.s32 s4, s29;
	[sflag:s24] =	ssyncadd.s32 @!p0 $0xFFFFFF98  }
.LBB2_23:
0x203: {  	[hbm4b:s13+s5] =	stream.linear.scatter [tilespmem:s12], [sflag:$0x7], $0x68, $0x38;
	[tilespmem:$0x19780] =	vst v63  }
0x204: {  	s8 =	sadd.s32 $0xFFFFFFFF, s8;
	v13 =	vld [tilespmem:s21+$0x0]  }
0x205: {  	p0 =	sne.s32 s8, $0x0;
	_ =	sdelay $0x3  }
0x206: {  	(v2sf) =	vpush v13, $0x0;
	_ =	sdelay $0xe  }
0x207: {  	s12 =	spop (v2sf)  }
0x208: {  	s13 =	sshra.s32 s12, $0x1F  }
0x209: {  	s13 =	sshrl.u32 s13, $0x19  }
0x20a: {  	s13 =	sadd.s32 s13, s12  }
0x20b: {  	s13 =	sand.u32 $0xFFFFFF80, s13  }
0x20c: {  	s13 =	ssub.s32 s12, s13  }
0x20d: {  	v13 =	vadd.s32 s13, v1;
	_ =	sdelay $0x2  }
0x20e: {  	s12 =	sshra.s32 s7, $0x1F  }
0x20f: {  	s12 =	sshrl.u32 s12, $0x1C  }
0x210: {  	s12 =	sadd.s32 s12, s7;
	v13 =	vld.idx.msk [tilespmem:v13+s23+$0x0], $0xffff  }
0x211: {  	s12 =	sand.u32 $0x3FFFFF0, s12  }
0x212: {  	v14 =	vadd.s32 s13, v5;
	s12 =	ssub.s32 s7, s12  }
0x213: {  	s12 =	smul.u32 $0x1C0, s12;
	_ =	sdelay $0x1  }
0x214: {  	s12 =	sshra.s32 s12, $0x2;
	v15 =	vld [tilespmem:s18+$0x0]  }
0x215: {  	[tilespmem:s12+$0x19000] =	vst v13  }
0x216: {  	v13 =	vld.idx.msk [tilespmem:v14+s23+$0x0], $0xffff;
	_ =	sdelay $0x1  }
0x217: {  	v14 =	vadd.s32 s13, v6  }
0x218: {  	(v2sf) =	vpush v15, $0x0;
	_ =	sdelay $0x2  }
0x219: {  	[tilespmem:s12+$0x19010] =	vst v13  }
0x21a: {  	v13 =	vld.idx.msk [tilespmem:v14+s23+$0x0], $0xffff;
	_ =	sdelay $0x1  }
0x21b: {  	v14 =	vadd.s32 s13, v7;
	_ =	sdelay $0x3  }
0x21c: {  	[tilespmem:s12+$0x19020] =	vst v13  }
0x21d: {  	v13 =	vld.idx.msk [tilespmem:v14+s23+$0x0], $0xffff;
	_ =	sdelay $0x1  }
0x21e: {  	v14 =	vadd.s32 s13, v8;
	_ =	sdelay $0x1  }
0x21f: {  	s22 =	spop (v2sf)  }
0x220: {  	s22 =	smul.u32 $0x68, s22  }
0x221: {  	[tilespmem:s12+$0x19030] =	vst v13  }
0x222: {  	v13 =	vld.idx.msk [tilespmem:v14+s23+$0x0], $0xffff;
	s22 =	sshrl.u32 s22, $0x3;
	_ =	sdelay $0x1  }
0x223: {  	v14 =	vadd.s32 s13, v9;
	_ =	sdelay $0x3  }
0x224: {  	[tilespmem:s12+$0x19040] =	vst v13  }
0x225: {  	v13 =	vld.idx.msk [tilespmem:v14+s23+$0x0], $0xffff;
	_ =	sdelay $0x1  }
0x226: {  	v14 =	vadd.s32 s13, v10;
	_ =	sdelay $0x3  }
0x227: {  	[tilespmem:s12+$0x19050] =	vst v13  }
0x228: {  	v13 =	vld.idx.msk [tilespmem:v14+s23+$0x0], $0xffff;
	_ =	sdelay $0x4  }
.Ltmp19:
0x229: {  	p1 =	slt.s32 s7, $0x10;
	(pc) =	sbr.rel @p0 .LBB2_23-.Ltmp19, $4  }
0x22a: {  	s13 =	simm.s32 @!p1 $0x7;
	[tilespmem:s12+$0x19060] =	vst v13  }
0x22b: {  	s21 =	sadd.s32 $0x1, s21;
	_ =	swait.ge @!p1 [sflag:s13], $0x68  }
0x22c: {  	s7 =	sadd.s32 $0x1, s7;
	s18 =	sadd.s32 $0x1, s18;
	[sflag:s13] =	ssyncset.done @!p1 $0x0  }
0x22d: {  	s12 =	sadd.s32 $0x19000, s12;
	[sflag:s13] =	ssyncadd.s32 @!p1 $0xFFFFFF98;
	s13 =	sadd.s32 s4, s22  }
.LBB2_24:
0x22e: {  	[hbm4b:s13+s5] =	stream.linear.scatter [tilespmem:s12], [sflag:$0x7], $0x68, $0x38;
	[tilespmem:$0x19780] =	vst v63  }
.LBB2_25:
0x22f: {  	s7 =	sadd.s32 $0x6, s2  }
0x230: {  	p0 =	sge.s32 s7, s16  }
0x231: {  	v12 =	vadd.s32 @!p0 $0x6, v12;
	_ =	sdelay $0x3  }
0x232: {  	s7 =	simm.s32 @!p0 $0x18E80  }
0x233: {  	v12 =	vld.idx.msk @!p0 [tilespmem:v12+s7+$0x0], $0xffff;
	_ =	sdelay $0x4  }
0x234: {  	(v2sf) =	vpush @!p0 v12, $0x0;
	_ =	sdelay $0xe  }
0x235: {  	s7 =	spop @!p0 (v2sf)  }
0x236: {  	s7 =	sadd.s32 @!p0 s6, s7  }
0x237: {  	s7 =	sshll.u32 @!p0 s7, $0x7  }
.Ltmp20:
0x238: {  	s8 =	simm.s32 @!p0 $0x400;
	s7 =	sand.u32 @!p0 $0x1FFFFF80, s7;
	(pc) =	sbr.rel .LBB2_56-.Ltmp20, $4  }
0x239: {  	s12 =	simm.s32 @!p0 $0x7A1400;
	s13 =	simm.s32 @!p0 $0x7400;
	s7 =	sadd.s32 @!p0 s3, s7  }
0x23a: {  	[tilespmem:s13], [sflag:$0x2] =	stream.strided.gather @!p0 [hbm4b:s7+s8], $0x3000, s12, s8, $0x38;
	[tilespmem:$0x19780] =	vst v63  }
0x23b: {  	s7 =	sadd.s32 @!p0 $0xB71E00, s7;
	s8 =	simm.s32 @!p0 $0x0;
	s12 =	simm.s32 @!p0 $0xA400  }
0x23c: {  	[tilespmem:s12], [sflag:$0x2] =	stream.linear.gather @!p0 [hbm4b:s7+s8], $0x200, $0x38;
	[tilespmem:$0x19780] =	vst v63  }
.LBB2_26:
0x23d: {  	p0 =	seq.s32 s22, $0x3  }
.Ltmp21:
0x23e: {  	_ = 	snop;
	(pc) =	sbr.rel @p0 .LBB2_40-.Ltmp21, $1  }
0x23f: {  	_ =	sdelay $0x3  }
0x240: {  	p0 =	seq.s32 s22, $0x4  }
.Ltmp22:
0x241: {  	_ = 	snop;
	(pc) =	sbr.rel @p0 .LBB2_46-.Ltmp22, $4  }
.Ltmp23:
0x242: {  	_ = 	snop;
	(pc) =	sbr.rel @!p0 .LBB2_51-.Ltmp23, $4  }
0x243: {  	_ = 	snop  }
0x244: {  	_ = 	snop  }
0x245: {  	_ = 	snop  }
0x246: {  	_ = 	snop  }
.LBB2_28:
0x247: {  	p0 =	sge.s32 s7, s21  }
.Ltmp24:
0x248: {  	_ = 	snop;
	(pc) =	sbr.rel @p0 .LBB2_32-.Ltmp24, $4  }
0x249: {  	s12 =	simm.s32 $0x1  }
0x24a: {  	_ =	swait.ge [sflag:s12], $0x3200  }
0x24b: {  	[sflag:s12] =	ssyncset.done $0x0  }
0x24c: {  	[sflag:s12] =	ssyncadd.s32 $0xFFFFCE00  }
0x24d: {  	s12 =	sshll.u32 s7, $0x2  }
0x24e: {  	s12 =	sshra.s32 s12, $0x2  }
0x24f: {  	s13 =	sadd.s32 $0x18100, s12  }
0x250: {  	v13 =	vld [tilespmem:s13+$0x0];
	_ =	sdelay $0x4  }
0x251: {  	(v2sf) =	vpush v13, $0x0;
	_ =	sdelay $0xe  }
0x252: {  	s18 =	spop (v2sf)  }
0x253: {  	s21 =	sshra.s32 s18, $0x1F  }
0x254: {  	s21 =	sshrl.u32 s21, $0x19  }
0x255: {  	s21 =	sadd.s32 s21, s18  }
0x256: {  	s21 =	sand.u32 $0xFFFFFF80, s21  }
0x257: {  	s18 =	ssub.s32 s18, s21  }
0x258: {  	v13 =	vadd.s32 s18, v1;
	_ =	sdelay $0x1  }
0x259: {  	s24 =	sshra.s32 s7, $0x1F  }
0x25a: {  	s21 =	sshrl.u32 s24, $0x1C  }
0x25b: {  	s21 =	sadd.s32 s21, s7  }
0x25c: {  	s21 =	sand.u32 $0x3FFFFF0, s21;
	v13 =	vld.idx.msk [tilespmem:v13+s17+$0x0], $0xffff  }
0x25d: {  	v14 =	vadd.s32 s18, v5;
	s21 =	ssub.s32 s7, s21  }
0x25e: {  	s21 =	smul.u32 $0x1C0, s21;
	_ =	sdelay $0x1  }
0x25f: {  	s12 =	sadd.s32 $0x18580, s12;
	s22 =	sshra.s32 s21, $0x2  }
0x260: {  	v15 =	vld [tilespmem:s12+$0x0];
	[tilespmem:s22+$0x19000] =	vst v13  }
0x261: {  	v13 =	vld.idx.msk [tilespmem:v14+s17+$0x0], $0xffff  }
0x262: {  	v14 =	vadd.s32 s18, v6;
	_ =	sdelay $0x3  }
0x263: {  	[tilespmem:s22+$0x19010] =	vst v13  }
0x264: {  	v13 =	vld.idx.msk [tilespmem:v14+s17+$0x0], $0xffff  }
0x265: {  	v14 =	vadd.s32 s18, v7;
	_ =	sdelay $0x3  }
0x266: {  	[tilespmem:s22+$0x19020] =	vst v13  }
0x267: {  	v13 =	vld.idx.msk [tilespmem:v14+s17+$0x0], $0xffff  }
0x268: {  	v14 =	vadd.s32 s18, v8;
	_ =	sdelay $0x3  }
0x269: {  	[tilespmem:s22+$0x19030] =	vst v13  }
0x26a: {  	v13 =	vld.idx.msk [tilespmem:v14+s17+$0x0], $0xffff  }
0x26b: {  	(v2sf) =	vpush v15, $0x0;
	v14 =	vadd.s32 s18, v9;
	_ =	sdelay $0x3  }
0x26c: {  	[tilespmem:s22+$0x19040] =	vst v13  }
0x26d: {  	v13 =	vld.idx.msk [tilespmem:v14+s17+$0x0], $0xffff  }
0x26e: {  	v14 =	vadd.s32 s18, v10;
	_ =	sdelay $0x3  }
0x26f: {  	[tilespmem:s22+$0x19050] =	vst v13  }
0x270: {  	v13 =	vld.idx.msk [tilespmem:v14+s17+$0x0], $0xffff;
	_ =	sdelay $0x1  }
0x271: {  	s8 =	sadd.s32 $0xFFFFFFFF, s8  }
0x272: {  	p1 =	sne.s32 s8, $0x0  }
.Ltmp25:
0x273: {  	p0 =	slt.s32 s7, $0x10;
	s29 =	spop (v2sf);
	(pc) =	sbr.rel @!p1 .LBB2_31-.Ltmp25, $4  }
0x274: {  	s24 =	simm.s32 @!p0 $0x7;
	s18 =	smul.u32 $0x68, s29;
	[tilespmem:s22+$0x19060] =	vst v13  }
0x275: {  	s7 =	sadd.s32 $0x1, s7;
	s21 =	sadd.s32 $0x1, s13;
	_ =	swait.ge @!p0 [sflag:s24], $0x68  }
0x276: {  	s29 =	sshrl.u32 s18, $0x3;
	s18 =	sadd.s32 $0x1, s12;
	[sflag:s24] =	ssyncset.done @!p0 $0x0  }
0x277: {  	s12 =	sadd.s32 $0x19000, s22;
	s13 =	sadd.s32 s4, s29;
	[sflag:s24] =	ssyncadd.s32 @!p0 $0xFFFFFF98  }
.LBB2_30:
0x278: {  	[hbm4b:s13+s5] =	stream.linear.scatter [tilespmem:s12], [sflag:$0x7], $0x68, $0x38;
	[tilespmem:$0x19780] =	vst v63  }
0x279: {  	s8 =	sadd.s32 $0xFFFFFFFF, s8;
	v13 =	vld [tilespmem:s21+$0x0]  }
0x27a: {  	p0 =	sne.s32 s8, $0x0;
	_ =	sdelay $0x3  }
0x27b: {  	(v2sf) =	vpush v13, $0x0;
	_ =	sdelay $0xe  }
0x27c: {  	s12 =	spop (v2sf)  }
0x27d: {  	s13 =	sshra.s32 s12, $0x1F  }
0x27e: {  	s13 =	sshrl.u32 s13, $0x19  }
0x27f: {  	s13 =	sadd.s32 s13, s12  }
0x280: {  	s13 =	sand.u32 $0xFFFFFF80, s13  }
0x281: {  	s13 =	ssub.s32 s12, s13  }
0x282: {  	v13 =	vadd.s32 s13, v1;
	_ =	sdelay $0x2  }
0x283: {  	s12 =	sshra.s32 s7, $0x1F  }
0x284: {  	s12 =	sshrl.u32 s12, $0x1C  }
0x285: {  	s12 =	sadd.s32 s12, s7;
	v13 =	vld.idx.msk [tilespmem:v13+s17+$0x0], $0xffff  }
0x286: {  	s12 =	sand.u32 $0x3FFFFF0, s12  }
0x287: {  	v14 =	vadd.s32 s13, v5;
	s12 =	ssub.s32 s7, s12  }
0x288: {  	s12 =	smul.u32 $0x1C0, s12;
	_ =	sdelay $0x1  }
0x289: {  	s12 =	sshra.s32 s12, $0x2;
	v15 =	vld [tilespmem:s18+$0x0]  }
0x28a: {  	[tilespmem:s12+$0x19000] =	vst v13  }
0x28b: {  	v13 =	vld.idx.msk [tilespmem:v14+s17+$0x0], $0xffff;
	_ =	sdelay $0x1  }
0x28c: {  	v14 =	vadd.s32 s13, v6  }
0x28d: {  	(v2sf) =	vpush v15, $0x0;
	_ =	sdelay $0x2  }
0x28e: {  	[tilespmem:s12+$0x19010] =	vst v13  }
0x28f: {  	v13 =	vld.idx.msk [tilespmem:v14+s17+$0x0], $0xffff;
	_ =	sdelay $0x1  }
0x290: {  	v14 =	vadd.s32 s13, v7;
	_ =	sdelay $0x3  }
0x291: {  	[tilespmem:s12+$0x19020] =	vst v13  }
0x292: {  	v13 =	vld.idx.msk [tilespmem:v14+s17+$0x0], $0xffff;
	_ =	sdelay $0x1  }
0x293: {  	v14 =	vadd.s32 s13, v8;
	_ =	sdelay $0x1  }
0x294: {  	s22 =	spop (v2sf)  }
0x295: {  	s22 =	smul.u32 $0x68, s22  }
0x296: {  	[tilespmem:s12+$0x19030] =	vst v13  }
0x297: {  	v13 =	vld.idx.msk [tilespmem:v14+s17+$0x0], $0xffff;
	s22 =	sshrl.u32 s22, $0x3;
	_ =	sdelay $0x1  }
0x298: {  	v14 =	vadd.s32 s13, v9;
	_ =	sdelay $0x3  }
0x299: {  	[tilespmem:s12+$0x19040] =	vst v13  }
0x29a: {  	v13 =	vld.idx.msk [tilespmem:v14+s17+$0x0], $0xffff;
	_ =	sdelay $0x1  }
0x29b: {  	v14 =	vadd.s32 s13, v10;
	_ =	sdelay $0x3  }
0x29c: {  	[tilespmem:s12+$0x19050] =	vst v13  }
0x29d: {  	v13 =	vld.idx.msk [tilespmem:v14+s17+$0x0], $0xffff;
	_ =	sdelay $0x4  }
.Ltmp26:
0x29e: {  	p1 =	slt.s32 s7, $0x10;
	(pc) =	sbr.rel @p0 .LBB2_30-.Ltmp26, $4  }
0x29f: {  	s13 =	simm.s32 @!p1 $0x7;
	[tilespmem:s12+$0x19060] =	vst v13  }
0x2a0: {  	s21 =	sadd.s32 $0x1, s21;
	_ =	swait.ge @!p1 [sflag:s13], $0x68  }
0x2a1: {  	s7 =	sadd.s32 $0x1, s7;
	s18 =	sadd.s32 $0x1, s18;
	[sflag:s13] =	ssyncset.done @!p1 $0x0  }
0x2a2: {  	s12 =	sadd.s32 $0x19000, s12;
	[sflag:s13] =	ssyncadd.s32 @!p1 $0xFFFFFF98;
	s13 =	sadd.s32 s4, s22  }
.LBB2_31:
0x2a3: {  	[hbm4b:s13+s5] =	stream.linear.scatter [tilespmem:s12], [sflag:$0x7], $0x68, $0x38;
	[tilespmem:$0x19780] =	vst v63  }
.LBB2_32:
0x2a4: {  	s7 =	sadd.s32 $0x6, s2  }
0x2a5: {  	p0 =	sge.s32 s7, s16  }
0x2a6: {  	v12 =	vadd.s32 @!p0 $0x6, v12;
	_ =	sdelay $0x3  }
0x2a7: {  	s7 =	simm.s32 @!p0 $0x18E80  }
0x2a8: {  	v12 =	vld.idx.msk @!p0 [tilespmem:v12+s7+$0x0], $0xffff;
	_ =	sdelay $0x4  }
0x2a9: {  	(v2sf) =	vpush @!p0 v12, $0x0;
	_ =	sdelay $0xe  }
0x2aa: {  	s7 =	spop @!p0 (v2sf)  }
0x2ab: {  	s7 =	sadd.s32 @!p0 s6, s7  }
0x2ac: {  	s7 =	sshll.u32 @!p0 s7, $0x7  }
.Ltmp27:
0x2ad: {  	s8 =	simm.s32 @!p0 $0x400;
	s7 =	sand.u32 @!p0 $0x1FFFFF80, s7;
	(pc) =	sbr.rel .LBB2_56-.Ltmp27, $4  }
0x2ae: {  	s12 =	simm.s32 @!p0 $0x7A1400;
	s13 =	simm.s32 @!p0 $0x4000;
	s7 =	sadd.s32 @!p0 s3, s7  }
0x2af: {  	[tilespmem:s13], [sflag:$0x1] =	stream.strided.gather @!p0 [hbm4b:s7+s8], $0x3000, s12, s8, $0x38;
	[tilespmem:$0x19780] =	vst v63  }
0x2b0: {  	s7 =	sadd.s32 @!p0 $0xB71E00, s7;
	s8 =	simm.s32 @!p0 $0x0;
	s12 =	simm.s32 @!p0 $0x7000  }
0x2b1: {  	[tilespmem:s12], [sflag:$0x1] =	stream.linear.gather @!p0 [hbm4b:s7+s8], $0x200, $0x38;
	[tilespmem:$0x19780] =	vst v63  }
.LBB2_33:
0x2b2: {  	p0 =	sge.s32 s7, s21  }
.Ltmp28:
0x2b3: {  	_ = 	snop;
	(pc) =	sbr.rel @p0 .LBB2_37-.Ltmp28, $4  }
0x2b4: {  	s12 =	simm.s32 $0x3  }
0x2b5: {  	_ =	swait.ge [sflag:s12], $0x3200  }
0x2b6: {  	[sflag:s12] =	ssyncset.done $0x0  }
0x2b7: {  	[sflag:s12] =	ssyncadd.s32 $0xFFFFCE00  }
0x2b8: {  	s12 =	sshll.u32 s7, $0x2  }
0x2b9: {  	s12 =	sshra.s32 s12, $0x2  }
0x2ba: {  	s13 =	sadd.s32 $0x18100, s12  }
0x2bb: {  	v13 =	vld [tilespmem:s13+$0x0];
	_ =	sdelay $0x4  }
0x2bc: {  	(v2sf) =	vpush v13, $0x0;
	_ =	sdelay $0xe  }
0x2bd: {  	s18 =	spop (v2sf)  }
0x2be: {  	s24 =	sshra.s32 s18, $0x1F  }
0x2bf: {  	s24 =	sshrl.u32 s24, $0x19  }
0x2c0: {  	s24 =	sadd.s32 s24, s18  }
0x2c1: {  	s24 =	sand.u32 $0xFFFFFF80, s24  }
0x2c2: {  	s18 =	ssub.s32 s18, s24  }
0x2c3: {  	v13 =	vadd.s32 s18, v1;
	_ =	sdelay $0x1  }
0x2c4: {  	s20 =	sshra.s32 s7, $0x1F  }
0x2c5: {  	s24 =	sshrl.u32 s20, $0x1C  }
0x2c6: {  	s24 =	sadd.s32 s24, s7  }
0x2c7: {  	s24 =	sand.u32 $0x3FFFFF0, s24;
	v13 =	vld.idx.msk [tilespmem:v13+s25+$0x0], $0xffff  }
0x2c8: {  	v14 =	vadd.s32 s18, v5;
	s24 =	ssub.s32 s7, s24  }
0x2c9: {  	s24 =	smul.u32 $0x1C0, s24;
	_ =	sdelay $0x1  }
0x2ca: {  	s12 =	sadd.s32 $0x18580, s12;
	s19 =	sshra.s32 s24, $0x2  }
0x2cb: {  	v15 =	vld [tilespmem:s12+$0x0];
	[tilespmem:s19+$0x19000] =	vst v13  }
0x2cc: {  	v13 =	vld.idx.msk [tilespmem:v14+s25+$0x0], $0xffff  }
0x2cd: {  	v14 =	vadd.s32 s18, v6;
	_ =	sdelay $0x3  }
0x2ce: {  	[tilespmem:s19+$0x19010] =	vst v13  }
0x2cf: {  	v13 =	vld.idx.msk [tilespmem:v14+s25+$0x0], $0xffff  }
0x2d0: {  	v14 =	vadd.s32 s18, v7;
	_ =	sdelay $0x3  }
0x2d1: {  	[tilespmem:s19+$0x19020] =	vst v13  }
0x2d2: {  	v13 =	vld.idx.msk [tilespmem:v14+s25+$0x0], $0xffff  }
0x2d3: {  	v14 =	vadd.s32 s18, v8;
	_ =	sdelay $0x3  }
0x2d4: {  	[tilespmem:s19+$0x19030] =	vst v13  }
0x2d5: {  	v13 =	vld.idx.msk [tilespmem:v14+s25+$0x0], $0xffff  }
0x2d6: {  	(v2sf) =	vpush v15, $0x0;
	v14 =	vadd.s32 s18, v9;
	_ =	sdelay $0x3  }
0x2d7: {  	[tilespmem:s19+$0x19040] =	vst v13  }
0x2d8: {  	v13 =	vld.idx.msk [tilespmem:v14+s25+$0x0], $0xffff  }
0x2d9: {  	v14 =	vadd.s32 s18, v10;
	_ =	sdelay $0x3  }
0x2da: {  	[tilespmem:s19+$0x19050] =	vst v13  }
0x2db: {  	v13 =	vld.idx.msk [tilespmem:v14+s25+$0x0], $0xffff;
	_ =	sdelay $0x1  }
0x2dc: {  	s24 =	sadd.s32 $0xFFFFFFFF, s8  }
0x2dd: {  	p1 =	sne.s32 s24, $0x0  }
.Ltmp29:
0x2de: {  	p0 =	slt.s32 s7, $0x10;
	s26 =	spop (v2sf);
	(pc) =	sbr.rel @!p1 .LBB2_36-.Ltmp29, $4  }
0x2df: {  	s20 =	simm.s32 @!p0 $0x7;
	s18 =	smul.u32 $0x68, s26;
	[tilespmem:s19+$0x19060] =	vst v13  }
0x2e0: {  	s31 =	sadd.s32 $0x1, s13;
	s29 =	sadd.s32 $0x1, s12;
	_ =	swait.ge @!p0 [sflag:s20], $0x68  }
0x2e1: {  	s12 =	sadd.s32 $0x19000, s19;
	s26 =	sshrl.u32 s18, $0x3;
	[sflag:s20] =	ssyncset.done @!p0 $0x0  }
0x2e2: {  	s18 =	sadd.s32 $0x1, s7;
	s13 =	sadd.s32 s4, s26;
	[sflag:s20] =	ssyncadd.s32 @!p0 $0xFFFFFF98  }
.LBB2_35:
0x2e3: {  	[hbm4b:s13+s5] =	stream.linear.scatter [tilespmem:s12], [sflag:$0x7], $0x68, $0x38;
	[tilespmem:$0x19780] =	vst v63  }
0x2e4: {  	s24 =	sadd.s32 $0xFFFFFFFF, s24;
	v13 =	vld [tilespmem:s31+$0x0]  }
0x2e5: {  	p0 =	sne.s32 s24, $0x0;
	_ =	sdelay $0x3  }
0x2e6: {  	(v2sf) =	vpush v13, $0x0;
	_ =	sdelay $0xe  }
0x2e7: {  	s12 =	spop (v2sf)  }
0x2e8: {  	s13 =	sshra.s32 s12, $0x1F  }
0x2e9: {  	s13 =	sshrl.u32 s13, $0x19  }
0x2ea: {  	s13 =	sadd.s32 s13, s12  }
0x2eb: {  	s13 =	sand.u32 $0xFFFFFF80, s13  }
0x2ec: {  	s13 =	ssub.s32 s12, s13  }
0x2ed: {  	v13 =	vadd.s32 s13, v1;
	_ =	sdelay $0x2  }
0x2ee: {  	s12 =	sshra.s32 s18, $0x1F  }
0x2ef: {  	s12 =	sshrl.u32 s12, $0x1C  }
0x2f0: {  	s12 =	sadd.s32 s12, s18;
	v13 =	vld.idx.msk [tilespmem:v13+s25+$0x0], $0xffff  }
0x2f1: {  	s12 =	sand.u32 $0x3FFFFF0, s12  }
0x2f2: {  	v14 =	vadd.s32 s13, v5;
	s12 =	ssub.s32 s18, s12  }
0x2f3: {  	s12 =	smul.u32 $0x1C0, s12;
	_ =	sdelay $0x1  }
0x2f4: {  	s12 =	sshra.s32 s12, $0x2;
	v15 =	vld [tilespmem:s29+$0x0]  }
0x2f5: {  	[tilespmem:s12+$0x19000] =	vst v13  }
0x2f6: {  	v13 =	vld.idx.msk [tilespmem:v14+s25+$0x0], $0xffff;
	_ =	sdelay $0x1  }
0x2f7: {  	v14 =	vadd.s32 s13, v6  }
0x2f8: {  	(v2sf) =	vpush v15, $0x0;
	_ =	sdelay $0x2  }
0x2f9: {  	[tilespmem:s12+$0x19010] =	vst v13  }
0x2fa: {  	v13 =	vld.idx.msk [tilespmem:v14+s25+$0x0], $0xffff;
	_ =	sdelay $0x1  }
0x2fb: {  	v14 =	vadd.s32 s13, v7;
	_ =	sdelay $0x3  }
0x2fc: {  	[tilespmem:s12+$0x19020] =	vst v13  }
0x2fd: {  	v13 =	vld.idx.msk [tilespmem:v14+s25+$0x0], $0xffff;
	_ =	sdelay $0x1  }
0x2fe: {  	v14 =	vadd.s32 s13, v8;
	_ =	sdelay $0x1  }
0x2ff: {  	s19 =	spop (v2sf)  }
0x300: {  	s19 =	smul.u32 $0x68, s19  }
0x301: {  	[tilespmem:s12+$0x19030] =	vst v13  }
0x302: {  	v13 =	vld.idx.msk [tilespmem:v14+s25+$0x0], $0xffff;
	s19 =	sshrl.u32 s19, $0x3;
	_ =	sdelay $0x1  }
0x303: {  	v14 =	vadd.s32 s13, v9;
	_ =	sdelay $0x3  }
0x304: {  	[tilespmem:s12+$0x19040] =	vst v13  }
0x305: {  	v13 =	vld.idx.msk [tilespmem:v14+s25+$0x0], $0xffff;
	_ =	sdelay $0x1  }
0x306: {  	v14 =	vadd.s32 s13, v10;
	_ =	sdelay $0x3  }
0x307: {  	[tilespmem:s12+$0x19050] =	vst v13  }
0x308: {  	v13 =	vld.idx.msk [tilespmem:v14+s25+$0x0], $0xffff;
	_ =	sdelay $0x4  }
.Ltmp30:
0x309: {  	p1 =	slt.s32 s18, $0x10;
	(pc) =	sbr.rel @p0 .LBB2_35-.Ltmp30, $4  }
0x30a: {  	s13 =	simm.s32 @!p1 $0x7;
	[tilespmem:s12+$0x19060] =	vst v13  }
0x30b: {  	s31 =	sadd.s32 $0x1, s31;
	_ =	swait.ge @!p1 [sflag:s13], $0x68  }
0x30c: {  	s18 =	sadd.s32 $0x1, s18;
	s29 =	sadd.s32 $0x1, s29;
	[sflag:s13] =	ssyncset.done @!p1 $0x0  }
0x30d: {  	s12 =	sadd.s32 $0x19000, s12;
	[sflag:s13] =	ssyncadd.s32 @!p1 $0xFFFFFF98;
	s13 =	sadd.s32 s4, s19  }
.LBB2_36:
0x30e: {  	[hbm4b:s13+s5] =	stream.linear.scatter [tilespmem:s12], [sflag:$0x7], $0x68, $0x38;
	[tilespmem:$0x19780] =	vst v63  }
0x30f: {  	s26 =	simm.s32 $0x18B80;
	s31 =	simm.s32 $0x18A00  }
.LBB2_37:
0x310: {  	s12 =	sadd.s32 $0x6, s2  }
0x311: {  	p0 =	sge.s32 s12, s16  }
0x312: {  	v13 =	vadd.s32 @!p0 $0x6, v12;
	_ =	sdelay $0x3  }
0x313: {  	s12 =	simm.s32 @!p0 $0x18E80  }
0x314: {  	v13 =	vld.idx.msk @!p0 [tilespmem:v13+s12+$0x0], $0xffff;
	_ =	sdelay $0x4  }
0x315: {  	(v2sf) =	vpush @!p0 v13, $0x0;
	_ =	sdelay $0xe  }
0x316: {  	s12 =	spop @!p0 (v2sf)  }
0x317: {  	s12 =	sadd.s32 @!p0 s6, s12  }
0x318: {  	s12 =	sshll.u32 @!p0 s12, $0x7  }
0x319: {  	s13 =	simm.s32 @!p0 $0x400;
	s12 =	sand.u32 @!p0 $0x1FFFFF80, s12  }
0x31a: {  	s18 =	simm.s32 @!p0 $0x7A1400;
	s19 =	simm.s32 @!p0 $0xA800;
	s12 =	sadd.s32 @!p0 s3, s12  }
0x31b: {  	[tilespmem:s19], [sflag:$0x3] =	stream.strided.gather @!p0 [hbm4b:s12+s13], $0x3000, s18, s13, $0x38;
	[tilespmem:$0x19780] =	vst v63  }
0x31c: {  	s12 =	sadd.s32 @!p0 $0xB71E00, s12;
	s13 =	simm.s32 @!p0 $0x0;
	s18 =	simm.s32 @!p0 $0xD800  }
0x31d: {  	[tilespmem:s18], [sflag:$0x3] =	stream.linear.gather @!p0 [hbm4b:s12+s13], $0x200, $0x38;
	[tilespmem:$0x19780] =	vst v63  }
0x31e: {  	p0 =	seq.s32 s22, $0x5  }
.Ltmp31:
0x31f: {  	_ = 	snop;
	(pc) =	sbr.rel @p0 .LBB2_51-.Ltmp31, $1  }
0x320: {  	_ =	sdelay $0x3  }
0x321: {  	p0 =	seq.s32 s22, $0x4  }
.Ltmp32:
0x322: {  	_ = 	snop;
	(pc) =	sbr.rel @p0 .LBB2_46-.Ltmp32, $1  }
0x323: {  	_ =	sdelay $0x3  }
0x324: {  	p0 =	sne.s32 s22, $0x3  }
.Ltmp33:
0x325: {  	_ = 	snop;
	(pc) =	sbr.rel @p0 .LBB2_56-.Ltmp33, $1  }
0x326: {  	_ =	sdelay $0x3  }
.LBB2_40:
0x327: {  	p0 =	sge.s32 s7, s21  }
.Ltmp34:
0x328: {  	_ = 	snop;
	(pc) =	sbr.rel @p0 .LBB2_44-.Ltmp34, $4  }
0x329: {  	s12 =	simm.s32 $0x4  }
0x32a: {  	_ =	swait.ge [sflag:s12], $0x3200  }
0x32b: {  	[sflag:s12] =	ssyncset.done $0x0  }
0x32c: {  	[sflag:s12] =	ssyncadd.s32 $0xFFFFCE00  }
0x32d: {  	s12 =	sshll.u32 s7, $0x2  }
0x32e: {  	s12 =	sshra.s32 s12, $0x2  }
0x32f: {  	s13 =	sadd.s32 $0x18100, s12  }
0x330: {  	v13 =	vld [tilespmem:s13+$0x0];
	_ =	sdelay $0x4  }
0x331: {  	(v2sf) =	vpush v13, $0x0;
	_ =	sdelay $0xe  }
0x332: {  	s18 =	spop (v2sf)  }
0x333: {  	s19 =	sshra.s32 s18, $0x1F  }
0x334: {  	s19 =	sshrl.u32 s19, $0x19  }
0x335: {  	s19 =	sadd.s32 s19, s18  }
0x336: {  	s19 =	sand.u32 $0xFFFFFF80, s19  }
0x337: {  	s18 =	ssub.s32 s18, s19  }
0x338: {  	v13 =	vadd.s32 s18, v1;
	_ =	sdelay $0x1  }
0x339: {  	s24 =	sshra.s32 s7, $0x1F  }
0x33a: {  	s19 =	sshrl.u32 s24, $0x1C  }
0x33b: {  	s19 =	sadd.s32 s19, s7  }
0x33c: {  	s19 =	sand.u32 $0x3FFFFF0, s19;
	v13 =	vld.idx.msk [tilespmem:v13+s0+$0x0], $0xffff  }
0x33d: {  	v14 =	vadd.s32 s18, v5;
	s19 =	ssub.s32 s7, s19  }
0x33e: {  	s19 =	smul.u32 $0x1C0, s19;
	_ =	sdelay $0x1  }
0x33f: {  	s12 =	sadd.s32 $0x18580, s12;
	s19 =	sshra.s32 s19, $0x2  }
0x340: {  	v15 =	vld [tilespmem:s12+$0x0];
	[tilespmem:s19+$0x19000] =	vst v13  }
0x341: {  	v13 =	vld.idx.msk [tilespmem:v14+s0+$0x0], $0xffff  }
0x342: {  	v14 =	vadd.s32 s18, v6;
	_ =	sdelay $0x3  }
0x343: {  	[tilespmem:s19+$0x19010] =	vst v13  }
0x344: {  	v13 =	vld.idx.msk [tilespmem:v14+s0+$0x0], $0xffff  }
0x345: {  	v14 =	vadd.s32 s18, v7;
	_ =	sdelay $0x3  }
0x346: {  	[tilespmem:s19+$0x19020] =	vst v13  }
0x347: {  	v13 =	vld.idx.msk [tilespmem:v14+s0+$0x0], $0xffff  }
0x348: {  	v14 =	vadd.s32 s18, v8;
	_ =	sdelay $0x3  }
0x349: {  	[tilespmem:s19+$0x19030] =	vst v13  }
0x34a: {  	v13 =	vld.idx.msk [tilespmem:v14+s0+$0x0], $0xffff  }
0x34b: {  	(v2sf) =	vpush v15, $0x0;
	v14 =	vadd.s32 s18, v9;
	_ =	sdelay $0x3  }
0x34c: {  	[tilespmem:s19+$0x19040] =	vst v13  }
0x34d: {  	v13 =	vld.idx.msk [tilespmem:v14+s0+$0x0], $0xffff  }
0x34e: {  	v14 =	vadd.s32 s18, v10;
	_ =	sdelay $0x3  }
0x34f: {  	[tilespmem:s19+$0x19050] =	vst v13  }
0x350: {  	v13 =	vld.idx.msk [tilespmem:v14+s0+$0x0], $0xffff;
	_ =	sdelay $0x1  }
0x351: {  	s24 =	sadd.s32 $0xFFFFFFFF, s8  }
0x352: {  	p1 =	sne.s32 s24, $0x0  }
.Ltmp35:
0x353: {  	p0 =	slt.s32 s7, $0x10;
	s26 =	spop (v2sf);
	(pc) =	sbr.rel @!p1 .LBB2_43-.Ltmp35, $4  }
0x354: {  	s20 =	simm.s32 @!p0 $0x7;
	s18 =	smul.u32 $0x68, s26;
	[tilespmem:s19+$0x19060] =	vst v13  }
0x355: {  	s31 =	sadd.s32 $0x1, s13;
	s29 =	sadd.s32 $0x1, s12;
	_ =	swait.ge @!p0 [sflag:s20], $0x68  }
0x356: {  	s12 =	sadd.s32 $0x19000, s19;
	s26 =	sshrl.u32 s18, $0x3;
	[sflag:s20] =	ssyncset.done @!p0 $0x0  }
0x357: {  	s18 =	sadd.s32 $0x1, s7;
	s13 =	sadd.s32 s4, s26;
	[sflag:s20] =	ssyncadd.s32 @!p0 $0xFFFFFF98  }
.LBB2_42:
0x358: {  	[hbm4b:s13+s5] =	stream.linear.scatter [tilespmem:s12], [sflag:$0x7], $0x68, $0x38;
	[tilespmem:$0x19780] =	vst v63  }
0x359: {  	s24 =	sadd.s32 $0xFFFFFFFF, s24;
	v13 =	vld [tilespmem:s31+$0x0]  }
0x35a: {  	p0 =	sne.s32 s24, $0x0;
	_ =	sdelay $0x3  }
0x35b: {  	(v2sf) =	vpush v13, $0x0;
	_ =	sdelay $0xe  }
0x35c: {  	s12 =	spop (v2sf)  }
0x35d: {  	s13 =	sshra.s32 s12, $0x1F  }
0x35e: {  	s13 =	sshrl.u32 s13, $0x19  }
0x35f: {  	s13 =	sadd.s32 s13, s12  }
0x360: {  	s13 =	sand.u32 $0xFFFFFF80, s13  }
0x361: {  	s13 =	ssub.s32 s12, s13  }
0x362: {  	v13 =	vadd.s32 s13, v1;
	_ =	sdelay $0x2  }
0x363: {  	s12 =	sshra.s32 s18, $0x1F  }
0x364: {  	s12 =	sshrl.u32 s12, $0x1C  }
0x365: {  	s12 =	sadd.s32 s12, s18;
	v13 =	vld.idx.msk [tilespmem:v13+s0+$0x0], $0xffff  }
0x366: {  	s12 =	sand.u32 $0x3FFFFF0, s12  }
0x367: {  	v14 =	vadd.s32 s13, v5;
	s12 =	ssub.s32 s18, s12  }
0x368: {  	s12 =	smul.u32 $0x1C0, s12;
	_ =	sdelay $0x1  }
0x369: {  	s12 =	sshra.s32 s12, $0x2;
	v15 =	vld [tilespmem:s29+$0x0]  }
0x36a: {  	[tilespmem:s12+$0x19000] =	vst v13  }
0x36b: {  	v13 =	vld.idx.msk [tilespmem:v14+s0+$0x0], $0xffff;
	_ =	sdelay $0x1  }
0x36c: {  	v14 =	vadd.s32 s13, v6  }
0x36d: {  	(v2sf) =	vpush v15, $0x0;
	_ =	sdelay $0x2  }
0x36e: {  	[tilespmem:s12+$0x19010] =	vst v13  }
0x36f: {  	v13 =	vld.idx.msk [tilespmem:v14+s0+$0x0], $0xffff;
	_ =	sdelay $0x1  }
0x370: {  	v14 =	vadd.s32 s13, v7;
	_ =	sdelay $0x3  }
0x371: {  	[tilespmem:s12+$0x19020] =	vst v13  }
0x372: {  	v13 =	vld.idx.msk [tilespmem:v14+s0+$0x0], $0xffff;
	_ =	sdelay $0x1  }
0x373: {  	v14 =	vadd.s32 s13, v8;
	_ =	sdelay $0x1  }
0x374: {  	s19 =	spop (v2sf)  }
0x375: {  	s19 =	smul.u32 $0x68, s19  }
0x376: {  	[tilespmem:s12+$0x19030] =	vst v13  }
0x377: {  	v13 =	vld.idx.msk [tilespmem:v14+s0+$0x0], $0xffff;
	s19 =	sshrl.u32 s19, $0x3;
	_ =	sdelay $0x1  }
0x378: {  	v14 =	vadd.s32 s13, v9;
	_ =	sdelay $0x3  }
0x379: {  	[tilespmem:s12+$0x19040] =	vst v13  }
0x37a: {  	v13 =	vld.idx.msk [tilespmem:v14+s0+$0x0], $0xffff;
	_ =	sdelay $0x1  }
0x37b: {  	v14 =	vadd.s32 s13, v10;
	_ =	sdelay $0x3  }
0x37c: {  	[tilespmem:s12+$0x19050] =	vst v13  }
0x37d: {  	v13 =	vld.idx.msk [tilespmem:v14+s0+$0x0], $0xffff;
	_ =	sdelay $0x4  }
.Ltmp36:
0x37e: {  	p1 =	slt.s32 s18, $0x10;
	(pc) =	sbr.rel @p0 .LBB2_42-.Ltmp36, $4  }
0x37f: {  	s13 =	simm.s32 @!p1 $0x7;
	[tilespmem:s12+$0x19060] =	vst v13  }
0x380: {  	s31 =	sadd.s32 $0x1, s31;
	_ =	swait.ge @!p1 [sflag:s13], $0x68  }
0x381: {  	s18 =	sadd.s32 $0x1, s18;
	s29 =	sadd.s32 $0x1, s29;
	[sflag:s13] =	ssyncset.done @!p1 $0x0  }
0x382: {  	s12 =	sadd.s32 $0x19000, s12;
	[sflag:s13] =	ssyncadd.s32 @!p1 $0xFFFFFF98;
	s13 =	sadd.s32 s4, s19  }
.LBB2_43:
0x383: {  	[hbm4b:s13+s5] =	stream.linear.scatter [tilespmem:s12], [sflag:$0x7], $0x68, $0x38;
	[tilespmem:$0x19780] =	vst v63  }
0x384: {  	s26 =	simm.s32 $0x18B80;
	s31 =	simm.s32 $0x18A00  }
.LBB2_44:
0x385: {  	s12 =	sadd.s32 $0x6, s2  }
0x386: {  	p0 =	sge.s32 s12, s16  }
0x387: {  	v13 =	vadd.s32 @!p0 $0x6, v12;
	_ =	sdelay $0x3  }
0x388: {  	s12 =	simm.s32 @!p0 $0x18E80  }
0x389: {  	v13 =	vld.idx.msk @!p0 [tilespmem:v13+s12+$0x0], $0xffff;
	_ =	sdelay $0x4  }
0x38a: {  	(v2sf) =	vpush @!p0 v13, $0x0;
	_ =	sdelay $0xe  }
0x38b: {  	s12 =	spop @!p0 (v2sf)  }
0x38c: {  	s12 =	sadd.s32 @!p0 s6, s12  }
0x38d: {  	s12 =	sshll.u32 @!p0 s12, $0x7  }
0x38e: {  	s13 =	simm.s32 @!p0 $0x400;
	s12 =	sand.u32 @!p0 $0x1FFFFF80, s12  }
0x38f: {  	s18 =	simm.s32 @!p0 $0x7A1400;
	s19 =	simm.s32 @!p0 $0xDC00;
	s12 =	sadd.s32 @!p0 s3, s12  }
0x390: {  	[tilespmem:s19], [sflag:$0x4] =	stream.strided.gather @!p0 [hbm4b:s12+s13], $0x3000, s18, s13, $0x38;
	[tilespmem:$0x19780] =	vst v63  }
0x391: {  	s12 =	sadd.s32 @!p0 $0xB71E00, s12;
	s13 =	simm.s32 @!p0 $0x0;
	s18 =	simm.s32 @!p0 $0x10C00  }
0x392: {  	[tilespmem:s18], [sflag:$0x4] =	stream.linear.gather @!p0 [hbm4b:s12+s13], $0x200, $0x38;
	[tilespmem:$0x19780] =	vst v63  }
0x393: {  	p0 =	seq.s32 s22, $0x5  }
.Ltmp37:
0x394: {  	_ = 	snop;
	(pc) =	sbr.rel @p0 .LBB2_51-.Ltmp37, $1  }
0x395: {  	_ =	sdelay $0x3  }
0x396: {  	p0 =	sne.s32 s22, $0x4  }
.Ltmp38:
0x397: {  	_ = 	snop;
	(pc) =	sbr.rel @p0 .LBB2_56-.Ltmp38, $1  }
0x398: {  	_ =	sdelay $0x3  }
.LBB2_46:
0x399: {  	p0 =	sge.s32 s7, s21  }
.Ltmp39:
0x39a: {  	_ = 	snop;
	(pc) =	sbr.rel @p0 .LBB2_50-.Ltmp39, $4  }
0x39b: {  	s12 =	simm.s32 $0x5  }
0x39c: {  	_ =	swait.ge [sflag:s12], $0x3200  }
0x39d: {  	[sflag:s12] =	ssyncset.done $0x0  }
0x39e: {  	[sflag:s12] =	ssyncadd.s32 $0xFFFFCE00  }
0x39f: {  	s12 =	sshll.u32 s7, $0x2  }
0x3a0: {  	s12 =	sshra.s32 s12, $0x2  }
0x3a1: {  	s13 =	sadd.s32 $0x18100, s12  }
0x3a2: {  	v13 =	vld [tilespmem:s13+$0x0];
	_ =	sdelay $0x4  }
0x3a3: {  	(v2sf) =	vpush v13, $0x0;
	_ =	sdelay $0xe  }
0x3a4: {  	s18 =	spop (v2sf)  }
0x3a5: {  	s19 =	sshra.s32 s18, $0x1F  }
0x3a6: {  	s19 =	sshrl.u32 s19, $0x19  }
0x3a7: {  	s19 =	sadd.s32 s19, s18  }
0x3a8: {  	s19 =	sand.u32 $0xFFFFFF80, s19  }
0x3a9: {  	s18 =	ssub.s32 s18, s19  }
0x3aa: {  	v13 =	vadd.s32 s18, v1;
	_ =	sdelay $0x1  }
0x3ab: {  	s24 =	sshra.s32 s7, $0x1F  }
0x3ac: {  	s19 =	sshrl.u32 s24, $0x1C  }
0x3ad: {  	s19 =	sadd.s32 s19, s7  }
0x3ae: {  	s19 =	sand.u32 $0x3FFFFF0, s19;
	v13 =	vld.idx.msk [tilespmem:v13+s30+$0x0], $0xffff  }
0x3af: {  	v14 =	vadd.s32 s18, v5;
	s19 =	ssub.s32 s7, s19  }
0x3b0: {  	s19 =	smul.u32 $0x1C0, s19;
	_ =	sdelay $0x1  }
0x3b1: {  	s12 =	sadd.s32 $0x18580, s12;
	s19 =	sshra.s32 s19, $0x2  }
0x3b2: {  	v15 =	vld [tilespmem:s12+$0x0];
	[tilespmem:s19+$0x19000] =	vst v13  }
0x3b3: {  	v13 =	vld.idx.msk [tilespmem:v14+s30+$0x0], $0xffff  }
0x3b4: {  	v14 =	vadd.s32 s18, v6;
	_ =	sdelay $0x3  }
0x3b5: {  	[tilespmem:s19+$0x19010] =	vst v13  }
0x3b6: {  	v13 =	vld.idx.msk [tilespmem:v14+s30+$0x0], $0xffff  }
0x3b7: {  	v14 =	vadd.s32 s18, v7;
	_ =	sdelay $0x3  }
0x3b8: {  	[tilespmem:s19+$0x19020] =	vst v13  }
0x3b9: {  	v13 =	vld.idx.msk [tilespmem:v14+s30+$0x0], $0xffff  }
0x3ba: {  	v14 =	vadd.s32 s18, v8;
	_ =	sdelay $0x3  }
0x3bb: {  	[tilespmem:s19+$0x19030] =	vst v13  }
0x3bc: {  	v13 =	vld.idx.msk [tilespmem:v14+s30+$0x0], $0xffff  }
0x3bd: {  	(v2sf) =	vpush v15, $0x0;
	v14 =	vadd.s32 s18, v9;
	_ =	sdelay $0x3  }
0x3be: {  	[tilespmem:s19+$0x19040] =	vst v13  }
0x3bf: {  	v13 =	vld.idx.msk [tilespmem:v14+s30+$0x0], $0xffff  }
0x3c0: {  	v14 =	vadd.s32 s18, v10;
	_ =	sdelay $0x3  }
0x3c1: {  	[tilespmem:s19+$0x19050] =	vst v13  }
0x3c2: {  	v13 =	vld.idx.msk [tilespmem:v14+s30+$0x0], $0xffff;
	_ =	sdelay $0x1  }
0x3c3: {  	s24 =	sadd.s32 $0xFFFFFFFF, s8  }
0x3c4: {  	p1 =	sne.s32 s24, $0x0  }
.Ltmp40:
0x3c5: {  	p0 =	slt.s32 s7, $0x10;
	s26 =	spop (v2sf);
	(pc) =	sbr.rel @!p1 .LBB2_49-.Ltmp40, $4  }
0x3c6: {  	s20 =	simm.s32 @!p0 $0x7;
	s18 =	smul.u32 $0x68, s26;
	[tilespmem:s19+$0x19060] =	vst v13  }
0x3c7: {  	s31 =	sadd.s32 $0x1, s13;
	s29 =	sadd.s32 $0x1, s12;
	_ =	swait.ge @!p0 [sflag:s20], $0x68  }
0x3c8: {  	s12 =	sadd.s32 $0x19000, s19;
	s26 =	sshrl.u32 s18, $0x3;
	[sflag:s20] =	ssyncset.done @!p0 $0x0  }
0x3c9: {  	s18 =	sadd.s32 $0x1, s7;
	s13 =	sadd.s32 s4, s26;
	[sflag:s20] =	ssyncadd.s32 @!p0 $0xFFFFFF98  }
.LBB2_48:
0x3ca: {  	[hbm4b:s13+s5] =	stream.linear.scatter [tilespmem:s12], [sflag:$0x7], $0x68, $0x38;
	[tilespmem:$0x19780] =	vst v63  }
0x3cb: {  	s24 =	sadd.s32 $0xFFFFFFFF, s24;
	v13 =	vld [tilespmem:s31+$0x0]  }
0x3cc: {  	p0 =	sne.s32 s24, $0x0;
	_ =	sdelay $0x3  }
0x3cd: {  	(v2sf) =	vpush v13, $0x0;
	_ =	sdelay $0xe  }
0x3ce: {  	s12 =	spop (v2sf)  }
0x3cf: {  	s13 =	sshra.s32 s12, $0x1F  }
0x3d0: {  	s13 =	sshrl.u32 s13, $0x19  }
0x3d1: {  	s13 =	sadd.s32 s13, s12  }
0x3d2: {  	s13 =	sand.u32 $0xFFFFFF80, s13  }
0x3d3: {  	s13 =	ssub.s32 s12, s13  }
0x3d4: {  	v13 =	vadd.s32 s13, v1;
	_ =	sdelay $0x2  }
0x3d5: {  	s12 =	sshra.s32 s18, $0x1F  }
0x3d6: {  	s12 =	sshrl.u32 s12, $0x1C  }
0x3d7: {  	s12 =	sadd.s32 s12, s18;
	v13 =	vld.idx.msk [tilespmem:v13+s30+$0x0], $0xffff  }
0x3d8: {  	s12 =	sand.u32 $0x3FFFFF0, s12  }
0x3d9: {  	v14 =	vadd.s32 s13, v5;
	s12 =	ssub.s32 s18, s12  }
0x3da: {  	s12 =	smul.u32 $0x1C0, s12;
	_ =	sdelay $0x1  }
0x3db: {  	s12 =	sshra.s32 s12, $0x2;
	v15 =	vld [tilespmem:s29+$0x0]  }
0x3dc: {  	[tilespmem:s12+$0x19000] =	vst v13  }
0x3dd: {  	v13 =	vld.idx.msk [tilespmem:v14+s30+$0x0], $0xffff;
	_ =	sdelay $0x1  }
0x3de: {  	v14 =	vadd.s32 s13, v6  }
0x3df: {  	(v2sf) =	vpush v15, $0x0;
	_ =	sdelay $0x2  }
0x3e0: {  	[tilespmem:s12+$0x19010] =	vst v13  }
0x3e1: {  	v13 =	vld.idx.msk [tilespmem:v14+s30+$0x0], $0xffff;
	_ =	sdelay $0x1  }
0x3e2: {  	v14 =	vadd.s32 s13, v7;
	_ =	sdelay $0x3  }
0x3e3: {  	[tilespmem:s12+$0x19020] =	vst v13  }
0x3e4: {  	v13 =	vld.idx.msk [tilespmem:v14+s30+$0x0], $0xffff;
	_ =	sdelay $0x1  }
0x3e5: {  	v14 =	vadd.s32 s13, v8;
	_ =	sdelay $0x1  }
0x3e6: {  	s19 =	spop (v2sf)  }
0x3e7: {  	s19 =	smul.u32 $0x68, s19  }
0x3e8: {  	[tilespmem:s12+$0x19030] =	vst v13  }
0x3e9: {  	v13 =	vld.idx.msk [tilespmem:v14+s30+$0x0], $0xffff;
	s19 =	sshrl.u32 s19, $0x3;
	_ =	sdelay $0x1  }
0x3ea: {  	v14 =	vadd.s32 s13, v9;
	_ =	sdelay $0x3  }
0x3eb: {  	[tilespmem:s12+$0x19040] =	vst v13  }
0x3ec: {  	v13 =	vld.idx.msk [tilespmem:v14+s30+$0x0], $0xffff;
	_ =	sdelay $0x1  }
0x3ed: {  	v14 =	vadd.s32 s13, v10;
	_ =	sdelay $0x3  }
0x3ee: {  	[tilespmem:s12+$0x19050] =	vst v13  }
0x3ef: {  	v13 =	vld.idx.msk [tilespmem:v14+s30+$0x0], $0xffff;
	_ =	sdelay $0x4  }
.Ltmp41:
0x3f0: {  	p1 =	slt.s32 s18, $0x10;
	(pc) =	sbr.rel @p0 .LBB2_48-.Ltmp41, $4  }
0x3f1: {  	s13 =	simm.s32 @!p1 $0x7;
	[tilespmem:s12+$0x19060] =	vst v13  }
0x3f2: {  	s31 =	sadd.s32 $0x1, s31;
	_ =	swait.ge @!p1 [sflag:s13], $0x68  }
0x3f3: {  	s18 =	sadd.s32 $0x1, s18;
	s29 =	sadd.s32 $0x1, s29;
	[sflag:s13] =	ssyncset.done @!p1 $0x0  }
0x3f4: {  	s12 =	sadd.s32 $0x19000, s12;
	[sflag:s13] =	ssyncadd.s32 @!p1 $0xFFFFFF98;
	s13 =	sadd.s32 s4, s19  }
.LBB2_49:
0x3f5: {  	[hbm4b:s13+s5] =	stream.linear.scatter [tilespmem:s12], [sflag:$0x7], $0x68, $0x38;
	[tilespmem:$0x19780] =	vst v63  }
0x3f6: {  	s26 =	simm.s32 $0x18B80;
	s31 =	simm.s32 $0x18A00  }
.LBB2_50:
0x3f7: {  	s12 =	sadd.s32 $0x6, s2  }
0x3f8: {  	p0 =	sge.s32 s12, s16  }
0x3f9: {  	v13 =	vadd.s32 @!p0 $0x6, v12;
	_ =	sdelay $0x3  }
0x3fa: {  	s12 =	simm.s32 @!p0 $0x18E80  }
0x3fb: {  	v13 =	vld.idx.msk @!p0 [tilespmem:v13+s12+$0x0], $0xffff;
	_ =	sdelay $0x4  }
0x3fc: {  	(v2sf) =	vpush @!p0 v13, $0x0;
	_ =	sdelay $0xe  }
0x3fd: {  	s12 =	spop @!p0 (v2sf)  }
0x3fe: {  	s12 =	sadd.s32 @!p0 s6, s12  }
0x3ff: {  	s12 =	sshll.u32 @!p0 s12, $0x7  }
0x400: {  	s13 =	simm.s32 @!p0 $0x400;
	s12 =	sand.u32 @!p0 $0x1FFFFF80, s12  }
0x401: {  	s18 =	simm.s32 @!p0 $0x7A1400;
	s19 =	simm.s32 @!p0 $0x11000;
	s12 =	sadd.s32 @!p0 s3, s12  }
0x402: {  	[tilespmem:s19], [sflag:$0x5] =	stream.strided.gather @!p0 [hbm4b:s12+s13], $0x3000, s18, s13, $0x38;
	[tilespmem:$0x19780] =	vst v63  }
0x403: {  	s12 =	sadd.s32 @!p0 $0xB71E00, s12;
	s13 =	simm.s32 @!p0 $0x0;
	s18 =	simm.s32 @!p0 $0x14000  }
0x404: {  	[tilespmem:s18], [sflag:$0x5] =	stream.linear.gather @!p0 [hbm4b:s12+s13], $0x200, $0x38;
	[tilespmem:$0x19780] =	vst v63  }
0x405: {  	p0 =	sne.s32 s22, $0x5  }
.Ltmp42:
0x406: {  	_ = 	snop;
	(pc) =	sbr.rel @p0 .LBB2_56-.Ltmp42, $1  }
0x407: {  	_ =	sdelay $0x3  }
.LBB2_51:
0x408: {  	p0 =	sge.s32 s7, s21  }
.Ltmp43:
0x409: {  	_ = 	snop;
	(pc) =	sbr.rel @p0 .LBB2_55-.Ltmp43, $4  }
0x40a: {  	s12 =	simm.s32 $0x6  }
0x40b: {  	_ =	swait.ge [sflag:s12], $0x3200  }
0x40c: {  	[sflag:s12] =	ssyncset.done $0x0  }
0x40d: {  	[sflag:s12] =	ssyncadd.s32 $0xFFFFCE00  }
0x40e: {  	s12 =	sshll.u32 s7, $0x2  }
0x40f: {  	s12 =	sshra.s32 s12, $0x2  }
0x410: {  	s13 =	sadd.s32 $0x18100, s12  }
0x411: {  	v13 =	vld [tilespmem:s13+$0x0];
	_ =	sdelay $0x4  }
0x412: {  	(v2sf) =	vpush v13, $0x0;
	_ =	sdelay $0xe  }
0x413: {  	s18 =	spop (v2sf)  }
0x414: {  	s19 =	sshra.s32 s18, $0x1F  }
0x415: {  	s19 =	sshrl.u32 s19, $0x19  }
0x416: {  	s19 =	sadd.s32 s19, s18  }
0x417: {  	s19 =	sand.u32 $0xFFFFFF80, s19  }
0x418: {  	s18 =	ssub.s32 s18, s19  }
0x419: {  	v13 =	vadd.s32 s18, v1;
	_ =	sdelay $0x1  }
0x41a: {  	s24 =	sshra.s32 s7, $0x1F  }
0x41b: {  	s19 =	sshrl.u32 s24, $0x1C  }
0x41c: {  	s19 =	sadd.s32 s19, s7  }
0x41d: {  	s19 =	sand.u32 $0x3FFFFF0, s19;
	v13 =	vld.idx.msk [tilespmem:v13+s28+$0x0], $0xffff  }
0x41e: {  	v14 =	vadd.s32 s18, v5;
	s19 =	ssub.s32 s7, s19  }
0x41f: {  	s19 =	smul.u32 $0x1C0, s19;
	_ =	sdelay $0x1  }
0x420: {  	s12 =	sadd.s32 $0x18580, s12;
	s19 =	sshra.s32 s19, $0x2  }
0x421: {  	v15 =	vld [tilespmem:s12+$0x0];
	[tilespmem:s19+$0x19000] =	vst v13  }
0x422: {  	v13 =	vld.idx.msk [tilespmem:v14+s28+$0x0], $0xffff  }
0x423: {  	v14 =	vadd.s32 s18, v6;
	_ =	sdelay $0x3  }
0x424: {  	[tilespmem:s19+$0x19010] =	vst v13  }
0x425: {  	v13 =	vld.idx.msk [tilespmem:v14+s28+$0x0], $0xffff  }
0x426: {  	v14 =	vadd.s32 s18, v7;
	_ =	sdelay $0x3  }
0x427: {  	[tilespmem:s19+$0x19020] =	vst v13  }
0x428: {  	v13 =	vld.idx.msk [tilespmem:v14+s28+$0x0], $0xffff  }
0x429: {  	v14 =	vadd.s32 s18, v8;
	_ =	sdelay $0x3  }
0x42a: {  	[tilespmem:s19+$0x19030] =	vst v13  }
0x42b: {  	v13 =	vld.idx.msk [tilespmem:v14+s28+$0x0], $0xffff  }
0x42c: {  	(v2sf) =	vpush v15, $0x0;
	v14 =	vadd.s32 s18, v9;
	_ =	sdelay $0x3  }
0x42d: {  	[tilespmem:s19+$0x19040] =	vst v13  }
0x42e: {  	v13 =	vld.idx.msk [tilespmem:v14+s28+$0x0], $0xffff  }
0x42f: {  	v14 =	vadd.s32 s18, v10;
	_ =	sdelay $0x3  }
0x430: {  	[tilespmem:s19+$0x19050] =	vst v13  }
0x431: {  	v13 =	vld.idx.msk [tilespmem:v14+s28+$0x0], $0xffff;
	_ =	sdelay $0x1  }
0x432: {  	s8 =	sadd.s32 $0xFFFFFFFF, s8  }
0x433: {  	p1 =	sne.s32 s8, $0x0  }
.Ltmp44:
0x434: {  	p0 =	slt.s32 s7, $0x10;
	s29 =	spop (v2sf);
	(pc) =	sbr.rel @!p1 .LBB2_54-.Ltmp44, $4  }
0x435: {  	s20 =	simm.s32 @!p0 $0x7;
	s18 =	smul.u32 $0x68, s29;
	[tilespmem:s19+$0x19060] =	vst v13  }
0x436: {  	s21 =	sadd.s32 $0x1, s13;
	s7 =	sadd.s32 $0x1, s7;
	_ =	swait.ge @!p0 [sflag:s20], $0x68  }
0x437: {  	s22 =	sshrl.u32 s18, $0x3;
	s18 =	sadd.s32 $0x1, s12;
	[sflag:s20] =	ssyncset.done @!p0 $0x0  }
0x438: {  	s12 =	sadd.s32 $0x19000, s19;
	s13 =	sadd.s32 s4, s22;
	[sflag:s20] =	ssyncadd.s32 @!p0 $0xFFFFFF98  }
.LBB2_53:
0x439: {  	[hbm4b:s13+s5] =	stream.linear.scatter [tilespmem:s12], [sflag:$0x7], $0x68, $0x38;
	[tilespmem:$0x19780] =	vst v63  }
0x43a: {  	s8 =	sadd.s32 $0xFFFFFFFF, s8;
	v13 =	vld [tilespmem:s21+$0x0]  }
0x43b: {  	p0 =	sne.s32 s8, $0x0;
	_ =	sdelay $0x3  }
0x43c: {  	(v2sf) =	vpush v13, $0x0;
	_ =	sdelay $0xe  }
0x43d: {  	s12 =	spop (v2sf)  }
0x43e: {  	s13 =	sshra.s32 s12, $0x1F  }
0x43f: {  	s13 =	sshrl.u32 s13, $0x19  }
0x440: {  	s13 =	sadd.s32 s13, s12  }
0x441: {  	s13 =	sand.u32 $0xFFFFFF80, s13  }
0x442: {  	s13 =	ssub.s32 s12, s13  }
0x443: {  	v13 =	vadd.s32 s13, v1;
	_ =	sdelay $0x2  }
0x444: {  	s12 =	sshra.s32 s7, $0x1F  }
0x445: {  	s12 =	sshrl.u32 s12, $0x1C  }
0x446: {  	s12 =	sadd.s32 s12, s7;
	v13 =	vld.idx.msk [tilespmem:v13+s28+$0x0], $0xffff  }
0x447: {  	s12 =	sand.u32 $0x3FFFFF0, s12  }
0x448: {  	v14 =	vadd.s32 s13, v5;
	s12 =	ssub.s32 s7, s12  }
0x449: {  	s12 =	smul.u32 $0x1C0, s12;
	_ =	sdelay $0x1  }
0x44a: {  	s12 =	sshra.s32 s12, $0x2;
	v15 =	vld [tilespmem:s18+$0x0]  }
0x44b: {  	[tilespmem:s12+$0x19000] =	vst v13  }
0x44c: {  	v13 =	vld.idx.msk [tilespmem:v14+s28+$0x0], $0xffff;
	_ =	sdelay $0x1  }
0x44d: {  	v14 =	vadd.s32 s13, v6  }
0x44e: {  	(v2sf) =	vpush v15, $0x0;
	_ =	sdelay $0x2  }
0x44f: {  	[tilespmem:s12+$0x19010] =	vst v13  }
0x450: {  	v13 =	vld.idx.msk [tilespmem:v14+s28+$0x0], $0xffff;
	_ =	sdelay $0x1  }
0x451: {  	v14 =	vadd.s32 s13, v7;
	_ =	sdelay $0x3  }
0x452: {  	[tilespmem:s12+$0x19020] =	vst v13  }
0x453: {  	v13 =	vld.idx.msk [tilespmem:v14+s28+$0x0], $0xffff;
	_ =	sdelay $0x1  }
0x454: {  	v14 =	vadd.s32 s13, v8;
	_ =	sdelay $0x1  }
0x455: {  	s19 =	spop (v2sf)  }
0x456: {  	s19 =	smul.u32 $0x68, s19  }
0x457: {  	[tilespmem:s12+$0x19030] =	vst v13  }
0x458: {  	v13 =	vld.idx.msk [tilespmem:v14+s28+$0x0], $0xffff;
	s19 =	sshrl.u32 s19, $0x3;
	_ =	sdelay $0x1  }
0x459: {  	v14 =	vadd.s32 s13, v9;
	_ =	sdelay $0x3  }
0x45a: {  	[tilespmem:s12+$0x19040] =	vst v13  }
0x45b: {  	v13 =	vld.idx.msk [tilespmem:v14+s28+$0x0], $0xffff;
	_ =	sdelay $0x1  }
0x45c: {  	v14 =	vadd.s32 s13, v10;
	_ =	sdelay $0x3  }
0x45d: {  	[tilespmem:s12+$0x19050] =	vst v13  }
0x45e: {  	v13 =	vld.idx.msk [tilespmem:v14+s28+$0x0], $0xffff;
	_ =	sdelay $0x4  }
.Ltmp45:
0x45f: {  	p1 =	slt.s32 s7, $0x10;
	(pc) =	sbr.rel @p0 .LBB2_53-.Ltmp45, $4  }
0x460: {  	s13 =	simm.s32 @!p1 $0x7;
	[tilespmem:s12+$0x19060] =	vst v13  }
0x461: {  	s21 =	sadd.s32 $0x1, s21;
	_ =	swait.ge @!p1 [sflag:s13], $0x68  }
0x462: {  	s7 =	sadd.s32 $0x1, s7;
	s18 =	sadd.s32 $0x1, s18;
	[sflag:s13] =	ssyncset.done @!p1 $0x0  }
0x463: {  	s12 =	sadd.s32 $0x19000, s12;
	[sflag:s13] =	ssyncadd.s32 @!p1 $0xFFFFFF98;
	s13 =	sadd.s32 s4, s19  }
.Ltmp46:
0x464: {  	_ = 	snop;
	(pc) =	sbr.rel .LBB2_54-.Ltmp46, $1  }
0x465: {  	_ =	sdelay $0x3  }
.LBB2_57:
0x466: {  	p0 =	slt.s32 s15, $0x1  }
.Ltmp47:
0x467: {  	_ = 	snop;
	(pc) =	sbr.rel @p0 .LBB2_61-.Ltmp47, $2  }
0x468: {  	_ =	sdelay $0x2  }
0x469: {  	s19 =	simm.s32 $0x18100;
	s20 =	simm.s32 $0x18580;
	s7 =	rddreg [dreg:$0x5]  }
0x46a: {  	s2 =	smin.u32 s15, $0x10  }
0x46b: {  	p0 =	sne.s32 s2, $0x1  }
.Ltmp48:
0x46c: {  	_ = 	snop;
	(pc) =	sbr.rel @!p0 .LBB2_60-.Ltmp48, $3  }
0x46d: {  	_ =	sdelay $0x1  }
0x46e: {  	_ =	swait.ge [sflag:s1], $0x68  }
0x46f: {  	s2 =	sadd.s32 $0xFFFFFFFF, s2;
	[sflag:s1] =	ssyncset.done $0x0  }
.LBB2_59:
0x470: {  	p0 =	sne.s32 s2, $0x1;
	s2 =	sadd.s32 $0xFFFFFFFF, s2;
	[sflag:s1] =	ssyncadd.s32 $0xFFFFFF98  }
.Ltmp49:
0x471: {  	(pc) =	sbr.rel @p0 .LBB2_59-.Ltmp49, $3  }
0x472: {  	_ =	sdelay $0x1  }
0x473: {  	_ =	swait.ge [sflag:s1], $0x68  }
0x474: {  	[sflag:s1] =	ssyncset.done $0x0  }
.Ltmp50:
0x475: {  	_ = 	snop;
	(pc) =	sbr.rel .LBB2_60-.Ltmp50, $1  }
0x476: {  	_ =	sdelay $0x3  }
.LBB2_62:
0x477: {  	_ =	sfence.sel $0x180000  }
0x478: {  	[bflag:$0x0] =	sbarrier.arrive $0xFFFF  }
0x479: {  	_ =	strace $0x90000047  }
0x47a: {  	s0 =	stileid.u32;
	[bflag:$0x2] =	sbarrier.arrive $0xFFFF  }
0x47b: {  	p0 =	sne.s32 s0, $0x0;
	s0 =	rddreg [dreg:$0x3]  }
0x47c: {  	s0 =	sadd.s32 @!p0 $0x100000, s0  }
0x47d: {  	[sflag:s0] =	ssyncadd.tile.s32 @!p0 $0x1;
	_ =	shalt  }
.Lfunc_end2:
_tile_overlayer_lowered:
.L_overlay_start_2:
0x47e: {  	(tag) =	ssettag $0x2  }
0x47f: {  	s0 =	rddreg [dreg:$0x0];
	s2 =	stileid.u32  }
0x480: {  	s1 =	rddreg [dreg:$0x1];
	p0 =	sne.s32 s2, $0x0  }
0x481: {  	s3 =	rddreg [dreg:$0x2];
	[bflag:$0x3] =	sbarrier.arrive $0xFFFF;
	s2 =	simm.s32 @!p0 $0x1C08  }
0x482: {  	[timem:s3], [sflag:s2] =	dma.local @!p0 [hbm:s0], s1  }
0x483: {  	s0 =	simm.s32 @!p0 $0x8  }
0x484: {  	_ =	swait.ge @!p0 [sflag:s0], s1  }
0x485: {  	s1 =	ssub.s32 @!p0 $0x0, s1;
	[sflag:s0] =	ssyncset.done @!p0 $0x0  }
0x486: {  	[sflag:s0] =	ssyncadd.s32 @!p0 s1  }
0x487: {  	[bflag:$0x3] =	sbarrier.arrive $0xFFFF  }
0x488: {  	_ =	shalt  }

</sc_bundles>
